<compile_context>
chip_gen: v7x
topology: tpu7x:2x2x1
jax: 0.10.2.dev20260603
libtpu: 0.0.44.dev20260713+nightly
codegen_flags: <defaults>
</compile_context>

<pallas_src>
import functools

import jax
import jax.numpy as jnp
from jax import lax
from jax.scipy.linalg import block_diag
from jax.experimental import pallas as pl
from jax.experimental.pallas import tpu as pltpu
from jax.experimental.pallas import tpu_sc as plsc

N = 10000
R = 10240
R4 = R // 4
E = 320000
CHUNK = 125
NC2 = 160
NCHUNK = 80
RPT = R // 16
NB = 8
NG2 = NC2 // NB
NG1 = NCHUNK // NB

_mesh = lambda: plsc.VectorSubcoreMesh(core_axis_name="c", subcore_axis_name="s")
_sc_params = lambda: pltpu.CompilerParams(use_tc_tiling_on_sc=False)


@functools.partial(
    pl.kernel,
    out_type=jax.ShapeDtypeStruct((2, R, 32), jnp.float32),
    mesh=_mesh(),
    scratch_types=[
        pltpu.VMEM((NC2, CHUNK), jnp.int32),
        pltpu.VMEM((NC2, CHUNK), jnp.int32),
        pltpu.VMEM((NB, CHUNK, 32), jnp.float32),
        pltpu.VMEM_SHARED((R, 32), jnp.float32),
        pltpu.VMEM_SHARED((R, 32), jnp.float32),
        pltpu.SemaphoreType.DMA((NB,)),
        pltpu.SemaphoreType.DMA((NB,)),
    ],
    compiler_params=_sc_params(),
)
def _seg_l1(eidx_hbm, g_hbm, out_hbm, src_v, dst_v, msg, acc, g_sp,
            sem_g, sem_s):
    c = lax.axis_index("c")
    s = lax.axis_index("s")
    row0 = s * RPT
    d0 = pltpu.async_copy(g_hbm.at[c, pl.ds(row0, RPT)],
                          acc.at[pl.ds(row0, RPT)], sem_g.at[0])
    d1 = pltpu.async_copy(g_hbm.at[c, pl.ds(row0, RPT)],
                          g_sp.at[pl.ds(row0, RPT)], sem_g.at[1])
    d2 = pltpu.async_copy(eidx_hbm.at[0, s], src_v, sem_g.at[2])
    d3 = pltpu.async_copy(eidx_hbm.at[1, s], dst_v, sem_g.at[3])
    d0.wait(); d1.wait(); d2.wait(); d3.wait()
    plsc.subcore_barrier()

    def gather(j, b):
        pltpu.async_copy(g_sp.at[src_v.at[j]], msg.at[b], sem_g.at[b])

    def gather_wait(j, b):
        pltpu.make_async_copy(g_sp.at[src_v.at[j]], msg.at[b],
                              sem_g.at[b]).wait()

    def scatter(j, b):
        pltpu.async_copy(msg.at[b], acc.at[dst_v.at[j]], sem_s.at[b],
                         add=True)

    def scatter_wait(j, b):
        pltpu.make_async_copy(msg.at[b], acc.at[dst_v.at[j]],
                              sem_s.at[b]).wait()

    for b in range(NB):
        gather(b, b)

    def group(gi, carry):
        for b in range(NB):
            j = gi * NB + b
            gather_wait(j, b)
            scatter(j, b)
        for b in range(NB):
            j = gi * NB + b
            scatter_wait(j, b)
            gather(j + NB, b)
        return carry

    lax.fori_loop(0, NG2 - 1, group, 0)
    for b in range(NB):
        j = (NG2 - 1) * NB + b
        gather_wait(j, b)
        scatter(j, b)
    for b in range(NB):
        j = (NG2 - 1) * NB + b
        scatter_wait(j, b)

    plsc.subcore_barrier()
    pltpu.sync_copy(acc.at[pl.ds(row0, RPT)],
                    out_hbm.at[c, pl.ds(row0, RPT)])


@functools.partial(
    pl.kernel,
    out_type=jax.ShapeDtypeStruct((2, R, 32), jnp.float32),
    mesh=_mesh(),
    scratch_types=[
        pltpu.VMEM((NCHUNK, CHUNK), jnp.int32),
        pltpu.VMEM((NCHUNK, CHUNK), jnp.int32),
        pltpu.VMEM((NB, CHUNK, 32), jnp.float32),
        pltpu.VMEM_SHARED((R, 32), jnp.float32),
        pltpu.VMEM_SHARED((R, 32), jnp.float32),
        pltpu.SemaphoreType.DMA((NB,)),
        pltpu.SemaphoreType.DMA((NB,)),
    ],
    compiler_params=_sc_params(),
)
def _seg_l2(eidx_hbm, g_hbm, out_hbm, src_v, dst_v, msg, acc, g_sp,
            sem_g, sem_s):
    c = lax.axis_index("c")
    s = lax.axis_index("s")
    row0 = s * RPT
    d0 = pltpu.async_copy(g_hbm.at[pl.ds(row0, RPT)],
                          g_sp.at[pl.ds(row0, RPT)], sem_g.at[0])
    d2 = pltpu.async_copy(eidx_hbm.at[0, s, pl.ds(c * NCHUNK, NCHUNK)],
                          src_v, sem_g.at[2])
    d3 = pltpu.async_copy(eidx_hbm.at[1, s, pl.ds(c * NCHUNK, NCHUNK)],
                          dst_v, sem_g.at[3])
    d0.wait(); d2.wait(); d3.wait()
    d1 = pltpu.async_copy(g_hbm.at[pl.ds(row0, RPT)],
                          acc.at[pl.ds(row0, RPT)], sem_g.at[1])
    d1.wait()
    plsc.subcore_barrier()

    def gather(j, b):
        pltpu.async_copy(g_sp.at[src_v.at[j]], msg.at[b], sem_g.at[b])

    def gather_wait(j, b):
        pltpu.make_async_copy(g_sp.at[src_v.at[j]], msg.at[b],
                              sem_g.at[b]).wait()

    def scatter(j, b):
        pltpu.async_copy(msg.at[b], acc.at[dst_v.at[j]], sem_s.at[b],
                         add=True)

    def scatter_wait(j, b):
        pltpu.make_async_copy(msg.at[b], acc.at[dst_v.at[j]],
                              sem_s.at[b]).wait()

    for b in range(NB):
        gather(b, b)

    def group(gi, carry):
        for b in range(NB):
            j = gi * NB + b
            gather_wait(j, b)
            scatter(j, b)
        for b in range(NB):
            j = gi * NB + b
            scatter_wait(j, b)
            gather(j + NB, b)
        return carry

    lax.fori_loop(0, NG1 - 1, group, 0)
    for b in range(NB):
        j = (NG1 - 1) * NB + b
        gather_wait(j, b)
        scatter(j, b)
    for b in range(NB):
        j = (NG1 - 1) * NB + b
        scatter_wait(j, b)

    plsc.subcore_barrier()
    pltpu.sync_copy(acc.at[pl.ds(row0, RPT)],
                    out_hbm.at[c, pl.ds(row0, RPT)])


@functools.partial(
    pl.kernel,
    out_type=jax.ShapeDtypeStruct((2, R, 32), jnp.float32),
    mesh=_mesh(),
    scratch_types=[
        pltpu.VMEM((NCHUNK, CHUNK), jnp.int32),
        pltpu.VMEM((CHUNK, 32), jnp.float32),
        pltpu.VMEM_SHARED((R, 32), jnp.float32),
        pltpu.SemaphoreType.DMA((3,)),
    ],
    compiler_params=_sc_params(),
)
def _degree(eidx_hbm, zeros_hbm, ones_hbm, out_hbm, dst_v, ones_v, acc, sem):
    c = lax.axis_index("c")
    s = lax.axis_index("s")
    row0 = s * RPT
    d0 = pltpu.async_copy(zeros_hbm.at[pl.ds(row0, RPT)],
                          acc.at[pl.ds(row0, RPT)], sem.at[0])
    d1 = pltpu.async_copy(ones_hbm, ones_v, sem.at[1])
    d2 = pltpu.async_copy(eidx_hbm.at[1, s, pl.ds(c * NCHUNK, NCHUNK)],
                          dst_v, sem.at[2])
    d0.wait(); d1.wait(); d2.wait()
    plsc.subcore_barrier()

    def fire(j, carry):
        pltpu.async_copy(ones_v, acc.at[dst_v.at[j]], sem.at[0], add=True)
        return carry

    lax.fori_loop(0, NCHUNK, fire, 0)

    def drain(j, carry):
        pltpu.make_async_copy(ones_v, acc.at[dst_v.at[j]], sem.at[0]).wait()
        return carry

    lax.fori_loop(0, NCHUNK, drain, 0)
    plsc.subcore_barrier()
    pltpu.sync_copy(acc.at[pl.ds(row0, RPT)], out_hbm.at[c, pl.ds(row0, RPT)])



_BLK4 = 512
_G = R4 // _BLK4


def _dinv4_of(dp_ref):
    deg = dp_ref[0] + dp_ref[1] + 1.0
    return lax.rsqrt(deg)


def _tc1_body(x_ref, w1a_ref, w1b_ref, dp_ref, g1_ref):
    dinv4 = _dinv4_of(dp_ref)
    g1_ref[0] = jnp.dot(x_ref[...], w1a_ref[...],
                        preferred_element_type=jnp.float32) * dinv4
    g1_ref[1] = jnp.dot(x_ref[...], w1b_ref[...],
                        preferred_element_type=jnp.float32) * dinv4


def _tc2_body(a_ref, dp_ref, b1a_ref, b1b_ref, w2a_ref, w2b_ref, g2_ref):
    dinv4 = _dinv4_of(dp_ref)
    ha = jnp.maximum(a_ref[0] * dinv4 + b1a_ref[...], 0.0)
    hb = jnp.maximum(a_ref[1] * dinv4 + b1b_ref[...], 0.0)
    t2 = (jnp.dot(ha, w2a_ref[...], preferred_element_type=jnp.float32)
          + jnp.dot(hb, w2b_ref[...], preferred_element_type=jnp.float32))
    g2_ref[...] = t2 * dinv4


def _tc3_body(a_ref, g2_ref, dp_ref, b2_ref, wd_ref, bd_ref, xh_ref):
    dinv4 = _dinv4_of(dp_ref)
    z = (a_ref[0] + a_ref[1] - g2_ref[...]) * dinv4 + b2_ref[...]
    cols = []
    for a in range(4):
        cols.append(jnp.dot(z, wd_ref[a], preferred_element_type=jnp.float32)
                    + bd_ref[...])
    xh_ref[...] = jnp.stack(cols, axis=1)


def _tc1(x_packed, W1a, W1b, degp):
    return pl.pallas_call(
        _tc1_body,
        grid=(_G,),
        in_specs=[
            pl.BlockSpec((_BLK4, 512), lambda i: (i, 0)),
            pl.BlockSpec((512, 128), lambda i: (0, 0)),
            pl.BlockSpec((512, 128), lambda i: (0, 0)),
            pl.BlockSpec((2, _BLK4, 128), lambda i: (0, i, 0)),
        ],
        out_specs=pl.BlockSpec((2, _BLK4, 128), lambda i: (0, i, 0)),
        out_shape=jax.ShapeDtypeStruct((2, R4, 128), jnp.float32),
    )(x_packed, W1a, W1b, degp)


def _tc2(acc1, degp, b1a, b1b, W2a, W2b):
    return pl.pallas_call(
        _tc2_body,
        grid=(_G,),
        in_specs=[
            pl.BlockSpec((2, _BLK4, 128), lambda i: (0, i, 0)),
            pl.BlockSpec((2, _BLK4, 128), lambda i: (0, i, 0)),
            pl.BlockSpec((1, 128), lambda i: (0, 0)),
            pl.BlockSpec((1, 128), lambda i: (0, 0)),
            pl.BlockSpec((128, 128), lambda i: (0, 0)),
            pl.BlockSpec((128, 128), lambda i: (0, 0)),
        ],
        out_specs=pl.BlockSpec((_BLK4, 128), lambda i: (i, 0)),
        out_shape=jax.ShapeDtypeStruct((R4, 128), jnp.float32),
    )(acc1, degp, b1a, b1b, W2a, W2b)


def _tc3(acc2, g2, degp, b2p, Wds, bd):
    return pl.pallas_call(
        _tc3_body,
        grid=(_G,),
        in_specs=[
            pl.BlockSpec((2, _BLK4, 128), lambda i: (0, i, 0)),
            pl.BlockSpec((_BLK4, 128), lambda i: (i, 0)),
            pl.BlockSpec((2, _BLK4, 128), lambda i: (0, i, 0)),
            pl.BlockSpec((1, 128), lambda i: (0, 0)),
            pl.BlockSpec((4, 128, 128), lambda i: (0, 0, 0)),
            pl.BlockSpec((1, 128), lambda i: (0, 0)),
        ],
        out_specs=pl.BlockSpec((_BLK4, 4, 128), lambda i: (i, 0, 0)),
        out_shape=jax.ShapeDtypeStruct((N // 4, 4, 128), jnp.float32),
    )(acc2, g2, degp, b2p, Wds, bd)


def kernel(x, edge_index, W1, b1, W2, b2, Wd, bd):
    eidx = edge_index.astype(jnp.int32).reshape(2, 16, NC2, CHUNK)
    x_packed = jnp.pad(x, ((0, R - N), (0, 0))).reshape(R4, 512)

    zeros32 = jnp.zeros((R, 32), jnp.float32)
    ones32 = jnp.ones((CHUNK, 32), jnp.float32)

    W1a = block_diag(*([W1[:, :32]] * 4))
    W1b = block_diag(*([W1[:, 32:]] * 4))
    W2a = block_diag(*([W2[:32, :]] * 4))
    W2b = block_diag(*([W2[32:, :]] * 4))
    Wds = jnp.stack([jnp.zeros((128, 128), W2.dtype)
                     .at[32 * a:32 * a + 32].set(Wd) for a in range(4)])
    b1a = jnp.tile(b1[:32], 4).reshape(1, 128)
    b1b = jnp.tile(b1[32:], 4).reshape(1, 128)
    b2p = jnp.tile(b2, 4).reshape(1, 128)
    bdp = bd.reshape(1, 128)

    degp = _degree(eidx, zeros32, ones32)
    degp4 = degp.reshape(2, R4, 128)
    g1 = _tc1(x_packed, W1a, W1b, degp4)
    acc1 = _seg_l1(eidx, g1.reshape(2, R, 32))
    g2 = _tc2(acc1.reshape(2, R4, 128), degp4, b1a, b1b, W2a, W2b)
    acc2 = _seg_l2(eidx, g2.reshape(R, 32))
    xh = _tc3(acc2.reshape(2, R4, 128), g2, degp4, b2p, Wds, bdp)
    return xh.reshape(N, 128)

# --- scband reference (transcript-rebuilt; emitter-appended) ---
"""Pipeline reference for scband-gnnauto-encoder-893353198359 (READ-ONLY COPY).

The authoritative reference and input builder live on the scoring server;
editing this copy changes nothing except your own understanding.
"""

import jax, jax.numpy as jnp
import numpy as np

N_NODES = 10000
N_EDGES = 320000
IN_CH = 128
HID_CH = 64
OUT_CH = 32


def setup_inputs(seed: int = 0) -> dict:
    key = jax.random.key(seed)
    k = jax.random.split(key, 8)
    x = jax.random.normal(k[0], (N_NODES, IN_CH), dtype=jnp.float32)
    edge_index = jax.random.randint(k[1], (2, N_EDGES), 0, N_NODES, dtype=jnp.int64)
    # GCNConv weights (glorot-ish scaling)
    W1 = jax.random.normal(k[2], (IN_CH, HID_CH), dtype=jnp.float32) * (1.0 / np.sqrt(IN_CH))
    b1 = jnp.zeros((HID_CH,), dtype=jnp.float32)
    W2 = jax.random.normal(k[3], (HID_CH, OUT_CH), dtype=jnp.float32) * (1.0 / np.sqrt(HID_CH))
    b2 = jnp.zeros((OUT_CH,), dtype=jnp.float32)
    # decoder Linear(out_channels -> in_channels)
    Wd = jax.random.normal(k[4], (OUT_CH, IN_CH), dtype=jnp.float32) * (1.0 / np.sqrt(OUT_CH))
    bd = jnp.zeros((IN_CH,), dtype=jnp.float32)
    return {"x": x, "edge_index": edge_index, "W1": W1, "b1": b1, "W2": W2, "b2": b2, "Wd": Wd, "bd": bd}


def _gcn_conv(x, src, dst, W, b, num_nodes):
    # GCN with added self-loops and symmetric normalization (PyG GCNConv default)
    loop = jnp.arange(num_nodes, dtype=src.dtype)
    s = jnp.concatenate([src, loop])
    d = jnp.concatenate([dst, loop])
    deg = jax.ops.segment_sum(jnp.ones(s.shape[0], dtype=x.dtype), d, num_segments=num_nodes)
    dinv = jnp.where(deg > 0, jax.lax.rsqrt(deg), 0.0)
    norm = dinv[s] * dinv[d]
    h = x @ W
    msg = jnp.take(h, s, axis=0) * norm[:, None]
    out = jax.ops.segment_sum(msg, d, num_segments=num_nodes)
    return out + b


def reference(x, edge_index, W1, b1, W2, b2, Wd, bd):
    src = edge_index[0]
    dst = edge_index[1]
    n = x.shape[0]
    h = _gcn_conv(x, src, dst, W1, b1, n)
    h = jax.nn.relu(h)
    z = _gcn_conv(h, src, dst, W2, b2, n)
    x_hat = z @ Wd + bd
    return x_hat

if __name__ == "__main__":
    import jax
    _d = setup_inputs()
    print(jax.jit(kernel)(*tuple(_d.values())))

</pallas_src>

<mosaic_0001>
#map = affine_map<(d0, d1) -> (0, 0, 0, 0)>
#map1 = affine_map<(d0, d1) -> (0, 0, 0)>
module attributes {stable_mosaic.version = 14 : i64} {
  func.func @_seg_l1(%arg0: i32, %arg1: i32, %arg2: memref<2x16x160x125xi32, #tpu.memory_space<hbm>>, %arg3: memref<2x10240x32xf32, #tpu.memory_space<hbm>>, %arg4: memref<2x10240x32xf32, #tpu.memory_space<hbm>>, %arg5: memref<160x125xi32, #tpu.memory_space<vmem>>, %arg6: memref<160x125xi32, #tpu.memory_space<vmem>>, %arg7: memref<8x125x32xf32, #tpu.memory_space<vmem>>, %arg8: memref<10240x32xf32, #tpu.memory_space<vmem_shared>>, %arg9: memref<10240x32xf32, #tpu.memory_space<vmem_shared>>, %arg10: memref<8x!tpu.dma_semaphore, #tpu.memory_space<semaphore_mem>>, %arg11: memref<8x!tpu.dma_semaphore, #tpu.memory_space<semaphore_mem>>) attributes {dimension_semantics = [#tpu.dimension_semantics<core_parallel>, #tpu.dimension_semantics<subcore_parallel>], iteration_bounds = array<i64: 2, 16>, scalar_prefetch = 0 : i64, scratch_operands = 7 : i64, tpu.core_type = #tpu.core_type<sc_vector_subcore>, window_params = [{transform_indices = #map}, {transform_indices = #map1}, {transform_indices = #map1}]} {
    %mul3A = arith.constant 640 : i32
    %mul3A_0 = arith.muli %arg1, %mul3A : i32
    %dma_start3A = arith.constant 0 : i32
    %dma_start3A_1 = tpu.memref_slice %arg10[%dma_start3A] : memref<8x!tpu.dma_semaphore, #tpu.memory_space<semaphore_mem>> -> memref<1x!tpu.dma_semaphore, #tpu.memory_space<semaphore_mem>>
    %dma_start3A_2 = tpu.memref_squeeze %dma_start3A_1 : memref<1x!tpu.dma_semaphore, #tpu.memory_space<semaphore_mem>> -> memref<!tpu.dma_semaphore, #tpu.memory_space<semaphore_mem>>
    %dma_start3A_3 = arith.constant 0 : i32
    %dma_start3A_4 = tpu.memref_slice %arg8[%mul3A_0, %dma_start3A_3] : memref<10240x32xf32, #tpu.memory_space<vmem_shared>> -> memref<640x32xf32, #tpu.memory_space<vmem_shared>>
    %dma_start3A_5 = arith.constant 0 : i32
    %dma_start3A_6 = tpu.memref_slice %arg3[%arg0, %mul3A_0, %dma_start3A_5] : memref<2x10240x32xf32, #tpu.memory_space<hbm>> -> memref<1x640x32xf32, #tpu.memory_space<hbm>>
    %dma_start3A_7 = tpu.memref_squeeze %dma_start3A_6 : memref<1x640x32xf32, #tpu.memory_space<hbm>> -> memref<640x32xf32, #tpu.memory_space<hbm>>
    tpu.enqueue_dma source(%dma_start3A_7 : memref<640x32xf32, #tpu.memory_space<hbm>>) target(%dma_start3A_4 : memref<640x32xf32, #tpu.memory_space<vmem_shared>>) target_semaphore(%dma_start3A_2 : memref<!tpu.dma_semaphore, #tpu.memory_space<semaphore_mem>>)
    %dma_start3A_8 = arith.constant 1 : i32
    %dma_start3A_9 = tpu.memref_slice %arg10[%dma_start3A_8] : memref<8x!tpu.dma_semaphore, #tpu.memory_space<semaphore_mem>> -> memref<1x!tpu.dma_semaphore, #tpu.memory_space<semaphore_mem>>
    %dma_start3A_10 = tpu.memref_squeeze %dma_start3A_9 : memref<1x!tpu.dma_semaphore, #tpu.memory_space<semaphore_mem>> -> memref<!tpu.dma_semaphore, #tpu.memory_space<semaphore_mem>>
    %dma_start3A_11 = arith.constant 0 : i32
    %dma_start3A_12 = tpu.memref_slice %arg9[%mul3A_0, %dma_start3A_11] : memref<10240x32xf32, #tpu.memory_space<vmem_shared>> -> memref<640x32xf32, #tpu.memory_space<vmem_shared>>
    %dma_start3A_13 = arith.constant 0 : i32
    %dma_start3A_14 = tpu.memref_slice %arg3[%arg0, %mul3A_0, %dma_start3A_13] : memref<2x10240x32xf32, #tpu.memory_space<hbm>> -> memref<1x640x32xf32, #tpu.memory_space<hbm>>
    %dma_start3A_15 = tpu.memref_squeeze %dma_start3A_14 : memref<1x640x32xf32, #tpu.memory_space<hbm>> -> memref<640x32xf32, #tpu.memory_space<hbm>>
    tpu.enqueue_dma source(%dma_start3A_15 : memref<640x32xf32, #tpu.memory_space<hbm>>) target(%dma_start3A_12 : memref<640x32xf32, #tpu.memory_space<vmem_shared>>) target_semaphore(%dma_start3A_10 : memref<!tpu.dma_semaphore, #tpu.memory_space<semaphore_mem>>)
    %dma_start3A_16 = arith.constant 0 : i32
    %dma_start3A_17 = arith.constant 2 : i32
    %dma_start3A_18 = arith.constant 0 : i32
    %dma_start3A_19 = arith.constant 0 : i32
    %dma_start3A_20 = tpu.memref_slice %arg2[%dma_start3A_16, %arg1, %dma_start3A_18, %dma_start3A_19] : memref<2x16x160x125xi32, #tpu.memory_space<hbm>> -> memref<1x1x160x125xi32, #tpu.memory_space<hbm>>
    %dma_start3A_21 = tpu.memref_squeeze %dma_start3A_20 : memref<1x1x160x125xi32, #tpu.memory_space<hbm>> -> memref<160x125xi32, #tpu.memory_space<hbm>>
    %dma_start3A_22 = tpu.memref_slice %arg10[%dma_start3A_17] : memref<8x!tpu.dma_semaphore, #tpu.memory_space<semaphore_mem>> -> memref<1x!tpu.dma_semaphore, #tpu.memory_space<semaphore_mem>>
    %dma_start3A_23 = tpu.memref_squeeze %dma_start3A_22 : memref<1x!tpu.dma_semaphore, #tpu.memory_space<semaphore_mem>> -> memref<!tpu.dma_semaphore, #tpu.memory_space<semaphore_mem>>
    %dma_start3A_24 = arith.constant 0 : i32
    %dma_start3A_25 = arith.constant 0 : i32
    %dma_start3A_26 = tpu.memref_slice %arg2[%dma_start3A_16, %arg1, %dma_start3A_24, %dma_start3A_25] : memref<2x16x160x125xi32, #tpu.memory_space<hbm>> -> memref<1x1x160x125xi32, #tpu.memory_space<hbm>>
    %dma_start3A_27 = tpu.memref_squeeze %dma_start3A_26 : memref<1x1x160x125xi32, #tpu.memory_space<hbm>> -> memref<160x125xi32, #tpu.memory_space<hbm>>
    tpu.enqueue_dma source(%dma_start3A_27 : memref<160x125xi32, #tpu.memory_space<hbm>>) target(%arg5 : memref<160x125xi32, #tpu.memory_space<vmem>>) target_semaphore(%dma_start3A_23 : memref<!tpu.dma_semaphore, #tpu.memory_space<semaphore_mem>>)
    %dma_start3A_28 = arith.constant 1 : i32
    %dma_start3A_29 = arith.constant 3 : i32
    %dma_start3A_30 = arith.constant 0 : i32
    %dma_start3A_31 = arith.constant 0 : i32
    %dma_start3A_32 = tpu.memref_slice %arg2[%dma_start3A_28, %arg1, %dma_start3A_30, %dma_start3A_31] : memref<2x16x160x125xi32, #tpu.memory_space<hbm>> -> memref<1x1x160x125xi32, #tpu.memory_space<hbm>>
    %dma_start3A_33 = tpu.memref_squeeze %dma_start3A_32 : memref<1x1x160x125xi32, #tpu.memory_space<hbm>> -> memref<160x125xi32, #tpu.memory_space<hbm>>
    %dma_start3A_34 = tpu.memref_slice %arg10[%dma_start3A_29] : memref<8x!tpu.dma_semaphore, #tpu.memory_space<semaphore_mem>> -> memref<1x!tpu.dma_semaphore, #tpu.memory_space<semaphore_mem>>
    %dma_start3A_35 = tpu.memref_squeeze %dma_start3A_34 : memref<1x!tpu.dma_semaphore, #tpu.memory_space<semaphore_mem>> -> memref<!tpu.dma_semaphore, #tpu.memory_space<semaphore_mem>>
    %dma_start3A_36 = arith.constant 0 : i32
    %dma_start3A_37 = arith.constant 0 : i32
    %dma_start3A_38 = tpu.memref_slice %arg2[%dma_start3A_28, %arg1, %dma_start3A_36, %dma_start3A_37] : memref<2x16x160x125xi32, #tpu.memory_space<hbm>> -> memref<1x1x160x125xi32, #tpu.memory_space<hbm>>
    %dma_start3A_39 = tpu.memref_squeeze %dma_start3A_38 : memref<1x1x160x125xi32, #tpu.memory_space<hbm>> -> memref<160x125xi32, #tpu.memory_space<hbm>>
    tpu.enqueue_dma source(%dma_start3A_39 : memref<160x125xi32, #tpu.memory_space<hbm>>) target(%arg6 : memref<160x125xi32, #tpu.memory_space<vmem>>) target_semaphore(%dma_start3A_35 : memref<!tpu.dma_semaphore, #tpu.memory_space<semaphore_mem>>)
    %dma_wait3A = arith.constant 0 : i32
    %dma_wait3A_40 = tpu.memref_slice %arg10[%dma_wait3A] : memref<8x!tpu.dma_semaphore, #tpu.memory_space<semaphore_mem>> -> memref<1x!tpu.dma_semaphore, #tpu.memory_space<semaphore_mem>>
    %dma_wait3A_41 = tpu.memref_squeeze %dma_wait3A_40 : memref<1x!tpu.dma_semaphore, #tpu.memory_space<semaphore_mem>> -> memref<!tpu.dma_semaphore, #tpu.memory_space<semaphore_mem>>
    %dma_wait3A_42 = arith.constant 0 : i32
    %dma_wait3A_43 = tpu.memref_slice %arg8[%mul3A_0, %dma_wait3A_42] : memref<10240x32xf32, #tpu.memory_space<vmem_shared>> -> memref<640x32xf32, #tpu.memory_space<vmem_shared>>
    %dma_wait3A_44 = arith.constant 0 : i32
    %dma_wait3A_45 = tpu.memref_slice %arg3[%arg0, %mul3A_0, %dma_wait3A_44] : memref<2x10240x32xf32, #tpu.memory_space<hbm>> -> memref<1x640x32xf32, #tpu.memory_space<hbm>>
    %dma_wait3A_46 = tpu.memref_squeeze %dma_wait3A_45 : memref<1x640x32xf32, #tpu.memory_space<hbm>> -> memref<640x32xf32, #tpu.memory_space<hbm>>
    tpu.wait_dma2 semaphore(%dma_wait3A_41 : memref<!tpu.dma_semaphore, #tpu.memory_space<semaphore_mem>>) src(%dma_wait3A_46 : memref<640x32xf32, #tpu.memory_space<hbm>>) dst(%dma_wait3A_43 : memref<640x32xf32, #tpu.memory_space<vmem_shared>>)
    %dma_wait3A_47 = arith.constant 1 : i32
    %dma_wait3A_48 = tpu.memref_slice %arg10[%dma_wait3A_47] : memref<8x!tpu.dma_semaphore, #tpu.memory_space<semaphore_mem>> -> memref<1x!tpu.dma_semaphore, #tpu.memory_space<semaphore_mem>>
    %dma_wait3A_49 = tpu.memref_squeeze %dma_wait3A_48 : memref<1x!tpu.dma_semaphore, #tpu.memory_space<semaphore_mem>> -> memref<!tpu.dma_semaphore, #tpu.memory_space<semaphore_mem>>
    %dma_wait3A_50 = arith.constant 0 : i32
    %dma_wait3A_51 = tpu.memref_slice %arg9[%mul3A_0, %dma_wait3A_50] : memref<10240x32xf32, #tpu.memory_space<vmem_shared>> -> memref<640x32xf32, #tpu.memory_space<vmem_shared>>
    %dma_wait3A_52 = arith.constant 0 : i32
    %dma_wait3A_53 = tpu.memref_slice %arg3[%arg0, %mul3A_0, %dma_wait3A_52] : memref<2x10240x32xf32, #tpu.memory_space<hbm>> -> memref<1x640x32xf32, #tpu.memory_space<hbm>>
    %dma_wait3A_54 = tpu.memref_squeeze %dma_wait3A_53 : memref<1x640x32xf32, #tpu.memory_space<hbm>> -> memref<640x32xf32, #tpu.memory_space<hbm>>
    tpu.wait_dma2 semaphore(%dma_wait3A_49 : memref<!tpu.dma_semaphore, #tpu.memory_space<semaphore_mem>>) src(%dma_wait3A_54 : memref<640x32xf32, #tpu.memory_space<hbm>>) dst(%dma_wait3A_51 : memref<640x32xf32, #tpu.memory_space<vmem_shared>>)
    %dma_wait3A_55 = arith.constant 0 : i32
    %dma_wait3A_56 = arith.constant 2 : i32
    %dma_wait3A_57 = arith.constant 0 : i32
    %dma_wait3A_58 = arith.constant 0 : i32
    %dma_wait3A_59 = tpu.memref_slice %arg2[%dma_wait3A_55, %arg1, %dma_wait3A_57, %dma_wait3A_58] : memref<2x16x160x125xi32, #tpu.memory_space<hbm>> -> memref<1x1x160x125xi32, #tpu.memory_space<hbm>>
    %dma_wait3A_60 = tpu.memref_squeeze %dma_wait3A_59 : memref<1x1x160x125xi32, #tpu.memory_space<hbm>> -> memref<160x125xi32, #tpu.memory_space<hbm>>
    %dma_wait3A_61 = tpu.memref_slice %arg10[%dma_wait3A_56] : memref<8x!tpu.dma_semaphore, #tpu.memory_space<semaphore_mem>> -> memref<1x!tpu.dma_semaphore, #tpu.memory_space<semaphore_mem>>
    %dma_wait3A_62 = tpu.memref_squeeze %dma_wait3A_61 : memref<1x!tpu.dma_semaphore, #tpu.memory_space<semaphore_mem>> -> memref<!tpu.dma_semaphore, #tpu.memory_space<semaphore_mem>>
    %dma_wait3A_63 = arith.constant 0 : i32
    %dma_wait3A_64 = arith.constant 0 : i32
    %dma_wait3A_65 = tpu.memref_slice %arg2[%dma_wait3A_55, %arg1, %dma_wait3A_63, %dma_wait3A_64] : memref<2x16x160x125xi32, #tpu.memory_space<hbm>> -> memref<1x1x160x125xi32, #tpu.memory_space<hbm>>
    %dma_wait3A_66 = tpu.memref_squeeze %dma_wait3A_65 : memref<1x1x160x125xi32, #tpu.memory_space<hbm>> -> memref<160x125xi32, #tpu.memory_space<hbm>>
    tpu.wait_dma2 semaphore(%dma_wait3A_62 : memref<!tpu.dma_semaphore, #tpu.memory_space<semaphore_mem>>) src(%dma_wait3A_66 : memref<160x125xi32, #tpu.memory_space<hbm>>) dst(%arg5 : memref<160x125xi32, #tpu.memory_space<vmem>>)
    %dma_wait3A_67 = arith.constant 1 : i32
    %dma_wait3A_68 = arith.constant 3 : i32
    %dma_wait3A_69 = arith.constant 0 : i32
    %dma_wait3A_70 = arith.constant 0 : i32
    %dma_wait3A_71 = tpu.memref_slice %arg2[%dma_wait3A_67, %arg1, %dma_wait3A_69, %dma_wait3A_70] : memref<2x16x160x125xi32, #tpu.memory_space<hbm>> -> memref<1x1x160x125xi32, #tpu.memory_space<hbm>>
    %dma_wait3A_72 = tpu.memref_squeeze %dma_wait3A_71 : memref<1x1x160x125xi32, #tpu.memory_space<hbm>> -> memref<160x125xi32, #tpu.memory_space<hbm>>
    %dma_wait3A_73 = tpu.memref_slice %arg10[%dma_wait3A_68] : memref<8x!tpu.dma_semaphore, #tpu.memory_space<semaphore_mem>> -> memref<1x!tpu.dma_semaphore, #tpu.memory_space<semaphore_mem>>
    %dma_wait3A_74 = tpu.memref_squeeze %dma_wait3A_73 : memref<1x!tpu.dma_semaphore, #tpu.memory_space<semaphore_mem>> -> memref<!tpu.dma_semaphore, #tpu.memory_space<semaphore_mem>>
    %dma_wait3A_75 = arith.constant 0 : i32
    %dma_wait3A_76 = arith.constant 0 : i32
    %dma_wait3A_77 = tpu.memref_slice %arg2[%dma_wait3A_67, %arg1, %dma_wait3A_75, %dma_wait3A_76] : memref<2x16x160x125xi32, #tpu.memory_space<hbm>> -> memref<1x1x160x125xi32, #tpu.memory_space<hbm>>
    %dma_wait3A_78 = tpu.memref_squeeze %dma_wait3A_77 : memref<1x1x160x125xi32, #tpu.memory_space<hbm>> -> memref<160x125xi32, #tpu.memory_space<hbm>>
    tpu.wait_dma2 semaphore(%dma_wait3A_74 : memref<!tpu.dma_semaphore, #tpu.memory_space<semaphore_mem>>) src(%dma_wait3A_78 : memref<160x125xi32, #tpu.memory_space<hbm>>) dst(%arg6 : memref<160x125xi32, #tpu.memory_space<vmem>>)
    %barrier3A = arith.constant 0 : index
    tpu.barrier barrier_id(%barrier3A)
    %dma_start3A_79 = arith.constant 0 : i32
    %dma_start3A_80 = arith.constant 0 : i32
    %dma_start3A_81 = arith.constant 0 : i32
    %dma_start3A_82 = arith.constant 0 : i32
    %dma_start3A_83 = arith.constant 0 : i32
    %dma_start3A_84 = tpu.memref_slice %arg7[%dma_start3A_80, %dma_start3A_82, %dma_start3A_83] : memref<8x125x32xf32, #tpu.memory_space<vmem>> -> memref<1x125x32xf32, #tpu.memory_space<vmem>>
    %dma_start3A_85 = tpu.memref_squeeze %dma_start3A_84 : memref<1x125x32xf32, #tpu.memory_space<vmem>> -> memref<125x32xf32, #tpu.memory_space<vmem>>
    %dma_start3A_86 = arith.constant 0 : i32
    %dma_start3A_87 = tpu.memref_slice %arg5[%dma_start3A_79, %dma_start3A_86] : memref<160x125xi32, #tpu.memory_space<vmem>> -> memref<1x125xi32, #tpu.memory_space<vmem>>
    %dma_start3A_88 = tpu.memref_squeeze %dma_start3A_87 : memref<1x125xi32, #tpu.memory_space<vmem>> -> memref<125xi32, #tpu.memory_space<vmem>>
    %dma_start3A_89 = arith.constant 0 : i32
    %dma_start3A_90 = arith.constant 0 : i32
    %dma_start3A_91 = tpu.memref_slice %arg9[%dma_start3A_89, %dma_start3A_90] : memref<10240x32xf32, #tpu.memory_space<vmem_shared>> -> memref<10240x32xf32, #tpu.memory_space<vmem_shared>>
    %dma_start3A_92 = tpu.memref_slice %arg10[%dma_start3A_81] : memref<8x!tpu.dma_semaphore, #tpu.memory_space<semaphore_mem>> -> memref<1x!tpu.dma_semaphore, #tpu.memory_space<semaphore_mem>>
    %dma_start3A_93 = tpu.memref_squeeze %dma_start3A_92 : memref<1x!tpu.dma_semaphore, #tpu.memory_space<semaphore_mem>> -> memref<!tpu.dma_semaphore, #tpu.memory_space<semaphore_mem>>
    tpu.enqueue_indirect_dma source(%dma_start3A_91 : memref<10240x32xf32, #tpu.memory_space<vmem_shared>>) target(%dma_start3A_85 : memref<125x32xf32, #tpu.memory_space<vmem>>) offsets(%dma_start3A_88 : memref<125xi32, #tpu.memory_space<vmem>>) semaphore(%dma_start3A_93 : memref<!tpu.dma_semaphore, #tpu.memory_space<semaphore_mem>>)
    %dma_start3A_94 = arith.constant 1 : i32
    %dma_start3A_95 = arith.constant 1 : i32
    %dma_start3A_96 = arith.constant 1 : i32
    %dma_start3A_97 = arith.constant 0 : i32
    %dma_start3A_98 = arith.constant 0 : i32
    %dma_start3A_99 = tpu.memref_slice %arg7[%dma_start3A_95, %dma_start3A_97, %dma_start3A_98] : memref<8x125x32xf32, #tpu.memory_space<vmem>> -> memref<1x125x32xf32, #tpu.memory_space<vmem>>
    %dma_start3A_100 = tpu.memref_squeeze %dma_start3A_99 : memref<1x125x32xf32, #tpu.memory_space<vmem>> -> memref<125x32xf32, #tpu.memory_space<vmem>>
    %dma_start3A_101 = arith.constant 0 : i32
    %dma_start3A_102 = tpu.memref_slice %arg5[%dma_start3A_94, %dma_start3A_101] : memref<160x125xi32, #tpu.memory_space<vmem>> -> memref<1x125xi32, #tpu.memory_space<vmem>>
    %dma_start3A_103 = tpu.memref_squeeze %dma_start3A_102 : memref<1x125xi32, #tpu.memory_space<vmem>> -> memref<125xi32, #tpu.memory_space<vmem>>
    %dma_start3A_104 = arith.constant 0 : i32
    %dma_start3A_105 = arith.constant 0 : i32
    %dma_start3A_106 = tpu.memref_slice %arg9[%dma_start3A_104, %dma_start3A_105] : memref<10240x32xf32, #tpu.memory_space<vmem_shared>> -> memref<10240x32xf32, #tpu.memory_space<vmem_shared>>
    %dma_start3A_107 = tpu.memref_slice %arg10[%dma_start3A_96] : memref<8x!tpu.dma_semaphore, #tpu.memory_space<semaphore_mem>> -> memref<1x!tpu.dma_semaphore, #tpu.memory_space<semaphore_mem>>
    %dma_start3A_108 = tpu.memref_squeeze %dma_start3A_107 : memref<1x!tpu.dma_semaphore, #tpu.memory_space<semaphore_mem>> -> memref<!tpu.dma_semaphore, #tpu.memory_space<semaphore_mem>>
    tpu.enqueue_indirect_dma source(%dma_start3A_106 : memref<10240x32xf32, #tpu.memory_space<vmem_shared>>) target(%dma_start3A_100 : memref<125x32xf32, #tpu.memory_space<vmem>>) offsets(%dma_start3A_103 : memref<125xi32, #tpu.memory_space<vmem>>) semaphore(%dma_start3A_108 : memref<!tpu.dma_semaphore, #tpu.memory_space<semaphore_mem>>)
    %dma_start3A_109 = arith.constant 2 : i32
    %dma_start3A_110 = arith.constant 2 : i32
    %dma_start3A_111 = arith.constant 2 : i32
    %dma_start3A_112 = arith.constant 0 : i32
    %dma_start3A_113 = arith.constant 0 : i32
    %dma_start3A_114 = tpu.memref_slice %arg7[%dma_start3A_110, %dma_start3A_112, %dma_start3A_113] : memref<8x125x32xf32, #tpu.memory_space<vmem>> -> memref<1x125x32xf32, #tpu.memory_space<vmem>>
    %dma_start3A_115 = tpu.memref_squeeze %dma_start3A_114 : memref<1x125x32xf32, #tpu.memory_space<vmem>> -> memref<125x32xf32, #tpu.memory_space<vmem>>
    %dma_start3A_116 = arith.constant 0 : i32
    %dma_start3A_117 = tpu.memref_slice %arg5[%dma_start3A_109, %dma_start3A_116] : memref<160x125xi32, #tpu.memory_space<vmem>> -> memref<1x125xi32, #tpu.memory_space<vmem>>
    %dma_start3A_118 = tpu.memref_squeeze %dma_start3A_117 : memref<1x125xi32, #tpu.memory_space<vmem>> -> memref<125xi32, #tpu.memory_space<vmem>>
    %dma_start3A_119 = arith.constant 0 : i32
    %dma_start3A_120 = arith.constant 0 : i32
    %dma_start3A_121 = tpu.memref_slice %arg9[%dma_start3A_119, %dma_start3A_120] : memref<10240x32xf32, #tpu.memory_space<vmem_shared>> -> memref<10240x32xf32, #tpu.memory_space<vmem_shared>>
    %dma_start3A_122 = tpu.memref_slice %arg10[%dma_start3A_111] : memref<8x!tpu.dma_semaphore, #tpu.memory_space<semaphore_mem>> -> memref<1x!tpu.dma_semaphore, #tpu.memory_space<semaphore_mem>>
    %dma_start3A_123 = tpu.memref_squeeze %dma_start3A_122 : memref<1x!tpu.dma_semaphore, #tpu.memory_space<semaphore_mem>> -> memref<!tpu.dma_semaphore, #tpu.memory_space<semaphore_mem>>
    tpu.enqueue_indirect_dma source(%dma_start3A_121 : memref<10240x32xf32, #tpu.memory_space<vmem_shared>>) target(%dma_start3A_115 : memref<125x32xf32, #tpu.memory_space<vmem>>) offsets(%dma_start3A_118 : memref<125xi32, #tpu.memory_space<vmem>>) semaphore(%dma_start3A_123 : memref<!tpu.dma_semaphore, #tpu.memory_space<semaphore_mem>>)
    %dma_start3A_124 = arith.constant 3 : i32
    %dma_start3A_125 = arith.constant 3 : i32
    %dma_start3A_126 = arith.constant 3 : i32
    %dma_start3A_127 = arith.constant 0 : i32
    %dma_start3A_128 = arith.constant 0 : i32
    %dma_start3A_129 = tpu.memref_slice %arg7[%dma_start3A_125, %dma_start3A_127, %dma_start3A_128] : memref<8x125x32xf32, #tpu.memory_space<vmem>> -> memref<1x125x32xf32, #tpu.memory_space<vmem>>
    %dma_start3A_130 = tpu.memref_squeeze %dma_start3A_129 : memref<1x125x32xf32, #tpu.memory_space<vmem>> -> memref<125x32xf32, #tpu.memory_space<vmem>>
    %dma_start3A_131 = arith.constant 0 : i32
    %dma_start3A_132 = tpu.memref_slice %arg5[%dma_start3A_124, %dma_start3A_131] : memref<160x125xi32, #tpu.memory_space<vmem>> -> memref<1x125xi32, #tpu.memory_space<vmem>>
    %dma_start3A_133 = tpu.memref_squeeze %dma_start3A_132 : memref<1x125xi32, #tpu.memory_space<vmem>> -> memref<125xi32, #tpu.memory_space<vmem>>
    %dma_start3A_134 = arith.constant 0 : i32
    %dma_start3A_135 = arith.constant 0 : i32
    %dma_start3A_136 = tpu.memref_slice %arg9[%dma_start3A_134, %dma_start3A_135] : memref<10240x32xf32, #tpu.memory_space<vmem_shared>> -> memref<10240x32xf32, #tpu.memory_space<vmem_shared>>
    %dma_start3A_137 = tpu.memref_slice %arg10[%dma_start3A_126] : memref<8x!tpu.dma_semaphore, #tpu.memory_space<semaphore_mem>> -> memref<1x!tpu.dma_semaphore, #tpu.memory_space<semaphore_mem>>
    %dma_start3A_138 = tpu.memref_squeeze %dma_start3A_137 : memref<1x!tpu.dma_semaphore, #tpu.memory_space<semaphore_mem>> -> memref<!tpu.dma_semaphore, #tpu.memory_space<semaphore_mem>>
    tpu.enqueue_indirect_dma source(%dma_start3A_136 : memref<10240x32xf32, #tpu.memory_space<vmem_shared>>) target(%dma_start3A_130 : memref<125x32xf32, #tpu.memory_space<vmem>>) offsets(%dma_start3A_133 : memref<125xi32, #tpu.memory_space<vmem>>) semaphore(%dma_start3A_138 : memref<!tpu.dma_semaphore, #tpu.memory_space<semaphore_mem>>)
    %dma_start3A_139 = arith.constant 4 : i32
    %dma_start3A_140 = arith.constant 4 : i32
    %dma_start3A_141 = arith.constant 4 : i32
    %dma_start3A_142 = arith.constant 0 : i32
    %dma_start3A_143 = arith.constant 0 : i32
    %dma_start3A_144 = tpu.memref_slice %arg7[%dma_start3A_140, %dma_start3A_142, %dma_start3A_143] : memref<8x125x32xf32, #tpu.memory_space<vmem>> -> memref<1x125x32xf32, #tpu.memory_space<vmem>>
    %dma_start3A_145 = tpu.memref_squeeze %dma_start3A_144 : memref<1x125x32xf32, #tpu.memory_space<vmem>> -> memref<125x32xf32, #tpu.memory_space<vmem>>
    %dma_start3A_146 = arith.constant 0 : i32
    %dma_start3A_147 = tpu.memref_slice %arg5[%dma_start3A_139, %dma_start3A_146] : memref<160x125xi32, #tpu.memory_space<vmem>> -> memref<1x125xi32, #tpu.memory_space<vmem>>
    %dma_start3A_148 = tpu.memref_squeeze %dma_start3A_147 : memref<1x125xi32, #tpu.memory_space<vmem>> -> memref<125xi32, #tpu.memory_space<vmem>>
    %dma_start3A_149 = arith.constant 0 : i32
    %dma_start3A_150 = arith.constant 0 : i32
    %dma_start3A_151 = tpu.memref_slice %arg9[%dma_start3A_149, %dma_start3A_150] : memref<10240x32xf32, #tpu.memory_space<vmem_shared>> -> memref<10240x32xf32, #tpu.memory_space<vmem_shared>>
    %dma_start3A_152 = tpu.memref_slice %arg10[%dma_start3A_141] : memref<8x!tpu.dma_semaphore, #tpu.memory_space<semaphore_mem>> -> memref<1x!tpu.dma_semaphore, #tpu.memory_space<semaphore_mem>>
    %dma_start3A_153 = tpu.memref_squeeze %dma_start3A_152 : memref<1x!tpu.dma_semaphore, #tpu.memory_space<semaphore_mem>> -> memref<!tpu.dma_semaphore, #tpu.memory_space<semaphore_mem>>
    tpu.enqueue_indirect_dma source(%dma_start3A_151 : memref<10240x32xf32, #tpu.memory_space<vmem_shared>>) target(%dma_start3A_145 : memref<125x32xf32, #tpu.memory_space<vmem>>) offsets(%dma_start3A_148 : memref<125xi32, #tpu.memory_space<vmem>>) semaphore(%dma_start3A_153 : memref<!tpu.dma_semaphore, #tpu.memory_space<semaphore_mem>>)
    %dma_start3A_154 = arith.constant 5 : i32
    %dma_start3A_155 = arith.constant 5 : i32
    %dma_start3A_156 = arith.constant 5 : i32
    %dma_start3A_157 = arith.constant 0 : i32
    %dma_start3A_158 = arith.constant 0 : i32
    %dma_start3A_159 = tpu.memref_slice %arg7[%dma_start3A_155, %dma_start3A_157, %dma_start3A_158] : memref<8x125x32xf32, #tpu.memory_space<vmem>> -> memref<1x125x32xf32, #tpu.memory_space<vmem>>
    %dma_start3A_160 = tpu.memref_squeeze %dma_start3A_159 : memref<1x125x32xf32, #tpu.memory_space<vmem>> -> memref<125x32xf32, #tpu.memory_space<vmem>>
    %dma_start3A_161 = arith.constant 0 : i32
    %dma_start3A_162 = tpu.memref_slice %arg5[%dma_start3A_154, %dma_start3A_161] : memref<160x125xi32, #tpu.memory_space<vmem>> -> memref<1x125xi32, #tpu.memory_space<vmem>>
    %dma_start3A_163 = tpu.memref_squeeze %dma_start3A_162 : memref<1x125xi32, #tpu.memory_space<vmem>> -> memref<125xi32, #tpu.memory_space<vmem>>
    %dma_start3A_164 = arith.constant 0 : i32
    %dma_start3A_165 = arith.constant 0 : i32
    %dma_start3A_166 = tpu.memref_slice %arg9[%dma_start3A_164, %dma_start3A_165] : memref<10240x32xf32, #tpu.memory_space<vmem_shared>> -> memref<10240x32xf32, #tpu.memory_space<vmem_shared>>
    %dma_start3A_167 = tpu.memref_slice %arg10[%dma_start3A_156] : memref<8x!tpu.dma_semaphore, #tpu.memory_space<semaphore_mem>> -> memref<1x!tpu.dma_semaphore, #tpu.memory_space<semaphore_mem>>
    %dma_start3A_168 = tpu.memref_squeeze %dma_start3A_167 : memref<1x!tpu.dma_semaphore, #tpu.memory_space<semaphore_mem>> -> memref<!tpu.dma_semaphore, #tpu.memory_space<semaphore_mem>>
    tpu.enqueue_indirect_dma source(%dma_start3A_166 : memref<10240x32xf32, #tpu.memory_space<vmem_shared>>) target(%dma_start3A_160 : memref<125x32xf32, #tpu.memory_space<vmem>>) offsets(%dma_start3A_163 : memref<125xi32, #tpu.memory_space<vmem>>) semaphore(%dma_start3A_168 : memref<!tpu.dma_semaphore, #tpu.memory_space<semaphore_mem>>)
    %dma_start3A_169 = arith.constant 6 : i32
    %dma_start3A_170 = arith.constant 6 : i32
    %dma_start3A_171 = arith.constant 6 : i32
    %dma_start3A_172 = arith.constant 0 : i32
    %dma_start3A_173 = arith.constant 0 : i32
    %dma_start3A_174 = tpu.memref_slice %arg7[%dma_start3A_170, %dma_start3A_172, %dma_start3A_173] : memref<8x125x32xf32, #tpu.memory_space<vmem>> -> memref<1x125x32xf32, #tpu.memory_space<vmem>>
    %dma_start3A_175 = tpu.memref_squeeze %dma_start3A_174 : memref<1x125x32xf32, #tpu.memory_space<vmem>> -> memref<125x32xf32, #tpu.memory_space<vmem>>
    %dma_start3A_176 = arith.constant 0 : i32
    %dma_start3A_177 = tpu.memref_slice %arg5[%dma_start3A_169, %dma_start3A_176] : memref<160x125xi32, #tpu.memory_space<vmem>> -> memref<1x125xi32, #tpu.memory_space<vmem>>
    %dma_start3A_178 = tpu.memref_squeeze %dma_start3A_177 : memref<1x125xi32, #tpu.memory_space<vmem>> -> memref<125xi32, #tpu.memory_space<vmem>>
    %dma_start3A_179 = arith.constant 0 : i32
    %dma_start3A_180 = arith.constant 0 : i32
    %dma_start3A_181 = tpu.memref_slice %arg9[%dma_start3A_179, %dma_start3A_180] : memref<10240x32xf32, #tpu.memory_space<vmem_shared>> -> memref<10240x32xf32, #tpu.memory_space<vmem_shared>>
    %dma_start3A_182 = tpu.memref_slice %arg10[%dma_start3A_171] : memref<8x!tpu.dma_semaphore, #tpu.memory_space<semaphore_mem>> -> memref<1x!tpu.dma_semaphore, #tpu.memory_space<semaphore_mem>>
    %dma_start3A_183 = tpu.memref_squeeze %dma_start3A_182 : memref<1x!tpu.dma_semaphore, #tpu.memory_space<semaphore_mem>> -> memref<!tpu.dma_semaphore, #tpu.memory_space<semaphore_mem>>
    tpu.enqueue_indirect_dma source(%dma_start3A_181 : memref<10240x32xf32, #tpu.memory_space<vmem_shared>>) target(%dma_start3A_175 : memref<125x32xf32, #tpu.memory_space<vmem>>) offsets(%dma_start3A_178 : memref<125xi32, #tpu.memory_space<vmem>>) semaphore(%dma_start3A_183 : memref<!tpu.dma_semaphore, #tpu.memory_space<semaphore_mem>>)
    %dma_start3A_184 = arith.constant 7 : i32
    %dma_start3A_185 = arith.constant 7 : i32
    %dma_start3A_186 = arith.constant 7 : i32
    %dma_start3A_187 = arith.constant 0 : i32
    %dma_start3A_188 = arith.constant 0 : i32
    %dma_start3A_189 = tpu.memref_slice %arg7[%dma_start3A_185, %dma_start3A_187, %dma_start3A_188] : memref<8x125x32xf32, #tpu.memory_space<vmem>> -> memref<1x125x32xf32, #tpu.memory_space<vmem>>
    %dma_start3A_190 = tpu.memref_squeeze %dma_start3A_189 : memref<1x125x32xf32, #tpu.memory_space<vmem>> -> memref<125x32xf32, #tpu.memory_space<vmem>>
    %dma_start3A_191 = arith.constant 0 : i32
    %dma_start3A_192 = tpu.memref_slice %arg5[%dma_start3A_184, %dma_start3A_191] : memref<160x125xi32, #tpu.memory_space<vmem>> -> memref<1x125xi32, #tpu.memory_space<vmem>>
    %dma_start3A_193 = tpu.memref_squeeze %dma_start3A_192 : memref<1x125xi32, #tpu.memory_space<vmem>> -> memref<125xi32, #tpu.memory_space<vmem>>
    %dma_start3A_194 = arith.constant 0 : i32
    %dma_start3A_195 = arith.constant 0 : i32
    %dma_start3A_196 = tpu.memref_slice %arg9[%dma_start3A_194, %dma_start3A_195] : memref<10240x32xf32, #tpu.memory_space<vmem_shared>> -> memref<10240x32xf32, #tpu.memory_space<vmem_shared>>
    %dma_start3A_197 = tpu.memref_slice %arg10[%dma_start3A_186] : memref<8x!tpu.dma_semaphore, #tpu.memory_space<semaphore_mem>> -> memref<1x!tpu.dma_semaphore, #tpu.memory_space<semaphore_mem>>
    %dma_start3A_198 = tpu.memref_squeeze %dma_start3A_197 : memref<1x!tpu.dma_semaphore, #tpu.memory_space<semaphore_mem>> -> memref<!tpu.dma_semaphore, #tpu.memory_space<semaphore_mem>>
    tpu.enqueue_indirect_dma source(%dma_start3A_196 : memref<10240x32xf32, #tpu.memory_space<vmem_shared>>) target(%dma_start3A_190 : memref<125x32xf32, #tpu.memory_space<vmem>>) offsets(%dma_start3A_193 : memref<125xi32, #tpu.memory_space<vmem>>) semaphore(%dma_start3A_198 : memref<!tpu.dma_semaphore, #tpu.memory_space<semaphore_mem>>)
    %scan3A = arith.constant 0 : i32
    %scan3A_199 = arith.constant 0 : i32
    %scan3A_200 = arith.constant 19 : i32
    %scan3A_201 = arith.addi %scan3A_199, %scan3A_200 : i32
    %scan3A_202 = arith.constant 1 : i32
    scf.for %scan3A_565 = %scan3A_199 to %scan3A_201 step %scan3A_202  : i32 {
      %mul3A_566 = arith.constant 8 : i32
      %mul3A_567 = arith.muli %scan3A_565, %mul3A_566 : i32
      %add3A = arith.constant 0 : i32
      %add3A_568 = arith.addi %mul3A_567, %add3A : i32
      %dma_wait3A_569 = arith.constant 0 : i32
      %dma_wait3A_570 = arith.constant 0 : i32
      %dma_wait3A_571 = arith.constant 0 : i32
      %dma_wait3A_572 = arith.constant 0 : i32
      %dma_wait3A_573 = tpu.memref_slice %arg7[%dma_wait3A_569, %dma_wait3A_571, %dma_wait3A_572] : memref<8x125x32xf32, #tpu.memory_space<vmem>> -> memref<1x125x32xf32, #tpu.memory_space<vmem>>
      %dma_wait3A_574 = tpu.memref_squeeze %dma_wait3A_573 : memref<1x125x32xf32, #tpu.memory_space<vmem>> -> memref<125x32xf32, #tpu.memory_space<vmem>>
      %dma_wait3A_575 = arith.constant 0 : i32
      %dma_wait3A_576 = tpu.memref_slice %arg5[%add3A_568, %dma_wait3A_575] : memref<160x125xi32, #tpu.memory_space<vmem>> -> memref<1x125xi32, #tpu.memory_space<vmem>>
      %dma_wait3A_577 = tpu.memref_squeeze %dma_wait3A_576 : memref<1x125xi32, #tpu.memory_space<vmem>> -> memref<125xi32, #tpu.memory_space<vmem>>
      %dma_wait3A_578 = arith.constant 0 : i32
      %dma_wait3A_579 = arith.constant 0 : i32
      %dma_wait3A_580 = tpu.memref_slice %arg9[%dma_wait3A_578, %dma_wait3A_579] : memref<10240x32xf32, #tpu.memory_space<vmem_shared>> -> memref<10240x32xf32, #tpu.memory_space<vmem_shared>>
      %dma_wait3A_581 = tpu.memref_slice %arg10[%dma_wait3A_570] : memref<8x!tpu.dma_semaphore, #tpu.memory_space<semaphore_mem>> -> memref<1x!tpu.dma_semaphore, #tpu.memory_space<semaphore_mem>>
      %dma_wait3A_582 = tpu.memref_squeeze %dma_wait3A_581 : memref<1x!tpu.dma_semaphore, #tpu.memory_space<semaphore_mem>> -> memref<!tpu.dma_semaphore, #tpu.memory_space<semaphore_mem>>
      tpu.wait_indirect_dma semaphore(%dma_wait3A_582 : memref<!tpu.dma_semaphore, #tpu.memory_space<semaphore_mem>>) src(%dma_wait3A_580 : memref<10240x32xf32, #tpu.memory_space<vmem_shared>>) dst(%dma_wait3A_574 : memref<125x32xf32, #tpu.memory_space<vmem>>)
      %dma_start3A_583 = arith.constant 0 : i32
      %dma_start3A_584 = arith.constant 0 : i32
      %dma_start3A_585 = arith.constant 0 : i32
      %dma_start3A_586 = arith.constant 0 : i32
      %dma_start3A_587 = tpu.memref_slice %arg7[%dma_start3A_583, %dma_start3A_585, %dma_start3A_586] : memref<8x125x32xf32, #tpu.memory_space<vmem>> -> memref<1x125x32xf32, #tpu.memory_space<vmem>>
      %dma_start3A_588 = tpu.memref_squeeze %dma_start3A_587 : memref<1x125x32xf32, #tpu.memory_space<vmem>> -> memref<125x32xf32, #tpu.memory_space<vmem>>
      %dma_start3A_589 = arith.constant 0 : i32
      %dma_start3A_590 = tpu.memref_slice %arg6[%add3A_568, %dma_start3A_589] : memref<160x125xi32, #tpu.memory_space<vmem>> -> memref<1x125xi32, #tpu.memory_space<vmem>>
      %dma_start3A_591 = tpu.memref_squeeze %dma_start3A_590 : memref<1x125xi32, #tpu.memory_space<vmem>> -> memref<125xi32, #tpu.memory_space<vmem>>
      %dma_start3A_592 = arith.constant 0 : i32
      %dma_start3A_593 = arith.constant 0 : i32
      %dma_start3A_594 = tpu.memref_slice %arg8[%dma_start3A_592, %dma_start3A_593] : memref<10240x32xf32, #tpu.memory_space<vmem_shared>> -> memref<10240x32xf32, #tpu.memory_space<vmem_shared>>
      %dma_start3A_595 = tpu.memref_slice %arg11[%dma_start3A_584] : memref<8x!tpu.dma_semaphore, #tpu.memory_space<semaphore_mem>> -> memref<1x!tpu.dma_semaphore, #tpu.memory_space<semaphore_mem>>
      %dma_start3A_596 = tpu.memref_squeeze %dma_start3A_595 : memref<1x!tpu.dma_semaphore, #tpu.memory_space<semaphore_mem>> -> memref<!tpu.dma_semaphore, #tpu.memory_space<semaphore_mem>>
      tpu.enqueue_indirect_dma source(%dma_start3A_588 : memref<125x32xf32, #tpu.memory_space<vmem>>) target(%dma_start3A_594 : memref<10240x32xf32, #tpu.memory_space<vmem_shared>>) offsets(%dma_start3A_591 : memref<125xi32, #tpu.memory_space<vmem>>) semaphore(%dma_start3A_596 : memref<!tpu.dma_semaphore, #tpu.memory_space<semaphore_mem>>) {add = true}
      %mul3A_597 = arith.constant 8 : i32
      %mul3A_598 = arith.muli %scan3A_565, %mul3A_597 : i32
      %add3A_599 = arith.constant 1 : i32
      %add3A_600 = arith.addi %mul3A_598, %add3A_599 : i32
      %dma_wait3A_601 = arith.constant 1 : i32
      %dma_wait3A_602 = arith.constant 1 : i32
      %dma_wait3A_603 = arith.constant 0 : i32
      %dma_wait3A_604 = arith.constant 0 : i32
      %dma_wait3A_605 = tpu.memref_slice %arg7[%dma_wait3A_601, %dma_wait3A_603, %dma_wait3A_604] : memref<8x125x32xf32, #tpu.memory_space<vmem>> -> memref<1x125x32xf32, #tpu.memory_space<vmem>>
      %dma_wait3A_606 = tpu.memref_squeeze %dma_wait3A_605 : memref<1x125x32xf32, #tpu.memory_space<vmem>> -> memref<125x32xf32, #tpu.memory_space<vmem>>
      %dma_wait3A_607 = arith.constant 0 : i32
      %dma_wait3A_608 = tpu.memref_slice %arg5[%add3A_600, %dma_wait3A_607] : memref<160x125xi32, #tpu.memory_space<vmem>> -> memref<1x125xi32, #tpu.memory_space<vmem>>
      %dma_wait3A_609 = tpu.memref_squeeze %dma_wait3A_608 : memref<1x125xi32, #tpu.memory_space<vmem>> -> memref<125xi32, #tpu.memory_space<vmem>>
      %dma_wait3A_610 = arith.constant 0 : i32
      %dma_wait3A_611 = arith.constant 0 : i32
      %dma_wait3A_612 = tpu.memref_slice %arg9[%dma_wait3A_610, %dma_wait3A_611] : memref<10240x32xf32, #tpu.memory_space<vmem_shared>> -> memref<10240x32xf32, #tpu.memory_space<vmem_shared>>
      %dma_wait3A_613 = tpu.memref_slice %arg10[%dma_wait3A_602] : memref<8x!tpu.dma_semaphore, #tpu.memory_space<semaphore_mem>> -> memref<1x!tpu.dma_semaphore, #tpu.memory_space<semaphore_mem>>
      %dma_wait3A_614 = tpu.memref_squeeze %dma_wait3A_613 : memref<1x!tpu.dma_semaphore, #tpu.memory_space<semaphore_mem>> -> memref<!tpu.dma_semaphore, #tpu.memory_space<semaphore_mem>>
      tpu.wait_indirect_dma semaphore(%dma_wait3A_614 : memref<!tpu.dma_semaphore, #tpu.memory_space<semaphore_mem>>) src(%dma_wait3A_612 : memref<10240x32xf32, #tpu.memory_space<vmem_shared>>) dst(%dma_wait3A_606 : memref<125x32xf32, #tpu.memory_space<vmem>>)
      %dma_start3A_615 = arith.constant 1 : i32
      %dma_start3A_616 = arith.constant 1 : i32
      %dma_start3A_617 = arith.constant 0 : i32
      %dma_start3A_618 = arith.constant 0 : i32
      %dma_start3A_619 = tpu.memref_slice %arg7[%dma_start3A_615, %dma_start3A_617, %dma_start3A_618] : memref<8x125x32xf32, #tpu.memory_space<vmem>> -> memref<1x125x32xf32, #tpu.memory_space<vmem>>
      %dma_start3A_620 = tpu.memref_squeeze %dma_start3A_619 : memref<1x125x32xf32, #tpu.memory_space<vmem>> -> memref<125x32xf32, #tpu.memory_space<vmem>>
      %dma_start3A_621 = arith.constant 0 : i32
      %dma_start3A_622 = tpu.memref_slice %arg6[%add3A_600, %dma_start3A_621] : memref<160x125xi32, #tpu.memory_space<vmem>> -> memref<1x125xi32, #tpu.memory_space<vmem>>
      %dma_start3A_623 = tpu.memref_squeeze %dma_start3A_622 : memref<1x125xi32, #tpu.memory_space<vmem>> -> memref<125xi32, #tpu.memory_space<vmem>>
      %dma_start3A_624 = arith.constant 0 : i32
      %dma_start3A_625 = arith.constant 0 : i32
      %dma_start3A_626 = tpu.memref_slice %arg8[%dma_start3A_624, %dma_start3A_625] : memref<10240x32xf32, #tpu.memory_space<vmem_shared>> -> memref<10240x32xf32, #tpu.memory_space<vmem_shared>>
      %dma_start3A_627 = tpu.memref_slice %arg11[%dma_start3A_616] : memref<8x!tpu.dma_semaphore, #tpu.memory_space<semaphore_mem>> -> memref<1x!tpu.dma_semaphore, #tpu.memory_space<semaphore_mem>>
      %dma_start3A_628 = tpu.memref_squeeze %dma_start3A_627 : memref<1x!tpu.dma_semaphore, #tpu.memory_space<semaphore_mem>> -> memref<!tpu.dma_semaphore, #tpu.memory_space<semaphore_mem>>
      tpu.enqueue_indirect_dma source(%dma_start3A_620 : memref<125x32xf32, #tpu.memory_space<vmem>>) target(%dma_start3A_626 : memref<10240x32xf32, #tpu.memory_space<vmem_shared>>) offsets(%dma_start3A_623 : memref<125xi32, #tpu.memory_space<vmem>>) semaphore(%dma_start3A_628 : memref<!tpu.dma_semaphore, #tpu.memory_space<semaphore_mem>>) {add = true}
      %mul3A_629 = arith.constant 8 : i32
      %mul3A_630 = arith.muli %scan3A_565, %mul3A_629 : i32
      %add3A_631 = arith.constant 2 : i32
      %add3A_632 = arith.addi %mul3A_630, %add3A_631 : i32
      %dma_wait3A_633 = arith.constant 2 : i32
      %dma_wait3A_634 = arith.constant 2 : i32
      %dma_wait3A_635 = arith.constant 0 : i32
      %dma_wait3A_636 = arith.constant 0 : i32
      %dma_wait3A_637 = tpu.memref_slice %arg7[%dma_wait3A_633, %dma_wait3A_635, %dma_wait3A_636] : memref<8x125x32xf32, #tpu.memory_space<vmem>> -> memref<1x125x32xf32, #tpu.memory_space<vmem>>
      %dma_wait3A_638 = tpu.memref_squeeze %dma_wait3A_637 : memref<1x125x32xf32, #tpu.memory_space<vmem>> -> memref<125x32xf32, #tpu.memory_space<vmem>>
      %dma_wait3A_639 = arith.constant 0 : i32
      %dma_wait3A_640 = tpu.memref_slice %arg5[%add3A_632, %dma_wait3A_639] : memref<160x125xi32, #tpu.memory_space<vmem>> -> memref<1x125xi32, #tpu.memory_space<vmem>>
      %dma_wait3A_641 = tpu.memref_squeeze %dma_wait3A_640 : memref<1x125xi32, #tpu.memory_space<vmem>> -> memref<125xi32, #tpu.memory_space<vmem>>
      %dma_wait3A_642 = arith.constant 0 : i32
      %dma_wait3A_643 = arith.constant 0 : i32
      %dma_wait3A_644 = tpu.memref_slice %arg9[%dma_wait3A_642, %dma_wait3A_643] : memref<10240x32xf32, #tpu.memory_space<vmem_shared>> -> memref<10240x32xf32, #tpu.memory_space<vmem_shared>>
      %dma_wait3A_645 = tpu.memref_slice %arg10[%dma_wait3A_634] : memref<8x!tpu.dma_semaphore, #tpu.memory_space<semaphore_mem>> -> memref<1x!tpu.dma_semaphore, #tpu.memory_space<semaphore_mem>>
      %dma_wait3A_646 = tpu.memref_squeeze %dma_wait3A_645 : memref<1x!tpu.dma_semaphore, #tpu.memory_space<semaphore_mem>> -> memref<!tpu.dma_semaphore, #tpu.memory_space<semaphore_mem>>
      tpu.wait_indirect_dma semaphore(%dma_wait3A_646 : memref<!tpu.dma_semaphore, #tpu.memory_space<semaphore_mem>>) src(%dma_wait3A_644 : memref<10240x32xf32, #tpu.memory_space<vmem_shared>>) dst(%dma_wait3A_638 : memref<125x32xf32, #tpu.memory_space<vmem>>)
      %dma_start3A_647 = arith.constant 2 : i32
      %dma_start3A_648 = arith.constant 2 : i32
      %dma_start3A_649 = arith.constant 0 : i32
      %dma_start3A_650 = arith.constant 0 : i32
      %dma_start3A_651 = tpu.memref_slice %arg7[%dma_start3A_647, %dma_start3A_649, %dma_start3A_650] : memref<8x125x32xf32, #tpu.memory_space<vmem>> -> memref<1x125x32xf32, #tpu.memory_space<vmem>>
      %dma_start3A_652 = tpu.memref_squeeze %dma_start3A_651 : memref<1x125x32xf32, #tpu.memory_space<vmem>> -> memref<125x32xf32, #tpu.memory_space<vmem>>
      %dma_start3A_653 = arith.constant 0 : i32
      %dma_start3A_654 = tpu.memref_slice %arg6[%add3A_632, %dma_start3A_653] : memref<160x125xi32, #tpu.memory_space<vmem>> -> memref<1x125xi32, #tpu.memory_space<vmem>>
      %dma_start3A_655 = tpu.memref_squeeze %dma_start3A_654 : memref<1x125xi32, #tpu.memory_space<vmem>> -> memref<125xi32, #tpu.memory_space<vmem>>
      %dma_start3A_656 = arith.constant 0 : i32
      %dma_start3A_657 = arith.constant 0 : i32
      %dma_start3A_658 = tpu.memref_slice %arg8[%dma_start3A_656, %dma_start3A_657] : memref<10240x32xf32, #tpu.memory_space<vmem_shared>> -> memref<10240x32xf32, #tpu.memory_space<vmem_shared>>
      %dma_start3A_659 = tpu.memref_slice %arg11[%dma_start3A_648] : memref<8x!tpu.dma_semaphore, #tpu.memory_space<semaphore_mem>> -> memref<1x!tpu.dma_semaphore, #tpu.memory_space<semaphore_mem>>
      %dma_start3A_660 = tpu.memref_squeeze %dma_start3A_659 : memref<1x!tpu.dma_semaphore, #tpu.memory_space<semaphore_mem>> -> memref<!tpu.dma_semaphore, #tpu.memory_space<semaphore_mem>>
      tpu.enqueue_indirect_dma source(%dma_start3A_652 : memref<125x32xf32, #tpu.memory_space<vmem>>) target(%dma_start3A_658 : memref<10240x32xf32, #tpu.memory_space<vmem_shared>>) offsets(%dma_start3A_655 : memref<125xi32, #tpu.memory_space<vmem>>) semaphore(%dma_start3A_660 : memref<!tpu.dma_semaphore, #tpu.memory_space<semaphore_mem>>) {add = true}
      %mul3A_661 = arith.constant 8 : i32
      %mul3A_662 = arith.muli %scan3A_565, %mul3A_661 : i32
      %add3A_663 = arith.constant 3 : i32
      %add3A_664 = arith.addi %mul3A_662, %add3A_663 : i32
      %dma_wait3A_665 = arith.constant 3 : i32
      %dma_wait3A_666 = arith.constant 3 : i32
      %dma_wait3A_667 = arith.constant 0 : i32
      %dma_wait3A_668 = arith.constant 0 : i32
      %dma_wait3A_669 = tpu.memref_slice %arg7[%dma_wait3A_665, %dma_wait3A_667, %dma_wait3A_668] : memref<8x125x32xf32, #tpu.memory_space<vmem>> -> memref<1x125x32xf32, #tpu.memory_space<vmem>>
      %dma_wait3A_670 = tpu.memref_squeeze %dma_wait3A_669 : memref<1x125x32xf32, #tpu.memory_space<vmem>> -> memref<125x32xf32, #tpu.memory_space<vmem>>
      %dma_wait3A_671 = arith.constant 0 : i32
      %dma_wait3A_672 = tpu.memref_slice %arg5[%add3A_664, %dma_wait3A_671] : memref<160x125xi32, #tpu.memory_space<vmem>> -> memref<1x125xi32, #tpu.memory_space<vmem>>
      %dma_wait3A_673 = tpu.memref_squeeze %dma_wait3A_672 : memref<1x125xi32, #tpu.memory_space<vmem>> -> memref<125xi32, #tpu.memory_space<vmem>>
      %dma_wait3A_674 = arith.constant 0 : i32
      %dma_wait3A_675 = arith.constant 0 : i32
      %dma_wait3A_676 = tpu.memref_slice %arg9[%dma_wait3A_674, %dma_wait3A_675] : memref<10240x32xf32, #tpu.memory_space<vmem_shared>> -> memref<10240x32xf32, #tpu.memory_space<vmem_shared>>
      %dma_wait3A_677 = tpu.memref_slice %arg10[%dma_wait3A_666] : memref<8x!tpu.dma_semaphore, #tpu.memory_space<semaphore_mem>> -> memref<1x!tpu.dma_semaphore, #tpu.memory_space<semaphore_mem>>
      %dma_wait3A_678 = tpu.memref_squeeze %dma_wait3A_677 : memref<1x!tpu.dma_semaphore, #tpu.memory_space<semaphore_mem>> -> memref<!tpu.dma_semaphore, #tpu.memory_space<semaphore_mem>>
      tpu.wait_indirect_dma semaphore(%dma_wait3A_678 : memref<!tpu.dma_semaphore, #tpu.memory_space<semaphore_mem>>) src(%dma_wait3A_676 : memref<10240x32xf32, #tpu.memory_space<vmem_shared>>) dst(%dma_wait3A_670 : memref<125x32xf32, #tpu.memory_space<vmem>>)
      %dma_start3A_679 = arith.constant 3 : i32
      %dma_start3A_680 = arith.constant 3 : i32
      %dma_start3A_681 = arith.constant 0 : i32
      %dma_start3A_682 = arith.constant 0 : i32
      %dma_start3A_683 = tpu.memref_slice %arg7[%dma_start3A_679, %dma_start3A_681, %dma_start3A_682] : memref<8x125x32xf32, #tpu.memory_space<vmem>> -> memref<1x125x32xf32, #tpu.memory_space<vmem>>
      %dma_start3A_684 = tpu.memref_squeeze %dma_start3A_683 : memref<1x125x32xf32, #tpu.memory_space<vmem>> -> memref<125x32xf32, #tpu.memory_space<vmem>>
      %dma_start3A_685 = arith.constant 0 : i32
      %dma_start3A_686 = tpu.memref_slice %arg6[%add3A_664, %dma_start3A_685] : memref<160x125xi32, #tpu.memory_space<vmem>> -> memref<1x125xi32, #tpu.memory_space<vmem>>
      %dma_start3A_687 = tpu.memref_squeeze %dma_start3A_686 : memref<1x125xi32, #tpu.memory_space<vmem>> -> memref<125xi32, #tpu.memory_space<vmem>>
      %dma_start3A_688 = arith.constant 0 : i32
      %dma_start3A_689 = arith.constant 0 : i32
      %dma_start3A_690 = tpu.memref_slice %arg8[%dma_start3A_688, %dma_start3A_689] : memref<10240x32xf32, #tpu.memory_space<vmem_shared>> -> memref<10240x32xf32, #tpu.memory_space<vmem_shared>>
      %dma_start3A_691 = tpu.memref_slice %arg11[%dma_start3A_680] : memref<8x!tpu.dma_semaphore, #tpu.memory_space<semaphore_mem>> -> memref<1x!tpu.dma_semaphore, #tpu.memory_space<semaphore_mem>>
      %dma_start3A_692 = tpu.memref_squeeze %dma_start3A_691 : memref<1x!tpu.dma_semaphore, #tpu.memory_space<semaphore_mem>> -> memref<!tpu.dma_semaphore, #tpu.memory_space<semaphore_mem>>
      tpu.enqueue_indirect_dma source(%dma_start3A_684 : memref<125x32xf32, #tpu.memory_space<vmem>>) target(%dma_start3A_690 : memref<10240x32xf32, #tpu.memory_space<vmem_shared>>) offsets(%dma_start3A_687 : memref<125xi32, #tpu.memory_space<vmem>>) semaphore(%dma_start3A_692 : memref<!tpu.dma_semaphore, #tpu.memory_space<semaphore_mem>>) {add = true}
      %mul3A_693 = arith.constant 8 : i32
      %mul3A_694 = arith.muli %scan3A_565, %mul3A_693 : i32
      %add3A_695 = arith.constant 4 : i32
      %add3A_696 = arith.addi %mul3A_694, %add3A_695 : i32
      %dma_wait3A_697 = arith.constant 4 : i32
      %dma_wait3A_698 = arith.constant 4 : i32
      %dma_wait3A_699 = arith.constant 0 : i32
      %dma_wait3A_700 = arith.constant 0 : i32
      %dma_wait3A_701 = tpu.memref_slice %arg7[%dma_wait3A_697, %dma_wait3A_699, %dma_wait3A_700] : memref<8x125x32xf32, #tpu.memory_space<vmem>> -> memref<1x125x32xf32, #tpu.memory_space<vmem>>
      %dma_wait3A_702 = tpu.memref_squeeze %dma_wait3A_701 : memref<1x125x32xf32, #tpu.memory_space<vmem>> -> memref<125x32xf32, #tpu.memory_space<vmem>>
      %dma_wait3A_703 = arith.constant 0 : i32
      %dma_wait3A_704 = tpu.memref_slice %arg5[%add3A_696, %dma_wait3A_703] : memref<160x125xi32, #tpu.memory_space<vmem>> -> memref<1x125xi32, #tpu.memory_space<vmem>>
      %dma_wait3A_705 = tpu.memref_squeeze %dma_wait3A_704 : memref<1x125xi32, #tpu.memory_space<vmem>> -> memref<125xi32, #tpu.memory_space<vmem>>
      %dma_wait3A_706 = arith.constant 0 : i32
      %dma_wait3A_707 = arith.constant 0 : i32
      %dma_wait3A_708 = tpu.memref_slice %arg9[%dma_wait3A_706, %dma_wait3A_707] : memref<10240x32xf32, #tpu.memory_space<vmem_shared>> -> memref<10240x32xf32, #tpu.memory_space<vmem_shared>>
      %dma_wait3A_709 = tpu.memref_slice %arg10[%dma_wait3A_698] : memref<8x!tpu.dma_semaphore, #tpu.memory_space<semaphore_mem>> -> memref<1x!tpu.dma_semaphore, #tpu.memory_space<semaphore_mem>>
      %dma_wait3A_710 = tpu.memref_squeeze %dma_wait3A_709 : memref<1x!tpu.dma_semaphore, #tpu.memory_space<semaphore_mem>> -> memref<!tpu.dma_semaphore, #tpu.memory_space<semaphore_mem>>
      tpu.wait_indirect_dma semaphore(%dma_wait3A_710 : memref<!tpu.dma_semaphore, #tpu.memory_space<semaphore_mem>>) src(%dma_wait3A_708 : memref<10240x32xf32, #tpu.memory_space<vmem_shared>>) dst(%dma_wait3A_702 : memref<125x32xf32, #tpu.memory_space<vmem>>)
      %dma_start3A_711 = arith.constant 4 : i32
      %dma_start3A_712 = arith.constant 4 : i32
      %dma_start3A_713 = arith.constant 0 : i32
      %dma_start3A_714 = arith.constant 0 : i32
      %dma_start3A_715 = tpu.memref_slice %arg7[%dma_start3A_711, %dma_start3A_713, %dma_start3A_714] : memref<8x125x32xf32, #tpu.memory_space<vmem>> -> memref<1x125x32xf32, #tpu.memory_space<vmem>>
      %dma_start3A_716 = tpu.memref_squeeze %dma_start3A_715 : memref<1x125x32xf32, #tpu.memory_space<vmem>> -> memref<125x32xf32, #tpu.memory_space<vmem>>
      %dma_start3A_717 = arith.constant 0 : i32
      %dma_start3A_718 = tpu.memref_slice %arg6[%add3A_696, %dma_start3A_717] : memref<160x125xi32, #tpu.memory_space<vmem>> -> memref<1x125xi32, #tpu.memory_space<vmem>>
      %dma_start3A_719 = tpu.memref_squeeze %dma_start3A_718 : memref<1x125xi32, #tpu.memory_space<vmem>> -> memref<125xi32, #tpu.memory_space<vmem>>
      %dma_start3A_720 = arith.constant 0 : i32
      %dma_start3A_721 = arith.constant 0 : i32
      %dma_start3A_722 = tpu.memref_slice %arg8[%dma_start3A_720, %dma_start3A_721] : memref<10240x32xf32, #tpu.memory_space<vmem_shared>> -> memref<10240x32xf32, #tpu.memory_space<vmem_shared>>
      %dma_start3A_723 = tpu.memref_slice %arg11[%dma_start3A_712] : memref<8x!tpu.dma_semaphore, #tpu.memory_space<semaphore_mem>> -> memref<1x!tpu.dma_semaphore, #tpu.memory_space<semaphore_mem>>
      %dma_start3A_724 = tpu.memref_squeeze %dma_start3A_723 : memref<1x!tpu.dma_semaphore, #tpu.memory_space<semaphore_mem>> -> memref<!tpu.dma_semaphore, #tpu.memory_space<semaphore_mem>>
      tpu.enqueue_indirect_dma source(%dma_start3A_716 : memref<125x32xf32, #tpu.memory_space<vmem>>) target(%dma_start3A_722 : memref<10240x32xf32, #tpu.memory_space<vmem_shared>>) offsets(%dma_start3A_719 : memref<125xi32, #tpu.memory_space<vmem>>) semaphore(%dma_start3A_724 : memref<!tpu.dma_semaphore, #tpu.memory_space<semaphore_mem>>) {add = true}
      %mul3A_725 = arith.constant 8 : i32
      %mul3A_726 = arith.muli %scan3A_565, %mul3A_725 : i32
      %add3A_727 = arith.constant 5 : i32
      %add3A_728 = arith.addi %mul3A_726, %add3A_727 : i32
      %dma_wait3A_729 = arith.constant 5 : i32
      %dma_wait3A_730 = arith.constant 5 : i32
      %dma_wait3A_731 = arith.constant 0 : i32
      %dma_wait3A_732 = arith.constant 0 : i32
      %dma_wait3A_733 = tpu.memref_slice %arg7[%dma_wait3A_729, %dma_wait3A_731, %dma_wait3A_732] : memref<8x125x32xf32, #tpu.memory_space<vmem>> -> memref<1x125x32xf32, #tpu.memory_space<vmem>>
      %dma_wait3A_734 = tpu.memref_squeeze %dma_wait3A_733 : memref<1x125x32xf32, #tpu.memory_space<vmem>> -> memref<125x32xf32, #tpu.memory_space<vmem>>
      %dma_wait3A_735 = arith.constant 0 : i32
      %dma_wait3A_736 = tpu.memref_slice %arg5[%add3A_728, %dma_wait3A_735] : memref<160x125xi32, #tpu.memory_space<vmem>> -> memref<1x125xi32, #tpu.memory_space<vmem>>
      %dma_wait3A_737 = tpu.memref_squeeze %dma_wait3A_736 : memref<1x125xi32, #tpu.memory_space<vmem>> -> memref<125xi32, #tpu.memory_space<vmem>>
      %dma_wait3A_738 = arith.constant 0 : i32
      %dma_wait3A_739 = arith.constant 0 : i32
      %dma_wait3A_740 = tpu.memref_slice %arg9[%dma_wait3A_738, %dma_wait3A_739] : memref<10240x32xf32, #tpu.memory_space<vmem_shared>> -> memref<10240x32xf32, #tpu.memory_space<vmem_shared>>
      %dma_wait3A_741 = tpu.memref_slice %arg10[%dma_wait3A_730] : memref<8x!tpu.dma_semaphore, #tpu.memory_space<semaphore_mem>> -> memref<1x!tpu.dma_semaphore, #tpu.memory_space<semaphore_mem>>
      %dma_wait3A_742 = tpu.memref_squeeze %dma_wait3A_741 : memref<1x!tpu.dma_semaphore, #tpu.memory_space<semaphore_mem>> -> memref<!tpu.dma_semaphore, #tpu.memory_space<semaphore_mem>>
      tpu.wait_indirect_dma semaphore(%dma_wait3A_742 : memref<!tpu.dma_semaphore, #tpu.memory_space<semaphore_mem>>) src(%dma_wait3A_740 : memref<10240x32xf32, #tpu.memory_space<vmem_shared>>) dst(%dma_wait3A_734 : memref<125x32xf32, #tpu.memory_space<vmem>>)
      %dma_start3A_743 = arith.constant 5 : i32
      %dma_start3A_744 = arith.constant 5 : i32
      %dma_start3A_745 = arith.constant 0 : i32
      %dma_start3A_746 = arith.constant 0 : i32
      %dma_start3A_747 = tpu.memref_slice %arg7[%dma_start3A_743, %dma_start3A_745, %dma_start3A_746] : memref<8x125x32xf32, #tpu.memory_space<vmem>> -> memref<1x125x32xf32, #tpu.memory_space<vmem>>
      %dma_start3A_748 = tpu.memref_squeeze %dma_start3A_747 : memref<1x125x32xf32, #tpu.memory_space<vmem>> -> memref<125x32xf32, #tpu.memory_space<vmem>>
      %dma_start3A_749 = arith.constant 0 : i32
      %dma_start3A_750 = tpu.memref_slice %arg6[%add3A_728, %dma_start3A_749] : memref<160x125xi32, #tpu.memory_space<vmem>> -> memref<1x125xi32, #tpu.memory_space<vmem>>
      %dma_start3A_751 = tpu.memref_squeeze %dma_start3A_750 : memref<1x125xi32, #tpu.memory_space<vmem>> -> memref<125xi32, #tpu.memory_space<vmem>>
      %dma_start3A_752 = arith.constant 0 : i32
      %dma_start3A_753 = arith.constant 0 : i32
      %dma_start3A_754 = tpu.memref_slice %arg8[%dma_start3A_752, %dma_start3A_753] : memref<10240x32xf32, #tpu.memory_space<vmem_shared>> -> memref<10240x32xf32, #tpu.memory_space<vmem_shared>>
      %dma_start3A_755 = tpu.memref_slice %arg11[%dma_start3A_744] : memref<8x!tpu.dma_semaphore, #tpu.memory_space<semaphore_mem>> -> memref<1x!tpu.dma_semaphore, #tpu.memory_space<semaphore_mem>>
      %dma_start3A_756 = tpu.memref_squeeze %dma_start3A_755 : memref<1x!tpu.dma_semaphore, #tpu.memory_space<semaphore_mem>> -> memref<!tpu.dma_semaphore, #tpu.memory_space<semaphore_mem>>
      tpu.enqueue_indirect_dma source(%dma_start3A_748 : memref<125x32xf32, #tpu.memory_space<vmem>>) target(%dma_start3A_754 : memref<10240x32xf32, #tpu.memory_space<vmem_shared>>) offsets(%dma_start3A_751 : memref<125xi32, #tpu.memory_space<vmem>>) semaphore(%dma_start3A_756 : memref<!tpu.dma_semaphore, #tpu.memory_space<semaphore_mem>>) {add = true}
      %mul3A_757 = arith.constant 8 : i32
      %mul3A_758 = arith.muli %scan3A_565, %mul3A_757 : i32
      %add3A_759 = arith.constant 6 : i32
      %add3A_760 = arith.addi %mul3A_758, %add3A_759 : i32
      %dma_wait3A_761 = arith.constant 6 : i32
      %dma_wait3A_762 = arith.constant 6 : i32
      %dma_wait3A_763 = arith.constant 0 : i32
      %dma_wait3A_764 = arith.constant 0 : i32
      %dma_wait3A_765 = tpu.memref_slice %arg7[%dma_wait3A_761, %dma_wait3A_763, %dma_wait3A_764] : memref<8x125x32xf32, #tpu.memory_space<vmem>> -> memref<1x125x32xf32, #tpu.memory_space<vmem>>
      %dma_wait3A_766 = tpu.memref_squeeze %dma_wait3A_765 : memref<1x125x32xf32, #tpu.memory_space<vmem>> -> memref<125x32xf32, #tpu.memory_space<vmem>>
      %dma_wait3A_767 = arith.constant 0 : i32
      %dma_wait3A_768 = tpu.memref_slice %arg5[%add3A_760, %dma_wait3A_767] : memref<160x125xi32, #tpu.memory_space<vmem>> -> memref<1x125xi32, #tpu.memory_space<vmem>>
      %dma_wait3A_769 = tpu.memref_squeeze %dma_wait3A_768 : memref<1x125xi32, #tpu.memory_space<vmem>> -> memref<125xi32, #tpu.memory_space<vmem>>
      %dma_wait3A_770 = arith.constant 0 : i32
      %dma_wait3A_771 = arith.constant 0 : i32
      %dma_wait3A_772 = tpu.memref_slice %arg9[%dma_wait3A_770, %dma_wait3A_771] : memref<10240x32xf32, #tpu.memory_space<vmem_shared>> -> memref<10240x32xf32, #tpu.memory_space<vmem_shared>>
      %dma_wait3A_773 = tpu.memref_slice %arg10[%dma_wait3A_762] : memref<8x!tpu.dma_semaphore, #tpu.memory_space<semaphore_mem>> -> memref<1x!tpu.dma_semaphore, #tpu.memory_space<semaphore_mem>>
      %dma_wait3A_774 = tpu.memref_squeeze %dma_wait3A_773 : memref<1x!tpu.dma_semaphore, #tpu.memory_space<semaphore_mem>> -> memref<!tpu.dma_semaphore, #tpu.memory_space<semaphore_mem>>
      tpu.wait_indirect_dma semaphore(%dma_wait3A_774 : memref<!tpu.dma_semaphore, #tpu.memory_space<semaphore_mem>>) src(%dma_wait3A_772 : memref<10240x32xf32, #tpu.memory_space<vmem_shared>>) dst(%dma_wait3A_766 : memref<125x32xf32, #tpu.memory_space<vmem>>)
      %dma_start3A_775 = arith.constant 6 : i32
      %dma_start3A_776 = arith.constant 6 : i32
      %dma_start3A_777 = arith.constant 0 : i32
      %dma_start3A_778 = arith.constant 0 : i32
      %dma_start3A_779 = tpu.memref_slice %arg7[%dma_start3A_775, %dma_start3A_777, %dma_start3A_778] : memref<8x125x32xf32, #tpu.memory_space<vmem>> -> memref<1x125x32xf32, #tpu.memory_space<vmem>>
      %dma_start3A_780 = tpu.memref_squeeze %dma_start3A_779 : memref<1x125x32xf32, #tpu.memory_space<vmem>> -> memref<125x32xf32, #tpu.memory_space<vmem>>
      %dma_start3A_781 = arith.constant 0 : i32
      %dma_start3A_782 = tpu.memref_slice %arg6[%add3A_760, %dma_start3A_781] : memref<160x125xi32, #tpu.memory_space<vmem>> -> memref<1x125xi32, #tpu.memory_space<vmem>>
      %dma_start3A_783 = tpu.memref_squeeze %dma_start3A_782 : memref<1x125xi32, #tpu.memory_space<vmem>> -> memref<125xi32, #tpu.memory_space<vmem>>
      %dma_start3A_784 = arith.constant 0 : i32
      %dma_start3A_785 = arith.constant 0 : i32
      %dma_start3A_786 = tpu.memref_slice %arg8[%dma_start3A_784, %dma_start3A_785] : memref<10240x32xf32, #tpu.memory_space<vmem_shared>> -> memref<10240x32xf32, #tpu.memory_space<vmem_shared>>
      %dma_start3A_787 = tpu.memref_slice %arg11[%dma_start3A_776] : memref<8x!tpu.dma_semaphore, #tpu.memory_space<semaphore_mem>> -> memref<1x!tpu.dma_semaphore, #tpu.memory_space<semaphore_mem>>
      %dma_start3A_788 = tpu.memref_squeeze %dma_start3A_787 : memref<1x!tpu.dma_semaphore, #tpu.memory_space<semaphore_mem>> -> memref<!tpu.dma_semaphore, #tpu.memory_space<semaphore_mem>>
      tpu.enqueue_indirect_dma source(%dma_start3A_780 : memref<125x32xf32, #tpu.memory_space<vmem>>) target(%dma_start3A_786 : memref<10240x32xf32, #tpu.memory_space<vmem_shared>>) offsets(%dma_start3A_783 : memref<125xi32, #tpu.memory_space<vmem>>) semaphore(%dma_start3A_788 : memref<!tpu.dma_semaphore, #tpu.memory_space<semaphore_mem>>) {add = true}
      %mul3A_789 = arith.constant 8 : i32
      %mul3A_790 = arith.muli %scan3A_565, %mul3A_789 : i32
      %add3A_791 = arith.constant 7 : i32
      %add3A_792 = arith.addi %mul3A_790, %add3A_791 : i32
      %dma_wait3A_793 = arith.constant 7 : i32
      %dma_wait3A_794 = arith.constant 7 : i32
      %dma_wait3A_795 = arith.constant 0 : i32
      %dma_wait3A_796 = arith.constant 0 : i32
      %dma_wait3A_797 = tpu.memref_slice %arg7[%dma_wait3A_793, %dma_wait3A_795, %dma_wait3A_796] : memref<8x125x32xf32, #tpu.memory_space<vmem>> -> memref<1x125x32xf32, #tpu.memory_space<vmem>>
      %dma_wait3A_798 = tpu.memref_squeeze %dma_wait3A_797 : memref<1x125x32xf32, #tpu.memory_space<vmem>> -> memref<125x32xf32, #tpu.memory_space<vmem>>
      %dma_wait3A_799 = arith.constant 0 : i32
      %dma_wait3A_800 = tpu.memref_slice %arg5[%add3A_792, %dma_wait3A_799] : memref<160x125xi32, #tpu.memory_space<vmem>> -> memref<1x125xi32, #tpu.memory_space<vmem>>
      %dma_wait3A_801 = tpu.memref_squeeze %dma_wait3A_800 : memref<1x125xi32, #tpu.memory_space<vmem>> -> memref<125xi32, #tpu.memory_space<vmem>>
      %dma_wait3A_802 = arith.constant 0 : i32
      %dma_wait3A_803 = arith.constant 0 : i32
      %dma_wait3A_804 = tpu.memref_slice %arg9[%dma_wait3A_802, %dma_wait3A_803] : memref<10240x32xf32, #tpu.memory_space<vmem_shared>> -> memref<10240x32xf32, #tpu.memory_space<vmem_shared>>
      %dma_wait3A_805 = tpu.memref_slice %arg10[%dma_wait3A_794] : memref<8x!tpu.dma_semaphore, #tpu.memory_space<semaphore_mem>> -> memref<1x!tpu.dma_semaphore, #tpu.memory_space<semaphore_mem>>
      %dma_wait3A_806 = tpu.memref_squeeze %dma_wait3A_805 : memref<1x!tpu.dma_semaphore, #tpu.memory_space<semaphore_mem>> -> memref<!tpu.dma_semaphore, #tpu.memory_space<semaphore_mem>>
      tpu.wait_indirect_dma semaphore(%dma_wait3A_806 : memref<!tpu.dma_semaphore, #tpu.memory_space<semaphore_mem>>) src(%dma_wait3A_804 : memref<10240x32xf32, #tpu.memory_space<vmem_shared>>) dst(%dma_wait3A_798 : memref<125x32xf32, #tpu.memory_space<vmem>>)
      %dma_start3A_807 = arith.constant 7 : i32
      %dma_start3A_808 = arith.constant 7 : i32
      %dma_start3A_809 = arith.constant 0 : i32
      %dma_start3A_810 = arith.constant 0 : i32
      %dma_start3A_811 = tpu.memref_slice %arg7[%dma_start3A_807, %dma_start3A_809, %dma_start3A_810] : memref<8x125x32xf32, #tpu.memory_space<vmem>> -> memref<1x125x32xf32, #tpu.memory_space<vmem>>
      %dma_start3A_812 = tpu.memref_squeeze %dma_start3A_811 : memref<1x125x32xf32, #tpu.memory_space<vmem>> -> memref<125x32xf32, #tpu.memory_space<vmem>>
      %dma_start3A_813 = arith.constant 0 : i32
      %dma_start3A_814 = tpu.memref_slice %arg6[%add3A_792, %dma_start3A_813] : memref<160x125xi32, #tpu.memory_space<vmem>> -> memref<1x125xi32, #tpu.memory_space<vmem>>
      %dma_start3A_815 = tpu.memref_squeeze %dma_start3A_814 : memref<1x125xi32, #tpu.memory_space<vmem>> -> memref<125xi32, #tpu.memory_space<vmem>>
      %dma_start3A_816 = arith.constant 0 : i32
      %dma_start3A_817 = arith.constant 0 : i32
      %dma_start3A_818 = tpu.memref_slice %arg8[%dma_start3A_816, %dma_start3A_817] : memref<10240x32xf32, #tpu.memory_space<vmem_shared>> -> memref<10240x32xf32, #tpu.memory_space<vmem_shared>>
      %dma_start3A_819 = tpu.memref_slice %arg11[%dma_start3A_808] : memref<8x!tpu.dma_semaphore, #tpu.memory_space<semaphore_mem>> -> memref<1x!tpu.dma_semaphore, #tpu.memory_space<semaphore_mem>>
      %dma_start3A_820 = tpu.memref_squeeze %dma_start3A_819 : memref<1x!tpu.dma_semaphore, #tpu.memory_space<semaphore_mem>> -> memref<!tpu.dma_semaphore, #tpu.memory_space<semaphore_mem>>
      tpu.enqueue_indirect_dma source(%dma_start3A_812 : memref<125x32xf32, #tpu.memory_space<vmem>>) target(%dma_start3A_818 : memref<10240x32xf32, #tpu.memory_space<vmem_shared>>) offsets(%dma_start3A_815 : memref<125xi32, #tpu.memory_space<vmem>>) semaphore(%dma_start3A_820 : memref<!tpu.dma_semaphore, #tpu.memory_space<semaphore_mem>>) {add = true}
      %mul3A_821 = arith.constant 8 : i32
      %mul3A_822 = arith.muli %scan3A_565, %mul3A_821 : i32
      %add3A_823 = arith.constant 0 : i32
      %add3A_824 = arith.addi %mul3A_822, %add3A_823 : i32
      %dma_wait3A_825 = arith.constant 0 : i32
      %dma_wait3A_826 = arith.constant 0 : i32
      %dma_wait3A_827 = arith.constant 0 : i32
      %dma_wait3A_828 = arith.constant 0 : i32
      %dma_wait3A_829 = tpu.memref_slice %arg7[%dma_wait3A_825, %dma_wait3A_827, %dma_wait3A_828] : memref<8x125x32xf32, #tpu.memory_space<vmem>> -> memref<1x125x32xf32, #tpu.memory_space<vmem>>
      %dma_wait3A_830 = tpu.memref_squeeze %dma_wait3A_829 : memref<1x125x32xf32, #tpu.memory_space<vmem>> -> memref<125x32xf32, #tpu.memory_space<vmem>>
      %dma_wait3A_831 = arith.constant 0 : i32
      %dma_wait3A_832 = tpu.memref_slice %arg6[%add3A_824, %dma_wait3A_831] : memref<160x125xi32, #tpu.memory_space<vmem>> -> memref<1x125xi32, #tpu.memory_space<vmem>>
      %dma_wait3A_833 = tpu.memref_squeeze %dma_wait3A_832 : memref<1x125xi32, #tpu.memory_space<vmem>> -> memref<125xi32, #tpu.memory_space<vmem>>
      %dma_wait3A_834 = arith.constant 0 : i32
      %dma_wait3A_835 = arith.constant 0 : i32
      %dma_wait3A_836 = tpu.memref_slice %arg8[%dma_wait3A_834, %dma_wait3A_835] : memref<10240x32xf32, #tpu.memory_space<vmem_shared>> -> memref<10240x32xf32, #tpu.memory_space<vmem_shared>>
      %dma_wait3A_837 = tpu.memref_slice %arg11[%dma_wait3A_826] : memref<8x!tpu.dma_semaphore, #tpu.memory_space<semaphore_mem>> -> memref<1x!tpu.dma_semaphore, #tpu.memory_space<semaphore_mem>>
      %dma_wait3A_838 = tpu.memref_squeeze %dma_wait3A_837 : memref<1x!tpu.dma_semaphore, #tpu.memory_space<semaphore_mem>> -> memref<!tpu.dma_semaphore, #tpu.memory_space<semaphore_mem>>
      tpu.wait_indirect_dma semaphore(%dma_wait3A_838 : memref<!tpu.dma_semaphore, #tpu.memory_space<semaphore_mem>>) src(%dma_wait3A_830 : memref<125x32xf32, #tpu.memory_space<vmem>>) dst(%dma_wait3A_836 : memref<10240x32xf32, #tpu.memory_space<vmem_shared>>)
      %add3A_839 = arith.constant 8 : i32
      %add3A_840 = arith.addi %add3A_824, %add3A_839 : i32
      %dma_start3A_841 = arith.constant 0 : i32
      %dma_start3A_842 = arith.constant 0 : i32
      %dma_start3A_843 = arith.constant 0 : i32
      %dma_start3A_844 = arith.constant 0 : i32
      %dma_start3A_845 = tpu.memref_slice %arg7[%dma_start3A_841, %dma_start3A_843, %dma_start3A_844] : memref<8x125x32xf32, #tpu.memory_space<vmem>> -> memref<1x125x32xf32, #tpu.memory_space<vmem>>
      %dma_start3A_846 = tpu.memref_squeeze %dma_start3A_845 : memref<1x125x32xf32, #tpu.memory_space<vmem>> -> memref<125x32xf32, #tpu.memory_space<vmem>>
      %dma_start3A_847 = arith.constant 0 : i32
      %dma_start3A_848 = tpu.memref_slice %arg5[%add3A_840, %dma_start3A_847] : memref<160x125xi32, #tpu.memory_space<vmem>> -> memref<1x125xi32, #tpu.memory_space<vmem>>
      %dma_start3A_849 = tpu.memref_squeeze %dma_start3A_848 : memref<1x125xi32, #tpu.memory_space<vmem>> -> memref<125xi32, #tpu.memory_space<vmem>>
      %dma_start3A_850 = arith.constant 0 : i32
      %dma_start3A_851 = arith.constant 0 : i32
      %dma_start3A_852 = tpu.memref_slice %arg9[%dma_start3A_850, %dma_start3A_851] : memref<10240x32xf32, #tpu.memory_space<vmem_shared>> -> memref<10240x32xf32, #tpu.memory_space<vmem_shared>>
      %dma_start3A_853 = tpu.memref_slice %arg10[%dma_start3A_842] : memref<8x!tpu.dma_semaphore, #tpu.memory_space<semaphore_mem>> -> memref<1x!tpu.dma_semaphore, #tpu.memory_space<semaphore_mem>>
      %dma_start3A_854 = tpu.memref_squeeze %dma_start3A_853 : memref<1x!tpu.dma_semaphore, #tpu.memory_space<semaphore_mem>> -> memref<!tpu.dma_semaphore, #tpu.memory_space<semaphore_mem>>
      tpu.enqueue_indirect_dma source(%dma_start3A_852 : memref<10240x32xf32, #tpu.memory_space<vmem_shared>>) target(%dma_start3A_846 : memref<125x32xf32, #tpu.memory_space<vmem>>) offsets(%dma_start3A_849 : memref<125xi32, #tpu.memory_space<vmem>>) semaphore(%dma_start3A_854 : memref<!tpu.dma_semaphore, #tpu.memory_space<semaphore_mem>>)
      %mul3A_855 = arith.constant 8 : i32
      %mul3A_856 = arith.muli %scan3A_565, %mul3A_855 : i32
      %add3A_857 = arith.constant 1 : i32
      %add3A_858 = arith.addi %mul3A_856, %add3A_857 : i32
      %dma_wait3A_859 = arith.constant 1 : i32
      %dma_wait3A_860 = arith.constant 1 : i32
      %dma_wait3A_861 = arith.constant 0 : i32
      %dma_wait3A_862 = arith.constant 0 : i32
      %dma_wait3A_863 = tpu.memref_slice %arg7[%dma_wait3A_859, %dma_wait3A_861, %dma_wait3A_862] : memref<8x125x32xf32, #tpu.memory_space<vmem>> -> memref<1x125x32xf32, #tpu.memory_space<vmem>>
      %dma_wait3A_864 = tpu.memref_squeeze %dma_wait3A_863 : memref<1x125x32xf32, #tpu.memory_space<vmem>> -> memref<125x32xf32, #tpu.memory_space<vmem>>
      %dma_wait3A_865 = arith.constant 0 : i32
      %dma_wait3A_866 = tpu.memref_slice %arg6[%add3A_858, %dma_wait3A_865] : memref<160x125xi32, #tpu.memory_space<vmem>> -> memref<1x125xi32, #tpu.memory_space<vmem>>
      %dma_wait3A_867 = tpu.memref_squeeze %dma_wait3A_866 : memref<1x125xi32, #tpu.memory_space<vmem>> -> memref<125xi32, #tpu.memory_space<vmem>>
      %dma_wait3A_868 = arith.constant 0 : i32
      %dma_wait3A_869 = arith.constant 0 : i32
      %dma_wait3A_870 = tpu.memref_slice %arg8[%dma_wait3A_868, %dma_wait3A_869] : memref<10240x32xf32, #tpu.memory_space<vmem_shared>> -> memref<10240x32xf32, #tpu.memory_space<vmem_shared>>
      %dma_wait3A_871 = tpu.memref_slice %arg11[%dma_wait3A_860] : memref<8x!tpu.dma_semaphore, #tpu.memory_space<semaphore_mem>> -> memref<1x!tpu.dma_semaphore, #tpu.memory_space<semaphore_mem>>
      %dma_wait3A_872 = tpu.memref_squeeze %dma_wait3A_871 : memref<1x!tpu.dma_semaphore, #tpu.memory_space<semaphore_mem>> -> memref<!tpu.dma_semaphore, #tpu.memory_space<semaphore_mem>>
      tpu.wait_indirect_dma semaphore(%dma_wait3A_872 : memref<!tpu.dma_semaphore, #tpu.memory_space<semaphore_mem>>) src(%dma_wait3A_864 : memref<125x32xf32, #tpu.memory_space<vmem>>) dst(%dma_wait3A_870 : memref<10240x32xf32, #tpu.memory_space<vmem_shared>>)
      %add3A_873 = arith.constant 8 : i32
      %add3A_874 = arith.addi %add3A_858, %add3A_873 : i32
      %dma_start3A_875 = arith.constant 1 : i32
      %dma_start3A_876 = arith.constant 1 : i32
      %dma_start3A_877 = arith.constant 0 : i32
      %dma_start3A_878 = arith.constant 0 : i32
      %dma_start3A_879 = tpu.memref_slice %arg7[%dma_start3A_875, %dma_start3A_877, %dma_start3A_878] : memref<8x125x32xf32, #tpu.memory_space<vmem>> -> memref<1x125x32xf32, #tpu.memory_space<vmem>>
      %dma_start3A_880 = tpu.memref_squeeze %dma_start3A_879 : memref<1x125x32xf32, #tpu.memory_space<vmem>> -> memref<125x32xf32, #tpu.memory_space<vmem>>
      %dma_start3A_881 = arith.constant 0 : i32
      %dma_start3A_882 = tpu.memref_slice %arg5[%add3A_874, %dma_start3A_881] : memref<160x125xi32, #tpu.memory_space<vmem>> -> memref<1x125xi32, #tpu.memory_space<vmem>>
      %dma_start3A_883 = tpu.memref_squeeze %dma_start3A_882 : memref<1x125xi32, #tpu.memory_space<vmem>> -> memref<125xi32, #tpu.memory_space<vmem>>
      %dma_start3A_884 = arith.constant 0 : i32
      %dma_start3A_885 = arith.constant 0 : i32
      %dma_start3A_886 = tpu.memref_slice %arg9[%dma_start3A_884, %dma_start3A_885] : memref<10240x32xf32, #tpu.memory_space<vmem_shared>> -> memref<10240x32xf32, #tpu.memory_space<vmem_shared>>
      %dma_start3A_887 = tpu.memref_slice %arg10[%dma_start3A_876] : memref<8x!tpu.dma_semaphore, #tpu.memory_space<semaphore_mem>> -> memref<1x!tpu.dma_semaphore, #tpu.memory_space<semaphore_mem>>
      %dma_start3A_888 = tpu.memref_squeeze %dma_start3A_887 : memref<1x!tpu.dma_semaphore, #tpu.memory_space<semaphore_mem>> -> memref<!tpu.dma_semaphore, #tpu.memory_space<semaphore_mem>>
      tpu.enqueue_indirect_dma source(%dma_start3A_886 : memref<10240x32xf32, #tpu.memory_space<vmem_shared>>) target(%dma_start3A_880 : memref<125x32xf32, #tpu.memory_space<vmem>>) offsets(%dma_start3A_883 : memref<125xi32, #tpu.memory_space<vmem>>) semaphore(%dma_start3A_888 : memref<!tpu.dma_semaphore, #tpu.memory_space<semaphore_mem>>)
      %mul3A_889 = arith.constant 8 : i32
      %mul3A_890 = arith.muli %scan3A_565, %mul3A_889 : i32
      %add3A_891 = arith.constant 2 : i32
      %add3A_892 = arith.addi %mul3A_890, %add3A_891 : i32
      %dma_wait3A_893 = arith.constant 2 : i32
      %dma_wait3A_894 = arith.constant 2 : i32
      %dma_wait3A_895 = arith.constant 0 : i32
      %dma_wait3A_896 = arith.constant 0 : i32
      %dma_wait3A_897 = tpu.memref_slice %arg7[%dma_wait3A_893, %dma_wait3A_895, %dma_wait3A_896] : memref<8x125x32xf32, #tpu.memory_space<vmem>> -> memref<1x125x32xf32, #tpu.memory_space<vmem>>
      %dma_wait3A_898 = tpu.memref_squeeze %dma_wait3A_897 : memref<1x125x32xf32, #tpu.memory_space<vmem>> -> memref<125x32xf32, #tpu.memory_space<vmem>>
      %dma_wait3A_899 = arith.constant 0 : i32
      %dma_wait3A_900 = tpu.memref_slice %arg6[%add3A_892, %dma_wait3A_899] : memref<160x125xi32, #tpu.memory_space<vmem>> -> memref<1x125xi32, #tpu.memory_space<vmem>>
      %dma_wait3A_901 = tpu.memref_squeeze %dma_wait3A_900 : memref<1x125xi32, #tpu.memory_space<vmem>> -> memref<125xi32, #tpu.memory_space<vmem>>
      %dma_wait3A_902 = arith.constant 0 : i32
      %dma_wait3A_903 = arith.constant 0 : i32
      %dma_wait3A_904 = tpu.memref_slice %arg8[%dma_wait3A_902, %dma_wait3A_903] : memref<10240x32xf32, #tpu.memory_space<vmem_shared>> -> memref<10240x32xf32, #tpu.memory_space<vmem_shared>>
      %dma_wait3A_905 = tpu.memref_slice %arg11[%dma_wait3A_894] : memref<8x!tpu.dma_semaphore, #tpu.memory_space<semaphore_mem>> -> memref<1x!tpu.dma_semaphore, #tpu.memory_space<semaphore_mem>>
      %dma_wait3A_906 = tpu.memref_squeeze %dma_wait3A_905 : memref<1x!tpu.dma_semaphore, #tpu.memory_space<semaphore_mem>> -> memref<!tpu.dma_semaphore, #tpu.memory_space<semaphore_mem>>
      tpu.wait_indirect_dma semaphore(%dma_wait3A_906 : memref<!tpu.dma_semaphore, #tpu.memory_space<semaphore_mem>>) src(%dma_wait3A_898 : memref<125x32xf32, #tpu.memory_space<vmem>>) dst(%dma_wait3A_904 : memref<10240x32xf32, #tpu.memory_space<vmem_shared>>)
      %add3A_907 = arith.constant 8 : i32
      %add3A_908 = arith.addi %add3A_892, %add3A_907 : i32
      %dma_start3A_909 = arith.constant 2 : i32
      %dma_start3A_910 = arith.constant 2 : i32
      %dma_start3A_911 = arith.constant 0 : i32
      %dma_start3A_912 = arith.constant 0 : i32
      %dma_start3A_913 = tpu.memref_slice %arg7[%dma_start3A_909, %dma_start3A_911, %dma_start3A_912] : memref<8x125x32xf32, #tpu.memory_space<vmem>> -> memref<1x125x32xf32, #tpu.memory_space<vmem>>
      %dma_start3A_914 = tpu.memref_squeeze %dma_start3A_913 : memref<1x125x32xf32, #tpu.memory_space<vmem>> -> memref<125x32xf32, #tpu.memory_space<vmem>>
      %dma_start3A_915 = arith.constant 0 : i32
      %dma_start3A_916 = tpu.memref_slice %arg5[%add3A_908, %dma_start3A_915] : memref<160x125xi32, #tpu.memory_space<vmem>> -> memref<1x125xi32, #tpu.memory_space<vmem>>
      %dma_start3A_917 = tpu.memref_squeeze %dma_start3A_916 : memref<1x125xi32, #tpu.memory_space<vmem>> -> memref<125xi32, #tpu.memory_space<vmem>>
      %dma_start3A_918 = arith.constant 0 : i32
      %dma_start3A_919 = arith.constant 0 : i32
      %dma_start3A_920 = tpu.memref_slice %arg9[%dma_start3A_918, %dma_start3A_919] : memref<10240x32xf32, #tpu.memory_space<vmem_shared>> -> memref<10240x32xf32, #tpu.memory_space<vmem_shared>>
      %dma_start3A_921 = tpu.memref_slice %arg10[%dma_start3A_910] : memref<8x!tpu.dma_semaphore, #tpu.memory_space<semaphore_mem>> -> memref<1x!tpu.dma_semaphore, #tpu.memory_space<semaphore_mem>>
      %dma_start3A_922 = tpu.memref_squeeze %dma_start3A_921 : memref<1x!tpu.dma_semaphore, #tpu.memory_space<semaphore_mem>> -> memref<!tpu.dma_semaphore, #tpu.memory_space<semaphore_mem>>
      tpu.enqueue_indirect_dma source(%dma_start3A_920 : memref<10240x32xf32, #tpu.memory_space<vmem_shared>>) target(%dma_start3A_914 : memref<125x32xf32, #tpu.memory_space<vmem>>) offsets(%dma_start3A_917 : memref<125xi32, #tpu.memory_space<vmem>>) semaphore(%dma_start3A_922 : memref<!tpu.dma_semaphore, #tpu.memory_space<semaphore_mem>>)
      %mul3A_923 = arith.constant 8 : i32
      %mul3A_924 = arith.muli %scan3A_565, %mul3A_923 : i32
      %add3A_925 = arith.constant 3 : i32
      %add3A_926 = arith.addi %mul3A_924, %add3A_925 : i32
      %dma_wait3A_927 = arith.constant 3 : i32
      %dma_wait3A_928 = arith.constant 3 : i32
      %dma_wait3A_929 = arith.constant 0 : i32
      %dma_wait3A_930 = arith.constant 0 : i32
      %dma_wait3A_931 = tpu.memref_slice %arg7[%dma_wait3A_927, %dma_wait3A_929, %dma_wait3A_930] : memref<8x125x32xf32, #tpu.memory_space<vmem>> -> memref<1x125x32xf32, #tpu.memory_space<vmem>>
      %dma_wait3A_932 = tpu.memref_squeeze %dma_wait3A_931 : memref<1x125x32xf32, #tpu.memory_space<vmem>> -> memref<125x32xf32, #tpu.memory_space<vmem>>
      %dma_wait3A_933 = arith.constant 0 : i32
      %dma_wait3A_934 = tpu.memref_slice %arg6[%add3A_926, %dma_wait3A_933] : memref<160x125xi32, #tpu.memory_space<vmem>> -> memref<1x125xi32, #tpu.memory_space<vmem>>
      %dma_wait3A_935 = tpu.memref_squeeze %dma_wait3A_934 : memref<1x125xi32, #tpu.memory_space<vmem>> -> memref<125xi32, #tpu.memory_space<vmem>>
      %dma_wait3A_936 = arith.constant 0 : i32
      %dma_wait3A_937 = arith.constant 0 : i32
      %dma_wait3A_938 = tpu.memref_slice %arg8[%dma_wait3A_936, %dma_wait3A_937] : memref<10240x32xf32, #tpu.memory_space<vmem_shared>> -> memref<10240x32xf32, #tpu.memory_space<vmem_shared>>
      %dma_wait3A_939 = tpu.memref_slice %arg11[%dma_wait3A_928] : memref<8x!tpu.dma_semaphore, #tpu.memory_space<semaphore_mem>> -> memref<1x!tpu.dma_semaphore, #tpu.memory_space<semaphore_mem>>
      %dma_wait3A_940 = tpu.memref_squeeze %dma_wait3A_939 : memref<1x!tpu.dma_semaphore, #tpu.memory_space<semaphore_mem>> -> memref<!tpu.dma_semaphore, #tpu.memory_space<semaphore_mem>>
      tpu.wait_indirect_dma semaphore(%dma_wait3A_940 : memref<!tpu.dma_semaphore, #tpu.memory_space<semaphore_mem>>) src(%dma_wait3A_932 : memref<125x32xf32, #tpu.memory_space<vmem>>) dst(%dma_wait3A_938 : memref<10240x32xf32, #tpu.memory_space<vmem_shared>>)
      %add3A_941 = arith.constant 8 : i32
      %add3A_942 = arith.addi %add3A_926, %add3A_941 : i32
      %dma_start3A_943 = arith.constant 3 : i32
      %dma_start3A_944 = arith.constant 3 : i32
      %dma_start3A_945 = arith.constant 0 : i32
      %dma_start3A_946 = arith.constant 0 : i32
      %dma_start3A_947 = tpu.memref_slice %arg7[%dma_start3A_943, %dma_start3A_945, %dma_start3A_946] : memref<8x125x32xf32, #tpu.memory_space<vmem>> -> memref<1x125x32xf32, #tpu.memory_space<vmem>>
      %dma_start3A_948 = tpu.memref_squeeze %dma_start3A_947 : memref<1x125x32xf32, #tpu.memory_space<vmem>> -> memref<125x32xf32, #tpu.memory_space<vmem>>
      %dma_start3A_949 = arith.constant 0 : i32
      %dma_start3A_950 = tpu.memref_slice %arg5[%add3A_942, %dma_start3A_949] : memref<160x125xi32, #tpu.memory_space<vmem>> -> memref<1x125xi32, #tpu.memory_space<vmem>>
      %dma_start3A_951 = tpu.memref_squeeze %dma_start3A_950 : memref<1x125xi32, #tpu.memory_space<vmem>> -> memref<125xi32, #tpu.memory_space<vmem>>
      %dma_start3A_952 = arith.constant 0 : i32
      %dma_start3A_953 = arith.constant 0 : i32
      %dma_start3A_954 = tpu.memref_slice %arg9[%dma_start3A_952, %dma_start3A_953] : memref<10240x32xf32, #tpu.memory_space<vmem_shared>> -> memref<10240x32xf32, #tpu.memory_space<vmem_shared>>
      %dma_start3A_955 = tpu.memref_slice %arg10[%dma_start3A_944] : memref<8x!tpu.dma_semaphore, #tpu.memory_space<semaphore_mem>> -> memref<1x!tpu.dma_semaphore, #tpu.memory_space<semaphore_mem>>
      %dma_start3A_956 = tpu.memref_squeeze %dma_start3A_955 : memref<1x!tpu.dma_semaphore, #tpu.memory_space<semaphore_mem>> -> memref<!tpu.dma_semaphore, #tpu.memory_space<semaphore_mem>>
      tpu.enqueue_indirect_dma source(%dma_start3A_954 : memref<10240x32xf32, #tpu.memory_space<vmem_shared>>) target(%dma_start3A_948 : memref<125x32xf32, #tpu.memory_space<vmem>>) offsets(%dma_start3A_951 : memref<125xi32, #tpu.memory_space<vmem>>) semaphore(%dma_start3A_956 : memref<!tpu.dma_semaphore, #tpu.memory_space<semaphore_mem>>)
      %mul3A_957 = arith.constant 8 : i32
      %mul3A_958 = arith.muli %scan3A_565, %mul3A_957 : i32
      %add3A_959 = arith.constant 4 : i32
      %add3A_960 = arith.addi %mul3A_958, %add3A_959 : i32
      %dma_wait3A_961 = arith.constant 4 : i32
      %dma_wait3A_962 = arith.constant 4 : i32
      %dma_wait3A_963 = arith.constant 0 : i32
      %dma_wait3A_964 = arith.constant 0 : i32
      %dma_wait3A_965 = tpu.memref_slice %arg7[%dma_wait3A_961, %dma_wait3A_963, %dma_wait3A_964] : memref<8x125x32xf32, #tpu.memory_space<vmem>> -> memref<1x125x32xf32, #tpu.memory_space<vmem>>
      %dma_wait3A_966 = tpu.memref_squeeze %dma_wait3A_965 : memref<1x125x32xf32, #tpu.memory_space<vmem>> -> memref<125x32xf32, #tpu.memory_space<vmem>>
      %dma_wait3A_967 = arith.constant 0 : i32
      %dma_wait3A_968 = tpu.memref_slice %arg6[%add3A_960, %dma_wait3A_967] : memref<160x125xi32, #tpu.memory_space<vmem>> -> memref<1x125xi32, #tpu.memory_space<vmem>>
      %dma_wait3A_969 = tpu.memref_squeeze %dma_wait3A_968 : memref<1x125xi32, #tpu.memory_space<vmem>> -> memref<125xi32, #tpu.memory_space<vmem>>
      %dma_wait3A_970 = arith.constant 0 : i32
      %dma_wait3A_971 = arith.constant 0 : i32
      %dma_wait3A_972 = tpu.memref_slice %arg8[%dma_wait3A_970, %dma_wait3A_971] : memref<10240x32xf32, #tpu.memory_space<vmem_shared>> -> memref<10240x32xf32, #tpu.memory_space<vmem_shared>>
      %dma_wait3A_973 = tpu.memref_slice %arg11[%dma_wait3A_962] : memref<8x!tpu.dma_semaphore, #tpu.memory_space<semaphore_mem>> -> memref<1x!tpu.dma_semaphore, #tpu.memory_space<semaphore_mem>>
      %dma_wait3A_974 = tpu.memref_squeeze %dma_wait3A_973 : memref<1x!tpu.dma_semaphore, #tpu.memory_space<semaphore_mem>> -> memref<!tpu.dma_semaphore, #tpu.memory_space<semaphore_mem>>
      tpu.wait_indirect_dma semaphore(%dma_wait3A_974 : memref<!tpu.dma_semaphore, #tpu.memory_space<semaphore_mem>>) src(%dma_wait3A_966 : memref<125x32xf32, #tpu.memory_space<vmem>>) dst(%dma_wait3A_972 : memref<10240x32xf32, #tpu.memory_space<vmem_shared>>)
      %add3A_975 = arith.constant 8 : i32
      %add3A_976 = arith.addi %add3A_960, %add3A_975 : i32
      %dma_start3A_977 = arith.constant 4 : i32
      %dma_start3A_978 = arith.constant 4 : i32
      %dma_start3A_979 = arith.constant 0 : i32
      %dma_start3A_980 = arith.constant 0 : i32
      %dma_start3A_981 = tpu.memref_slice %arg7[%dma_start3A_977, %dma_start3A_979, %dma_start3A_980] : memref<8x125x32xf32, #tpu.memory_space<vmem>> -> memref<1x125x32xf32, #tpu.memory_space<vmem>>
      %dma_start3A_982 = tpu.memref_squeeze %dma_start3A_981 : memref<1x125x32xf32, #tpu.memory_space<vmem>> -> memref<125x32xf32, #tpu.memory_space<vmem>>
      %dma_start3A_983 = arith.constant 0 : i32
      %dma_start3A_984 = tpu.memref_slice %arg5[%add3A_976, %dma_start3A_983] : memref<160x125xi32, #tpu.memory_space<vmem>> -> memref<1x125xi32, #tpu.memory_space<vmem>>
      %dma_start3A_985 = tpu.memref_squeeze %dma_start3A_984 : memref<1x125xi32, #tpu.memory_space<vmem>> -> memref<125xi32, #tpu.memory_space<vmem>>
      %dma_start3A_986 = arith.constant 0 : i32
      %dma_start3A_987 = arith.constant 0 : i32
      %dma_start3A_988 = tpu.memref_slice %arg9[%dma_start3A_986, %dma_start3A_987] : memref<10240x32xf32, #tpu.memory_space<vmem_shared>> -> memref<10240x32xf32, #tpu.memory_space<vmem_shared>>
      %dma_start3A_989 = tpu.memref_slice %arg10[%dma_start3A_978] : memref<8x!tpu.dma_semaphore, #tpu.memory_space<semaphore_mem>> -> memref<1x!tpu.dma_semaphore, #tpu.memory_space<semaphore_mem>>
      %dma_start3A_990 = tpu.memref_squeeze %dma_start3A_989 : memref<1x!tpu.dma_semaphore, #tpu.memory_space<semaphore_mem>> -> memref<!tpu.dma_semaphore, #tpu.memory_space<semaphore_mem>>
      tpu.enqueue_indirect_dma source(%dma_start3A_988 : memref<10240x32xf32, #tpu.memory_space<vmem_shared>>) target(%dma_start3A_982 : memref<125x32xf32, #tpu.memory_space<vmem>>) offsets(%dma_start3A_985 : memref<125xi32, #tpu.memory_space<vmem>>) semaphore(%dma_start3A_990 : memref<!tpu.dma_semaphore, #tpu.memory_space<semaphore_mem>>)
      %mul3A_991 = arith.constant 8 : i32
      %mul3A_992 = arith.muli %scan3A_565, %mul3A_991 : i32
      %add3A_993 = arith.constant 5 : i32
      %add3A_994 = arith.addi %mul3A_992, %add3A_993 : i32
      %dma_wait3A_995 = arith.constant 5 : i32
      %dma_wait3A_996 = arith.constant 5 : i32
      %dma_wait3A_997 = arith.constant 0 : i32
      %dma_wait3A_998 = arith.constant 0 : i32
      %dma_wait3A_999 = tpu.memref_slice %arg7[%dma_wait3A_995, %dma_wait3A_997, %dma_wait3A_998] : memref<8x125x32xf32, #tpu.memory_space<vmem>> -> memref<1x125x32xf32, #tpu.memory_space<vmem>>
      %dma_wait3A_1000 = tpu.memref_squeeze %dma_wait3A_999 : memref<1x125x32xf32, #tpu.memory_space<vmem>> -> memref<125x32xf32, #tpu.memory_space<vmem>>
      %dma_wait3A_1001 = arith.constant 0 : i32
      %dma_wait3A_1002 = tpu.memref_slice %arg6[%add3A_994, %dma_wait3A_1001] : memref<160x125xi32, #tpu.memory_space<vmem>> -> memref<1x125xi32, #tpu.memory_space<vmem>>
      %dma_wait3A_1003 = tpu.memref_squeeze %dma_wait3A_1002 : memref<1x125xi32, #tpu.memory_space<vmem>> -> memref<125xi32, #tpu.memory_space<vmem>>
      %dma_wait3A_1004 = arith.constant 0 : i32
      %dma_wait3A_1005 = arith.constant 0 : i32
      %dma_wait3A_1006 = tpu.memref_slice %arg8[%dma_wait3A_1004, %dma_wait3A_1005] : memref<10240x32xf32, #tpu.memory_space<vmem_shared>> -> memref<10240x32xf32, #tpu.memory_space<vmem_shared>>
      %dma_wait3A_1007 = tpu.memref_slice %arg11[%dma_wait3A_996] : memref<8x!tpu.dma_semaphore, #tpu.memory_space<semaphore_mem>> -> memref<1x!tpu.dma_semaphore, #tpu.memory_space<semaphore_mem>>
      %dma_wait3A_1008 = tpu.memref_squeeze %dma_wait3A_1007 : memref<1x!tpu.dma_semaphore, #tpu.memory_space<semaphore_mem>> -> memref<!tpu.dma_semaphore, #tpu.memory_space<semaphore_mem>>
      tpu.wait_indirect_dma semaphore(%dma_wait3A_1008 : memref<!tpu.dma_semaphore, #tpu.memory_space<semaphore_mem>>) src(%dma_wait3A_1000 : memref<125x32xf32, #tpu.memory_space<vmem>>) dst(%dma_wait3A_1006 : memref<10240x32xf32, #tpu.memory_space<vmem_shared>>)
      %add3A_1009 = arith.constant 8 : i32
      %add3A_1010 = arith.addi %add3A_994, %add3A_1009 : i32
      %dma_start3A_1011 = arith.constant 5 : i32
      %dma_start3A_1012 = arith.constant 5 : i32
      %dma_start3A_1013 = arith.constant 0 : i32
      %dma_start3A_1014 = arith.constant 0 : i32
      %dma_start3A_1015 = tpu.memref_slice %arg7[%dma_start3A_1011, %dma_start3A_1013, %dma_start3A_1014] : memref<8x125x32xf32, #tpu.memory_space<vmem>> -> memref<1x125x32xf32, #tpu.memory_space<vmem>>
      %dma_start3A_1016 = tpu.memref_squeeze %dma_start3A_1015 : memref<1x125x32xf32, #tpu.memory_space<vmem>> -> memref<125x32xf32, #tpu.memory_space<vmem>>
      %dma_start3A_1017 = arith.constant 0 : i32
      %dma_start3A_1018 = tpu.memref_slice %arg5[%add3A_1010, %dma_start3A_1017] : memref<160x125xi32, #tpu.memory_space<vmem>> -> memref<1x125xi32, #tpu.memory_space<vmem>>
      %dma_start3A_1019 = tpu.memref_squeeze %dma_start3A_1018 : memref<1x125xi32, #tpu.memory_space<vmem>> -> memref<125xi32, #tpu.memory_space<vmem>>
      %dma_start3A_1020 = arith.constant 0 : i32
      %dma_start3A_1021 = arith.constant 0 : i32
      %dma_start3A_1022 = tpu.memref_slice %arg9[%dma_start3A_1020, %dma_start3A_1021] : memref<10240x32xf32, #tpu.memory_space<vmem_shared>> -> memref<10240x32xf32, #tpu.memory_space<vmem_shared>>
      %dma_start3A_1023 = tpu.memref_slice %arg10[%dma_start3A_1012] : memref<8x!tpu.dma_semaphore, #tpu.memory_space<semaphore_mem>> -> memref<1x!tpu.dma_semaphore, #tpu.memory_space<semaphore_mem>>
      %dma_start3A_1024 = tpu.memref_squeeze %dma_start3A_1023 : memref<1x!tpu.dma_semaphore, #tpu.memory_space<semaphore_mem>> -> memref<!tpu.dma_semaphore, #tpu.memory_space<semaphore_mem>>
      tpu.enqueue_indirect_dma source(%dma_start3A_1022 : memref<10240x32xf32, #tpu.memory_space<vmem_shared>>) target(%dma_start3A_1016 : memref<125x32xf32, #tpu.memory_space<vmem>>) offsets(%dma_start3A_1019 : memref<125xi32, #tpu.memory_space<vmem>>) semaphore(%dma_start3A_1024 : memref<!tpu.dma_semaphore, #tpu.memory_space<semaphore_mem>>)
      %mul3A_1025 = arith.constant 8 : i32
      %mul3A_1026 = arith.muli %scan3A_565, %mul3A_1025 : i32
      %add3A_1027 = arith.constant 6 : i32
      %add3A_1028 = arith.addi %mul3A_1026, %add3A_1027 : i32
      %dma_wait3A_1029 = arith.constant 6 : i32
      %dma_wait3A_1030 = arith.constant 6 : i32
      %dma_wait3A_1031 = arith.constant 0 : i32
      %dma_wait3A_1032 = arith.constant 0 : i32
      %dma_wait3A_1033 = tpu.memref_slice %arg7[%dma_wait3A_1029, %dma_wait3A_1031, %dma_wait3A_1032] : memref<8x125x32xf32, #tpu.memory_space<vmem>> -> memref<1x125x32xf32, #tpu.memory_space<vmem>>
      %dma_wait3A_1034 = tpu.memref_squeeze %dma_wait3A_1033 : memref<1x125x32xf32, #tpu.memory_space<vmem>> -> memref<125x32xf32, #tpu.memory_space<vmem>>
      %dma_wait3A_1035 = arith.constant 0 : i32
      %dma_wait3A_1036 = tpu.memref_slice %arg6[%add3A_1028, %dma_wait3A_1035] : memref<160x125xi32, #tpu.memory_space<vmem>> -> memref<1x125xi32, #tpu.memory_space<vmem>>
      %dma_wait3A_1037 = tpu.memref_squeeze %dma_wait3A_1036 : memref<1x125xi32, #tpu.memory_space<vmem>> -> memref<125xi32, #tpu.memory_space<vmem>>
      %dma_wait3A_1038 = arith.constant 0 : i32
      %dma_wait3A_1039 = arith.constant 0 : i32
      %dma_wait3A_1040 = tpu.memref_slice %arg8[%dma_wait3A_1038, %dma_wait3A_1039] : memref<10240x32xf32, #tpu.memory_space<vmem_shared>> -> memref<10240x32xf32, #tpu.memory_space<vmem_shared>>
      %dma_wait3A_1041 = tpu.memref_slice %arg11[%dma_wait3A_1030] : memref<8x!tpu.dma_semaphore, #tpu.memory_space<semaphore_mem>> -> memref<1x!tpu.dma_semaphore, #tpu.memory_space<semaphore_mem>>
      %dma_wait3A_1042 = tpu.memref_squeeze %dma_wait3A_1041 : memref<1x!tpu.dma_semaphore, #tpu.memory_space<semaphore_mem>> -> memref<!tpu.dma_semaphore, #tpu.memory_space<semaphore_mem>>
      tpu.wait_indirect_dma semaphore(%dma_wait3A_1042 : memref<!tpu.dma_semaphore, #tpu.memory_space<semaphore_mem>>) src(%dma_wait3A_1034 : memref<125x32xf32, #tpu.memory_space<vmem>>) dst(%dma_wait3A_1040 : memref<10240x32xf32, #tpu.memory_space<vmem_shared>>)
      %add3A_1043 = arith.constant 8 : i32
      %add3A_1044 = arith.addi %add3A_1028, %add3A_1043 : i32
      %dma_start3A_1045 = arith.constant 6 : i32
      %dma_start3A_1046 = arith.constant 6 : i32
      %dma_start3A_1047 = arith.constant 0 : i32
      %dma_start3A_1048 = arith.constant 0 : i32
      %dma_start3A_1049 = tpu.memref_slice %arg7[%dma_start3A_1045, %dma_start3A_1047, %dma_start3A_1048] : memref<8x125x32xf32, #tpu.memory_space<vmem>> -> memref<1x125x32xf32, #tpu.memory_space<vmem>>
      %dma_start3A_1050 = tpu.memref_squeeze %dma_start3A_1049 : memref<1x125x32xf32, #tpu.memory_space<vmem>> -> memref<125x32xf32, #tpu.memory_space<vmem>>
      %dma_start3A_1051 = arith.constant 0 : i32
      %dma_start3A_1052 = tpu.memref_slice %arg5[%add3A_1044, %dma_start3A_1051] : memref<160x125xi32, #tpu.memory_space<vmem>> -> memref<1x125xi32, #tpu.memory_space<vmem>>
      %dma_start3A_1053 = tpu.memref_squeeze %dma_start3A_1052 : memref<1x125xi32, #tpu.memory_space<vmem>> -> memref<125xi32, #tpu.memory_space<vmem>>
      %dma_start3A_1054 = arith.constant 0 : i32
      %dma_start3A_1055 = arith.constant 0 : i32
      %dma_start3A_1056 = tpu.memref_slice %arg9[%dma_start3A_1054, %dma_start3A_1055] : memref<10240x32xf32, #tpu.memory_space<vmem_shared>> -> memref<10240x32xf32, #tpu.memory_space<vmem_shared>>
      %dma_start3A_1057 = tpu.memref_slice %arg10[%dma_start3A_1046] : memref<8x!tpu.dma_semaphore, #tpu.memory_space<semaphore_mem>> -> memref<1x!tpu.dma_semaphore, #tpu.memory_space<semaphore_mem>>
      %dma_start3A_1058 = tpu.memref_squeeze %dma_start3A_1057 : memref<1x!tpu.dma_semaphore, #tpu.memory_space<semaphore_mem>> -> memref<!tpu.dma_semaphore, #tpu.memory_space<semaphore_mem>>
      tpu.enqueue_indirect_dma source(%dma_start3A_1056 : memref<10240x32xf32, #tpu.memory_space<vmem_shared>>) target(%dma_start3A_1050 : memref<125x32xf32, #tpu.memory_space<vmem>>) offsets(%dma_start3A_1053 : memref<125xi32, #tpu.memory_space<vmem>>) semaphore(%dma_start3A_1058 : memref<!tpu.dma_semaphore, #tpu.memory_space<semaphore_mem>>)
      %mul3A_1059 = arith.constant 8 : i32
      %mul3A_1060 = arith.muli %scan3A_565, %mul3A_1059 : i32
      %add3A_1061 = arith.constant 7 : i32
      %add3A_1062 = arith.addi %mul3A_1060, %add3A_1061 : i32
      %dma_wait3A_1063 = arith.constant 7 : i32
      %dma_wait3A_1064 = arith.constant 7 : i32
      %dma_wait3A_1065 = arith.constant 0 : i32
      %dma_wait3A_1066 = arith.constant 0 : i32
      %dma_wait3A_1067 = tpu.memref_slice %arg7[%dma_wait3A_1063, %dma_wait3A_1065, %dma_wait3A_1066] : memref<8x125x32xf32, #tpu.memory_space<vmem>> -> memref<1x125x32xf32, #tpu.memory_space<vmem>>
      %dma_wait3A_1068 = tpu.memref_squeeze %dma_wait3A_1067 : memref<1x125x32xf32, #tpu.memory_space<vmem>> -> memref<125x32xf32, #tpu.memory_space<vmem>>
      %dma_wait3A_1069 = arith.constant 0 : i32
      %dma_wait3A_1070 = tpu.memref_slice %arg6[%add3A_1062, %dma_wait3A_1069] : memref<160x125xi32, #tpu.memory_space<vmem>> -> memref<1x125xi32, #tpu.memory_space<vmem>>
      %dma_wait3A_1071 = tpu.memref_squeeze %dma_wait3A_1070 : memref<1x125xi32, #tpu.memory_space<vmem>> -> memref<125xi32, #tpu.memory_space<vmem>>
      %dma_wait3A_1072 = arith.constant 0 : i32
      %dma_wait3A_1073 = arith.constant 0 : i32
      %dma_wait3A_1074 = tpu.memref_slice %arg8[%dma_wait3A_1072, %dma_wait3A_1073] : memref<10240x32xf32, #tpu.memory_space<vmem_shared>> -> memref<10240x32xf32, #tpu.memory_space<vmem_shared>>
      %dma_wait3A_1075 = tpu.memref_slice %arg11[%dma_wait3A_1064] : memref<8x!tpu.dma_semaphore, #tpu.memory_space<semaphore_mem>> -> memref<1x!tpu.dma_semaphore, #tpu.memory_space<semaphore_mem>>
      %dma_wait3A_1076 = tpu.memref_squeeze %dma_wait3A_1075 : memref<1x!tpu.dma_semaphore, #tpu.memory_space<semaphore_mem>> -> memref<!tpu.dma_semaphore, #tpu.memory_space<semaphore_mem>>
      tpu.wait_indirect_dma semaphore(%dma_wait3A_1076 : memref<!tpu.dma_semaphore, #tpu.memory_space<semaphore_mem>>) src(%dma_wait3A_1068 : memref<125x32xf32, #tpu.memory_space<vmem>>) dst(%dma_wait3A_1074 : memref<10240x32xf32, #tpu.memory_space<vmem_shared>>)
      %add3A_1077 = arith.constant 8 : i32
      %add3A_1078 = arith.addi %add3A_1062, %add3A_1077 : i32
      %dma_start3A_1079 = arith.constant 7 : i32
      %dma_start3A_1080 = arith.constant 7 : i32
      %dma_start3A_1081 = arith.constant 0 : i32
      %dma_start3A_1082 = arith.constant 0 : i32
      %dma_start3A_1083 = tpu.memref_slice %arg7[%dma_start3A_1079, %dma_start3A_1081, %dma_start3A_1082] : memref<8x125x32xf32, #tpu.memory_space<vmem>> -> memref<1x125x32xf32, #tpu.memory_space<vmem>>
      %dma_start3A_1084 = tpu.memref_squeeze %dma_start3A_1083 : memref<1x125x32xf32, #tpu.memory_space<vmem>> -> memref<125x32xf32, #tpu.memory_space<vmem>>
      %dma_start3A_1085 = arith.constant 0 : i32
      %dma_start3A_1086 = tpu.memref_slice %arg5[%add3A_1078, %dma_start3A_1085] : memref<160x125xi32, #tpu.memory_space<vmem>> -> memref<1x125xi32, #tpu.memory_space<vmem>>
      %dma_start3A_1087 = tpu.memref_squeeze %dma_start3A_1086 : memref<1x125xi32, #tpu.memory_space<vmem>> -> memref<125xi32, #tpu.memory_space<vmem>>
      %dma_start3A_1088 = arith.constant 0 : i32
      %dma_start3A_1089 = arith.constant 0 : i32
      %dma_start3A_1090 = tpu.memref_slice %arg9[%dma_start3A_1088, %dma_start3A_1089] : memref<10240x32xf32, #tpu.memory_space<vmem_shared>> -> memref<10240x32xf32, #tpu.memory_space<vmem_shared>>
      %dma_start3A_1091 = tpu.memref_slice %arg10[%dma_start3A_1080] : memref<8x!tpu.dma_semaphore, #tpu.memory_space<semaphore_mem>> -> memref<1x!tpu.dma_semaphore, #tpu.memory_space<semaphore_mem>>
      %dma_start3A_1092 = tpu.memref_squeeze %dma_start3A_1091 : memref<1x!tpu.dma_semaphore, #tpu.memory_space<semaphore_mem>> -> memref<!tpu.dma_semaphore, #tpu.memory_space<semaphore_mem>>
      tpu.enqueue_indirect_dma source(%dma_start3A_1090 : memref<10240x32xf32, #tpu.memory_space<vmem_shared>>) target(%dma_start3A_1084 : memref<125x32xf32, #tpu.memory_space<vmem>>) offsets(%dma_start3A_1087 : memref<125xi32, #tpu.memory_space<vmem>>) semaphore(%dma_start3A_1092 : memref<!tpu.dma_semaphore, #tpu.memory_space<semaphore_mem>>)
    }
    %scan3A_203 = arith.constant 19 : i32
    %dma_wait3A_204 = arith.constant 152 : i32
    %dma_wait3A_205 = arith.constant 0 : i32
    %dma_wait3A_206 = arith.constant 0 : i32
    %dma_wait3A_207 = arith.constant 0 : i32
    %dma_wait3A_208 = arith.constant 0 : i32
    %dma_wait3A_209 = tpu.memref_slice %arg7[%dma_wait3A_205, %dma_wait3A_207, %dma_wait3A_208] : memref<8x125x32xf32, #tpu.memory_space<vmem>> -> memref<1x125x32xf32, #tpu.memory_space<vmem>>
    %dma_wait3A_210 = tpu.memref_squeeze %dma_wait3A_209 : memref<1x125x32xf32, #tpu.memory_space<vmem>> -> memref<125x32xf32, #tpu.memory_space<vmem>>
    %dma_wait3A_211 = arith.constant 0 : i32
    %dma_wait3A_212 = tpu.memref_slice %arg5[%dma_wait3A_204, %dma_wait3A_211] : memref<160x125xi32, #tpu.memory_space<vmem>> -> memref<1x125xi32, #tpu.memory_space<vmem>>
    %dma_wait3A_213 = tpu.memref_squeeze %dma_wait3A_212 : memref<1x125xi32, #tpu.memory_space<vmem>> -> memref<125xi32, #tpu.memory_space<vmem>>
    %dma_wait3A_214 = arith.constant 0 : i32
    %dma_wait3A_215 = arith.constant 0 : i32
    %dma_wait3A_216 = tpu.memref_slice %arg9[%dma_wait3A_214, %dma_wait3A_215] : memref<10240x32xf32, #tpu.memory_space<vmem_shared>> -> memref<10240x32xf32, #tpu.memory_space<vmem_shared>>
    %dma_wait3A_217 = tpu.memref_slice %arg10[%dma_wait3A_206] : memref<8x!tpu.dma_semaphore, #tpu.memory_space<semaphore_mem>> -> memref<1x!tpu.dma_semaphore, #tpu.memory_space<semaphore_mem>>
    %dma_wait3A_218 = tpu.memref_squeeze %dma_wait3A_217 : memref<1x!tpu.dma_semaphore, #tpu.memory_space<semaphore_mem>> -> memref<!tpu.dma_semaphore, #tpu.memory_space<semaphore_mem>>
    tpu.wait_indirect_dma semaphore(%dma_wait3A_218 : memref<!tpu.dma_semaphore, #tpu.memory_space<semaphore_mem>>) src(%dma_wait3A_216 : memref<10240x32xf32, #tpu.memory_space<vmem_shared>>) dst(%dma_wait3A_210 : memref<125x32xf32, #tpu.memory_space<vmem>>)
    %dma_start3A_219 = arith.constant 0 : i32
    %dma_start3A_220 = arith.constant 152 : i32
    %dma_start3A_221 = arith.constant 0 : i32
    %dma_start3A_222 = arith.constant 0 : i32
    %dma_start3A_223 = arith.constant 0 : i32
    %dma_start3A_224 = tpu.memref_slice %arg7[%dma_start3A_219, %dma_start3A_222, %dma_start3A_223] : memref<8x125x32xf32, #tpu.memory_space<vmem>> -> memref<1x125x32xf32, #tpu.memory_space<vmem>>
    %dma_start3A_225 = tpu.memref_squeeze %dma_start3A_224 : memref<1x125x32xf32, #tpu.memory_space<vmem>> -> memref<125x32xf32, #tpu.memory_space<vmem>>
    %dma_start3A_226 = arith.constant 0 : i32
    %dma_start3A_227 = tpu.memref_slice %arg6[%dma_start3A_220, %dma_start3A_226] : memref<160x125xi32, #tpu.memory_space<vmem>> -> memref<1x125xi32, #tpu.memory_space<vmem>>
    %dma_start3A_228 = tpu.memref_squeeze %dma_start3A_227 : memref<1x125xi32, #tpu.memory_space<vmem>> -> memref<125xi32, #tpu.memory_space<vmem>>
    %dma_start3A_229 = arith.constant 0 : i32
    %dma_start3A_230 = arith.constant 0 : i32
    %dma_start3A_231 = tpu.memref_slice %arg8[%dma_start3A_229, %dma_start3A_230] : memref<10240x32xf32, #tpu.memory_space<vmem_shared>> -> memref<10240x32xf32, #tpu.memory_space<vmem_shared>>
    %dma_start3A_232 = tpu.memref_slice %arg11[%dma_start3A_221] : memref<8x!tpu.dma_semaphore, #tpu.memory_space<semaphore_mem>> -> memref<1x!tpu.dma_semaphore, #tpu.memory_space<semaphore_mem>>
    %dma_start3A_233 = tpu.memref_squeeze %dma_start3A_232 : memref<1x!tpu.dma_semaphore, #tpu.memory_space<semaphore_mem>> -> memref<!tpu.dma_semaphore, #tpu.memory_space<semaphore_mem>>
    tpu.enqueue_indirect_dma source(%dma_start3A_225 : memref<125x32xf32, #tpu.memory_space<vmem>>) target(%dma_start3A_231 : memref<10240x32xf32, #tpu.memory_space<vmem_shared>>) offsets(%dma_start3A_228 : memref<125xi32, #tpu.memory_space<vmem>>) semaphore(%dma_start3A_233 : memref<!tpu.dma_semaphore, #tpu.memory_space<semaphore_mem>>) {add = true}
    %dma_wait3A_234 = arith.constant 153 : i32
    %dma_wait3A_235 = arith.constant 1 : i32
    %dma_wait3A_236 = arith.constant 1 : i32
    %dma_wait3A_237 = arith.constant 0 : i32
    %dma_wait3A_238 = arith.constant 0 : i32
    %dma_wait3A_239 = tpu.memref_slice %arg7[%dma_wait3A_235, %dma_wait3A_237, %dma_wait3A_238] : memref<8x125x32xf32, #tpu.memory_space<vmem>> -> memref<1x125x32xf32, #tpu.memory_space<vmem>>
    %dma_wait3A_240 = tpu.memref_squeeze %dma_wait3A_239 : memref<1x125x32xf32, #tpu.memory_space<vmem>> -> memref<125x32xf32, #tpu.memory_space<vmem>>
    %dma_wait3A_241 = arith.constant 0 : i32
    %dma_wait3A_242 = tpu.memref_slice %arg5[%dma_wait3A_234, %dma_wait3A_241] : memref<160x125xi32, #tpu.memory_space<vmem>> -> memref<1x125xi32, #tpu.memory_space<vmem>>
    %dma_wait3A_243 = tpu.memref_squeeze %dma_wait3A_242 : memref<1x125xi32, #tpu.memory_space<vmem>> -> memref<125xi32, #tpu.memory_space<vmem>>
    %dma_wait3A_244 = arith.constant 0 : i32
    %dma_wait3A_245 = arith.constant 0 : i32
    %dma_wait3A_246 = tpu.memref_slice %arg9[%dma_wait3A_244, %dma_wait3A_245] : memref<10240x32xf32, #tpu.memory_space<vmem_shared>> -> memref<10240x32xf32, #tpu.memory_space<vmem_shared>>
    %dma_wait3A_247 = tpu.memref_slice %arg10[%dma_wait3A_236] : memref<8x!tpu.dma_semaphore, #tpu.memory_space<semaphore_mem>> -> memref<1x!tpu.dma_semaphore, #tpu.memory_space<semaphore_mem>>
    %dma_wait3A_248 = tpu.memref_squeeze %dma_wait3A_247 : memref<1x!tpu.dma_semaphore, #tpu.memory_space<semaphore_mem>> -> memref<!tpu.dma_semaphore, #tpu.memory_space<semaphore_mem>>
    tpu.wait_indirect_dma semaphore(%dma_wait3A_248 : memref<!tpu.dma_semaphore, #tpu.memory_space<semaphore_mem>>) src(%dma_wait3A_246 : memref<10240x32xf32, #tpu.memory_space<vmem_shared>>) dst(%dma_wait3A_240 : memref<125x32xf32, #tpu.memory_space<vmem>>)
    %dma_start3A_249 = arith.constant 1 : i32
    %dma_start3A_250 = arith.constant 153 : i32
    %dma_start3A_251 = arith.constant 1 : i32
    %dma_start3A_252 = arith.constant 0 : i32
    %dma_start3A_253 = arith.constant 0 : i32
    %dma_start3A_254 = tpu.memref_slice %arg7[%dma_start3A_249, %dma_start3A_252, %dma_start3A_253] : memref<8x125x32xf32, #tpu.memory_space<vmem>> -> memref<1x125x32xf32, #tpu.memory_space<vmem>>
    %dma_start3A_255 = tpu.memref_squeeze %dma_start3A_254 : memref<1x125x32xf32, #tpu.memory_space<vmem>> -> memref<125x32xf32, #tpu.memory_space<vmem>>
    %dma_start3A_256 = arith.constant 0 : i32
    %dma_start3A_257 = tpu.memref_slice %arg6[%dma_start3A_250, %dma_start3A_256] : memref<160x125xi32, #tpu.memory_space<vmem>> -> memref<1x125xi32, #tpu.memory_space<vmem>>
    %dma_start3A_258 = tpu.memref_squeeze %dma_start3A_257 : memref<1x125xi32, #tpu.memory_space<vmem>> -> memref<125xi32, #tpu.memory_space<vmem>>
    %dma_start3A_259 = arith.constant 0 : i32
    %dma_start3A_260 = arith.constant 0 : i32
    %dma_start3A_261 = tpu.memref_slice %arg8[%dma_start3A_259, %dma_start3A_260] : memref<10240x32xf32, #tpu.memory_space<vmem_shared>> -> memref<10240x32xf32, #tpu.memory_space<vmem_shared>>
    %dma_start3A_262 = tpu.memref_slice %arg11[%dma_start3A_251] : memref<8x!tpu.dma_semaphore, #tpu.memory_space<semaphore_mem>> -> memref<1x!tpu.dma_semaphore, #tpu.memory_space<semaphore_mem>>
    %dma_start3A_263 = tpu.memref_squeeze %dma_start3A_262 : memref<1x!tpu.dma_semaphore, #tpu.memory_space<semaphore_mem>> -> memref<!tpu.dma_semaphore, #tpu.memory_space<semaphore_mem>>
    tpu.enqueue_indirect_dma source(%dma_start3A_255 : memref<125x32xf32, #tpu.memory_space<vmem>>) target(%dma_start3A_261 : memref<10240x32xf32, #tpu.memory_space<vmem_shared>>) offsets(%dma_start3A_258 : memref<125xi32, #tpu.memory_space<vmem>>) semaphore(%dma_start3A_263 : memref<!tpu.dma_semaphore, #tpu.memory_space<semaphore_mem>>) {add = true}
    %dma_wait3A_264 = arith.constant 154 : i32
    %dma_wait3A_265 = arith.constant 2 : i32
    %dma_wait3A_266 = arith.constant 2 : i32
    %dma_wait3A_267 = arith.constant 0 : i32
    %dma_wait3A_268 = arith.constant 0 : i32
    %dma_wait3A_269 = tpu.memref_slice %arg7[%dma_wait3A_265, %dma_wait3A_267, %dma_wait3A_268] : memref<8x125x32xf32, #tpu.memory_space<vmem>> -> memref<1x125x32xf32, #tpu.memory_space<vmem>>
    %dma_wait3A_270 = tpu.memref_squeeze %dma_wait3A_269 : memref<1x125x32xf32, #tpu.memory_space<vmem>> -> memref<125x32xf32, #tpu.memory_space<vmem>>
    %dma_wait3A_271 = arith.constant 0 : i32
    %dma_wait3A_272 = tpu.memref_slice %arg5[%dma_wait3A_264, %dma_wait3A_271] : memref<160x125xi32, #tpu.memory_space<vmem>> -> memref<1x125xi32, #tpu.memory_space<vmem>>
    %dma_wait3A_273 = tpu.memref_squeeze %dma_wait3A_272 : memref<1x125xi32, #tpu.memory_space<vmem>> -> memref<125xi32, #tpu.memory_space<vmem>>
    %dma_wait3A_274 = arith.constant 0 : i32
    %dma_wait3A_275 = arith.constant 0 : i32
    %dma_wait3A_276 = tpu.memref_slice %arg9[%dma_wait3A_274, %dma_wait3A_275] : memref<10240x32xf32, #tpu.memory_space<vmem_shared>> -> memref<10240x32xf32, #tpu.memory_space<vmem_shared>>
    %dma_wait3A_277 = tpu.memref_slice %arg10[%dma_wait3A_266] : memref<8x!tpu.dma_semaphore, #tpu.memory_space<semaphore_mem>> -> memref<1x!tpu.dma_semaphore, #tpu.memory_space<semaphore_mem>>
    %dma_wait3A_278 = tpu.memref_squeeze %dma_wait3A_277 : memref<1x!tpu.dma_semaphore, #tpu.memory_space<semaphore_mem>> -> memref<!tpu.dma_semaphore, #tpu.memory_space<semaphore_mem>>
    tpu.wait_indirect_dma semaphore(%dma_wait3A_278 : memref<!tpu.dma_semaphore, #tpu.memory_space<semaphore_mem>>) src(%dma_wait3A_276 : memref<10240x32xf32, #tpu.memory_space<vmem_shared>>) dst(%dma_wait3A_270 : memref<125x32xf32, #tpu.memory_space<vmem>>)
    %dma_start3A_279 = arith.constant 2 : i32
    %dma_start3A_280 = arith.constant 154 : i32
    %dma_start3A_281 = arith.constant 2 : i32
    %dma_start3A_282 = arith.constant 0 : i32
    %dma_start3A_283 = arith.constant 0 : i32
    %dma_start3A_284 = tpu.memref_slice %arg7[%dma_start3A_279, %dma_start3A_282, %dma_start3A_283] : memref<8x125x32xf32, #tpu.memory_space<vmem>> -> memref<1x125x32xf32, #tpu.memory_space<vmem>>
    %dma_start3A_285 = tpu.memref_squeeze %dma_start3A_284 : memref<1x125x32xf32, #tpu.memory_space<vmem>> -> memref<125x32xf32, #tpu.memory_space<vmem>>
    %dma_start3A_286 = arith.constant 0 : i32
    %dma_start3A_287 = tpu.memref_slice %arg6[%dma_start3A_280, %dma_start3A_286] : memref<160x125xi32, #tpu.memory_space<vmem>> -> memref<1x125xi32, #tpu.memory_space<vmem>>
    %dma_start3A_288 = tpu.memref_squeeze %dma_start3A_287 : memref<1x125xi32, #tpu.memory_space<vmem>> -> memref<125xi32, #tpu.memory_space<vmem>>
    %dma_start3A_289 = arith.constant 0 : i32
    %dma_start3A_290 = arith.constant 0 : i32
    %dma_start3A_291 = tpu.memref_slice %arg8[%dma_start3A_289, %dma_start3A_290] : memref<10240x32xf32, #tpu.memory_space<vmem_shared>> -> memref<10240x32xf32, #tpu.memory_space<vmem_shared>>
    %dma_start3A_292 = tpu.memref_slice %arg11[%dma_start3A_281] : memref<8x!tpu.dma_semaphore, #tpu.memory_space<semaphore_mem>> -> memref<1x!tpu.dma_semaphore, #tpu.memory_space<semaphore_mem>>
    %dma_start3A_293 = tpu.memref_squeeze %dma_start3A_292 : memref<1x!tpu.dma_semaphore, #tpu.memory_space<semaphore_mem>> -> memref<!tpu.dma_semaphore, #tpu.memory_space<semaphore_mem>>
    tpu.enqueue_indirect_dma source(%dma_start3A_285 : memref<125x32xf32, #tpu.memory_space<vmem>>) target(%dma_start3A_291 : memref<10240x32xf32, #tpu.memory_space<vmem_shared>>) offsets(%dma_start3A_288 : memref<125xi32, #tpu.memory_space<vmem>>) semaphore(%dma_start3A_293 : memref<!tpu.dma_semaphore, #tpu.memory_space<semaphore_mem>>) {add = true}
    %dma_wait3A_294 = arith.constant 155 : i32
    %dma_wait3A_295 = arith.constant 3 : i32
    %dma_wait3A_296 = arith.constant 3 : i32
    %dma_wait3A_297 = arith.constant 0 : i32
    %dma_wait3A_298 = arith.constant 0 : i32
    %dma_wait3A_299 = tpu.memref_slice %arg7[%dma_wait3A_295, %dma_wait3A_297, %dma_wait3A_298] : memref<8x125x32xf32, #tpu.memory_space<vmem>> -> memref<1x125x32xf32, #tpu.memory_space<vmem>>
    %dma_wait3A_300 = tpu.memref_squeeze %dma_wait3A_299 : memref<1x125x32xf32, #tpu.memory_space<vmem>> -> memref<125x32xf32, #tpu.memory_space<vmem>>
    %dma_wait3A_301 = arith.constant 0 : i32
    %dma_wait3A_302 = tpu.memref_slice %arg5[%dma_wait3A_294, %dma_wait3A_301] : memref<160x125xi32, #tpu.memory_space<vmem>> -> memref<1x125xi32, #tpu.memory_space<vmem>>
    %dma_wait3A_303 = tpu.memref_squeeze %dma_wait3A_302 : memref<1x125xi32, #tpu.memory_space<vmem>> -> memref<125xi32, #tpu.memory_space<vmem>>
    %dma_wait3A_304 = arith.constant 0 : i32
    %dma_wait3A_305 = arith.constant 0 : i32
    %dma_wait3A_306 = tpu.memref_slice %arg9[%dma_wait3A_304, %dma_wait3A_305] : memref<10240x32xf32, #tpu.memory_space<vmem_shared>> -> memref<10240x32xf32, #tpu.memory_space<vmem_shared>>
    %dma_wait3A_307 = tpu.memref_slice %arg10[%dma_wait3A_296] : memref<8x!tpu.dma_semaphore, #tpu.memory_space<semaphore_mem>> -> memref<1x!tpu.dma_semaphore, #tpu.memory_space<semaphore_mem>>
    %dma_wait3A_308 = tpu.memref_squeeze %dma_wait3A_307 : memref<1x!tpu.dma_semaphore, #tpu.memory_space<semaphore_mem>> -> memref<!tpu.dma_semaphore, #tpu.memory_space<semaphore_mem>>
    tpu.wait_indirect_dma semaphore(%dma_wait3A_308 : memref<!tpu.dma_semaphore, #tpu.memory_space<semaphore_mem>>) src(%dma_wait3A_306 : memref<10240x32xf32, #tpu.memory_space<vmem_shared>>) dst(%dma_wait3A_300 : memref<125x32xf32, #tpu.memory_space<vmem>>)
    %dma_start3A_309 = arith.constant 3 : i32
    %dma_start3A_310 = arith.constant 155 : i32
    %dma_start3A_311 = arith.constant 3 : i32
    %dma_start3A_312 = arith.constant 0 : i32
    %dma_start3A_313 = arith.constant 0 : i32
    %dma_start3A_314 = tpu.memref_slice %arg7[%dma_start3A_309, %dma_start3A_312, %dma_start3A_313] : memref<8x125x32xf32, #tpu.memory_space<vmem>> -> memref<1x125x32xf32, #tpu.memory_space<vmem>>
    %dma_start3A_315 = tpu.memref_squeeze %dma_start3A_314 : memref<1x125x32xf32, #tpu.memory_space<vmem>> -> memref<125x32xf32, #tpu.memory_space<vmem>>
    %dma_start3A_316 = arith.constant 0 : i32
    %dma_start3A_317 = tpu.memref_slice %arg6[%dma_start3A_310, %dma_start3A_316] : memref<160x125xi32, #tpu.memory_space<vmem>> -> memref<1x125xi32, #tpu.memory_space<vmem>>
    %dma_start3A_318 = tpu.memref_squeeze %dma_start3A_317 : memref<1x125xi32, #tpu.memory_space<vmem>> -> memref<125xi32, #tpu.memory_space<vmem>>
    %dma_start3A_319 = arith.constant 0 : i32
    %dma_start3A_320 = arith.constant 0 : i32
    %dma_start3A_321 = tpu.memref_slice %arg8[%dma_start3A_319, %dma_start3A_320] : memref<10240x32xf32, #tpu.memory_space<vmem_shared>> -> memref<10240x32xf32, #tpu.memory_space<vmem_shared>>
    %dma_start3A_322 = tpu.memref_slice %arg11[%dma_start3A_311] : memref<8x!tpu.dma_semaphore, #tpu.memory_space<semaphore_mem>> -> memref<1x!tpu.dma_semaphore, #tpu.memory_space<semaphore_mem>>
    %dma_start3A_323 = tpu.memref_squeeze %dma_start3A_322 : memref<1x!tpu.dma_semaphore, #tpu.memory_space<semaphore_mem>> -> memref<!tpu.dma_semaphore, #tpu.memory_space<semaphore_mem>>
    tpu.enqueue_indirect_dma source(%dma_start3A_315 : memref<125x32xf32, #tpu.memory_space<vmem>>) target(%dma_start3A_321 : memref<10240x32xf32, #tpu.memory_space<vmem_shared>>) offsets(%dma_start3A_318 : memref<125xi32, #tpu.memory_space<vmem>>) semaphore(%dma_start3A_323 : memref<!tpu.dma_semaphore, #tpu.memory_space<semaphore_mem>>) {add = true}
    %dma_wait3A_324 = arith.constant 156 : i32
    %dma_wait3A_325 = arith.constant 4 : i32
    %dma_wait3A_326 = arith.constant 4 : i32
    %dma_wait3A_327 = arith.constant 0 : i32
    %dma_wait3A_328 = arith.constant 0 : i32
    %dma_wait3A_329 = tpu.memref_slice %arg7[%dma_wait3A_325, %dma_wait3A_327, %dma_wait3A_328] : memref<8x125x32xf32, #tpu.memory_space<vmem>> -> memref<1x125x32xf32, #tpu.memory_space<vmem>>
    %dma_wait3A_330 = tpu.memref_squeeze %dma_wait3A_329 : memref<1x125x32xf32, #tpu.memory_space<vmem>> -> memref<125x32xf32, #tpu.memory_space<vmem>>
    %dma_wait3A_331 = arith.constant 0 : i32
    %dma_wait3A_332 = tpu.memref_slice %arg5[%dma_wait3A_324, %dma_wait3A_331] : memref<160x125xi32, #tpu.memory_space<vmem>> -> memref<1x125xi32, #tpu.memory_space<vmem>>
    %dma_wait3A_333 = tpu.memref_squeeze %dma_wait3A_332 : memref<1x125xi32, #tpu.memory_space<vmem>> -> memref<125xi32, #tpu.memory_space<vmem>>
    %dma_wait3A_334 = arith.constant 0 : i32
    %dma_wait3A_335 = arith.constant 0 : i32
    %dma_wait3A_336 = tpu.memref_slice %arg9[%dma_wait3A_334, %dma_wait3A_335] : memref<10240x32xf32, #tpu.memory_space<vmem_shared>> -> memref<10240x32xf32, #tpu.memory_space<vmem_shared>>
    %dma_wait3A_337 = tpu.memref_slice %arg10[%dma_wait3A_326] : memref<8x!tpu.dma_semaphore, #tpu.memory_space<semaphore_mem>> -> memref<1x!tpu.dma_semaphore, #tpu.memory_space<semaphore_mem>>
    %dma_wait3A_338 = tpu.memref_squeeze %dma_wait3A_337 : memref<1x!tpu.dma_semaphore, #tpu.memory_space<semaphore_mem>> -> memref<!tpu.dma_semaphore, #tpu.memory_space<semaphore_mem>>
    tpu.wait_indirect_dma semaphore(%dma_wait3A_338 : memref<!tpu.dma_semaphore, #tpu.memory_space<semaphore_mem>>) src(%dma_wait3A_336 : memref<10240x32xf32, #tpu.memory_space<vmem_shared>>) dst(%dma_wait3A_330 : memref<125x32xf32, #tpu.memory_space<vmem>>)
    %dma_start3A_339 = arith.constant 4 : i32
    %dma_start3A_340 = arith.constant 156 : i32
    %dma_start3A_341 = arith.constant 4 : i32
    %dma_start3A_342 = arith.constant 0 : i32
    %dma_start3A_343 = arith.constant 0 : i32
    %dma_start3A_344 = tpu.memref_slice %arg7[%dma_start3A_339, %dma_start3A_342, %dma_start3A_343] : memref<8x125x32xf32, #tpu.memory_space<vmem>> -> memref<1x125x32xf32, #tpu.memory_space<vmem>>
    %dma_start3A_345 = tpu.memref_squeeze %dma_start3A_344 : memref<1x125x32xf32, #tpu.memory_space<vmem>> -> memref<125x32xf32, #tpu.memory_space<vmem>>
    %dma_start3A_346 = arith.constant 0 : i32
    %dma_start3A_347 = tpu.memref_slice %arg6[%dma_start3A_340, %dma_start3A_346] : memref<160x125xi32, #tpu.memory_space<vmem>> -> memref<1x125xi32, #tpu.memory_space<vmem>>
    %dma_start3A_348 = tpu.memref_squeeze %dma_start3A_347 : memref<1x125xi32, #tpu.memory_space<vmem>> -> memref<125xi32, #tpu.memory_space<vmem>>
    %dma_start3A_349 = arith.constant 0 : i32
    %dma_start3A_350 = arith.constant 0 : i32
    %dma_start3A_351 = tpu.memref_slice %arg8[%dma_start3A_349, %dma_start3A_350] : memref<10240x32xf32, #tpu.memory_space<vmem_shared>> -> memref<10240x32xf32, #tpu.memory_space<vmem_shared>>
    %dma_start3A_352 = tpu.memref_slice %arg11[%dma_start3A_341] : memref<8x!tpu.dma_semaphore, #tpu.memory_space<semaphore_mem>> -> memref<1x!tpu.dma_semaphore, #tpu.memory_space<semaphore_mem>>
    %dma_start3A_353 = tpu.memref_squeeze %dma_start3A_352 : memref<1x!tpu.dma_semaphore, #tpu.memory_space<semaphore_mem>> -> memref<!tpu.dma_semaphore, #tpu.memory_space<semaphore_mem>>
    tpu.enqueue_indirect_dma source(%dma_start3A_345 : memref<125x32xf32, #tpu.memory_space<vmem>>) target(%dma_start3A_351 : memref<10240x32xf32, #tpu.memory_space<vmem_shared>>) offsets(%dma_start3A_348 : memref<125xi32, #tpu.memory_space<vmem>>) semaphore(%dma_start3A_353 : memref<!tpu.dma_semaphore, #tpu.memory_space<semaphore_mem>>) {add = true}
    %dma_wait3A_354 = arith.constant 157 : i32
    %dma_wait3A_355 = arith.constant 5 : i32
    %dma_wait3A_356 = arith.constant 5 : i32
    %dma_wait3A_357 = arith.constant 0 : i32
    %dma_wait3A_358 = arith.constant 0 : i32
    %dma_wait3A_359 = tpu.memref_slice %arg7[%dma_wait3A_355, %dma_wait3A_357, %dma_wait3A_358] : memref<8x125x32xf32, #tpu.memory_space<vmem>> -> memref<1x125x32xf32, #tpu.memory_space<vmem>>
    %dma_wait3A_360 = tpu.memref_squeeze %dma_wait3A_359 : memref<1x125x32xf32, #tpu.memory_space<vmem>> -> memref<125x32xf32, #tpu.memory_space<vmem>>
    %dma_wait3A_361 = arith.constant 0 : i32
    %dma_wait3A_362 = tpu.memref_slice %arg5[%dma_wait3A_354, %dma_wait3A_361] : memref<160x125xi32, #tpu.memory_space<vmem>> -> memref<1x125xi32, #tpu.memory_space<vmem>>
    %dma_wait3A_363 = tpu.memref_squeeze %dma_wait3A_362 : memref<1x125xi32, #tpu.memory_space<vmem>> -> memref<125xi32, #tpu.memory_space<vmem>>
    %dma_wait3A_364 = arith.constant 0 : i32
    %dma_wait3A_365 = arith.constant 0 : i32
    %dma_wait3A_366 = tpu.memref_slice %arg9[%dma_wait3A_364, %dma_wait3A_365] : memref<10240x32xf32, #tpu.memory_space<vmem_shared>> -> memref<10240x32xf32, #tpu.memory_space<vmem_shared>>
    %dma_wait3A_367 = tpu.memref_slice %arg10[%dma_wait3A_356] : memref<8x!tpu.dma_semaphore, #tpu.memory_space<semaphore_mem>> -> memref<1x!tpu.dma_semaphore, #tpu.memory_space<semaphore_mem>>
    %dma_wait3A_368 = tpu.memref_squeeze %dma_wait3A_367 : memref<1x!tpu.dma_semaphore, #tpu.memory_space<semaphore_mem>> -> memref<!tpu.dma_semaphore, #tpu.memory_space<semaphore_mem>>
    tpu.wait_indirect_dma semaphore(%dma_wait3A_368 : memref<!tpu.dma_semaphore, #tpu.memory_space<semaphore_mem>>) src(%dma_wait3A_366 : memref<10240x32xf32, #tpu.memory_space<vmem_shared>>) dst(%dma_wait3A_360 : memref<125x32xf32, #tpu.memory_space<vmem>>)
    %dma_start3A_369 = arith.constant 5 : i32
    %dma_start3A_370 = arith.constant 157 : i32
    %dma_start3A_371 = arith.constant 5 : i32
    %dma_start3A_372 = arith.constant 0 : i32
    %dma_start3A_373 = arith.constant 0 : i32
    %dma_start3A_374 = tpu.memref_slice %arg7[%dma_start3A_369, %dma_start3A_372, %dma_start3A_373] : memref<8x125x32xf32, #tpu.memory_space<vmem>> -> memref<1x125x32xf32, #tpu.memory_space<vmem>>
    %dma_start3A_375 = tpu.memref_squeeze %dma_start3A_374 : memref<1x125x32xf32, #tpu.memory_space<vmem>> -> memref<125x32xf32, #tpu.memory_space<vmem>>
    %dma_start3A_376 = arith.constant 0 : i32
    %dma_start3A_377 = tpu.memref_slice %arg6[%dma_start3A_370, %dma_start3A_376] : memref<160x125xi32, #tpu.memory_space<vmem>> -> memref<1x125xi32, #tpu.memory_space<vmem>>
    %dma_start3A_378 = tpu.memref_squeeze %dma_start3A_377 : memref<1x125xi32, #tpu.memory_space<vmem>> -> memref<125xi32, #tpu.memory_space<vmem>>
    %dma_start3A_379 = arith.constant 0 : i32
    %dma_start3A_380 = arith.constant 0 : i32
    %dma_start3A_381 = tpu.memref_slice %arg8[%dma_start3A_379, %dma_start3A_380] : memref<10240x32xf32, #tpu.memory_space<vmem_shared>> -> memref<10240x32xf32, #tpu.memory_space<vmem_shared>>
    %dma_start3A_382 = tpu.memref_slice %arg11[%dma_start3A_371] : memref<8x!tpu.dma_semaphore, #tpu.memory_space<semaphore_mem>> -> memref<1x!tpu.dma_semaphore, #tpu.memory_space<semaphore_mem>>
    %dma_start3A_383 = tpu.memref_squeeze %dma_start3A_382 : memref<1x!tpu.dma_semaphore, #tpu.memory_space<semaphore_mem>> -> memref<!tpu.dma_semaphore, #tpu.memory_space<semaphore_mem>>
    tpu.enqueue_indirect_dma source(%dma_start3A_375 : memref<125x32xf32, #tpu.memory_space<vmem>>) target(%dma_start3A_381 : memref<10240x32xf32, #tpu.memory_space<vmem_shared>>) offsets(%dma_start3A_378 : memref<125xi32, #tpu.memory_space<vmem>>) semaphore(%dma_start3A_383 : memref<!tpu.dma_semaphore, #tpu.memory_space<semaphore_mem>>) {add = true}
    %dma_wait3A_384 = arith.constant 158 : i32
    %dma_wait3A_385 = arith.constant 6 : i32
    %dma_wait3A_386 = arith.constant 6 : i32
    %dma_wait3A_387 = arith.constant 0 : i32
    %dma_wait3A_388 = arith.constant 0 : i32
    %dma_wait3A_389 = tpu.memref_slice %arg7[%dma_wait3A_385, %dma_wait3A_387, %dma_wait3A_388] : memref<8x125x32xf32, #tpu.memory_space<vmem>> -> memref<1x125x32xf32, #tpu.memory_space<vmem>>
    %dma_wait3A_390 = tpu.memref_squeeze %dma_wait3A_389 : memref<1x125x32xf32, #tpu.memory_space<vmem>> -> memref<125x32xf32, #tpu.memory_space<vmem>>
    %dma_wait3A_391 = arith.constant 0 : i32
    %dma_wait3A_392 = tpu.memref_slice %arg5[%dma_wait3A_384, %dma_wait3A_391] : memref<160x125xi32, #tpu.memory_space<vmem>> -> memref<1x125xi32, #tpu.memory_space<vmem>>
    %dma_wait3A_393 = tpu.memref_squeeze %dma_wait3A_392 : memref<1x125xi32, #tpu.memory_space<vmem>> -> memref<125xi32, #tpu.memory_space<vmem>>
    %dma_wait3A_394 = arith.constant 0 : i32
    %dma_wait3A_395 = arith.constant 0 : i32
    %dma_wait3A_396 = tpu.memref_slice %arg9[%dma_wait3A_394, %dma_wait3A_395] : memref<10240x32xf32, #tpu.memory_space<vmem_shared>> -> memref<10240x32xf32, #tpu.memory_space<vmem_shared>>
    %dma_wait3A_397 = tpu.memref_slice %arg10[%dma_wait3A_386] : memref<8x!tpu.dma_semaphore, #tpu.memory_space<semaphore_mem>> -> memref<1x!tpu.dma_semaphore, #tpu.memory_space<semaphore_mem>>
    %dma_wait3A_398 = tpu.memref_squeeze %dma_wait3A_397 : memref<1x!tpu.dma_semaphore, #tpu.memory_space<semaphore_mem>> -> memref<!tpu.dma_semaphore, #tpu.memory_space<semaphore_mem>>
    tpu.wait_indirect_dma semaphore(%dma_wait3A_398 : memref<!tpu.dma_semaphore, #tpu.memory_space<semaphore_mem>>) src(%dma_wait3A_396 : memref<10240x32xf32, #tpu.memory_space<vmem_shared>>) dst(%dma_wait3A_390 : memref<125x32xf32, #tpu.memory_space<vmem>>)
    %dma_start3A_399 = arith.constant 6 : i32
    %dma_start3A_400 = arith.constant 158 : i32
    %dma_start3A_401 = arith.constant 6 : i32
    %dma_start3A_402 = arith.constant 0 : i32
    %dma_start3A_403 = arith.constant 0 : i32
    %dma_start3A_404 = tpu.memref_slice %arg7[%dma_start3A_399, %dma_start3A_402, %dma_start3A_403] : memref<8x125x32xf32, #tpu.memory_space<vmem>> -> memref<1x125x32xf32, #tpu.memory_space<vmem>>
    %dma_start3A_405 = tpu.memref_squeeze %dma_start3A_404 : memref<1x125x32xf32, #tpu.memory_space<vmem>> -> memref<125x32xf32, #tpu.memory_space<vmem>>
    %dma_start3A_406 = arith.constant 0 : i32
    %dma_start3A_407 = tpu.memref_slice %arg6[%dma_start3A_400, %dma_start3A_406] : memref<160x125xi32, #tpu.memory_space<vmem>> -> memref<1x125xi32, #tpu.memory_space<vmem>>
    %dma_start3A_408 = tpu.memref_squeeze %dma_start3A_407 : memref<1x125xi32, #tpu.memory_space<vmem>> -> memref<125xi32, #tpu.memory_space<vmem>>
    %dma_start3A_409 = arith.constant 0 : i32
    %dma_start3A_410 = arith.constant 0 : i32
    %dma_start3A_411 = tpu.memref_slice %arg8[%dma_start3A_409, %dma_start3A_410] : memref<10240x32xf32, #tpu.memory_space<vmem_shared>> -> memref<10240x32xf32, #tpu.memory_space<vmem_shared>>
    %dma_start3A_412 = tpu.memref_slice %arg11[%dma_start3A_401] : memref<8x!tpu.dma_semaphore, #tpu.memory_space<semaphore_mem>> -> memref<1x!tpu.dma_semaphore, #tpu.memory_space<semaphore_mem>>
    %dma_start3A_413 = tpu.memref_squeeze %dma_start3A_412 : memref<1x!tpu.dma_semaphore, #tpu.memory_space<semaphore_mem>> -> memref<!tpu.dma_semaphore, #tpu.memory_space<semaphore_mem>>
    tpu.enqueue_indirect_dma source(%dma_start3A_405 : memref<125x32xf32, #tpu.memory_space<vmem>>) target(%dma_start3A_411 : memref<10240x32xf32, #tpu.memory_space<vmem_shared>>) offsets(%dma_start3A_408 : memref<125xi32, #tpu.memory_space<vmem>>) semaphore(%dma_start3A_413 : memref<!tpu.dma_semaphore, #tpu.memory_space<semaphore_mem>>) {add = true}
    %dma_wait3A_414 = arith.constant 159 : i32
    %dma_wait3A_415 = arith.constant 7 : i32
    %dma_wait3A_416 = arith.constant 7 : i32
    %dma_wait3A_417 = arith.constant 0 : i32
    %dma_wait3A_418 = arith.constant 0 : i32
    %dma_wait3A_419 = tpu.memref_slice %arg7[%dma_wait3A_415, %dma_wait3A_417, %dma_wait3A_418] : memref<8x125x32xf32, #tpu.memory_space<vmem>> -> memref<1x125x32xf32, #tpu.memory_space<vmem>>
    %dma_wait3A_420 = tpu.memref_squeeze %dma_wait3A_419 : memref<1x125x32xf32, #tpu.memory_space<vmem>> -> memref<125x32xf32, #tpu.memory_space<vmem>>
    %dma_wait3A_421 = arith.constant 0 : i32
    %dma_wait3A_422 = tpu.memref_slice %arg5[%dma_wait3A_414, %dma_wait3A_421] : memref<160x125xi32, #tpu.memory_space<vmem>> -> memref<1x125xi32, #tpu.memory_space<vmem>>
    %dma_wait3A_423 = tpu.memref_squeeze %dma_wait3A_422 : memref<1x125xi32, #tpu.memory_space<vmem>> -> memref<125xi32, #tpu.memory_space<vmem>>
    %dma_wait3A_424 = arith.constant 0 : i32
    %dma_wait3A_425 = arith.constant 0 : i32
    %dma_wait3A_426 = tpu.memref_slice %arg9[%dma_wait3A_424, %dma_wait3A_425] : memref<10240x32xf32, #tpu.memory_space<vmem_shared>> -> memref<10240x32xf32, #tpu.memory_space<vmem_shared>>
    %dma_wait3A_427 = tpu.memref_slice %arg10[%dma_wait3A_416] : memref<8x!tpu.dma_semaphore, #tpu.memory_space<semaphore_mem>> -> memref<1x!tpu.dma_semaphore, #tpu.memory_space<semaphore_mem>>
    %dma_wait3A_428 = tpu.memref_squeeze %dma_wait3A_427 : memref<1x!tpu.dma_semaphore, #tpu.memory_space<semaphore_mem>> -> memref<!tpu.dma_semaphore, #tpu.memory_space<semaphore_mem>>
    tpu.wait_indirect_dma semaphore(%dma_wait3A_428 : memref<!tpu.dma_semaphore, #tpu.memory_space<semaphore_mem>>) src(%dma_wait3A_426 : memref<10240x32xf32, #tpu.memory_space<vmem_shared>>) dst(%dma_wait3A_420 : memref<125x32xf32, #tpu.memory_space<vmem>>)
    %dma_start3A_429 = arith.constant 7 : i32
    %dma_start3A_430 = arith.constant 159 : i32
    %dma_start3A_431 = arith.constant 7 : i32
    %dma_start3A_432 = arith.constant 0 : i32
    %dma_start3A_433 = arith.constant 0 : i32
    %dma_start3A_434 = tpu.memref_slice %arg7[%dma_start3A_429, %dma_start3A_432, %dma_start3A_433] : memref<8x125x32xf32, #tpu.memory_space<vmem>> -> memref<1x125x32xf32, #tpu.memory_space<vmem>>
    %dma_start3A_435 = tpu.memref_squeeze %dma_start3A_434 : memref<1x125x32xf32, #tpu.memory_space<vmem>> -> memref<125x32xf32, #tpu.memory_space<vmem>>
    %dma_start3A_436 = arith.constant 0 : i32
    %dma_start3A_437 = tpu.memref_slice %arg6[%dma_start3A_430, %dma_start3A_436] : memref<160x125xi32, #tpu.memory_space<vmem>> -> memref<1x125xi32, #tpu.memory_space<vmem>>
    %dma_start3A_438 = tpu.memref_squeeze %dma_start3A_437 : memref<1x125xi32, #tpu.memory_space<vmem>> -> memref<125xi32, #tpu.memory_space<vmem>>
    %dma_start3A_439 = arith.constant 0 : i32
    %dma_start3A_440 = arith.constant 0 : i32
    %dma_start3A_441 = tpu.memref_slice %arg8[%dma_start3A_439, %dma_start3A_440] : memref<10240x32xf32, #tpu.memory_space<vmem_shared>> -> memref<10240x32xf32, #tpu.memory_space<vmem_shared>>
    %dma_start3A_442 = tpu.memref_slice %arg11[%dma_start3A_431] : memref<8x!tpu.dma_semaphore, #tpu.memory_space<semaphore_mem>> -> memref<1x!tpu.dma_semaphore, #tpu.memory_space<semaphore_mem>>
    %dma_start3A_443 = tpu.memref_squeeze %dma_start3A_442 : memref<1x!tpu.dma_semaphore, #tpu.memory_space<semaphore_mem>> -> memref<!tpu.dma_semaphore, #tpu.memory_space<semaphore_mem>>
    tpu.enqueue_indirect_dma source(%dma_start3A_435 : memref<125x32xf32, #tpu.memory_space<vmem>>) target(%dma_start3A_441 : memref<10240x32xf32, #tpu.memory_space<vmem_shared>>) offsets(%dma_start3A_438 : memref<125xi32, #tpu.memory_space<vmem>>) semaphore(%dma_start3A_443 : memref<!tpu.dma_semaphore, #tpu.memory_space<semaphore_mem>>) {add = true}
    %dma_wait3A_444 = arith.constant 0 : i32
    %dma_wait3A_445 = arith.constant 152 : i32
    %dma_wait3A_446 = arith.constant 0 : i32
    %dma_wait3A_447 = arith.constant 0 : i32
    %dma_wait3A_448 = arith.constant 0 : i32
    %dma_wait3A_449 = tpu.memref_slice %arg7[%dma_wait3A_444, %dma_wait3A_447, %dma_wait3A_448] : memref<8x125x32xf32, #tpu.memory_space<vmem>> -> memref<1x125x32xf32, #tpu.memory_space<vmem>>
    %dma_wait3A_450 = tpu.memref_squeeze %dma_wait3A_449 : memref<1x125x32xf32, #tpu.memory_space<vmem>> -> memref<125x32xf32, #tpu.memory_space<vmem>>
    %dma_wait3A_451 = arith.constant 0 : i32
    %dma_wait3A_452 = tpu.memref_slice %arg6[%dma_wait3A_445, %dma_wait3A_451] : memref<160x125xi32, #tpu.memory_space<vmem>> -> memref<1x125xi32, #tpu.memory_space<vmem>>
    %dma_wait3A_453 = tpu.memref_squeeze %dma_wait3A_452 : memref<1x125xi32, #tpu.memory_space<vmem>> -> memref<125xi32, #tpu.memory_space<vmem>>
    %dma_wait3A_454 = arith.constant 0 : i32
    %dma_wait3A_455 = arith.constant 0 : i32
    %dma_wait3A_456 = tpu.memref_slice %arg8[%dma_wait3A_454, %dma_wait3A_455] : memref<10240x32xf32, #tpu.memory_space<vmem_shared>> -> memref<10240x32xf32, #tpu.memory_space<vmem_shared>>
    %dma_wait3A_457 = tpu.memref_slice %arg11[%dma_wait3A_446] : memref<8x!tpu.dma_semaphore, #tpu.memory_space<semaphore_mem>> -> memref<1x!tpu.dma_semaphore, #tpu.memory_space<semaphore_mem>>
    %dma_wait3A_458 = tpu.memref_squeeze %dma_wait3A_457 : memref<1x!tpu.dma_semaphore, #tpu.memory_space<semaphore_mem>> -> memref<!tpu.dma_semaphore, #tpu.memory_space<semaphore_mem>>
    tpu.wait_indirect_dma semaphore(%dma_wait3A_458 : memref<!tpu.dma_semaphore, #tpu.memory_space<semaphore_mem>>) src(%dma_wait3A_450 : memref<125x32xf32, #tpu.memory_space<vmem>>) dst(%dma_wait3A_456 : memref<10240x32xf32, #tpu.memory_space<vmem_shared>>)
    %dma_wait3A_459 = arith.constant 1 : i32
    %dma_wait3A_460 = arith.constant 153 : i32
    %dma_wait3A_461 = arith.constant 1 : i32
    %dma_wait3A_462 = arith.constant 0 : i32
    %dma_wait3A_463 = arith.constant 0 : i32
    %dma_wait3A_464 = tpu.memref_slice %arg7[%dma_wait3A_459, %dma_wait3A_462, %dma_wait3A_463] : memref<8x125x32xf32, #tpu.memory_space<vmem>> -> memref<1x125x32xf32, #tpu.memory_space<vmem>>
    %dma_wait3A_465 = tpu.memref_squeeze %dma_wait3A_464 : memref<1x125x32xf32, #tpu.memory_space<vmem>> -> memref<125x32xf32, #tpu.memory_space<vmem>>
    %dma_wait3A_466 = arith.constant 0 : i32
    %dma_wait3A_467 = tpu.memref_slice %arg6[%dma_wait3A_460, %dma_wait3A_466] : memref<160x125xi32, #tpu.memory_space<vmem>> -> memref<1x125xi32, #tpu.memory_space<vmem>>
    %dma_wait3A_468 = tpu.memref_squeeze %dma_wait3A_467 : memref<1x125xi32, #tpu.memory_space<vmem>> -> memref<125xi32, #tpu.memory_space<vmem>>
    %dma_wait3A_469 = arith.constant 0 : i32
    %dma_wait3A_470 = arith.constant 0 : i32
    %dma_wait3A_471 = tpu.memref_slice %arg8[%dma_wait3A_469, %dma_wait3A_470] : memref<10240x32xf32, #tpu.memory_space<vmem_shared>> -> memref<10240x32xf32, #tpu.memory_space<vmem_shared>>
    %dma_wait3A_472 = tpu.memref_slice %arg11[%dma_wait3A_461] : memref<8x!tpu.dma_semaphore, #tpu.memory_space<semaphore_mem>> -> memref<1x!tpu.dma_semaphore, #tpu.memory_space<semaphore_mem>>
    %dma_wait3A_473 = tpu.memref_squeeze %dma_wait3A_472 : memref<1x!tpu.dma_semaphore, #tpu.memory_space<semaphore_mem>> -> memref<!tpu.dma_semaphore, #tpu.memory_space<semaphore_mem>>
    tpu.wait_indirect_dma semaphore(%dma_wait3A_473 : memref<!tpu.dma_semaphore, #tpu.memory_space<semaphore_mem>>) src(%dma_wait3A_465 : memref<125x32xf32, #tpu.memory_space<vmem>>) dst(%dma_wait3A_471 : memref<10240x32xf32, #tpu.memory_space<vmem_shared>>)
    %dma_wait3A_474 = arith.constant 2 : i32
    %dma_wait3A_475 = arith.constant 154 : i32
    %dma_wait3A_476 = arith.constant 2 : i32
    %dma_wait3A_477 = arith.constant 0 : i32
    %dma_wait3A_478 = arith.constant 0 : i32
    %dma_wait3A_479 = tpu.memref_slice %arg7[%dma_wait3A_474, %dma_wait3A_477, %dma_wait3A_478] : memref<8x125x32xf32, #tpu.memory_space<vmem>> -> memref<1x125x32xf32, #tpu.memory_space<vmem>>
    %dma_wait3A_480 = tpu.memref_squeeze %dma_wait3A_479 : memref<1x125x32xf32, #tpu.memory_space<vmem>> -> memref<125x32xf32, #tpu.memory_space<vmem>>
    %dma_wait3A_481 = arith.constant 0 : i32
    %dma_wait3A_482 = tpu.memref_slice %arg6[%dma_wait3A_475, %dma_wait3A_481] : memref<160x125xi32, #tpu.memory_space<vmem>> -> memref<1x125xi32, #tpu.memory_space<vmem>>
    %dma_wait3A_483 = tpu.memref_squeeze %dma_wait3A_482 : memref<1x125xi32, #tpu.memory_space<vmem>> -> memref<125xi32, #tpu.memory_space<vmem>>
    %dma_wait3A_484 = arith.constant 0 : i32
    %dma_wait3A_485 = arith.constant 0 : i32
    %dma_wait3A_486 = tpu.memref_slice %arg8[%dma_wait3A_484, %dma_wait3A_485] : memref<10240x32xf32, #tpu.memory_space<vmem_shared>> -> memref<10240x32xf32, #tpu.memory_space<vmem_shared>>
    %dma_wait3A_487 = tpu.memref_slice %arg11[%dma_wait3A_476] : memref<8x!tpu.dma_semaphore, #tpu.memory_space<semaphore_mem>> -> memref<1x!tpu.dma_semaphore, #tpu.memory_space<semaphore_mem>>
    %dma_wait3A_488 = tpu.memref_squeeze %dma_wait3A_487 : memref<1x!tpu.dma_semaphore, #tpu.memory_space<semaphore_mem>> -> memref<!tpu.dma_semaphore, #tpu.memory_space<semaphore_mem>>
    tpu.wait_indirect_dma semaphore(%dma_wait3A_488 : memref<!tpu.dma_semaphore, #tpu.memory_space<semaphore_mem>>) src(%dma_wait3A_480 : memref<125x32xf32, #tpu.memory_space<vmem>>) dst(%dma_wait3A_486 : memref<10240x32xf32, #tpu.memory_space<vmem_shared>>)
    %dma_wait3A_489 = arith.constant 3 : i32
    %dma_wait3A_490 = arith.constant 155 : i32
    %dma_wait3A_491 = arith.constant 3 : i32
    %dma_wait3A_492 = arith.constant 0 : i32
    %dma_wait3A_493 = arith.constant 0 : i32
    %dma_wait3A_494 = tpu.memref_slice %arg7[%dma_wait3A_489, %dma_wait3A_492, %dma_wait3A_493] : memref<8x125x32xf32, #tpu.memory_space<vmem>> -> memref<1x125x32xf32, #tpu.memory_space<vmem>>
    %dma_wait3A_495 = tpu.memref_squeeze %dma_wait3A_494 : memref<1x125x32xf32, #tpu.memory_space<vmem>> -> memref<125x32xf32, #tpu.memory_space<vmem>>
    %dma_wait3A_496 = arith.constant 0 : i32
    %dma_wait3A_497 = tpu.memref_slice %arg6[%dma_wait3A_490, %dma_wait3A_496] : memref<160x125xi32, #tpu.memory_space<vmem>> -> memref<1x125xi32, #tpu.memory_space<vmem>>
    %dma_wait3A_498 = tpu.memref_squeeze %dma_wait3A_497 : memref<1x125xi32, #tpu.memory_space<vmem>> -> memref<125xi32, #tpu.memory_space<vmem>>
    %dma_wait3A_499 = arith.constant 0 : i32
    %dma_wait3A_500 = arith.constant 0 : i32
    %dma_wait3A_501 = tpu.memref_slice %arg8[%dma_wait3A_499, %dma_wait3A_500] : memref<10240x32xf32, #tpu.memory_space<vmem_shared>> -> memref<10240x32xf32, #tpu.memory_space<vmem_shared>>
    %dma_wait3A_502 = tpu.memref_slice %arg11[%dma_wait3A_491] : memref<8x!tpu.dma_semaphore, #tpu.memory_space<semaphore_mem>> -> memref<1x!tpu.dma_semaphore, #tpu.memory_space<semaphore_mem>>
    %dma_wait3A_503 = tpu.memref_squeeze %dma_wait3A_502 : memref<1x!tpu.dma_semaphore, #tpu.memory_space<semaphore_mem>> -> memref<!tpu.dma_semaphore, #tpu.memory_space<semaphore_mem>>
    tpu.wait_indirect_dma semaphore(%dma_wait3A_503 : memref<!tpu.dma_semaphore, #tpu.memory_space<semaphore_mem>>) src(%dma_wait3A_495 : memref<125x32xf32, #tpu.memory_space<vmem>>) dst(%dma_wait3A_501 : memref<10240x32xf32, #tpu.memory_space<vmem_shared>>)
    %dma_wait3A_504 = arith.constant 4 : i32
    %dma_wait3A_505 = arith.constant 156 : i32
    %dma_wait3A_506 = arith.constant 4 : i32
    %dma_wait3A_507 = arith.constant 0 : i32
    %dma_wait3A_508 = arith.constant 0 : i32
    %dma_wait3A_509 = tpu.memref_slice %arg7[%dma_wait3A_504, %dma_wait3A_507, %dma_wait3A_508] : memref<8x125x32xf32, #tpu.memory_space<vmem>> -> memref<1x125x32xf32, #tpu.memory_space<vmem>>
    %dma_wait3A_510 = tpu.memref_squeeze %dma_wait3A_509 : memref<1x125x32xf32, #tpu.memory_space<vmem>> -> memref<125x32xf32, #tpu.memory_space<vmem>>
    %dma_wait3A_511 = arith.constant 0 : i32
    %dma_wait3A_512 = tpu.memref_slice %arg6[%dma_wait3A_505, %dma_wait3A_511] : memref<160x125xi32, #tpu.memory_space<vmem>> -> memref<1x125xi32, #tpu.memory_space<vmem>>
    %dma_wait3A_513 = tpu.memref_squeeze %dma_wait3A_512 : memref<1x125xi32, #tpu.memory_space<vmem>> -> memref<125xi32, #tpu.memory_space<vmem>>
    %dma_wait3A_514 = arith.constant 0 : i32
    %dma_wait3A_515 = arith.constant 0 : i32
    %dma_wait3A_516 = tpu.memref_slice %arg8[%dma_wait3A_514, %dma_wait3A_515] : memref<10240x32xf32, #tpu.memory_space<vmem_shared>> -> memref<10240x32xf32, #tpu.memory_space<vmem_shared>>
    %dma_wait3A_517 = tpu.memref_slice %arg11[%dma_wait3A_506] : memref<8x!tpu.dma_semaphore, #tpu.memory_space<semaphore_mem>> -> memref<1x!tpu.dma_semaphore, #tpu.memory_space<semaphore_mem>>
    %dma_wait3A_518 = tpu.memref_squeeze %dma_wait3A_517 : memref<1x!tpu.dma_semaphore, #tpu.memory_space<semaphore_mem>> -> memref<!tpu.dma_semaphore, #tpu.memory_space<semaphore_mem>>
    tpu.wait_indirect_dma semaphore(%dma_wait3A_518 : memref<!tpu.dma_semaphore, #tpu.memory_space<semaphore_mem>>) src(%dma_wait3A_510 : memref<125x32xf32, #tpu.memory_space<vmem>>) dst(%dma_wait3A_516 : memref<10240x32xf32, #tpu.memory_space<vmem_shared>>)
    %dma_wait3A_519 = arith.constant 5 : i32
    %dma_wait3A_520 = arith.constant 157 : i32
    %dma_wait3A_521 = arith.constant 5 : i32
    %dma_wait3A_522 = arith.constant 0 : i32
    %dma_wait3A_523 = arith.constant 0 : i32
    %dma_wait3A_524 = tpu.memref_slice %arg7[%dma_wait3A_519, %dma_wait3A_522, %dma_wait3A_523] : memref<8x125x32xf32, #tpu.memory_space<vmem>> -> memref<1x125x32xf32, #tpu.memory_space<vmem>>
    %dma_wait3A_525 = tpu.memref_squeeze %dma_wait3A_524 : memref<1x125x32xf32, #tpu.memory_space<vmem>> -> memref<125x32xf32, #tpu.memory_space<vmem>>
    %dma_wait3A_526 = arith.constant 0 : i32
    %dma_wait3A_527 = tpu.memref_slice %arg6[%dma_wait3A_520, %dma_wait3A_526] : memref<160x125xi32, #tpu.memory_space<vmem>> -> memref<1x125xi32, #tpu.memory_space<vmem>>
    %dma_wait3A_528 = tpu.memref_squeeze %dma_wait3A_527 : memref<1x125xi32, #tpu.memory_space<vmem>> -> memref<125xi32, #tpu.memory_space<vmem>>
    %dma_wait3A_529 = arith.constant 0 : i32
    %dma_wait3A_530 = arith.constant 0 : i32
    %dma_wait3A_531 = tpu.memref_slice %arg8[%dma_wait3A_529, %dma_wait3A_530] : memref<10240x32xf32, #tpu.memory_space<vmem_shared>> -> memref<10240x32xf32, #tpu.memory_space<vmem_shared>>
    %dma_wait3A_532 = tpu.memref_slice %arg11[%dma_wait3A_521] : memref<8x!tpu.dma_semaphore, #tpu.memory_space<semaphore_mem>> -> memref<1x!tpu.dma_semaphore, #tpu.memory_space<semaphore_mem>>
    %dma_wait3A_533 = tpu.memref_squeeze %dma_wait3A_532 : memref<1x!tpu.dma_semaphore, #tpu.memory_space<semaphore_mem>> -> memref<!tpu.dma_semaphore, #tpu.memory_space<semaphore_mem>>
    tpu.wait_indirect_dma semaphore(%dma_wait3A_533 : memref<!tpu.dma_semaphore, #tpu.memory_space<semaphore_mem>>) src(%dma_wait3A_525 : memref<125x32xf32, #tpu.memory_space<vmem>>) dst(%dma_wait3A_531 : memref<10240x32xf32, #tpu.memory_space<vmem_shared>>)
    %dma_wait3A_534 = arith.constant 6 : i32
    %dma_wait3A_535 = arith.constant 158 : i32
    %dma_wait3A_536 = arith.constant 6 : i32
    %dma_wait3A_537 = arith.constant 0 : i32
    %dma_wait3A_538 = arith.constant 0 : i32
    %dma_wait3A_539 = tpu.memref_slice %arg7[%dma_wait3A_534, %dma_wait3A_537, %dma_wait3A_538] : memref<8x125x32xf32, #tpu.memory_space<vmem>> -> memref<1x125x32xf32, #tpu.memory_space<vmem>>
    %dma_wait3A_540 = tpu.memref_squeeze %dma_wait3A_539 : memref<1x125x32xf32, #tpu.memory_space<vmem>> -> memref<125x32xf32, #tpu.memory_space<vmem>>
    %dma_wait3A_541 = arith.constant 0 : i32
    %dma_wait3A_542 = tpu.memref_slice %arg6[%dma_wait3A_535, %dma_wait3A_541] : memref<160x125xi32, #tpu.memory_space<vmem>> -> memref<1x125xi32, #tpu.memory_space<vmem>>
    %dma_wait3A_543 = tpu.memref_squeeze %dma_wait3A_542 : memref<1x125xi32, #tpu.memory_space<vmem>> -> memref<125xi32, #tpu.memory_space<vmem>>
    %dma_wait3A_544 = arith.constant 0 : i32
    %dma_wait3A_545 = arith.constant 0 : i32
    %dma_wait3A_546 = tpu.memref_slice %arg8[%dma_wait3A_544, %dma_wait3A_545] : memref<10240x32xf32, #tpu.memory_space<vmem_shared>> -> memref<10240x32xf32, #tpu.memory_space<vmem_shared>>
    %dma_wait3A_547 = tpu.memref_slice %arg11[%dma_wait3A_536] : memref<8x!tpu.dma_semaphore, #tpu.memory_space<semaphore_mem>> -> memref<1x!tpu.dma_semaphore, #tpu.memory_space<semaphore_mem>>
    %dma_wait3A_548 = tpu.memref_squeeze %dma_wait3A_547 : memref<1x!tpu.dma_semaphore, #tpu.memory_space<semaphore_mem>> -> memref<!tpu.dma_semaphore, #tpu.memory_space<semaphore_mem>>
    tpu.wait_indirect_dma semaphore(%dma_wait3A_548 : memref<!tpu.dma_semaphore, #tpu.memory_space<semaphore_mem>>) src(%dma_wait3A_540 : memref<125x32xf32, #tpu.memory_space<vmem>>) dst(%dma_wait3A_546 : memref<10240x32xf32, #tpu.memory_space<vmem_shared>>)
    %dma_wait3A_549 = arith.constant 7 : i32
    %dma_wait3A_550 = arith.constant 159 : i32
    %dma_wait3A_551 = arith.constant 7 : i32
    %dma_wait3A_552 = arith.constant 0 : i32
    %dma_wait3A_553 = arith.constant 0 : i32
    %dma_wait3A_554 = tpu.memref_slice %arg7[%dma_wait3A_549, %dma_wait3A_552, %dma_wait3A_553] : memref<8x125x32xf32, #tpu.memory_space<vmem>> -> memref<1x125x32xf32, #tpu.memory_space<vmem>>
    %dma_wait3A_555 = tpu.memref_squeeze %dma_wait3A_554 : memref<1x125x32xf32, #tpu.memory_space<vmem>> -> memref<125x32xf32, #tpu.memory_space<vmem>>
    %dma_wait3A_556 = arith.constant 0 : i32
    %dma_wait3A_557 = tpu.memref_slice %arg6[%dma_wait3A_550, %dma_wait3A_556] : memref<160x125xi32, #tpu.memory_space<vmem>> -> memref<1x125xi32, #tpu.memory_space<vmem>>
    %dma_wait3A_558 = tpu.memref_squeeze %dma_wait3A_557 : memref<1x125xi32, #tpu.memory_space<vmem>> -> memref<125xi32, #tpu.memory_space<vmem>>
    %dma_wait3A_559 = arith.constant 0 : i32
    %dma_wait3A_560 = arith.constant 0 : i32
    %dma_wait3A_561 = tpu.memref_slice %arg8[%dma_wait3A_559, %dma_wait3A_560] : memref<10240x32xf32, #tpu.memory_space<vmem_shared>> -> memref<10240x32xf32, #tpu.memory_space<vmem_shared>>
    %dma_wait3A_562 = tpu.memref_slice %arg11[%dma_wait3A_551] : memref<8x!tpu.dma_semaphore, #tpu.memory_space<semaphore_mem>> -> memref<1x!tpu.dma_semaphore, #tpu.memory_space<semaphore_mem>>
    %dma_wait3A_563 = tpu.memref_squeeze %dma_wait3A_562 : memref<1x!tpu.dma_semaphore, #tpu.memory_space<semaphore_mem>> -> memref<!tpu.dma_semaphore, #tpu.memory_space<semaphore_mem>>
    tpu.wait_indirect_dma semaphore(%dma_wait3A_563 : memref<!tpu.dma_semaphore, #tpu.memory_space<semaphore_mem>>) src(%dma_wait3A_555 : memref<125x32xf32, #tpu.memory_space<vmem>>) dst(%dma_wait3A_561 : memref<10240x32xf32, #tpu.memory_space<vmem_shared>>)
    %barrier3A_564 = arith.constant 0 : index
    tpu.barrier barrier_id(%barrier3A_564)
    "tpu.region"() ({
      %run_scoped3A = tpu.sem_alloc : memref<!tpu.dma_semaphore, #tpu.memory_space<semaphore_mem>>
      %dma_start3A_565 = arith.constant 0 : i32
      %dma_start3A_566 = tpu.memref_slice %arg4[%arg0, %mul3A_0, %dma_start3A_565] : memref<2x10240x32xf32, #tpu.memory_space<hbm>> -> memref<1x640x32xf32, #tpu.memory_space<hbm>>
      %dma_start3A_567 = tpu.memref_squeeze %dma_start3A_566 : memref<1x640x32xf32, #tpu.memory_space<hbm>> -> memref<640x32xf32, #tpu.memory_space<hbm>>
      %dma_start3A_568 = arith.constant 0 : i32
      %dma_start3A_569 = tpu.memref_slice %arg8[%mul3A_0, %dma_start3A_568] : memref<10240x32xf32, #tpu.memory_space<vmem_shared>> -> memref<640x32xf32, #tpu.memory_space<vmem_shared>>
      tpu.enqueue_dma source(%dma_start3A_569 : memref<640x32xf32, #tpu.memory_space<vmem_shared>>) target(%dma_start3A_567 : memref<640x32xf32, #tpu.memory_space<hbm>>) target_semaphore(%run_scoped3A : memref<!tpu.dma_semaphore, #tpu.memory_space<semaphore_mem>>)
      %dma_wait3A_570 = arith.constant 0 : i32
      %dma_wait3A_571 = tpu.memref_slice %arg4[%arg0, %mul3A_0, %dma_wait3A_570] : memref<2x10240x32xf32, #tpu.memory_space<hbm>> -> memref<1x640x32xf32, #tpu.memory_space<hbm>>
      %dma_wait3A_572 = tpu.memref_squeeze %dma_wait3A_571 : memref<1x640x32xf32, #tpu.memory_space<hbm>> -> memref<640x32xf32, #tpu.memory_space<hbm>>
      %dma_wait3A_573 = arith.constant 0 : i32
      %dma_wait3A_574 = tpu.memref_slice %arg8[%mul3A_0, %dma_wait3A_573] : memref<10240x32xf32, #tpu.memory_space<vmem_shared>> -> memref<640x32xf32, #tpu.memory_space<vmem_shared>>
      tpu.wait_dma2 semaphore(%run_scoped3A : memref<!tpu.dma_semaphore, #tpu.memory_space<semaphore_mem>>) src(%dma_wait3A_574 : memref<640x32xf32, #tpu.memory_space<vmem_shared>>) dst(%dma_wait3A_572 : memref<640x32xf32, #tpu.memory_space<hbm>>)
      tpu.yield
    }) : () -> ()
    return
  }
}

#map = affine_map<(d0, d1) -> (0, 0, 0, 0)>
#map1 = affine_map<(d0, d1) -> (0, 0)>
#map2 = affine_map<(d0, d1) -> (0, 0, 0)>
module attributes {stable_mosaic.version = 14 : i64} {
  func.func @_seg_l2(%arg0: i32, %arg1: i32, %arg2: memref<2x16x160x125xi32, #tpu.memory_space<hbm>>, %arg3: memref<10240x32xf32, #tpu.memory_space<hbm>>, %arg4: memref<2x10240x32xf32, #tpu.memory_space<hbm>>, %arg5: memref<80x125xi32, #tpu.memory_space<vmem>>, %arg6: memref<80x125xi32, #tpu.memory_space<vmem>>, %arg7: memref<8x125x32xf32, #tpu.memory_space<vmem>>, %arg8: memref<10240x32xf32, #tpu.memory_space<vmem_shared>>, %arg9: memref<10240x32xf32, #tpu.memory_space<vmem_shared>>, %arg10: memref<8x!tpu.dma_semaphore, #tpu.memory_space<semaphore_mem>>, %arg11: memref<8x!tpu.dma_semaphore, #tpu.memory_space<semaphore_mem>>) attributes {dimension_semantics = [#tpu.dimension_semantics<core_parallel>, #tpu.dimension_semantics<subcore_parallel>], iteration_bounds = array<i64: 2, 16>, scalar_prefetch = 0 : i64, scratch_operands = 7 : i64, tpu.core_type = #tpu.core_type<sc_vector_subcore>, window_params = [{transform_indices = #map}, {transform_indices = #map1}, {transform_indices = #map2}]} {
    %mul3A = arith.constant 640 : i32
    %mul3A_0 = arith.muli %arg1, %mul3A : i32
    %dma_start3A = arith.constant 0 : i32
    %dma_start3A_1 = tpu.memref_slice %arg10[%dma_start3A] : memref<8x!tpu.dma_semaphore, #tpu.memory_space<semaphore_mem>> -> memref<1x!tpu.dma_semaphore, #tpu.memory_space<semaphore_mem>>
    %dma_start3A_2 = tpu.memref_squeeze %dma_start3A_1 : memref<1x!tpu.dma_semaphore, #tpu.memory_space<semaphore_mem>> -> memref<!tpu.dma_semaphore, #tpu.memory_space<semaphore_mem>>
    %dma_start3A_3 = arith.constant 0 : i32
    %dma_start3A_4 = tpu.memref_slice %arg9[%mul3A_0, %dma_start3A_3] : memref<10240x32xf32, #tpu.memory_space<vmem_shared>> -> memref<640x32xf32, #tpu.memory_space<vmem_shared>>
    %dma_start3A_5 = arith.constant 0 : i32
    %dma_start3A_6 = tpu.memref_slice %arg3[%mul3A_0, %dma_start3A_5] : memref<10240x32xf32, #tpu.memory_space<hbm>> -> memref<640x32xf32, #tpu.memory_space<hbm>>
    tpu.enqueue_dma source(%dma_start3A_6 : memref<640x32xf32, #tpu.memory_space<hbm>>) target(%dma_start3A_4 : memref<640x32xf32, #tpu.memory_space<vmem_shared>>) target_semaphore(%dma_start3A_2 : memref<!tpu.dma_semaphore, #tpu.memory_space<semaphore_mem>>)
    %mul3A_7 = arith.constant 80 : i32
    %mul3A_8 = arith.muli %arg0, %mul3A_7 : i32
    %dma_start3A_9 = arith.constant 0 : i32
    %dma_start3A_10 = arith.constant 2 : i32
    %dma_start3A_11 = arith.constant 0 : i32
    %dma_start3A_12 = tpu.memref_slice %arg2[%dma_start3A_9, %arg1, %mul3A_8, %dma_start3A_11] : memref<2x16x160x125xi32, #tpu.memory_space<hbm>> -> memref<1x1x80x125xi32, #tpu.memory_space<hbm>>
    %dma_start3A_13 = tpu.memref_squeeze %dma_start3A_12 : memref<1x1x80x125xi32, #tpu.memory_space<hbm>> -> memref<80x125xi32, #tpu.memory_space<hbm>>
    %dma_start3A_14 = tpu.memref_slice %arg10[%dma_start3A_10] : memref<8x!tpu.dma_semaphore, #tpu.memory_space<semaphore_mem>> -> memref<1x!tpu.dma_semaphore, #tpu.memory_space<semaphore_mem>>
    %dma_start3A_15 = tpu.memref_squeeze %dma_start3A_14 : memref<1x!tpu.dma_semaphore, #tpu.memory_space<semaphore_mem>> -> memref<!tpu.dma_semaphore, #tpu.memory_space<semaphore_mem>>
    %dma_start3A_16 = arith.constant 0 : i32
    %dma_start3A_17 = tpu.memref_slice %arg2[%dma_start3A_9, %arg1, %mul3A_8, %dma_start3A_16] : memref<2x16x160x125xi32, #tpu.memory_space<hbm>> -> memref<1x1x80x125xi32, #tpu.memory_space<hbm>>
    %dma_start3A_18 = tpu.memref_squeeze %dma_start3A_17 : memref<1x1x80x125xi32, #tpu.memory_space<hbm>> -> memref<80x125xi32, #tpu.memory_space<hbm>>
    tpu.enqueue_dma source(%dma_start3A_18 : memref<80x125xi32, #tpu.memory_space<hbm>>) target(%arg5 : memref<80x125xi32, #tpu.memory_space<vmem>>) target_semaphore(%dma_start3A_15 : memref<!tpu.dma_semaphore, #tpu.memory_space<semaphore_mem>>)
    %mul3A_19 = arith.constant 80 : i32
    %mul3A_20 = arith.muli %arg0, %mul3A_19 : i32
    %dma_start3A_21 = arith.constant 1 : i32
    %dma_start3A_22 = arith.constant 3 : i32
    %dma_start3A_23 = arith.constant 0 : i32
    %dma_start3A_24 = tpu.memref_slice %arg2[%dma_start3A_21, %arg1, %mul3A_20, %dma_start3A_23] : memref<2x16x160x125xi32, #tpu.memory_space<hbm>> -> memref<1x1x80x125xi32, #tpu.memory_space<hbm>>
    %dma_start3A_25 = tpu.memref_squeeze %dma_start3A_24 : memref<1x1x80x125xi32, #tpu.memory_space<hbm>> -> memref<80x125xi32, #tpu.memory_space<hbm>>
    %dma_start3A_26 = tpu.memref_slice %arg10[%dma_start3A_22] : memref<8x!tpu.dma_semaphore, #tpu.memory_space<semaphore_mem>> -> memref<1x!tpu.dma_semaphore, #tpu.memory_space<semaphore_mem>>
    %dma_start3A_27 = tpu.memref_squeeze %dma_start3A_26 : memref<1x!tpu.dma_semaphore, #tpu.memory_space<semaphore_mem>> -> memref<!tpu.dma_semaphore, #tpu.memory_space<semaphore_mem>>
    %dma_start3A_28 = arith.constant 0 : i32
    %dma_start3A_29 = tpu.memref_slice %arg2[%dma_start3A_21, %arg1, %mul3A_20, %dma_start3A_28] : memref<2x16x160x125xi32, #tpu.memory_space<hbm>> -> memref<1x1x80x125xi32, #tpu.memory_space<hbm>>
    %dma_start3A_30 = tpu.memref_squeeze %dma_start3A_29 : memref<1x1x80x125xi32, #tpu.memory_space<hbm>> -> memref<80x125xi32, #tpu.memory_space<hbm>>
    tpu.enqueue_dma source(%dma_start3A_30 : memref<80x125xi32, #tpu.memory_space<hbm>>) target(%arg6 : memref<80x125xi32, #tpu.memory_space<vmem>>) target_semaphore(%dma_start3A_27 : memref<!tpu.dma_semaphore, #tpu.memory_space<semaphore_mem>>)
    %dma_wait3A = arith.constant 0 : i32
    %dma_wait3A_31 = tpu.memref_slice %arg10[%dma_wait3A] : memref<8x!tpu.dma_semaphore, #tpu.memory_space<semaphore_mem>> -> memref<1x!tpu.dma_semaphore, #tpu.memory_space<semaphore_mem>>
    %dma_wait3A_32 = tpu.memref_squeeze %dma_wait3A_31 : memref<1x!tpu.dma_semaphore, #tpu.memory_space<semaphore_mem>> -> memref<!tpu.dma_semaphore, #tpu.memory_space<semaphore_mem>>
    %dma_wait3A_33 = arith.constant 0 : i32
    %dma_wait3A_34 = tpu.memref_slice %arg9[%mul3A_0, %dma_wait3A_33] : memref<10240x32xf32, #tpu.memory_space<vmem_shared>> -> memref<640x32xf32, #tpu.memory_space<vmem_shared>>
    %dma_wait3A_35 = arith.constant 0 : i32
    %dma_wait3A_36 = tpu.memref_slice %arg3[%mul3A_0, %dma_wait3A_35] : memref<10240x32xf32, #tpu.memory_space<hbm>> -> memref<640x32xf32, #tpu.memory_space<hbm>>
    tpu.wait_dma2 semaphore(%dma_wait3A_32 : memref<!tpu.dma_semaphore, #tpu.memory_space<semaphore_mem>>) src(%dma_wait3A_36 : memref<640x32xf32, #tpu.memory_space<hbm>>) dst(%dma_wait3A_34 : memref<640x32xf32, #tpu.memory_space<vmem_shared>>)
    %dma_wait3A_37 = arith.constant 0 : i32
    %dma_wait3A_38 = arith.constant 2 : i32
    %dma_wait3A_39 = arith.constant 0 : i32
    %dma_wait3A_40 = tpu.memref_slice %arg2[%dma_wait3A_37, %arg1, %mul3A_8, %dma_wait3A_39] : memref<2x16x160x125xi32, #tpu.memory_space<hbm>> -> memref<1x1x80x125xi32, #tpu.memory_space<hbm>>
    %dma_wait3A_41 = tpu.memref_squeeze %dma_wait3A_40 : memref<1x1x80x125xi32, #tpu.memory_space<hbm>> -> memref<80x125xi32, #tpu.memory_space<hbm>>
    %dma_wait3A_42 = tpu.memref_slice %arg10[%dma_wait3A_38] : memref<8x!tpu.dma_semaphore, #tpu.memory_space<semaphore_mem>> -> memref<1x!tpu.dma_semaphore, #tpu.memory_space<semaphore_mem>>
    %dma_wait3A_43 = tpu.memref_squeeze %dma_wait3A_42 : memref<1x!tpu.dma_semaphore, #tpu.memory_space<semaphore_mem>> -> memref<!tpu.dma_semaphore, #tpu.memory_space<semaphore_mem>>
    %dma_wait3A_44 = arith.constant 0 : i32
    %dma_wait3A_45 = tpu.memref_slice %arg2[%dma_wait3A_37, %arg1, %mul3A_8, %dma_wait3A_44] : memref<2x16x160x125xi32, #tpu.memory_space<hbm>> -> memref<1x1x80x125xi32, #tpu.memory_space<hbm>>
    %dma_wait3A_46 = tpu.memref_squeeze %dma_wait3A_45 : memref<1x1x80x125xi32, #tpu.memory_space<hbm>> -> memref<80x125xi32, #tpu.memory_space<hbm>>
    tpu.wait_dma2 semaphore(%dma_wait3A_43 : memref<!tpu.dma_semaphore, #tpu.memory_space<semaphore_mem>>) src(%dma_wait3A_46 : memref<80x125xi32, #tpu.memory_space<hbm>>) dst(%arg5 : memref<80x125xi32, #tpu.memory_space<vmem>>)
    %dma_wait3A_47 = arith.constant 1 : i32
    %dma_wait3A_48 = arith.constant 3 : i32
    %dma_wait3A_49 = arith.constant 0 : i32
    %dma_wait3A_50 = tpu.memref_slice %arg2[%dma_wait3A_47, %arg1, %mul3A_20, %dma_wait3A_49] : memref<2x16x160x125xi32, #tpu.memory_space<hbm>> -> memref<1x1x80x125xi32, #tpu.memory_space<hbm>>
    %dma_wait3A_51 = tpu.memref_squeeze %dma_wait3A_50 : memref<1x1x80x125xi32, #tpu.memory_space<hbm>> -> memref<80x125xi32, #tpu.memory_space<hbm>>
    %dma_wait3A_52 = tpu.memref_slice %arg10[%dma_wait3A_48] : memref<8x!tpu.dma_semaphore, #tpu.memory_space<semaphore_mem>> -> memref<1x!tpu.dma_semaphore, #tpu.memory_space<semaphore_mem>>
    %dma_wait3A_53 = tpu.memref_squeeze %dma_wait3A_52 : memref<1x!tpu.dma_semaphore, #tpu.memory_space<semaphore_mem>> -> memref<!tpu.dma_semaphore, #tpu.memory_space<semaphore_mem>>
    %dma_wait3A_54 = arith.constant 0 : i32
    %dma_wait3A_55 = tpu.memref_slice %arg2[%dma_wait3A_47, %arg1, %mul3A_20, %dma_wait3A_54] : memref<2x16x160x125xi32, #tpu.memory_space<hbm>> -> memref<1x1x80x125xi32, #tpu.memory_space<hbm>>
    %dma_wait3A_56 = tpu.memref_squeeze %dma_wait3A_55 : memref<1x1x80x125xi32, #tpu.memory_space<hbm>> -> memref<80x125xi32, #tpu.memory_space<hbm>>
    tpu.wait_dma2 semaphore(%dma_wait3A_53 : memref<!tpu.dma_semaphore, #tpu.memory_space<semaphore_mem>>) src(%dma_wait3A_56 : memref<80x125xi32, #tpu.memory_space<hbm>>) dst(%arg6 : memref<80x125xi32, #tpu.memory_space<vmem>>)
    %dma_start3A_57 = arith.constant 1 : i32
    %dma_start3A_58 = tpu.memref_slice %arg10[%dma_start3A_57] : memref<8x!tpu.dma_semaphore, #tpu.memory_space<semaphore_mem>> -> memref<1x!tpu.dma_semaphore, #tpu.memory_space<semaphore_mem>>
    %dma_start3A_59 = tpu.memref_squeeze %dma_start3A_58 : memref<1x!tpu.dma_semaphore, #tpu.memory_space<semaphore_mem>> -> memref<!tpu.dma_semaphore, #tpu.memory_space<semaphore_mem>>
    %dma_start3A_60 = arith.constant 0 : i32
    %dma_start3A_61 = tpu.memref_slice %arg8[%mul3A_0, %dma_start3A_60] : memref<10240x32xf32, #tpu.memory_space<vmem_shared>> -> memref<640x32xf32, #tpu.memory_space<vmem_shared>>
    %dma_start3A_62 = arith.constant 0 : i32
    %dma_start3A_63 = tpu.memref_slice %arg3[%mul3A_0, %dma_start3A_62] : memref<10240x32xf32, #tpu.memory_space<hbm>> -> memref<640x32xf32, #tpu.memory_space<hbm>>
    tpu.enqueue_dma source(%dma_start3A_63 : memref<640x32xf32, #tpu.memory_space<hbm>>) target(%dma_start3A_61 : memref<640x32xf32, #tpu.memory_space<vmem_shared>>) target_semaphore(%dma_start3A_59 : memref<!tpu.dma_semaphore, #tpu.memory_space<semaphore_mem>>)
    %dma_wait3A_64 = arith.constant 1 : i32
    %dma_wait3A_65 = tpu.memref_slice %arg10[%dma_wait3A_64] : memref<8x!tpu.dma_semaphore, #tpu.memory_space<semaphore_mem>> -> memref<1x!tpu.dma_semaphore, #tpu.memory_space<semaphore_mem>>
    %dma_wait3A_66 = tpu.memref_squeeze %dma_wait3A_65 : memref<1x!tpu.dma_semaphore, #tpu.memory_space<semaphore_mem>> -> memref<!tpu.dma_semaphore, #tpu.memory_space<semaphore_mem>>
    %dma_wait3A_67 = arith.constant 0 : i32
    %dma_wait3A_68 = tpu.memref_slice %arg8[%mul3A_0, %dma_wait3A_67] : memref<10240x32xf32, #tpu.memory_space<vmem_shared>> -> memref<640x32xf32, #tpu.memory_space<vmem_shared>>
    %dma_wait3A_69 = arith.constant 0 : i32
    %dma_wait3A_70 = tpu.memref_slice %arg3[%mul3A_0, %dma_wait3A_69] : memref<10240x32xf32, #tpu.memory_space<hbm>> -> memref<640x32xf32, #tpu.memory_space<hbm>>
    tpu.wait_dma2 semaphore(%dma_wait3A_66 : memref<!tpu.dma_semaphore, #tpu.memory_space<semaphore_mem>>) src(%dma_wait3A_70 : memref<640x32xf32, #tpu.memory_space<hbm>>) dst(%dma_wait3A_68 : memref<640x32xf32, #tpu.memory_space<vmem_shared>>)
    %barrier3A = arith.constant 0 : index
    tpu.barrier barrier_id(%barrier3A)
    %dma_start3A_71 = arith.constant 0 : i32
    %dma_start3A_72 = arith.constant 0 : i32
    %dma_start3A_73 = arith.constant 0 : i32
    %dma_start3A_74 = arith.constant 0 : i32
    %dma_start3A_75 = arith.constant 0 : i32
    %dma_start3A_76 = tpu.memref_slice %arg7[%dma_start3A_72, %dma_start3A_74, %dma_start3A_75] : memref<8x125x32xf32, #tpu.memory_space<vmem>> -> memref<1x125x32xf32, #tpu.memory_space<vmem>>
    %dma_start3A_77 = tpu.memref_squeeze %dma_start3A_76 : memref<1x125x32xf32, #tpu.memory_space<vmem>> -> memref<125x32xf32, #tpu.memory_space<vmem>>
    %dma_start3A_78 = arith.constant 0 : i32
    %dma_start3A_79 = tpu.memref_slice %arg5[%dma_start3A_71, %dma_start3A_78] : memref<80x125xi32, #tpu.memory_space<vmem>> -> memref<1x125xi32, #tpu.memory_space<vmem>>
    %dma_start3A_80 = tpu.memref_squeeze %dma_start3A_79 : memref<1x125xi32, #tpu.memory_space<vmem>> -> memref<125xi32, #tpu.memory_space<vmem>>
    %dma_start3A_81 = arith.constant 0 : i32
    %dma_start3A_82 = arith.constant 0 : i32
    %dma_start3A_83 = tpu.memref_slice %arg9[%dma_start3A_81, %dma_start3A_82] : memref<10240x32xf32, #tpu.memory_space<vmem_shared>> -> memref<10240x32xf32, #tpu.memory_space<vmem_shared>>
    %dma_start3A_84 = tpu.memref_slice %arg10[%dma_start3A_73] : memref<8x!tpu.dma_semaphore, #tpu.memory_space<semaphore_mem>> -> memref<1x!tpu.dma_semaphore, #tpu.memory_space<semaphore_mem>>
    %dma_start3A_85 = tpu.memref_squeeze %dma_start3A_84 : memref<1x!tpu.dma_semaphore, #tpu.memory_space<semaphore_mem>> -> memref<!tpu.dma_semaphore, #tpu.memory_space<semaphore_mem>>
    tpu.enqueue_indirect_dma source(%dma_start3A_83 : memref<10240x32xf32, #tpu.memory_space<vmem_shared>>) target(%dma_start3A_77 : memref<125x32xf32, #tpu.memory_space<vmem>>) offsets(%dma_start3A_80 : memref<125xi32, #tpu.memory_space<vmem>>) semaphore(%dma_start3A_85 : memref<!tpu.dma_semaphore, #tpu.memory_space<semaphore_mem>>)
    %dma_start3A_86 = arith.constant 1 : i32
    %dma_start3A_87 = arith.constant 1 : i32
    %dma_start3A_88 = arith.constant 1 : i32
    %dma_start3A_89 = arith.constant 0 : i32
    %dma_start3A_90 = arith.constant 0 : i32
    %dma_start3A_91 = tpu.memref_slice %arg7[%dma_start3A_87, %dma_start3A_89, %dma_start3A_90] : memref<8x125x32xf32, #tpu.memory_space<vmem>> -> memref<1x125x32xf32, #tpu.memory_space<vmem>>
    %dma_start3A_92 = tpu.memref_squeeze %dma_start3A_91 : memref<1x125x32xf32, #tpu.memory_space<vmem>> -> memref<125x32xf32, #tpu.memory_space<vmem>>
    %dma_start3A_93 = arith.constant 0 : i32
    %dma_start3A_94 = tpu.memref_slice %arg5[%dma_start3A_86, %dma_start3A_93] : memref<80x125xi32, #tpu.memory_space<vmem>> -> memref<1x125xi32, #tpu.memory_space<vmem>>
    %dma_start3A_95 = tpu.memref_squeeze %dma_start3A_94 : memref<1x125xi32, #tpu.memory_space<vmem>> -> memref<125xi32, #tpu.memory_space<vmem>>
    %dma_start3A_96 = arith.constant 0 : i32
    %dma_start3A_97 = arith.constant 0 : i32
    %dma_start3A_98 = tpu.memref_slice %arg9[%dma_start3A_96, %dma_start3A_97] : memref<10240x32xf32, #tpu.memory_space<vmem_shared>> -> memref<10240x32xf32, #tpu.memory_space<vmem_shared>>
    %dma_start3A_99 = tpu.memref_slice %arg10[%dma_start3A_88] : memref<8x!tpu.dma_semaphore, #tpu.memory_space<semaphore_mem>> -> memref<1x!tpu.dma_semaphore, #tpu.memory_space<semaphore_mem>>
    %dma_start3A_100 = tpu.memref_squeeze %dma_start3A_99 : memref<1x!tpu.dma_semaphore, #tpu.memory_space<semaphore_mem>> -> memref<!tpu.dma_semaphore, #tpu.memory_space<semaphore_mem>>
    tpu.enqueue_indirect_dma source(%dma_start3A_98 : memref<10240x32xf32, #tpu.memory_space<vmem_shared>>) target(%dma_start3A_92 : memref<125x32xf32, #tpu.memory_space<vmem>>) offsets(%dma_start3A_95 : memref<125xi32, #tpu.memory_space<vmem>>) semaphore(%dma_start3A_100 : memref<!tpu.dma_semaphore, #tpu.memory_space<semaphore_mem>>)
    %dma_start3A_101 = arith.constant 2 : i32
    %dma_start3A_102 = arith.constant 2 : i32
    %dma_start3A_103 = arith.constant 2 : i32
    %dma_start3A_104 = arith.constant 0 : i32
    %dma_start3A_105 = arith.constant 0 : i32
    %dma_start3A_106 = tpu.memref_slice %arg7[%dma_start3A_102, %dma_start3A_104, %dma_start3A_105] : memref<8x125x32xf32, #tpu.memory_space<vmem>> -> memref<1x125x32xf32, #tpu.memory_space<vmem>>
    %dma_start3A_107 = tpu.memref_squeeze %dma_start3A_106 : memref<1x125x32xf32, #tpu.memory_space<vmem>> -> memref<125x32xf32, #tpu.memory_space<vmem>>
    %dma_start3A_108 = arith.constant 0 : i32
    %dma_start3A_109 = tpu.memref_slice %arg5[%dma_start3A_101, %dma_start3A_108] : memref<80x125xi32, #tpu.memory_space<vmem>> -> memref<1x125xi32, #tpu.memory_space<vmem>>
    %dma_start3A_110 = tpu.memref_squeeze %dma_start3A_109 : memref<1x125xi32, #tpu.memory_space<vmem>> -> memref<125xi32, #tpu.memory_space<vmem>>
    %dma_start3A_111 = arith.constant 0 : i32
    %dma_start3A_112 = arith.constant 0 : i32
    %dma_start3A_113 = tpu.memref_slice %arg9[%dma_start3A_111, %dma_start3A_112] : memref<10240x32xf32, #tpu.memory_space<vmem_shared>> -> memref<10240x32xf32, #tpu.memory_space<vmem_shared>>
    %dma_start3A_114 = tpu.memref_slice %arg10[%dma_start3A_103] : memref<8x!tpu.dma_semaphore, #tpu.memory_space<semaphore_mem>> -> memref<1x!tpu.dma_semaphore, #tpu.memory_space<semaphore_mem>>
    %dma_start3A_115 = tpu.memref_squeeze %dma_start3A_114 : memref<1x!tpu.dma_semaphore, #tpu.memory_space<semaphore_mem>> -> memref<!tpu.dma_semaphore, #tpu.memory_space<semaphore_mem>>
    tpu.enqueue_indirect_dma source(%dma_start3A_113 : memref<10240x32xf32, #tpu.memory_space<vmem_shared>>) target(%dma_start3A_107 : memref<125x32xf32, #tpu.memory_space<vmem>>) offsets(%dma_start3A_110 : memref<125xi32, #tpu.memory_space<vmem>>) semaphore(%dma_start3A_115 : memref<!tpu.dma_semaphore, #tpu.memory_space<semaphore_mem>>)
    %dma_start3A_116 = arith.constant 3 : i32
    %dma_start3A_117 = arith.constant 3 : i32
    %dma_start3A_118 = arith.constant 3 : i32
    %dma_start3A_119 = arith.constant 0 : i32
    %dma_start3A_120 = arith.constant 0 : i32
    %dma_start3A_121 = tpu.memref_slice %arg7[%dma_start3A_117, %dma_start3A_119, %dma_start3A_120] : memref<8x125x32xf32, #tpu.memory_space<vmem>> -> memref<1x125x32xf32, #tpu.memory_space<vmem>>
    %dma_start3A_122 = tpu.memref_squeeze %dma_start3A_121 : memref<1x125x32xf32, #tpu.memory_space<vmem>> -> memref<125x32xf32, #tpu.memory_space<vmem>>
    %dma_start3A_123 = arith.constant 0 : i32
    %dma_start3A_124 = tpu.memref_slice %arg5[%dma_start3A_116, %dma_start3A_123] : memref<80x125xi32, #tpu.memory_space<vmem>> -> memref<1x125xi32, #tpu.memory_space<vmem>>
    %dma_start3A_125 = tpu.memref_squeeze %dma_start3A_124 : memref<1x125xi32, #tpu.memory_space<vmem>> -> memref<125xi32, #tpu.memory_space<vmem>>
    %dma_start3A_126 = arith.constant 0 : i32
    %dma_start3A_127 = arith.constant 0 : i32
    %dma_start3A_128 = tpu.memref_slice %arg9[%dma_start3A_126, %dma_start3A_127] : memref<10240x32xf32, #tpu.memory_space<vmem_shared>> -> memref<10240x32xf32, #tpu.memory_space<vmem_shared>>
    %dma_start3A_129 = tpu.memref_slice %arg10[%dma_start3A_118] : memref<8x!tpu.dma_semaphore, #tpu.memory_space<semaphore_mem>> -> memref<1x!tpu.dma_semaphore, #tpu.memory_space<semaphore_mem>>
    %dma_start3A_130 = tpu.memref_squeeze %dma_start3A_129 : memref<1x!tpu.dma_semaphore, #tpu.memory_space<semaphore_mem>> -> memref<!tpu.dma_semaphore, #tpu.memory_space<semaphore_mem>>
    tpu.enqueue_indirect_dma source(%dma_start3A_128 : memref<10240x32xf32, #tpu.memory_space<vmem_shared>>) target(%dma_start3A_122 : memref<125x32xf32, #tpu.memory_space<vmem>>) offsets(%dma_start3A_125 : memref<125xi32, #tpu.memory_space<vmem>>) semaphore(%dma_start3A_130 : memref<!tpu.dma_semaphore, #tpu.memory_space<semaphore_mem>>)
    %dma_start3A_131 = arith.constant 4 : i32
    %dma_start3A_132 = arith.constant 4 : i32
    %dma_start3A_133 = arith.constant 4 : i32
    %dma_start3A_134 = arith.constant 0 : i32
    %dma_start3A_135 = arith.constant 0 : i32
    %dma_start3A_136 = tpu.memref_slice %arg7[%dma_start3A_132, %dma_start3A_134, %dma_start3A_135] : memref<8x125x32xf32, #tpu.memory_space<vmem>> -> memref<1x125x32xf32, #tpu.memory_space<vmem>>
    %dma_start3A_137 = tpu.memref_squeeze %dma_start3A_136 : memref<1x125x32xf32, #tpu.memory_space<vmem>> -> memref<125x32xf32, #tpu.memory_space<vmem>>
    %dma_start3A_138 = arith.constant 0 : i32
    %dma_start3A_139 = tpu.memref_slice %arg5[%dma_start3A_131, %dma_start3A_138] : memref<80x125xi32, #tpu.memory_space<vmem>> -> memref<1x125xi32, #tpu.memory_space<vmem>>
    %dma_start3A_140 = tpu.memref_squeeze %dma_start3A_139 : memref<1x125xi32, #tpu.memory_space<vmem>> -> memref<125xi32, #tpu.memory_space<vmem>>
    %dma_start3A_141 = arith.constant 0 : i32
    %dma_start3A_142 = arith.constant 0 : i32
    %dma_start3A_143 = tpu.memref_slice %arg9[%dma_start3A_141, %dma_start3A_142] : memref<10240x32xf32, #tpu.memory_space<vmem_shared>> -> memref<10240x32xf32, #tpu.memory_space<vmem_shared>>
    %dma_start3A_144 = tpu.memref_slice %arg10[%dma_start3A_133] : memref<8x!tpu.dma_semaphore, #tpu.memory_space<semaphore_mem>> -> memref<1x!tpu.dma_semaphore, #tpu.memory_space<semaphore_mem>>
    %dma_start3A_145 = tpu.memref_squeeze %dma_start3A_144 : memref<1x!tpu.dma_semaphore, #tpu.memory_space<semaphore_mem>> -> memref<!tpu.dma_semaphore, #tpu.memory_space<semaphore_mem>>
    tpu.enqueue_indirect_dma source(%dma_start3A_143 : memref<10240x32xf32, #tpu.memory_space<vmem_shared>>) target(%dma_start3A_137 : memref<125x32xf32, #tpu.memory_space<vmem>>) offsets(%dma_start3A_140 : memref<125xi32, #tpu.memory_space<vmem>>) semaphore(%dma_start3A_145 : memref<!tpu.dma_semaphore, #tpu.memory_space<semaphore_mem>>)
    %dma_start3A_146 = arith.constant 5 : i32
    %dma_start3A_147 = arith.constant 5 : i32
    %dma_start3A_148 = arith.constant 5 : i32
    %dma_start3A_149 = arith.constant 0 : i32
    %dma_start3A_150 = arith.constant 0 : i32
    %dma_start3A_151 = tpu.memref_slice %arg7[%dma_start3A_147, %dma_start3A_149, %dma_start3A_150] : memref<8x125x32xf32, #tpu.memory_space<vmem>> -> memref<1x125x32xf32, #tpu.memory_space<vmem>>
    %dma_start3A_152 = tpu.memref_squeeze %dma_start3A_151 : memref<1x125x32xf32, #tpu.memory_space<vmem>> -> memref<125x32xf32, #tpu.memory_space<vmem>>
    %dma_start3A_153 = arith.constant 0 : i32
    %dma_start3A_154 = tpu.memref_slice %arg5[%dma_start3A_146, %dma_start3A_153] : memref<80x125xi32, #tpu.memory_space<vmem>> -> memref<1x125xi32, #tpu.memory_space<vmem>>
    %dma_start3A_155 = tpu.memref_squeeze %dma_start3A_154 : memref<1x125xi32, #tpu.memory_space<vmem>> -> memref<125xi32, #tpu.memory_space<vmem>>
    %dma_start3A_156 = arith.constant 0 : i32
    %dma_start3A_157 = arith.constant 0 : i32
    %dma_start3A_158 = tpu.memref_slice %arg9[%dma_start3A_156, %dma_start3A_157] : memref<10240x32xf32, #tpu.memory_space<vmem_shared>> -> memref<10240x32xf32, #tpu.memory_space<vmem_shared>>
    %dma_start3A_159 = tpu.memref_slice %arg10[%dma_start3A_148] : memref<8x!tpu.dma_semaphore, #tpu.memory_space<semaphore_mem>> -> memref<1x!tpu.dma_semaphore, #tpu.memory_space<semaphore_mem>>
    %dma_start3A_160 = tpu.memref_squeeze %dma_start3A_159 : memref<1x!tpu.dma_semaphore, #tpu.memory_space<semaphore_mem>> -> memref<!tpu.dma_semaphore, #tpu.memory_space<semaphore_mem>>
    tpu.enqueue_indirect_dma source(%dma_start3A_158 : memref<10240x32xf32, #tpu.memory_space<vmem_shared>>) target(%dma_start3A_152 : memref<125x32xf32, #tpu.memory_space<vmem>>) offsets(%dma_start3A_155 : memref<125xi32, #tpu.memory_space<vmem>>) semaphore(%dma_start3A_160 : memref<!tpu.dma_semaphore, #tpu.memory_space<semaphore_mem>>)
    %dma_start3A_161 = arith.constant 6 : i32
    %dma_start3A_162 = arith.constant 6 : i32
    %dma_start3A_163 = arith.constant 6 : i32
    %dma_start3A_164 = arith.constant 0 : i32
    %dma_start3A_165 = arith.constant 0 : i32
    %dma_start3A_166 = tpu.memref_slice %arg7[%dma_start3A_162, %dma_start3A_164, %dma_start3A_165] : memref<8x125x32xf32, #tpu.memory_space<vmem>> -> memref<1x125x32xf32, #tpu.memory_space<vmem>>
    %dma_start3A_167 = tpu.memref_squeeze %dma_start3A_166 : memref<1x125x32xf32, #tpu.memory_space<vmem>> -> memref<125x32xf32, #tpu.memory_space<vmem>>
    %dma_start3A_168 = arith.constant 0 : i32
    %dma_start3A_169 = tpu.memref_slice %arg5[%dma_start3A_161, %dma_start3A_168] : memref<80x125xi32, #tpu.memory_space<vmem>> -> memref<1x125xi32, #tpu.memory_space<vmem>>
    %dma_start3A_170 = tpu.memref_squeeze %dma_start3A_169 : memref<1x125xi32, #tpu.memory_space<vmem>> -> memref<125xi32, #tpu.memory_space<vmem>>
    %dma_start3A_171 = arith.constant 0 : i32
    %dma_start3A_172 = arith.constant 0 : i32
    %dma_start3A_173 = tpu.memref_slice %arg9[%dma_start3A_171, %dma_start3A_172] : memref<10240x32xf32, #tpu.memory_space<vmem_shared>> -> memref<10240x32xf32, #tpu.memory_space<vmem_shared>>
    %dma_start3A_174 = tpu.memref_slice %arg10[%dma_start3A_163] : memref<8x!tpu.dma_semaphore, #tpu.memory_space<semaphore_mem>> -> memref<1x!tpu.dma_semaphore, #tpu.memory_space<semaphore_mem>>
    %dma_start3A_175 = tpu.memref_squeeze %dma_start3A_174 : memref<1x!tpu.dma_semaphore, #tpu.memory_space<semaphore_mem>> -> memref<!tpu.dma_semaphore, #tpu.memory_space<semaphore_mem>>
    tpu.enqueue_indirect_dma source(%dma_start3A_173 : memref<10240x32xf32, #tpu.memory_space<vmem_shared>>) target(%dma_start3A_167 : memref<125x32xf32, #tpu.memory_space<vmem>>) offsets(%dma_start3A_170 : memref<125xi32, #tpu.memory_space<vmem>>) semaphore(%dma_start3A_175 : memref<!tpu.dma_semaphore, #tpu.memory_space<semaphore_mem>>)
    %dma_start3A_176 = arith.constant 7 : i32
    %dma_start3A_177 = arith.constant 7 : i32
    %dma_start3A_178 = arith.constant 7 : i32
    %dma_start3A_179 = arith.constant 0 : i32
    %dma_start3A_180 = arith.constant 0 : i32
    %dma_start3A_181 = tpu.memref_slice %arg7[%dma_start3A_177, %dma_start3A_179, %dma_start3A_180] : memref<8x125x32xf32, #tpu.memory_space<vmem>> -> memref<1x125x32xf32, #tpu.memory_space<vmem>>
    %dma_start3A_182 = tpu.memref_squeeze %dma_start3A_181 : memref<1x125x32xf32, #tpu.memory_space<vmem>> -> memref<125x32xf32, #tpu.memory_space<vmem>>
    %dma_start3A_183 = arith.constant 0 : i32
    %dma_start3A_184 = tpu.memref_slice %arg5[%dma_start3A_176, %dma_start3A_183] : memref<80x125xi32, #tpu.memory_space<vmem>> -> memref<1x125xi32, #tpu.memory_space<vmem>>
    %dma_start3A_185 = tpu.memref_squeeze %dma_start3A_184 : memref<1x125xi32, #tpu.memory_space<vmem>> -> memref<125xi32, #tpu.memory_space<vmem>>
    %dma_start3A_186 = arith.constant 0 : i32
    %dma_start3A_187 = arith.constant 0 : i32
    %dma_start3A_188 = tpu.memref_slice %arg9[%dma_start3A_186, %dma_start3A_187] : memref<10240x32xf32, #tpu.memory_space<vmem_shared>> -> memref<10240x32xf32, #tpu.memory_space<vmem_shared>>
    %dma_start3A_189 = tpu.memref_slice %arg10[%dma_start3A_178] : memref<8x!tpu.dma_semaphore, #tpu.memory_space<semaphore_mem>> -> memref<1x!tpu.dma_semaphore, #tpu.memory_space<semaphore_mem>>
    %dma_start3A_190 = tpu.memref_squeeze %dma_start3A_189 : memref<1x!tpu.dma_semaphore, #tpu.memory_space<semaphore_mem>> -> memref<!tpu.dma_semaphore, #tpu.memory_space<semaphore_mem>>
    tpu.enqueue_indirect_dma source(%dma_start3A_188 : memref<10240x32xf32, #tpu.memory_space<vmem_shared>>) target(%dma_start3A_182 : memref<125x32xf32, #tpu.memory_space<vmem>>) offsets(%dma_start3A_185 : memref<125xi32, #tpu.memory_space<vmem>>) semaphore(%dma_start3A_190 : memref<!tpu.dma_semaphore, #tpu.memory_space<semaphore_mem>>)
    %scan3A = arith.constant 0 : i32
    %scan3A_191 = arith.constant 0 : i32
    %scan3A_192 = arith.constant 9 : i32
    %scan3A_193 = arith.addi %scan3A_191, %scan3A_192 : i32
    %scan3A_194 = arith.constant 1 : i32
    scf.for %scan3A_557 = %scan3A_191 to %scan3A_193 step %scan3A_194  : i32 {
      %mul3A_558 = arith.constant 8 : i32
      %mul3A_559 = arith.muli %scan3A_557, %mul3A_558 : i32
      %add3A = arith.constant 0 : i32
      %add3A_560 = arith.addi %mul3A_559, %add3A : i32
      %dma_wait3A_561 = arith.constant 0 : i32
      %dma_wait3A_562 = arith.constant 0 : i32
      %dma_wait3A_563 = arith.constant 0 : i32
      %dma_wait3A_564 = arith.constant 0 : i32
      %dma_wait3A_565 = tpu.memref_slice %arg7[%dma_wait3A_561, %dma_wait3A_563, %dma_wait3A_564] : memref<8x125x32xf32, #tpu.memory_space<vmem>> -> memref<1x125x32xf32, #tpu.memory_space<vmem>>
      %dma_wait3A_566 = tpu.memref_squeeze %dma_wait3A_565 : memref<1x125x32xf32, #tpu.memory_space<vmem>> -> memref<125x32xf32, #tpu.memory_space<vmem>>
      %dma_wait3A_567 = arith.constant 0 : i32
      %dma_wait3A_568 = tpu.memref_slice %arg5[%add3A_560, %dma_wait3A_567] : memref<80x125xi32, #tpu.memory_space<vmem>> -> memref<1x125xi32, #tpu.memory_space<vmem>>
      %dma_wait3A_569 = tpu.memref_squeeze %dma_wait3A_568 : memref<1x125xi32, #tpu.memory_space<vmem>> -> memref<125xi32, #tpu.memory_space<vmem>>
      %dma_wait3A_570 = arith.constant 0 : i32
      %dma_wait3A_571 = arith.constant 0 : i32
      %dma_wait3A_572 = tpu.memref_slice %arg9[%dma_wait3A_570, %dma_wait3A_571] : memref<10240x32xf32, #tpu.memory_space<vmem_shared>> -> memref<10240x32xf32, #tpu.memory_space<vmem_shared>>
      %dma_wait3A_573 = tpu.memref_slice %arg10[%dma_wait3A_562] : memref<8x!tpu.dma_semaphore, #tpu.memory_space<semaphore_mem>> -> memref<1x!tpu.dma_semaphore, #tpu.memory_space<semaphore_mem>>
      %dma_wait3A_574 = tpu.memref_squeeze %dma_wait3A_573 : memref<1x!tpu.dma_semaphore, #tpu.memory_space<semaphore_mem>> -> memref<!tpu.dma_semaphore, #tpu.memory_space<semaphore_mem>>
      tpu.wait_indirect_dma semaphore(%dma_wait3A_574 : memref<!tpu.dma_semaphore, #tpu.memory_space<semaphore_mem>>) src(%dma_wait3A_572 : memref<10240x32xf32, #tpu.memory_space<vmem_shared>>) dst(%dma_wait3A_566 : memref<125x32xf32, #tpu.memory_space<vmem>>)
      %dma_start3A_575 = arith.constant 0 : i32
      %dma_start3A_576 = arith.constant 0 : i32
      %dma_start3A_577 = arith.constant 0 : i32
      %dma_start3A_578 = arith.constant 0 : i32
      %dma_start3A_579 = tpu.memref_slice %arg7[%dma_start3A_575, %dma_start3A_577, %dma_start3A_578] : memref<8x125x32xf32, #tpu.memory_space<vmem>> -> memref<1x125x32xf32, #tpu.memory_space<vmem>>
      %dma_start3A_580 = tpu.memref_squeeze %dma_start3A_579 : memref<1x125x32xf32, #tpu.memory_space<vmem>> -> memref<125x32xf32, #tpu.memory_space<vmem>>
      %dma_start3A_581 = arith.constant 0 : i32
      %dma_start3A_582 = tpu.memref_slice %arg6[%add3A_560, %dma_start3A_581] : memref<80x125xi32, #tpu.memory_space<vmem>> -> memref<1x125xi32, #tpu.memory_space<vmem>>
      %dma_start3A_583 = tpu.memref_squeeze %dma_start3A_582 : memref<1x125xi32, #tpu.memory_space<vmem>> -> memref<125xi32, #tpu.memory_space<vmem>>
      %dma_start3A_584 = arith.constant 0 : i32
      %dma_start3A_585 = arith.constant 0 : i32
      %dma_start3A_586 = tpu.memref_slice %arg8[%dma_start3A_584, %dma_start3A_585] : memref<10240x32xf32, #tpu.memory_space<vmem_shared>> -> memref<10240x32xf32, #tpu.memory_space<vmem_shared>>
      %dma_start3A_587 = tpu.memref_slice %arg11[%dma_start3A_576] : memref<8x!tpu.dma_semaphore, #tpu.memory_space<semaphore_mem>> -> memref<1x!tpu.dma_semaphore, #tpu.memory_space<semaphore_mem>>
      %dma_start3A_588 = tpu.memref_squeeze %dma_start3A_587 : memref<1x!tpu.dma_semaphore, #tpu.memory_space<semaphore_mem>> -> memref<!tpu.dma_semaphore, #tpu.memory_space<semaphore_mem>>
      tpu.enqueue_indirect_dma source(%dma_start3A_580 : memref<125x32xf32, #tpu.memory_space<vmem>>) target(%dma_start3A_586 : memref<10240x32xf32, #tpu.memory_space<vmem_shared>>) offsets(%dma_start3A_583 : memref<125xi32, #tpu.memory_space<vmem>>) semaphore(%dma_start3A_588 : memref<!tpu.dma_semaphore, #tpu.memory_space<semaphore_mem>>) {add = true}
      %mul3A_589 = arith.constant 8 : i32
      %mul3A_590 = arith.muli %scan3A_557, %mul3A_589 : i32
      %add3A_591 = arith.constant 1 : i32
      %add3A_592 = arith.addi %mul3A_590, %add3A_591 : i32
      %dma_wait3A_593 = arith.constant 1 : i32
      %dma_wait3A_594 = arith.constant 1 : i32
      %dma_wait3A_595 = arith.constant 0 : i32
      %dma_wait3A_596 = arith.constant 0 : i32
      %dma_wait3A_597 = tpu.memref_slice %arg7[%dma_wait3A_593, %dma_wait3A_595, %dma_wait3A_596] : memref<8x125x32xf32, #tpu.memory_space<vmem>> -> memref<1x125x32xf32, #tpu.memory_space<vmem>>
      %dma_wait3A_598 = tpu.memref_squeeze %dma_wait3A_597 : memref<1x125x32xf32, #tpu.memory_space<vmem>> -> memref<125x32xf32, #tpu.memory_space<vmem>>
      %dma_wait3A_599 = arith.constant 0 : i32
      %dma_wait3A_600 = tpu.memref_slice %arg5[%add3A_592, %dma_wait3A_599] : memref<80x125xi32, #tpu.memory_space<vmem>> -> memref<1x125xi32, #tpu.memory_space<vmem>>
      %dma_wait3A_601 = tpu.memref_squeeze %dma_wait3A_600 : memref<1x125xi32, #tpu.memory_space<vmem>> -> memref<125xi32, #tpu.memory_space<vmem>>
      %dma_wait3A_602 = arith.constant 0 : i32
      %dma_wait3A_603 = arith.constant 0 : i32
      %dma_wait3A_604 = tpu.memref_slice %arg9[%dma_wait3A_602, %dma_wait3A_603] : memref<10240x32xf32, #tpu.memory_space<vmem_shared>> -> memref<10240x32xf32, #tpu.memory_space<vmem_shared>>
      %dma_wait3A_605 = tpu.memref_slice %arg10[%dma_wait3A_594] : memref<8x!tpu.dma_semaphore, #tpu.memory_space<semaphore_mem>> -> memref<1x!tpu.dma_semaphore, #tpu.memory_space<semaphore_mem>>
      %dma_wait3A_606 = tpu.memref_squeeze %dma_wait3A_605 : memref<1x!tpu.dma_semaphore, #tpu.memory_space<semaphore_mem>> -> memref<!tpu.dma_semaphore, #tpu.memory_space<semaphore_mem>>
      tpu.wait_indirect_dma semaphore(%dma_wait3A_606 : memref<!tpu.dma_semaphore, #tpu.memory_space<semaphore_mem>>) src(%dma_wait3A_604 : memref<10240x32xf32, #tpu.memory_space<vmem_shared>>) dst(%dma_wait3A_598 : memref<125x32xf32, #tpu.memory_space<vmem>>)
      %dma_start3A_607 = arith.constant 1 : i32
      %dma_start3A_608 = arith.constant 1 : i32
      %dma_start3A_609 = arith.constant 0 : i32
      %dma_start3A_610 = arith.constant 0 : i32
      %dma_start3A_611 = tpu.memref_slice %arg7[%dma_start3A_607, %dma_start3A_609, %dma_start3A_610] : memref<8x125x32xf32, #tpu.memory_space<vmem>> -> memref<1x125x32xf32, #tpu.memory_space<vmem>>
      %dma_start3A_612 = tpu.memref_squeeze %dma_start3A_611 : memref<1x125x32xf32, #tpu.memory_space<vmem>> -> memref<125x32xf32, #tpu.memory_space<vmem>>
      %dma_start3A_613 = arith.constant 0 : i32
      %dma_start3A_614 = tpu.memref_slice %arg6[%add3A_592, %dma_start3A_613] : memref<80x125xi32, #tpu.memory_space<vmem>> -> memref<1x125xi32, #tpu.memory_space<vmem>>
      %dma_start3A_615 = tpu.memref_squeeze %dma_start3A_614 : memref<1x125xi32, #tpu.memory_space<vmem>> -> memref<125xi32, #tpu.memory_space<vmem>>
      %dma_start3A_616 = arith.constant 0 : i32
      %dma_start3A_617 = arith.constant 0 : i32
      %dma_start3A_618 = tpu.memref_slice %arg8[%dma_start3A_616, %dma_start3A_617] : memref<10240x32xf32, #tpu.memory_space<vmem_shared>> -> memref<10240x32xf32, #tpu.memory_space<vmem_shared>>
      %dma_start3A_619 = tpu.memref_slice %arg11[%dma_start3A_608] : memref<8x!tpu.dma_semaphore, #tpu.memory_space<semaphore_mem>> -> memref<1x!tpu.dma_semaphore, #tpu.memory_space<semaphore_mem>>
      %dma_start3A_620 = tpu.memref_squeeze %dma_start3A_619 : memref<1x!tpu.dma_semaphore, #tpu.memory_space<semaphore_mem>> -> memref<!tpu.dma_semaphore, #tpu.memory_space<semaphore_mem>>
      tpu.enqueue_indirect_dma source(%dma_start3A_612 : memref<125x32xf32, #tpu.memory_space<vmem>>) target(%dma_start3A_618 : memref<10240x32xf32, #tpu.memory_space<vmem_shared>>) offsets(%dma_start3A_615 : memref<125xi32, #tpu.memory_space<vmem>>) semaphore(%dma_start3A_620 : memref<!tpu.dma_semaphore, #tpu.memory_space<semaphore_mem>>) {add = true}
      %mul3A_621 = arith.constant 8 : i32
      %mul3A_622 = arith.muli %scan3A_557, %mul3A_621 : i32
      %add3A_623 = arith.constant 2 : i32
      %add3A_624 = arith.addi %mul3A_622, %add3A_623 : i32
      %dma_wait3A_625 = arith.constant 2 : i32
      %dma_wait3A_626 = arith.constant 2 : i32
      %dma_wait3A_627 = arith.constant 0 : i32
      %dma_wait3A_628 = arith.constant 0 : i32
      %dma_wait3A_629 = tpu.memref_slice %arg7[%dma_wait3A_625, %dma_wait3A_627, %dma_wait3A_628] : memref<8x125x32xf32, #tpu.memory_space<vmem>> -> memref<1x125x32xf32, #tpu.memory_space<vmem>>
      %dma_wait3A_630 = tpu.memref_squeeze %dma_wait3A_629 : memref<1x125x32xf32, #tpu.memory_space<vmem>> -> memref<125x32xf32, #tpu.memory_space<vmem>>
      %dma_wait3A_631 = arith.constant 0 : i32
      %dma_wait3A_632 = tpu.memref_slice %arg5[%add3A_624, %dma_wait3A_631] : memref<80x125xi32, #tpu.memory_space<vmem>> -> memref<1x125xi32, #tpu.memory_space<vmem>>
      %dma_wait3A_633 = tpu.memref_squeeze %dma_wait3A_632 : memref<1x125xi32, #tpu.memory_space<vmem>> -> memref<125xi32, #tpu.memory_space<vmem>>
      %dma_wait3A_634 = arith.constant 0 : i32
      %dma_wait3A_635 = arith.constant 0 : i32
      %dma_wait3A_636 = tpu.memref_slice %arg9[%dma_wait3A_634, %dma_wait3A_635] : memref<10240x32xf32, #tpu.memory_space<vmem_shared>> -> memref<10240x32xf32, #tpu.memory_space<vmem_shared>>
      %dma_wait3A_637 = tpu.memref_slice %arg10[%dma_wait3A_626] : memref<8x!tpu.dma_semaphore, #tpu.memory_space<semaphore_mem>> -> memref<1x!tpu.dma_semaphore, #tpu.memory_space<semaphore_mem>>
      %dma_wait3A_638 = tpu.memref_squeeze %dma_wait3A_637 : memref<1x!tpu.dma_semaphore, #tpu.memory_space<semaphore_mem>> -> memref<!tpu.dma_semaphore, #tpu.memory_space<semaphore_mem>>
      tpu.wait_indirect_dma semaphore(%dma_wait3A_638 : memref<!tpu.dma_semaphore, #tpu.memory_space<semaphore_mem>>) src(%dma_wait3A_636 : memref<10240x32xf32, #tpu.memory_space<vmem_shared>>) dst(%dma_wait3A_630 : memref<125x32xf32, #tpu.memory_space<vmem>>)
      %dma_start3A_639 = arith.constant 2 : i32
      %dma_start3A_640 = arith.constant 2 : i32
      %dma_start3A_641 = arith.constant 0 : i32
      %dma_start3A_642 = arith.constant 0 : i32
      %dma_start3A_643 = tpu.memref_slice %arg7[%dma_start3A_639, %dma_start3A_641, %dma_start3A_642] : memref<8x125x32xf32, #tpu.memory_space<vmem>> -> memref<1x125x32xf32, #tpu.memory_space<vmem>>
      %dma_start3A_644 = tpu.memref_squeeze %dma_start3A_643 : memref<1x125x32xf32, #tpu.memory_space<vmem>> -> memref<125x32xf32, #tpu.memory_space<vmem>>
      %dma_start3A_645 = arith.constant 0 : i32
      %dma_start3A_646 = tpu.memref_slice %arg6[%add3A_624, %dma_start3A_645] : memref<80x125xi32, #tpu.memory_space<vmem>> -> memref<1x125xi32, #tpu.memory_space<vmem>>
      %dma_start3A_647 = tpu.memref_squeeze %dma_start3A_646 : memref<1x125xi32, #tpu.memory_space<vmem>> -> memref<125xi32, #tpu.memory_space<vmem>>
      %dma_start3A_648 = arith.constant 0 : i32
      %dma_start3A_649 = arith.constant 0 : i32
      %dma_start3A_650 = tpu.memref_slice %arg8[%dma_start3A_648, %dma_start3A_649] : memref<10240x32xf32, #tpu.memory_space<vmem_shared>> -> memref<10240x32xf32, #tpu.memory_space<vmem_shared>>
      %dma_start3A_651 = tpu.memref_slice %arg11[%dma_start3A_640] : memref<8x!tpu.dma_semaphore, #tpu.memory_space<semaphore_mem>> -> memref<1x!tpu.dma_semaphore, #tpu.memory_space<semaphore_mem>>
      %dma_start3A_652 = tpu.memref_squeeze %dma_start3A_651 : memref<1x!tpu.dma_semaphore, #tpu.memory_space<semaphore_mem>> -> memref<!tpu.dma_semaphore, #tpu.memory_space<semaphore_mem>>
      tpu.enqueue_indirect_dma source(%dma_start3A_644 : memref<125x32xf32, #tpu.memory_space<vmem>>) target(%dma_start3A_650 : memref<10240x32xf32, #tpu.memory_space<vmem_shared>>) offsets(%dma_start3A_647 : memref<125xi32, #tpu.memory_space<vmem>>) semaphore(%dma_start3A_652 : memref<!tpu.dma_semaphore, #tpu.memory_space<semaphore_mem>>) {add = true}
      %mul3A_653 = arith.constant 8 : i32
      %mul3A_654 = arith.muli %scan3A_557, %mul3A_653 : i32
      %add3A_655 = arith.constant 3 : i32
      %add3A_656 = arith.addi %mul3A_654, %add3A_655 : i32
      %dma_wait3A_657 = arith.constant 3 : i32
      %dma_wait3A_658 = arith.constant 3 : i32
      %dma_wait3A_659 = arith.constant 0 : i32
      %dma_wait3A_660 = arith.constant 0 : i32
      %dma_wait3A_661 = tpu.memref_slice %arg7[%dma_wait3A_657, %dma_wait3A_659, %dma_wait3A_660] : memref<8x125x32xf32, #tpu.memory_space<vmem>> -> memref<1x125x32xf32, #tpu.memory_space<vmem>>
      %dma_wait3A_662 = tpu.memref_squeeze %dma_wait3A_661 : memref<1x125x32xf32, #tpu.memory_space<vmem>> -> memref<125x32xf32, #tpu.memory_space<vmem>>
      %dma_wait3A_663 = arith.constant 0 : i32
      %dma_wait3A_664 = tpu.memref_slice %arg5[%add3A_656, %dma_wait3A_663] : memref<80x125xi32, #tpu.memory_space<vmem>> -> memref<1x125xi32, #tpu.memory_space<vmem>>
      %dma_wait3A_665 = tpu.memref_squeeze %dma_wait3A_664 : memref<1x125xi32, #tpu.memory_space<vmem>> -> memref<125xi32, #tpu.memory_space<vmem>>
      %dma_wait3A_666 = arith.constant 0 : i32
      %dma_wait3A_667 = arith.constant 0 : i32
      %dma_wait3A_668 = tpu.memref_slice %arg9[%dma_wait3A_666, %dma_wait3A_667] : memref<10240x32xf32, #tpu.memory_space<vmem_shared>> -> memref<10240x32xf32, #tpu.memory_space<vmem_shared>>
      %dma_wait3A_669 = tpu.memref_slice %arg10[%dma_wait3A_658] : memref<8x!tpu.dma_semaphore, #tpu.memory_space<semaphore_mem>> -> memref<1x!tpu.dma_semaphore, #tpu.memory_space<semaphore_mem>>
      %dma_wait3A_670 = tpu.memref_squeeze %dma_wait3A_669 : memref<1x!tpu.dma_semaphore, #tpu.memory_space<semaphore_mem>> -> memref<!tpu.dma_semaphore, #tpu.memory_space<semaphore_mem>>
      tpu.wait_indirect_dma semaphore(%dma_wait3A_670 : memref<!tpu.dma_semaphore, #tpu.memory_space<semaphore_mem>>) src(%dma_wait3A_668 : memref<10240x32xf32, #tpu.memory_space<vmem_shared>>) dst(%dma_wait3A_662 : memref<125x32xf32, #tpu.memory_space<vmem>>)
      %dma_start3A_671 = arith.constant 3 : i32
      %dma_start3A_672 = arith.constant 3 : i32
      %dma_start3A_673 = arith.constant 0 : i32
      %dma_start3A_674 = arith.constant 0 : i32
      %dma_start3A_675 = tpu.memref_slice %arg7[%dma_start3A_671, %dma_start3A_673, %dma_start3A_674] : memref<8x125x32xf32, #tpu.memory_space<vmem>> -> memref<1x125x32xf32, #tpu.memory_space<vmem>>
      %dma_start3A_676 = tpu.memref_squeeze %dma_start3A_675 : memref<1x125x32xf32, #tpu.memory_space<vmem>> -> memref<125x32xf32, #tpu.memory_space<vmem>>
      %dma_start3A_677 = arith.constant 0 : i32
      %dma_start3A_678 = tpu.memref_slice %arg6[%add3A_656, %dma_start3A_677] : memref<80x125xi32, #tpu.memory_space<vmem>> -> memref<1x125xi32, #tpu.memory_space<vmem>>
      %dma_start3A_679 = tpu.memref_squeeze %dma_start3A_678 : memref<1x125xi32, #tpu.memory_space<vmem>> -> memref<125xi32, #tpu.memory_space<vmem>>
      %dma_start3A_680 = arith.constant 0 : i32
      %dma_start3A_681 = arith.constant 0 : i32
      %dma_start3A_682 = tpu.memref_slice %arg8[%dma_start3A_680, %dma_start3A_681] : memref<10240x32xf32, #tpu.memory_space<vmem_shared>> -> memref<10240x32xf32, #tpu.memory_space<vmem_shared>>
      %dma_start3A_683 = tpu.memref_slice %arg11[%dma_start3A_672] : memref<8x!tpu.dma_semaphore, #tpu.memory_space<semaphore_mem>> -> memref<1x!tpu.dma_semaphore, #tpu.memory_space<semaphore_mem>>
      %dma_start3A_684 = tpu.memref_squeeze %dma_start3A_683 : memref<1x!tpu.dma_semaphore, #tpu.memory_space<semaphore_mem>> -> memref<!tpu.dma_semaphore, #tpu.memory_space<semaphore_mem>>
      tpu.enqueue_indirect_dma source(%dma_start3A_676 : memref<125x32xf32, #tpu.memory_space<vmem>>) target(%dma_start3A_682 : memref<10240x32xf32, #tpu.memory_space<vmem_shared>>) offsets(%dma_start3A_679 : memref<125xi32, #tpu.memory_space<vmem>>) semaphore(%dma_start3A_684 : memref<!tpu.dma_semaphore, #tpu.memory_space<semaphore_mem>>) {add = true}
      %mul3A_685 = arith.constant 8 : i32
      %mul3A_686 = arith.muli %scan3A_557, %mul3A_685 : i32
      %add3A_687 = arith.constant 4 : i32
      %add3A_688 = arith.addi %mul3A_686, %add3A_687 : i32
      %dma_wait3A_689 = arith.constant 4 : i32
      %dma_wait3A_690 = arith.constant 4 : i32
      %dma_wait3A_691 = arith.constant 0 : i32
      %dma_wait3A_692 = arith.constant 0 : i32
      %dma_wait3A_693 = tpu.memref_slice %arg7[%dma_wait3A_689, %dma_wait3A_691, %dma_wait3A_692] : memref<8x125x32xf32, #tpu.memory_space<vmem>> -> memref<1x125x32xf32, #tpu.memory_space<vmem>>
      %dma_wait3A_694 = tpu.memref_squeeze %dma_wait3A_693 : memref<1x125x32xf32, #tpu.memory_space<vmem>> -> memref<125x32xf32, #tpu.memory_space<vmem>>
      %dma_wait3A_695 = arith.constant 0 : i32
      %dma_wait3A_696 = tpu.memref_slice %arg5[%add3A_688, %dma_wait3A_695] : memref<80x125xi32, #tpu.memory_space<vmem>> -> memref<1x125xi32, #tpu.memory_space<vmem>>
      %dma_wait3A_697 = tpu.memref_squeeze %dma_wait3A_696 : memref<1x125xi32, #tpu.memory_space<vmem>> -> memref<125xi32, #tpu.memory_space<vmem>>
      %dma_wait3A_698 = arith.constant 0 : i32
      %dma_wait3A_699 = arith.constant 0 : i32
      %dma_wait3A_700 = tpu.memref_slice %arg9[%dma_wait3A_698, %dma_wait3A_699] : memref<10240x32xf32, #tpu.memory_space<vmem_shared>> -> memref<10240x32xf32, #tpu.memory_space<vmem_shared>>
      %dma_wait3A_701 = tpu.memref_slice %arg10[%dma_wait3A_690] : memref<8x!tpu.dma_semaphore, #tpu.memory_space<semaphore_mem>> -> memref<1x!tpu.dma_semaphore, #tpu.memory_space<semaphore_mem>>
      %dma_wait3A_702 = tpu.memref_squeeze %dma_wait3A_701 : memref<1x!tpu.dma_semaphore, #tpu.memory_space<semaphore_mem>> -> memref<!tpu.dma_semaphore, #tpu.memory_space<semaphore_mem>>
      tpu.wait_indirect_dma semaphore(%dma_wait3A_702 : memref<!tpu.dma_semaphore, #tpu.memory_space<semaphore_mem>>) src(%dma_wait3A_700 : memref<10240x32xf32, #tpu.memory_space<vmem_shared>>) dst(%dma_wait3A_694 : memref<125x32xf32, #tpu.memory_space<vmem>>)
      %dma_start3A_703 = arith.constant 4 : i32
      %dma_start3A_704 = arith.constant 4 : i32
      %dma_start3A_705 = arith.constant 0 : i32
      %dma_start3A_706 = arith.constant 0 : i32
      %dma_start3A_707 = tpu.memref_slice %arg7[%dma_start3A_703, %dma_start3A_705, %dma_start3A_706] : memref<8x125x32xf32, #tpu.memory_space<vmem>> -> memref<1x125x32xf32, #tpu.memory_space<vmem>>
      %dma_start3A_708 = tpu.memref_squeeze %dma_start3A_707 : memref<1x125x32xf32, #tpu.memory_space<vmem>> -> memref<125x32xf32, #tpu.memory_space<vmem>>
      %dma_start3A_709 = arith.constant 0 : i32
      %dma_start3A_710 = tpu.memref_slice %arg6[%add3A_688, %dma_start3A_709] : memref<80x125xi32, #tpu.memory_space<vmem>> -> memref<1x125xi32, #tpu.memory_space<vmem>>
      %dma_start3A_711 = tpu.memref_squeeze %dma_start3A_710 : memref<1x125xi32, #tpu.memory_space<vmem>> -> memref<125xi32, #tpu.memory_space<vmem>>
      %dma_start3A_712 = arith.constant 0 : i32
      %dma_start3A_713 = arith.constant 0 : i32
      %dma_start3A_714 = tpu.memref_slice %arg8[%dma_start3A_712, %dma_start3A_713] : memref<10240x32xf32, #tpu.memory_space<vmem_shared>> -> memref<10240x32xf32, #tpu.memory_space<vmem_shared>>
      %dma_start3A_715 = tpu.memref_slice %arg11[%dma_start3A_704] : memref<8x!tpu.dma_semaphore, #tpu.memory_space<semaphore_mem>> -> memref<1x!tpu.dma_semaphore, #tpu.memory_space<semaphore_mem>>
      %dma_start3A_716 = tpu.memref_squeeze %dma_start3A_715 : memref<1x!tpu.dma_semaphore, #tpu.memory_space<semaphore_mem>> -> memref<!tpu.dma_semaphore, #tpu.memory_space<semaphore_mem>>
      tpu.enqueue_indirect_dma source(%dma_start3A_708 : memref<125x32xf32, #tpu.memory_space<vmem>>) target(%dma_start3A_714 : memref<10240x32xf32, #tpu.memory_space<vmem_shared>>) offsets(%dma_start3A_711 : memref<125xi32, #tpu.memory_space<vmem>>) semaphore(%dma_start3A_716 : memref<!tpu.dma_semaphore, #tpu.memory_space<semaphore_mem>>) {add = true}
      %mul3A_717 = arith.constant 8 : i32
      %mul3A_718 = arith.muli %scan3A_557, %mul3A_717 : i32
      %add3A_719 = arith.constant 5 : i32
      %add3A_720 = arith.addi %mul3A_718, %add3A_719 : i32
      %dma_wait3A_721 = arith.constant 5 : i32
      %dma_wait3A_722 = arith.constant 5 : i32
      %dma_wait3A_723 = arith.constant 0 : i32
      %dma_wait3A_724 = arith.constant 0 : i32
      %dma_wait3A_725 = tpu.memref_slice %arg7[%dma_wait3A_721, %dma_wait3A_723, %dma_wait3A_724] : memref<8x125x32xf32, #tpu.memory_space<vmem>> -> memref<1x125x32xf32, #tpu.memory_space<vmem>>
      %dma_wait3A_726 = tpu.memref_squeeze %dma_wait3A_725 : memref<1x125x32xf32, #tpu.memory_space<vmem>> -> memref<125x32xf32, #tpu.memory_space<vmem>>
      %dma_wait3A_727 = arith.constant 0 : i32
      %dma_wait3A_728 = tpu.memref_slice %arg5[%add3A_720, %dma_wait3A_727] : memref<80x125xi32, #tpu.memory_space<vmem>> -> memref<1x125xi32, #tpu.memory_space<vmem>>
      %dma_wait3A_729 = tpu.memref_squeeze %dma_wait3A_728 : memref<1x125xi32, #tpu.memory_space<vmem>> -> memref<125xi32, #tpu.memory_space<vmem>>
      %dma_wait3A_730 = arith.constant 0 : i32
      %dma_wait3A_731 = arith.constant 0 : i32
      %dma_wait3A_732 = tpu.memref_slice %arg9[%dma_wait3A_730, %dma_wait3A_731] : memref<10240x32xf32, #tpu.memory_space<vmem_shared>> -> memref<10240x32xf32, #tpu.memory_space<vmem_shared>>
      %dma_wait3A_733 = tpu.memref_slice %arg10[%dma_wait3A_722] : memref<8x!tpu.dma_semaphore, #tpu.memory_space<semaphore_mem>> -> memref<1x!tpu.dma_semaphore, #tpu.memory_space<semaphore_mem>>
      %dma_wait3A_734 = tpu.memref_squeeze %dma_wait3A_733 : memref<1x!tpu.dma_semaphore, #tpu.memory_space<semaphore_mem>> -> memref<!tpu.dma_semaphore, #tpu.memory_space<semaphore_mem>>
      tpu.wait_indirect_dma semaphore(%dma_wait3A_734 : memref<!tpu.dma_semaphore, #tpu.memory_space<semaphore_mem>>) src(%dma_wait3A_732 : memref<10240x32xf32, #tpu.memory_space<vmem_shared>>) dst(%dma_wait3A_726 : memref<125x32xf32, #tpu.memory_space<vmem>>)
      %dma_start3A_735 = arith.constant 5 : i32
      %dma_start3A_736 = arith.constant 5 : i32
      %dma_start3A_737 = arith.constant 0 : i32
      %dma_start3A_738 = arith.constant 0 : i32
      %dma_start3A_739 = tpu.memref_slice %arg7[%dma_start3A_735, %dma_start3A_737, %dma_start3A_738] : memref<8x125x32xf32, #tpu.memory_space<vmem>> -> memref<1x125x32xf32, #tpu.memory_space<vmem>>
      %dma_start3A_740 = tpu.memref_squeeze %dma_start3A_739 : memref<1x125x32xf32, #tpu.memory_space<vmem>> -> memref<125x32xf32, #tpu.memory_space<vmem>>
      %dma_start3A_741 = arith.constant 0 : i32
      %dma_start3A_742 = tpu.memref_slice %arg6[%add3A_720, %dma_start3A_741] : memref<80x125xi32, #tpu.memory_space<vmem>> -> memref<1x125xi32, #tpu.memory_space<vmem>>
      %dma_start3A_743 = tpu.memref_squeeze %dma_start3A_742 : memref<1x125xi32, #tpu.memory_space<vmem>> -> memref<125xi32, #tpu.memory_space<vmem>>
      %dma_start3A_744 = arith.constant 0 : i32
      %dma_start3A_745 = arith.constant 0 : i32
      %dma_start3A_746 = tpu.memref_slice %arg8[%dma_start3A_744, %dma_start3A_745] : memref<10240x32xf32, #tpu.memory_space<vmem_shared>> -> memref<10240x32xf32, #tpu.memory_space<vmem_shared>>
      %dma_start3A_747 = tpu.memref_slice %arg11[%dma_start3A_736] : memref<8x!tpu.dma_semaphore, #tpu.memory_space<semaphore_mem>> -> memref<1x!tpu.dma_semaphore, #tpu.memory_space<semaphore_mem>>
      %dma_start3A_748 = tpu.memref_squeeze %dma_start3A_747 : memref<1x!tpu.dma_semaphore, #tpu.memory_space<semaphore_mem>> -> memref<!tpu.dma_semaphore, #tpu.memory_space<semaphore_mem>>
      tpu.enqueue_indirect_dma source(%dma_start3A_740 : memref<125x32xf32, #tpu.memory_space<vmem>>) target(%dma_start3A_746 : memref<10240x32xf32, #tpu.memory_space<vmem_shared>>) offsets(%dma_start3A_743 : memref<125xi32, #tpu.memory_space<vmem>>) semaphore(%dma_start3A_748 : memref<!tpu.dma_semaphore, #tpu.memory_space<semaphore_mem>>) {add = true}
      %mul3A_749 = arith.constant 8 : i32
      %mul3A_750 = arith.muli %scan3A_557, %mul3A_749 : i32
      %add3A_751 = arith.constant 6 : i32
      %add3A_752 = arith.addi %mul3A_750, %add3A_751 : i32
      %dma_wait3A_753 = arith.constant 6 : i32
      %dma_wait3A_754 = arith.constant 6 : i32
      %dma_wait3A_755 = arith.constant 0 : i32
      %dma_wait3A_756 = arith.constant 0 : i32
      %dma_wait3A_757 = tpu.memref_slice %arg7[%dma_wait3A_753, %dma_wait3A_755, %dma_wait3A_756] : memref<8x125x32xf32, #tpu.memory_space<vmem>> -> memref<1x125x32xf32, #tpu.memory_space<vmem>>
      %dma_wait3A_758 = tpu.memref_squeeze %dma_wait3A_757 : memref<1x125x32xf32, #tpu.memory_space<vmem>> -> memref<125x32xf32, #tpu.memory_space<vmem>>
      %dma_wait3A_759 = arith.constant 0 : i32
      %dma_wait3A_760 = tpu.memref_slice %arg5[%add3A_752, %dma_wait3A_759] : memref<80x125xi32, #tpu.memory_space<vmem>> -> memref<1x125xi32, #tpu.memory_space<vmem>>
      %dma_wait3A_761 = tpu.memref_squeeze %dma_wait3A_760 : memref<1x125xi32, #tpu.memory_space<vmem>> -> memref<125xi32, #tpu.memory_space<vmem>>
      %dma_wait3A_762 = arith.constant 0 : i32
      %dma_wait3A_763 = arith.constant 0 : i32
      %dma_wait3A_764 = tpu.memref_slice %arg9[%dma_wait3A_762, %dma_wait3A_763] : memref<10240x32xf32, #tpu.memory_space<vmem_shared>> -> memref<10240x32xf32, #tpu.memory_space<vmem_shared>>
      %dma_wait3A_765 = tpu.memref_slice %arg10[%dma_wait3A_754] : memref<8x!tpu.dma_semaphore, #tpu.memory_space<semaphore_mem>> -> memref<1x!tpu.dma_semaphore, #tpu.memory_space<semaphore_mem>>
      %dma_wait3A_766 = tpu.memref_squeeze %dma_wait3A_765 : memref<1x!tpu.dma_semaphore, #tpu.memory_space<semaphore_mem>> -> memref<!tpu.dma_semaphore, #tpu.memory_space<semaphore_mem>>
      tpu.wait_indirect_dma semaphore(%dma_wait3A_766 : memref<!tpu.dma_semaphore, #tpu.memory_space<semaphore_mem>>) src(%dma_wait3A_764 : memref<10240x32xf32, #tpu.memory_space<vmem_shared>>) dst(%dma_wait3A_758 : memref<125x32xf32, #tpu.memory_space<vmem>>)
      %dma_start3A_767 = arith.constant 6 : i32
      %dma_start3A_768 = arith.constant 6 : i32
      %dma_start3A_769 = arith.constant 0 : i32
      %dma_start3A_770 = arith.constant 0 : i32
      %dma_start3A_771 = tpu.memref_slice %arg7[%dma_start3A_767, %dma_start3A_769, %dma_start3A_770] : memref<8x125x32xf32, #tpu.memory_space<vmem>> -> memref<1x125x32xf32, #tpu.memory_space<vmem>>
      %dma_start3A_772 = tpu.memref_squeeze %dma_start3A_771 : memref<1x125x32xf32, #tpu.memory_space<vmem>> -> memref<125x32xf32, #tpu.memory_space<vmem>>
      %dma_start3A_773 = arith.constant 0 : i32
      %dma_start3A_774 = tpu.memref_slice %arg6[%add3A_752, %dma_start3A_773] : memref<80x125xi32, #tpu.memory_space<vmem>> -> memref<1x125xi32, #tpu.memory_space<vmem>>
      %dma_start3A_775 = tpu.memref_squeeze %dma_start3A_774 : memref<1x125xi32, #tpu.memory_space<vmem>> -> memref<125xi32, #tpu.memory_space<vmem>>
      %dma_start3A_776 = arith.constant 0 : i32
      %dma_start3A_777 = arith.constant 0 : i32
      %dma_start3A_778 = tpu.memref_slice %arg8[%dma_start3A_776, %dma_start3A_777] : memref<10240x32xf32, #tpu.memory_space<vmem_shared>> -> memref<10240x32xf32, #tpu.memory_space<vmem_shared>>
      %dma_start3A_779 = tpu.memref_slice %arg11[%dma_start3A_768] : memref<8x!tpu.dma_semaphore, #tpu.memory_space<semaphore_mem>> -> memref<1x!tpu.dma_semaphore, #tpu.memory_space<semaphore_mem>>
      %dma_start3A_780 = tpu.memref_squeeze %dma_start3A_779 : memref<1x!tpu.dma_semaphore, #tpu.memory_space<semaphore_mem>> -> memref<!tpu.dma_semaphore, #tpu.memory_space<semaphore_mem>>
      tpu.enqueue_indirect_dma source(%dma_start3A_772 : memref<125x32xf32, #tpu.memory_space<vmem>>) target(%dma_start3A_778 : memref<10240x32xf32, #tpu.memory_space<vmem_shared>>) offsets(%dma_start3A_775 : memref<125xi32, #tpu.memory_space<vmem>>) semaphore(%dma_start3A_780 : memref<!tpu.dma_semaphore, #tpu.memory_space<semaphore_mem>>) {add = true}
      %mul3A_781 = arith.constant 8 : i32
      %mul3A_782 = arith.muli %scan3A_557, %mul3A_781 : i32
      %add3A_783 = arith.constant 7 : i32
      %add3A_784 = arith.addi %mul3A_782, %add3A_783 : i32
      %dma_wait3A_785 = arith.constant 7 : i32
      %dma_wait3A_786 = arith.constant 7 : i32
      %dma_wait3A_787 = arith.constant 0 : i32
      %dma_wait3A_788 = arith.constant 0 : i32
      %dma_wait3A_789 = tpu.memref_slice %arg7[%dma_wait3A_785, %dma_wait3A_787, %dma_wait3A_788] : memref<8x125x32xf32, #tpu.memory_space<vmem>> -> memref<1x125x32xf32, #tpu.memory_space<vmem>>
      %dma_wait3A_790 = tpu.memref_squeeze %dma_wait3A_789 : memref<1x125x32xf32, #tpu.memory_space<vmem>> -> memref<125x32xf32, #tpu.memory_space<vmem>>
      %dma_wait3A_791 = arith.constant 0 : i32
      %dma_wait3A_792 = tpu.memref_slice %arg5[%add3A_784, %dma_wait3A_791] : memref<80x125xi32, #tpu.memory_space<vmem>> -> memref<1x125xi32, #tpu.memory_space<vmem>>
      %dma_wait3A_793 = tpu.memref_squeeze %dma_wait3A_792 : memref<1x125xi32, #tpu.memory_space<vmem>> -> memref<125xi32, #tpu.memory_space<vmem>>
      %dma_wait3A_794 = arith.constant 0 : i32
      %dma_wait3A_795 = arith.constant 0 : i32
      %dma_wait3A_796 = tpu.memref_slice %arg9[%dma_wait3A_794, %dma_wait3A_795] : memref<10240x32xf32, #tpu.memory_space<vmem_shared>> -> memref<10240x32xf32, #tpu.memory_space<vmem_shared>>
      %dma_wait3A_797 = tpu.memref_slice %arg10[%dma_wait3A_786] : memref<8x!tpu.dma_semaphore, #tpu.memory_space<semaphore_mem>> -> memref<1x!tpu.dma_semaphore, #tpu.memory_space<semaphore_mem>>
      %dma_wait3A_798 = tpu.memref_squeeze %dma_wait3A_797 : memref<1x!tpu.dma_semaphore, #tpu.memory_space<semaphore_mem>> -> memref<!tpu.dma_semaphore, #tpu.memory_space<semaphore_mem>>
      tpu.wait_indirect_dma semaphore(%dma_wait3A_798 : memref<!tpu.dma_semaphore, #tpu.memory_space<semaphore_mem>>) src(%dma_wait3A_796 : memref<10240x32xf32, #tpu.memory_space<vmem_shared>>) dst(%dma_wait3A_790 : memref<125x32xf32, #tpu.memory_space<vmem>>)
      %dma_start3A_799 = arith.constant 7 : i32
      %dma_start3A_800 = arith.constant 7 : i32
      %dma_start3A_801 = arith.constant 0 : i32
      %dma_start3A_802 = arith.constant 0 : i32
      %dma_start3A_803 = tpu.memref_slice %arg7[%dma_start3A_799, %dma_start3A_801, %dma_start3A_802] : memref<8x125x32xf32, #tpu.memory_space<vmem>> -> memref<1x125x32xf32, #tpu.memory_space<vmem>>
      %dma_start3A_804 = tpu.memref_squeeze %dma_start3A_803 : memref<1x125x32xf32, #tpu.memory_space<vmem>> -> memref<125x32xf32, #tpu.memory_space<vmem>>
      %dma_start3A_805 = arith.constant 0 : i32
      %dma_start3A_806 = tpu.memref_slice %arg6[%add3A_784, %dma_start3A_805] : memref<80x125xi32, #tpu.memory_space<vmem>> -> memref<1x125xi32, #tpu.memory_space<vmem>>
      %dma_start3A_807 = tpu.memref_squeeze %dma_start3A_806 : memref<1x125xi32, #tpu.memory_space<vmem>> -> memref<125xi32, #tpu.memory_space<vmem>>
      %dma_start3A_808 = arith.constant 0 : i32
      %dma_start3A_809 = arith.constant 0 : i32
      %dma_start3A_810 = tpu.memref_slice %arg8[%dma_start3A_808, %dma_start3A_809] : memref<10240x32xf32, #tpu.memory_space<vmem_shared>> -> memref<10240x32xf32, #tpu.memory_space<vmem_shared>>
      %dma_start3A_811 = tpu.memref_slice %arg11[%dma_start3A_800] : memref<8x!tpu.dma_semaphore, #tpu.memory_space<semaphore_mem>> -> memref<1x!tpu.dma_semaphore, #tpu.memory_space<semaphore_mem>>
      %dma_start3A_812 = tpu.memref_squeeze %dma_start3A_811 : memref<1x!tpu.dma_semaphore, #tpu.memory_space<semaphore_mem>> -> memref<!tpu.dma_semaphore, #tpu.memory_space<semaphore_mem>>
      tpu.enqueue_indirect_dma source(%dma_start3A_804 : memref<125x32xf32, #tpu.memory_space<vmem>>) target(%dma_start3A_810 : memref<10240x32xf32, #tpu.memory_space<vmem_shared>>) offsets(%dma_start3A_807 : memref<125xi32, #tpu.memory_space<vmem>>) semaphore(%dma_start3A_812 : memref<!tpu.dma_semaphore, #tpu.memory_space<semaphore_mem>>) {add = true}
      %mul3A_813 = arith.constant 8 : i32
      %mul3A_814 = arith.muli %scan3A_557, %mul3A_813 : i32
      %add3A_815 = arith.constant 0 : i32
      %add3A_816 = arith.addi %mul3A_814, %add3A_815 : i32
      %dma_wait3A_817 = arith.constant 0 : i32
      %dma_wait3A_818 = arith.constant 0 : i32
      %dma_wait3A_819 = arith.constant 0 : i32
      %dma_wait3A_820 = arith.constant 0 : i32
      %dma_wait3A_821 = tpu.memref_slice %arg7[%dma_wait3A_817, %dma_wait3A_819, %dma_wait3A_820] : memref<8x125x32xf32, #tpu.memory_space<vmem>> -> memref<1x125x32xf32, #tpu.memory_space<vmem>>
      %dma_wait3A_822 = tpu.memref_squeeze %dma_wait3A_821 : memref<1x125x32xf32, #tpu.memory_space<vmem>> -> memref<125x32xf32, #tpu.memory_space<vmem>>
      %dma_wait3A_823 = arith.constant 0 : i32
      %dma_wait3A_824 = tpu.memref_slice %arg6[%add3A_816, %dma_wait3A_823] : memref<80x125xi32, #tpu.memory_space<vmem>> -> memref<1x125xi32, #tpu.memory_space<vmem>>
      %dma_wait3A_825 = tpu.memref_squeeze %dma_wait3A_824 : memref<1x125xi32, #tpu.memory_space<vmem>> -> memref<125xi32, #tpu.memory_space<vmem>>
      %dma_wait3A_826 = arith.constant 0 : i32
      %dma_wait3A_827 = arith.constant 0 : i32
      %dma_wait3A_828 = tpu.memref_slice %arg8[%dma_wait3A_826, %dma_wait3A_827] : memref<10240x32xf32, #tpu.memory_space<vmem_shared>> -> memref<10240x32xf32, #tpu.memory_space<vmem_shared>>
      %dma_wait3A_829 = tpu.memref_slice %arg11[%dma_wait3A_818] : memref<8x!tpu.dma_semaphore, #tpu.memory_space<semaphore_mem>> -> memref<1x!tpu.dma_semaphore, #tpu.memory_space<semaphore_mem>>
      %dma_wait3A_830 = tpu.memref_squeeze %dma_wait3A_829 : memref<1x!tpu.dma_semaphore, #tpu.memory_space<semaphore_mem>> -> memref<!tpu.dma_semaphore, #tpu.memory_space<semaphore_mem>>
      tpu.wait_indirect_dma semaphore(%dma_wait3A_830 : memref<!tpu.dma_semaphore, #tpu.memory_space<semaphore_mem>>) src(%dma_wait3A_822 : memref<125x32xf32, #tpu.memory_space<vmem>>) dst(%dma_wait3A_828 : memref<10240x32xf32, #tpu.memory_space<vmem_shared>>)
      %add3A_831 = arith.constant 8 : i32
      %add3A_832 = arith.addi %add3A_816, %add3A_831 : i32
      %dma_start3A_833 = arith.constant 0 : i32
      %dma_start3A_834 = arith.constant 0 : i32
      %dma_start3A_835 = arith.constant 0 : i32
      %dma_start3A_836 = arith.constant 0 : i32
      %dma_start3A_837 = tpu.memref_slice %arg7[%dma_start3A_833, %dma_start3A_835, %dma_start3A_836] : memref<8x125x32xf32, #tpu.memory_space<vmem>> -> memref<1x125x32xf32, #tpu.memory_space<vmem>>
      %dma_start3A_838 = tpu.memref_squeeze %dma_start3A_837 : memref<1x125x32xf32, #tpu.memory_space<vmem>> -> memref<125x32xf32, #tpu.memory_space<vmem>>
      %dma_start3A_839 = arith.constant 0 : i32
      %dma_start3A_840 = tpu.memref_slice %arg5[%add3A_832, %dma_start3A_839] : memref<80x125xi32, #tpu.memory_space<vmem>> -> memref<1x125xi32, #tpu.memory_space<vmem>>
      %dma_start3A_841 = tpu.memref_squeeze %dma_start3A_840 : memref<1x125xi32, #tpu.memory_space<vmem>> -> memref<125xi32, #tpu.memory_space<vmem>>
      %dma_start3A_842 = arith.constant 0 : i32
      %dma_start3A_843 = arith.constant 0 : i32
      %dma_start3A_844 = tpu.memref_slice %arg9[%dma_start3A_842, %dma_start3A_843] : memref<10240x32xf32, #tpu.memory_space<vmem_shared>> -> memref<10240x32xf32, #tpu.memory_space<vmem_shared>>
      %dma_start3A_845 = tpu.memref_slice %arg10[%dma_start3A_834] : memref<8x!tpu.dma_semaphore, #tpu.memory_space<semaphore_mem>> -> memref<1x!tpu.dma_semaphore, #tpu.memory_space<semaphore_mem>>
      %dma_start3A_846 = tpu.memref_squeeze %dma_start3A_845 : memref<1x!tpu.dma_semaphore, #tpu.memory_space<semaphore_mem>> -> memref<!tpu.dma_semaphore, #tpu.memory_space<semaphore_mem>>
      tpu.enqueue_indirect_dma source(%dma_start3A_844 : memref<10240x32xf32, #tpu.memory_space<vmem_shared>>) target(%dma_start3A_838 : memref<125x32xf32, #tpu.memory_space<vmem>>) offsets(%dma_start3A_841 : memref<125xi32, #tpu.memory_space<vmem>>) semaphore(%dma_start3A_846 : memref<!tpu.dma_semaphore, #tpu.memory_space<semaphore_mem>>)
      %mul3A_847 = arith.constant 8 : i32
      %mul3A_848 = arith.muli %scan3A_557, %mul3A_847 : i32
      %add3A_849 = arith.constant 1 : i32
      %add3A_850 = arith.addi %mul3A_848, %add3A_849 : i32
      %dma_wait3A_851 = arith.constant 1 : i32
      %dma_wait3A_852 = arith.constant 1 : i32
      %dma_wait3A_853 = arith.constant 0 : i32
      %dma_wait3A_854 = arith.constant 0 : i32
      %dma_wait3A_855 = tpu.memref_slice %arg7[%dma_wait3A_851, %dma_wait3A_853, %dma_wait3A_854] : memref<8x125x32xf32, #tpu.memory_space<vmem>> -> memref<1x125x32xf32, #tpu.memory_space<vmem>>
      %dma_wait3A_856 = tpu.memref_squeeze %dma_wait3A_855 : memref<1x125x32xf32, #tpu.memory_space<vmem>> -> memref<125x32xf32, #tpu.memory_space<vmem>>
      %dma_wait3A_857 = arith.constant 0 : i32
      %dma_wait3A_858 = tpu.memref_slice %arg6[%add3A_850, %dma_wait3A_857] : memref<80x125xi32, #tpu.memory_space<vmem>> -> memref<1x125xi32, #tpu.memory_space<vmem>>
      %dma_wait3A_859 = tpu.memref_squeeze %dma_wait3A_858 : memref<1x125xi32, #tpu.memory_space<vmem>> -> memref<125xi32, #tpu.memory_space<vmem>>
      %dma_wait3A_860 = arith.constant 0 : i32
      %dma_wait3A_861 = arith.constant 0 : i32
      %dma_wait3A_862 = tpu.memref_slice %arg8[%dma_wait3A_860, %dma_wait3A_861] : memref<10240x32xf32, #tpu.memory_space<vmem_shared>> -> memref<10240x32xf32, #tpu.memory_space<vmem_shared>>
      %dma_wait3A_863 = tpu.memref_slice %arg11[%dma_wait3A_852] : memref<8x!tpu.dma_semaphore, #tpu.memory_space<semaphore_mem>> -> memref<1x!tpu.dma_semaphore, #tpu.memory_space<semaphore_mem>>
      %dma_wait3A_864 = tpu.memref_squeeze %dma_wait3A_863 : memref<1x!tpu.dma_semaphore, #tpu.memory_space<semaphore_mem>> -> memref<!tpu.dma_semaphore, #tpu.memory_space<semaphore_mem>>
      tpu.wait_indirect_dma semaphore(%dma_wait3A_864 : memref<!tpu.dma_semaphore, #tpu.memory_space<semaphore_mem>>) src(%dma_wait3A_856 : memref<125x32xf32, #tpu.memory_space<vmem>>) dst(%dma_wait3A_862 : memref<10240x32xf32, #tpu.memory_space<vmem_shared>>)
      %add3A_865 = arith.constant 8 : i32
      %add3A_866 = arith.addi %add3A_850, %add3A_865 : i32
      %dma_start3A_867 = arith.constant 1 : i32
      %dma_start3A_868 = arith.constant 1 : i32
      %dma_start3A_869 = arith.constant 0 : i32
      %dma_start3A_870 = arith.constant 0 : i32
      %dma_start3A_871 = tpu.memref_slice %arg7[%dma_start3A_867, %dma_start3A_869, %dma_start3A_870] : memref<8x125x32xf32, #tpu.memory_space<vmem>> -> memref<1x125x32xf32, #tpu.memory_space<vmem>>
      %dma_start3A_872 = tpu.memref_squeeze %dma_start3A_871 : memref<1x125x32xf32, #tpu.memory_space<vmem>> -> memref<125x32xf32, #tpu.memory_space<vmem>>
      %dma_start3A_873 = arith.constant 0 : i32
      %dma_start3A_874 = tpu.memref_slice %arg5[%add3A_866, %dma_start3A_873] : memref<80x125xi32, #tpu.memory_space<vmem>> -> memref<1x125xi32, #tpu.memory_space<vmem>>
      %dma_start3A_875 = tpu.memref_squeeze %dma_start3A_874 : memref<1x125xi32, #tpu.memory_space<vmem>> -> memref<125xi32, #tpu.memory_space<vmem>>
      %dma_start3A_876 = arith.constant 0 : i32
      %dma_start3A_877 = arith.constant 0 : i32
      %dma_start3A_878 = tpu.memref_slice %arg9[%dma_start3A_876, %dma_start3A_877] : memref<10240x32xf32, #tpu.memory_space<vmem_shared>> -> memref<10240x32xf32, #tpu.memory_space<vmem_shared>>
      %dma_start3A_879 = tpu.memref_slice %arg10[%dma_start3A_868] : memref<8x!tpu.dma_semaphore, #tpu.memory_space<semaphore_mem>> -> memref<1x!tpu.dma_semaphore, #tpu.memory_space<semaphore_mem>>
      %dma_start3A_880 = tpu.memref_squeeze %dma_start3A_879 : memref<1x!tpu.dma_semaphore, #tpu.memory_space<semaphore_mem>> -> memref<!tpu.dma_semaphore, #tpu.memory_space<semaphore_mem>>
      tpu.enqueue_indirect_dma source(%dma_start3A_878 : memref<10240x32xf32, #tpu.memory_space<vmem_shared>>) target(%dma_start3A_872 : memref<125x32xf32, #tpu.memory_space<vmem>>) offsets(%dma_start3A_875 : memref<125xi32, #tpu.memory_space<vmem>>) semaphore(%dma_start3A_880 : memref<!tpu.dma_semaphore, #tpu.memory_space<semaphore_mem>>)
      %mul3A_881 = arith.constant 8 : i32
      %mul3A_882 = arith.muli %scan3A_557, %mul3A_881 : i32
      %add3A_883 = arith.constant 2 : i32
      %add3A_884 = arith.addi %mul3A_882, %add3A_883 : i32
      %dma_wait3A_885 = arith.constant 2 : i32
      %dma_wait3A_886 = arith.constant 2 : i32
      %dma_wait3A_887 = arith.constant 0 : i32
      %dma_wait3A_888 = arith.constant 0 : i32
      %dma_wait3A_889 = tpu.memref_slice %arg7[%dma_wait3A_885, %dma_wait3A_887, %dma_wait3A_888] : memref<8x125x32xf32, #tpu.memory_space<vmem>> -> memref<1x125x32xf32, #tpu.memory_space<vmem>>
      %dma_wait3A_890 = tpu.memref_squeeze %dma_wait3A_889 : memref<1x125x32xf32, #tpu.memory_space<vmem>> -> memref<125x32xf32, #tpu.memory_space<vmem>>
      %dma_wait3A_891 = arith.constant 0 : i32
      %dma_wait3A_892 = tpu.memref_slice %arg6[%add3A_884, %dma_wait3A_891] : memref<80x125xi32, #tpu.memory_space<vmem>> -> memref<1x125xi32, #tpu.memory_space<vmem>>
      %dma_wait3A_893 = tpu.memref_squeeze %dma_wait3A_892 : memref<1x125xi32, #tpu.memory_space<vmem>> -> memref<125xi32, #tpu.memory_space<vmem>>
      %dma_wait3A_894 = arith.constant 0 : i32
      %dma_wait3A_895 = arith.constant 0 : i32
      %dma_wait3A_896 = tpu.memref_slice %arg8[%dma_wait3A_894, %dma_wait3A_895] : memref<10240x32xf32, #tpu.memory_space<vmem_shared>> -> memref<10240x32xf32, #tpu.memory_space<vmem_shared>>
      %dma_wait3A_897 = tpu.memref_slice %arg11[%dma_wait3A_886] : memref<8x!tpu.dma_semaphore, #tpu.memory_space<semaphore_mem>> -> memref<1x!tpu.dma_semaphore, #tpu.memory_space<semaphore_mem>>
      %dma_wait3A_898 = tpu.memref_squeeze %dma_wait3A_897 : memref<1x!tpu.dma_semaphore, #tpu.memory_space<semaphore_mem>> -> memref<!tpu.dma_semaphore, #tpu.memory_space<semaphore_mem>>
      tpu.wait_indirect_dma semaphore(%dma_wait3A_898 : memref<!tpu.dma_semaphore, #tpu.memory_space<semaphore_mem>>) src(%dma_wait3A_890 : memref<125x32xf32, #tpu.memory_space<vmem>>) dst(%dma_wait3A_896 : memref<10240x32xf32, #tpu.memory_space<vmem_shared>>)
      %add3A_899 = arith.constant 8 : i32
      %add3A_900 = arith.addi %add3A_884, %add3A_899 : i32
      %dma_start3A_901 = arith.constant 2 : i32
      %dma_start3A_902 = arith.constant 2 : i32
      %dma_start3A_903 = arith.constant 0 : i32
      %dma_start3A_904 = arith.constant 0 : i32
      %dma_start3A_905 = tpu.memref_slice %arg7[%dma_start3A_901, %dma_start3A_903, %dma_start3A_904] : memref<8x125x32xf32, #tpu.memory_space<vmem>> -> memref<1x125x32xf32, #tpu.memory_space<vmem>>
      %dma_start3A_906 = tpu.memref_squeeze %dma_start3A_905 : memref<1x125x32xf32, #tpu.memory_space<vmem>> -> memref<125x32xf32, #tpu.memory_space<vmem>>
      %dma_start3A_907 = arith.constant 0 : i32
      %dma_start3A_908 = tpu.memref_slice %arg5[%add3A_900, %dma_start3A_907] : memref<80x125xi32, #tpu.memory_space<vmem>> -> memref<1x125xi32, #tpu.memory_space<vmem>>
      %dma_start3A_909 = tpu.memref_squeeze %dma_start3A_908 : memref<1x125xi32, #tpu.memory_space<vmem>> -> memref<125xi32, #tpu.memory_space<vmem>>
      %dma_start3A_910 = arith.constant 0 : i32
      %dma_start3A_911 = arith.constant 0 : i32
      %dma_start3A_912 = tpu.memref_slice %arg9[%dma_start3A_910, %dma_start3A_911] : memref<10240x32xf32, #tpu.memory_space<vmem_shared>> -> memref<10240x32xf32, #tpu.memory_space<vmem_shared>>
      %dma_start3A_913 = tpu.memref_slice %arg10[%dma_start3A_902] : memref<8x!tpu.dma_semaphore, #tpu.memory_space<semaphore_mem>> -> memref<1x!tpu.dma_semaphore, #tpu.memory_space<semaphore_mem>>
      %dma_start3A_914 = tpu.memref_squeeze %dma_start3A_913 : memref<1x!tpu.dma_semaphore, #tpu.memory_space<semaphore_mem>> -> memref<!tpu.dma_semaphore, #tpu.memory_space<semaphore_mem>>
      tpu.enqueue_indirect_dma source(%dma_start3A_912 : memref<10240x32xf32, #tpu.memory_space<vmem_shared>>) target(%dma_start3A_906 : memref<125x32xf32, #tpu.memory_space<vmem>>) offsets(%dma_start3A_909 : memref<125xi32, #tpu.memory_space<vmem>>) semaphore(%dma_start3A_914 : memref<!tpu.dma_semaphore, #tpu.memory_space<semaphore_mem>>)
      %mul3A_915 = arith.constant 8 : i32
      %mul3A_916 = arith.muli %scan3A_557, %mul3A_915 : i32
      %add3A_917 = arith.constant 3 : i32
      %add3A_918 = arith.addi %mul3A_916, %add3A_917 : i32
      %dma_wait3A_919 = arith.constant 3 : i32
      %dma_wait3A_920 = arith.constant 3 : i32
      %dma_wait3A_921 = arith.constant 0 : i32
      %dma_wait3A_922 = arith.constant 0 : i32
      %dma_wait3A_923 = tpu.memref_slice %arg7[%dma_wait3A_919, %dma_wait3A_921, %dma_wait3A_922] : memref<8x125x32xf32, #tpu.memory_space<vmem>> -> memref<1x125x32xf32, #tpu.memory_space<vmem>>
      %dma_wait3A_924 = tpu.memref_squeeze %dma_wait3A_923 : memref<1x125x32xf32, #tpu.memory_space<vmem>> -> memref<125x32xf32, #tpu.memory_space<vmem>>
      %dma_wait3A_925 = arith.constant 0 : i32
      %dma_wait3A_926 = tpu.memref_slice %arg6[%add3A_918, %dma_wait3A_925] : memref<80x125xi32, #tpu.memory_space<vmem>> -> memref<1x125xi32, #tpu.memory_space<vmem>>
      %dma_wait3A_927 = tpu.memref_squeeze %dma_wait3A_926 : memref<1x125xi32, #tpu.memory_space<vmem>> -> memref<125xi32, #tpu.memory_space<vmem>>
      %dma_wait3A_928 = arith.constant 0 : i32
      %dma_wait3A_929 = arith.constant 0 : i32
      %dma_wait3A_930 = tpu.memref_slice %arg8[%dma_wait3A_928, %dma_wait3A_929] : memref<10240x32xf32, #tpu.memory_space<vmem_shared>> -> memref<10240x32xf32, #tpu.memory_space<vmem_shared>>
      %dma_wait3A_931 = tpu.memref_slice %arg11[%dma_wait3A_920] : memref<8x!tpu.dma_semaphore, #tpu.memory_space<semaphore_mem>> -> memref<1x!tpu.dma_semaphore, #tpu.memory_space<semaphore_mem>>
      %dma_wait3A_932 = tpu.memref_squeeze %dma_wait3A_931 : memref<1x!tpu.dma_semaphore, #tpu.memory_space<semaphore_mem>> -> memref<!tpu.dma_semaphore, #tpu.memory_space<semaphore_mem>>
      tpu.wait_indirect_dma semaphore(%dma_wait3A_932 : memref<!tpu.dma_semaphore, #tpu.memory_space<semaphore_mem>>) src(%dma_wait3A_924 : memref<125x32xf32, #tpu.memory_space<vmem>>) dst(%dma_wait3A_930 : memref<10240x32xf32, #tpu.memory_space<vmem_shared>>)
      %add3A_933 = arith.constant 8 : i32
      %add3A_934 = arith.addi %add3A_918, %add3A_933 : i32
      %dma_start3A_935 = arith.constant 3 : i32
      %dma_start3A_936 = arith.constant 3 : i32
      %dma_start3A_937 = arith.constant 0 : i32
      %dma_start3A_938 = arith.constant 0 : i32
      %dma_start3A_939 = tpu.memref_slice %arg7[%dma_start3A_935, %dma_start3A_937, %dma_start3A_938] : memref<8x125x32xf32, #tpu.memory_space<vmem>> -> memref<1x125x32xf32, #tpu.memory_space<vmem>>
      %dma_start3A_940 = tpu.memref_squeeze %dma_start3A_939 : memref<1x125x32xf32, #tpu.memory_space<vmem>> -> memref<125x32xf32, #tpu.memory_space<vmem>>
      %dma_start3A_941 = arith.constant 0 : i32
      %dma_start3A_942 = tpu.memref_slice %arg5[%add3A_934, %dma_start3A_941] : memref<80x125xi32, #tpu.memory_space<vmem>> -> memref<1x125xi32, #tpu.memory_space<vmem>>
      %dma_start3A_943 = tpu.memref_squeeze %dma_start3A_942 : memref<1x125xi32, #tpu.memory_space<vmem>> -> memref<125xi32, #tpu.memory_space<vmem>>
      %dma_start3A_944 = arith.constant 0 : i32
      %dma_start3A_945 = arith.constant 0 : i32
      %dma_start3A_946 = tpu.memref_slice %arg9[%dma_start3A_944, %dma_start3A_945] : memref<10240x32xf32, #tpu.memory_space<vmem_shared>> -> memref<10240x32xf32, #tpu.memory_space<vmem_shared>>
      %dma_start3A_947 = tpu.memref_slice %arg10[%dma_start3A_936] : memref<8x!tpu.dma_semaphore, #tpu.memory_space<semaphore_mem>> -> memref<1x!tpu.dma_semaphore, #tpu.memory_space<semaphore_mem>>
      %dma_start3A_948 = tpu.memref_squeeze %dma_start3A_947 : memref<1x!tpu.dma_semaphore, #tpu.memory_space<semaphore_mem>> -> memref<!tpu.dma_semaphore, #tpu.memory_space<semaphore_mem>>
      tpu.enqueue_indirect_dma source(%dma_start3A_946 : memref<10240x32xf32, #tpu.memory_space<vmem_shared>>) target(%dma_start3A_940 : memref<125x32xf32, #tpu.memory_space<vmem>>) offsets(%dma_start3A_943 : memref<125xi32, #tpu.memory_space<vmem>>) semaphore(%dma_start3A_948 : memref<!tpu.dma_semaphore, #tpu.memory_space<semaphore_mem>>)
      %mul3A_949 = arith.constant 8 : i32
      %mul3A_950 = arith.muli %scan3A_557, %mul3A_949 : i32
      %add3A_951 = arith.constant 4 : i32
      %add3A_952 = arith.addi %mul3A_950, %add3A_951 : i32
      %dma_wait3A_953 = arith.constant 4 : i32
      %dma_wait3A_954 = arith.constant 4 : i32
      %dma_wait3A_955 = arith.constant 0 : i32
      %dma_wait3A_956 = arith.constant 0 : i32
      %dma_wait3A_957 = tpu.memref_slice %arg7[%dma_wait3A_953, %dma_wait3A_955, %dma_wait3A_956] : memref<8x125x32xf32, #tpu.memory_space<vmem>> -> memref<1x125x32xf32, #tpu.memory_space<vmem>>
      %dma_wait3A_958 = tpu.memref_squeeze %dma_wait3A_957 : memref<1x125x32xf32, #tpu.memory_space<vmem>> -> memref<125x32xf32, #tpu.memory_space<vmem>>
      %dma_wait3A_959 = arith.constant 0 : i32
      %dma_wait3A_960 = tpu.memref_slice %arg6[%add3A_952, %dma_wait3A_959] : memref<80x125xi32, #tpu.memory_space<vmem>> -> memref<1x125xi32, #tpu.memory_space<vmem>>
      %dma_wait3A_961 = tpu.memref_squeeze %dma_wait3A_960 : memref<1x125xi32, #tpu.memory_space<vmem>> -> memref<125xi32, #tpu.memory_space<vmem>>
      %dma_wait3A_962 = arith.constant 0 : i32
      %dma_wait3A_963 = arith.constant 0 : i32
      %dma_wait3A_964 = tpu.memref_slice %arg8[%dma_wait3A_962, %dma_wait3A_963] : memref<10240x32xf32, #tpu.memory_space<vmem_shared>> -> memref<10240x32xf32, #tpu.memory_space<vmem_shared>>
      %dma_wait3A_965 = tpu.memref_slice %arg11[%dma_wait3A_954] : memref<8x!tpu.dma_semaphore, #tpu.memory_space<semaphore_mem>> -> memref<1x!tpu.dma_semaphore, #tpu.memory_space<semaphore_mem>>
      %dma_wait3A_966 = tpu.memref_squeeze %dma_wait3A_965 : memref<1x!tpu.dma_semaphore, #tpu.memory_space<semaphore_mem>> -> memref<!tpu.dma_semaphore, #tpu.memory_space<semaphore_mem>>
      tpu.wait_indirect_dma semaphore(%dma_wait3A_966 : memref<!tpu.dma_semaphore, #tpu.memory_space<semaphore_mem>>) src(%dma_wait3A_958 : memref<125x32xf32, #tpu.memory_space<vmem>>) dst(%dma_wait3A_964 : memref<10240x32xf32, #tpu.memory_space<vmem_shared>>)
      %add3A_967 = arith.constant 8 : i32
      %add3A_968 = arith.addi %add3A_952, %add3A_967 : i32
      %dma_start3A_969 = arith.constant 4 : i32
      %dma_start3A_970 = arith.constant 4 : i32
      %dma_start3A_971 = arith.constant 0 : i32
      %dma_start3A_972 = arith.constant 0 : i32
      %dma_start3A_973 = tpu.memref_slice %arg7[%dma_start3A_969, %dma_start3A_971, %dma_start3A_972] : memref<8x125x32xf32, #tpu.memory_space<vmem>> -> memref<1x125x32xf32, #tpu.memory_space<vmem>>
      %dma_start3A_974 = tpu.memref_squeeze %dma_start3A_973 : memref<1x125x32xf32, #tpu.memory_space<vmem>> -> memref<125x32xf32, #tpu.memory_space<vmem>>
      %dma_start3A_975 = arith.constant 0 : i32
      %dma_start3A_976 = tpu.memref_slice %arg5[%add3A_968, %dma_start3A_975] : memref<80x125xi32, #tpu.memory_space<vmem>> -> memref<1x125xi32, #tpu.memory_space<vmem>>
      %dma_start3A_977 = tpu.memref_squeeze %dma_start3A_976 : memref<1x125xi32, #tpu.memory_space<vmem>> -> memref<125xi32, #tpu.memory_space<vmem>>
      %dma_start3A_978 = arith.constant 0 : i32
      %dma_start3A_979 = arith.constant 0 : i32
      %dma_start3A_980 = tpu.memref_slice %arg9[%dma_start3A_978, %dma_start3A_979] : memref<10240x32xf32, #tpu.memory_space<vmem_shared>> -> memref<10240x32xf32, #tpu.memory_space<vmem_shared>>
      %dma_start3A_981 = tpu.memref_slice %arg10[%dma_start3A_970] : memref<8x!tpu.dma_semaphore, #tpu.memory_space<semaphore_mem>> -> memref<1x!tpu.dma_semaphore, #tpu.memory_space<semaphore_mem>>
      %dma_start3A_982 = tpu.memref_squeeze %dma_start3A_981 : memref<1x!tpu.dma_semaphore, #tpu.memory_space<semaphore_mem>> -> memref<!tpu.dma_semaphore, #tpu.memory_space<semaphore_mem>>
      tpu.enqueue_indirect_dma source(%dma_start3A_980 : memref<10240x32xf32, #tpu.memory_space<vmem_shared>>) target(%dma_start3A_974 : memref<125x32xf32, #tpu.memory_space<vmem>>) offsets(%dma_start3A_977 : memref<125xi32, #tpu.memory_space<vmem>>) semaphore(%dma_start3A_982 : memref<!tpu.dma_semaphore, #tpu.memory_space<semaphore_mem>>)
      %mul3A_983 = arith.constant 8 : i32
      %mul3A_984 = arith.muli %scan3A_557, %mul3A_983 : i32
      %add3A_985 = arith.constant 5 : i32
      %add3A_986 = arith.addi %mul3A_984, %add3A_985 : i32
      %dma_wait3A_987 = arith.constant 5 : i32
      %dma_wait3A_988 = arith.constant 5 : i32
      %dma_wait3A_989 = arith.constant 0 : i32
      %dma_wait3A_990 = arith.constant 0 : i32
      %dma_wait3A_991 = tpu.memref_slice %arg7[%dma_wait3A_987, %dma_wait3A_989, %dma_wait3A_990] : memref<8x125x32xf32, #tpu.memory_space<vmem>> -> memref<1x125x32xf32, #tpu.memory_space<vmem>>
      %dma_wait3A_992 = tpu.memref_squeeze %dma_wait3A_991 : memref<1x125x32xf32, #tpu.memory_space<vmem>> -> memref<125x32xf32, #tpu.memory_space<vmem>>
      %dma_wait3A_993 = arith.constant 0 : i32
      %dma_wait3A_994 = tpu.memref_slice %arg6[%add3A_986, %dma_wait3A_993] : memref<80x125xi32, #tpu.memory_space<vmem>> -> memref<1x125xi32, #tpu.memory_space<vmem>>
      %dma_wait3A_995 = tpu.memref_squeeze %dma_wait3A_994 : memref<1x125xi32, #tpu.memory_space<vmem>> -> memref<125xi32, #tpu.memory_space<vmem>>
      %dma_wait3A_996 = arith.constant 0 : i32
      %dma_wait3A_997 = arith.constant 0 : i32
      %dma_wait3A_998 = tpu.memref_slice %arg8[%dma_wait3A_996, %dma_wait3A_997] : memref<10240x32xf32, #tpu.memory_space<vmem_shared>> -> memref<10240x32xf32, #tpu.memory_space<vmem_shared>>
      %dma_wait3A_999 = tpu.memref_slice %arg11[%dma_wait3A_988] : memref<8x!tpu.dma_semaphore, #tpu.memory_space<semaphore_mem>> -> memref<1x!tpu.dma_semaphore, #tpu.memory_space<semaphore_mem>>
      %dma_wait3A_1000 = tpu.memref_squeeze %dma_wait3A_999 : memref<1x!tpu.dma_semaphore, #tpu.memory_space<semaphore_mem>> -> memref<!tpu.dma_semaphore, #tpu.memory_space<semaphore_mem>>
      tpu.wait_indirect_dma semaphore(%dma_wait3A_1000 : memref<!tpu.dma_semaphore, #tpu.memory_space<semaphore_mem>>) src(%dma_wait3A_992 : memref<125x32xf32, #tpu.memory_space<vmem>>) dst(%dma_wait3A_998 : memref<10240x32xf32, #tpu.memory_space<vmem_shared>>)
      %add3A_1001 = arith.constant 8 : i32
      %add3A_1002 = arith.addi %add3A_986, %add3A_1001 : i32
      %dma_start3A_1003 = arith.constant 5 : i32
      %dma_start3A_1004 = arith.constant 5 : i32
      %dma_start3A_1005 = arith.constant 0 : i32
      %dma_start3A_1006 = arith.constant 0 : i32
      %dma_start3A_1007 = tpu.memref_slice %arg7[%dma_start3A_1003, %dma_start3A_1005, %dma_start3A_1006] : memref<8x125x32xf32, #tpu.memory_space<vmem>> -> memref<1x125x32xf32, #tpu.memory_space<vmem>>
      %dma_start3A_1008 = tpu.memref_squeeze %dma_start3A_1007 : memref<1x125x32xf32, #tpu.memory_space<vmem>> -> memref<125x32xf32, #tpu.memory_space<vmem>>
      %dma_start3A_1009 = arith.constant 0 : i32
      %dma_start3A_1010 = tpu.memref_slice %arg5[%add3A_1002, %dma_start3A_1009] : memref<80x125xi32, #tpu.memory_space<vmem>> -> memref<1x125xi32, #tpu.memory_space<vmem>>
      %dma_start3A_1011 = tpu.memref_squeeze %dma_start3A_1010 : memref<1x125xi32, #tpu.memory_space<vmem>> -> memref<125xi32, #tpu.memory_space<vmem>>
      %dma_start3A_1012 = arith.constant 0 : i32
      %dma_start3A_1013 = arith.constant 0 : i32
      %dma_start3A_1014 = tpu.memref_slice %arg9[%dma_start3A_1012, %dma_start3A_1013] : memref<10240x32xf32, #tpu.memory_space<vmem_shared>> -> memref<10240x32xf32, #tpu.memory_space<vmem_shared>>
      %dma_start3A_1015 = tpu.memref_slice %arg10[%dma_start3A_1004] : memref<8x!tpu.dma_semaphore, #tpu.memory_space<semaphore_mem>> -> memref<1x!tpu.dma_semaphore, #tpu.memory_space<semaphore_mem>>
      %dma_start3A_1016 = tpu.memref_squeeze %dma_start3A_1015 : memref<1x!tpu.dma_semaphore, #tpu.memory_space<semaphore_mem>> -> memref<!tpu.dma_semaphore, #tpu.memory_space<semaphore_mem>>
      tpu.enqueue_indirect_dma source(%dma_start3A_1014 : memref<10240x32xf32, #tpu.memory_space<vmem_shared>>) target(%dma_start3A_1008 : memref<125x32xf32, #tpu.memory_space<vmem>>) offsets(%dma_start3A_1011 : memref<125xi32, #tpu.memory_space<vmem>>) semaphore(%dma_start3A_1016 : memref<!tpu.dma_semaphore, #tpu.memory_space<semaphore_mem>>)
      %mul3A_1017 = arith.constant 8 : i32
      %mul3A_1018 = arith.muli %scan3A_557, %mul3A_1017 : i32
      %add3A_1019 = arith.constant 6 : i32
      %add3A_1020 = arith.addi %mul3A_1018, %add3A_1019 : i32
      %dma_wait3A_1021 = arith.constant 6 : i32
      %dma_wait3A_1022 = arith.constant 6 : i32
      %dma_wait3A_1023 = arith.constant 0 : i32
      %dma_wait3A_1024 = arith.constant 0 : i32
      %dma_wait3A_1025 = tpu.memref_slice %arg7[%dma_wait3A_1021, %dma_wait3A_1023, %dma_wait3A_1024] : memref<8x125x32xf32, #tpu.memory_space<vmem>> -> memref<1x125x32xf32, #tpu.memory_space<vmem>>
      %dma_wait3A_1026 = tpu.memref_squeeze %dma_wait3A_1025 : memref<1x125x32xf32, #tpu.memory_space<vmem>> -> memref<125x32xf32, #tpu.memory_space<vmem>>
      %dma_wait3A_1027 = arith.constant 0 : i32
      %dma_wait3A_1028 = tpu.memref_slice %arg6[%add3A_1020, %dma_wait3A_1027] : memref<80x125xi32, #tpu.memory_space<vmem>> -> memref<1x125xi32, #tpu.memory_space<vmem>>
      %dma_wait3A_1029 = tpu.memref_squeeze %dma_wait3A_1028 : memref<1x125xi32, #tpu.memory_space<vmem>> -> memref<125xi32, #tpu.memory_space<vmem>>
      %dma_wait3A_1030 = arith.constant 0 : i32
      %dma_wait3A_1031 = arith.constant 0 : i32
      %dma_wait3A_1032 = tpu.memref_slice %arg8[%dma_wait3A_1030, %dma_wait3A_1031] : memref<10240x32xf32, #tpu.memory_space<vmem_shared>> -> memref<10240x32xf32, #tpu.memory_space<vmem_shared>>
      %dma_wait3A_1033 = tpu.memref_slice %arg11[%dma_wait3A_1022] : memref<8x!tpu.dma_semaphore, #tpu.memory_space<semaphore_mem>> -> memref<1x!tpu.dma_semaphore, #tpu.memory_space<semaphore_mem>>
      %dma_wait3A_1034 = tpu.memref_squeeze %dma_wait3A_1033 : memref<1x!tpu.dma_semaphore, #tpu.memory_space<semaphore_mem>> -> memref<!tpu.dma_semaphore, #tpu.memory_space<semaphore_mem>>
      tpu.wait_indirect_dma semaphore(%dma_wait3A_1034 : memref<!tpu.dma_semaphore, #tpu.memory_space<semaphore_mem>>) src(%dma_wait3A_1026 : memref<125x32xf32, #tpu.memory_space<vmem>>) dst(%dma_wait3A_1032 : memref<10240x32xf32, #tpu.memory_space<vmem_shared>>)
      %add3A_1035 = arith.constant 8 : i32
      %add3A_1036 = arith.addi %add3A_1020, %add3A_1035 : i32
      %dma_start3A_1037 = arith.constant 6 : i32
      %dma_start3A_1038 = arith.constant 6 : i32
      %dma_start3A_1039 = arith.constant 0 : i32
      %dma_start3A_1040 = arith.constant 0 : i32
      %dma_start3A_1041 = tpu.memref_slice %arg7[%dma_start3A_1037, %dma_start3A_1039, %dma_start3A_1040] : memref<8x125x32xf32, #tpu.memory_space<vmem>> -> memref<1x125x32xf32, #tpu.memory_space<vmem>>
      %dma_start3A_1042 = tpu.memref_squeeze %dma_start3A_1041 : memref<1x125x32xf32, #tpu.memory_space<vmem>> -> memref<125x32xf32, #tpu.memory_space<vmem>>
      %dma_start3A_1043 = arith.constant 0 : i32
      %dma_start3A_1044 = tpu.memref_slice %arg5[%add3A_1036, %dma_start3A_1043] : memref<80x125xi32, #tpu.memory_space<vmem>> -> memref<1x125xi32, #tpu.memory_space<vmem>>
      %dma_start3A_1045 = tpu.memref_squeeze %dma_start3A_1044 : memref<1x125xi32, #tpu.memory_space<vmem>> -> memref<125xi32, #tpu.memory_space<vmem>>
      %dma_start3A_1046 = arith.constant 0 : i32
      %dma_start3A_1047 = arith.constant 0 : i32
      %dma_start3A_1048 = tpu.memref_slice %arg9[%dma_start3A_1046, %dma_start3A_1047] : memref<10240x32xf32, #tpu.memory_space<vmem_shared>> -> memref<10240x32xf32, #tpu.memory_space<vmem_shared>>
      %dma_start3A_1049 = tpu.memref_slice %arg10[%dma_start3A_1038] : memref<8x!tpu.dma_semaphore, #tpu.memory_space<semaphore_mem>> -> memref<1x!tpu.dma_semaphore, #tpu.memory_space<semaphore_mem>>
      %dma_start3A_1050 = tpu.memref_squeeze %dma_start3A_1049 : memref<1x!tpu.dma_semaphore, #tpu.memory_space<semaphore_mem>> -> memref<!tpu.dma_semaphore, #tpu.memory_space<semaphore_mem>>
      tpu.enqueue_indirect_dma source(%dma_start3A_1048 : memref<10240x32xf32, #tpu.memory_space<vmem_shared>>) target(%dma_start3A_1042 : memref<125x32xf32, #tpu.memory_space<vmem>>) offsets(%dma_start3A_1045 : memref<125xi32, #tpu.memory_space<vmem>>) semaphore(%dma_start3A_1050 : memref<!tpu.dma_semaphore, #tpu.memory_space<semaphore_mem>>)
      %mul3A_1051 = arith.constant 8 : i32
      %mul3A_1052 = arith.muli %scan3A_557, %mul3A_1051 : i32
      %add3A_1053 = arith.constant 7 : i32
      %add3A_1054 = arith.addi %mul3A_1052, %add3A_1053 : i32
      %dma_wait3A_1055 = arith.constant 7 : i32
      %dma_wait3A_1056 = arith.constant 7 : i32
      %dma_wait3A_1057 = arith.constant 0 : i32
      %dma_wait3A_1058 = arith.constant 0 : i32
      %dma_wait3A_1059 = tpu.memref_slice %arg7[%dma_wait3A_1055, %dma_wait3A_1057, %dma_wait3A_1058] : memref<8x125x32xf32, #tpu.memory_space<vmem>> -> memref<1x125x32xf32, #tpu.memory_space<vmem>>
      %dma_wait3A_1060 = tpu.memref_squeeze %dma_wait3A_1059 : memref<1x125x32xf32, #tpu.memory_space<vmem>> -> memref<125x32xf32, #tpu.memory_space<vmem>>
      %dma_wait3A_1061 = arith.constant 0 : i32
      %dma_wait3A_1062 = tpu.memref_slice %arg6[%add3A_1054, %dma_wait3A_1061] : memref<80x125xi32, #tpu.memory_space<vmem>> -> memref<1x125xi32, #tpu.memory_space<vmem>>
      %dma_wait3A_1063 = tpu.memref_squeeze %dma_wait3A_1062 : memref<1x125xi32, #tpu.memory_space<vmem>> -> memref<125xi32, #tpu.memory_space<vmem>>
      %dma_wait3A_1064 = arith.constant 0 : i32
      %dma_wait3A_1065 = arith.constant 0 : i32
      %dma_wait3A_1066 = tpu.memref_slice %arg8[%dma_wait3A_1064, %dma_wait3A_1065] : memref<10240x32xf32, #tpu.memory_space<vmem_shared>> -> memref<10240x32xf32, #tpu.memory_space<vmem_shared>>
      %dma_wait3A_1067 = tpu.memref_slice %arg11[%dma_wait3A_1056] : memref<8x!tpu.dma_semaphore, #tpu.memory_space<semaphore_mem>> -> memref<1x!tpu.dma_semaphore, #tpu.memory_space<semaphore_mem>>
      %dma_wait3A_1068 = tpu.memref_squeeze %dma_wait3A_1067 : memref<1x!tpu.dma_semaphore, #tpu.memory_space<semaphore_mem>> -> memref<!tpu.dma_semaphore, #tpu.memory_space<semaphore_mem>>
      tpu.wait_indirect_dma semaphore(%dma_wait3A_1068 : memref<!tpu.dma_semaphore, #tpu.memory_space<semaphore_mem>>) src(%dma_wait3A_1060 : memref<125x32xf32, #tpu.memory_space<vmem>>) dst(%dma_wait3A_1066 : memref<10240x32xf32, #tpu.memory_space<vmem_shared>>)
      %add3A_1069 = arith.constant 8 : i32
      %add3A_1070 = arith.addi %add3A_1054, %add3A_1069 : i32
      %dma_start3A_1071 = arith.constant 7 : i32
      %dma_start3A_1072 = arith.constant 7 : i32
      %dma_start3A_1073 = arith.constant 0 : i32
      %dma_start3A_1074 = arith.constant 0 : i32
      %dma_start3A_1075 = tpu.memref_slice %arg7[%dma_start3A_1071, %dma_start3A_1073, %dma_start3A_1074] : memref<8x125x32xf32, #tpu.memory_space<vmem>> -> memref<1x125x32xf32, #tpu.memory_space<vmem>>
      %dma_start3A_1076 = tpu.memref_squeeze %dma_start3A_1075 : memref<1x125x32xf32, #tpu.memory_space<vmem>> -> memref<125x32xf32, #tpu.memory_space<vmem>>
      %dma_start3A_1077 = arith.constant 0 : i32
      %dma_start3A_1078 = tpu.memref_slice %arg5[%add3A_1070, %dma_start3A_1077] : memref<80x125xi32, #tpu.memory_space<vmem>> -> memref<1x125xi32, #tpu.memory_space<vmem>>
      %dma_start3A_1079 = tpu.memref_squeeze %dma_start3A_1078 : memref<1x125xi32, #tpu.memory_space<vmem>> -> memref<125xi32, #tpu.memory_space<vmem>>
      %dma_start3A_1080 = arith.constant 0 : i32
      %dma_start3A_1081 = arith.constant 0 : i32
      %dma_start3A_1082 = tpu.memref_slice %arg9[%dma_start3A_1080, %dma_start3A_1081] : memref<10240x32xf32, #tpu.memory_space<vmem_shared>> -> memref<10240x32xf32, #tpu.memory_space<vmem_shared>>
      %dma_start3A_1083 = tpu.memref_slice %arg10[%dma_start3A_1072] : memref<8x!tpu.dma_semaphore, #tpu.memory_space<semaphore_mem>> -> memref<1x!tpu.dma_semaphore, #tpu.memory_space<semaphore_mem>>
      %dma_start3A_1084 = tpu.memref_squeeze %dma_start3A_1083 : memref<1x!tpu.dma_semaphore, #tpu.memory_space<semaphore_mem>> -> memref<!tpu.dma_semaphore, #tpu.memory_space<semaphore_mem>>
      tpu.enqueue_indirect_dma source(%dma_start3A_1082 : memref<10240x32xf32, #tpu.memory_space<vmem_shared>>) target(%dma_start3A_1076 : memref<125x32xf32, #tpu.memory_space<vmem>>) offsets(%dma_start3A_1079 : memref<125xi32, #tpu.memory_space<vmem>>) semaphore(%dma_start3A_1084 : memref<!tpu.dma_semaphore, #tpu.memory_space<semaphore_mem>>)
    }
    %scan3A_195 = arith.constant 9 : i32
    %dma_wait3A_196 = arith.constant 72 : i32
    %dma_wait3A_197 = arith.constant 0 : i32
    %dma_wait3A_198 = arith.constant 0 : i32
    %dma_wait3A_199 = arith.constant 0 : i32
    %dma_wait3A_200 = arith.constant 0 : i32
    %dma_wait3A_201 = tpu.memref_slice %arg7[%dma_wait3A_197, %dma_wait3A_199, %dma_wait3A_200] : memref<8x125x32xf32, #tpu.memory_space<vmem>> -> memref<1x125x32xf32, #tpu.memory_space<vmem>>
    %dma_wait3A_202 = tpu.memref_squeeze %dma_wait3A_201 : memref<1x125x32xf32, #tpu.memory_space<vmem>> -> memref<125x32xf32, #tpu.memory_space<vmem>>
    %dma_wait3A_203 = arith.constant 0 : i32
    %dma_wait3A_204 = tpu.memref_slice %arg5[%dma_wait3A_196, %dma_wait3A_203] : memref<80x125xi32, #tpu.memory_space<vmem>> -> memref<1x125xi32, #tpu.memory_space<vmem>>
    %dma_wait3A_205 = tpu.memref_squeeze %dma_wait3A_204 : memref<1x125xi32, #tpu.memory_space<vmem>> -> memref<125xi32, #tpu.memory_space<vmem>>
    %dma_wait3A_206 = arith.constant 0 : i32
    %dma_wait3A_207 = arith.constant 0 : i32
    %dma_wait3A_208 = tpu.memref_slice %arg9[%dma_wait3A_206, %dma_wait3A_207] : memref<10240x32xf32, #tpu.memory_space<vmem_shared>> -> memref<10240x32xf32, #tpu.memory_space<vmem_shared>>
    %dma_wait3A_209 = tpu.memref_slice %arg10[%dma_wait3A_198] : memref<8x!tpu.dma_semaphore, #tpu.memory_space<semaphore_mem>> -> memref<1x!tpu.dma_semaphore, #tpu.memory_space<semaphore_mem>>
    %dma_wait3A_210 = tpu.memref_squeeze %dma_wait3A_209 : memref<1x!tpu.dma_semaphore, #tpu.memory_space<semaphore_mem>> -> memref<!tpu.dma_semaphore, #tpu.memory_space<semaphore_mem>>
    tpu.wait_indirect_dma semaphore(%dma_wait3A_210 : memref<!tpu.dma_semaphore, #tpu.memory_space<semaphore_mem>>) src(%dma_wait3A_208 : memref<10240x32xf32, #tpu.memory_space<vmem_shared>>) dst(%dma_wait3A_202 : memref<125x32xf32, #tpu.memory_space<vmem>>)
    %dma_start3A_211 = arith.constant 0 : i32
    %dma_start3A_212 = arith.constant 72 : i32
    %dma_start3A_213 = arith.constant 0 : i32
    %dma_start3A_214 = arith.constant 0 : i32
    %dma_start3A_215 = arith.constant 0 : i32
    %dma_start3A_216 = tpu.memref_slice %arg7[%dma_start3A_211, %dma_start3A_214, %dma_start3A_215] : memref<8x125x32xf32, #tpu.memory_space<vmem>> -> memref<1x125x32xf32, #tpu.memory_space<vmem>>
    %dma_start3A_217 = tpu.memref_squeeze %dma_start3A_216 : memref<1x125x32xf32, #tpu.memory_space<vmem>> -> memref<125x32xf32, #tpu.memory_space<vmem>>
    %dma_start3A_218 = arith.constant 0 : i32
    %dma_start3A_219 = tpu.memref_slice %arg6[%dma_start3A_212, %dma_start3A_218] : memref<80x125xi32, #tpu.memory_space<vmem>> -> memref<1x125xi32, #tpu.memory_space<vmem>>
    %dma_start3A_220 = tpu.memref_squeeze %dma_start3A_219 : memref<1x125xi32, #tpu.memory_space<vmem>> -> memref<125xi32, #tpu.memory_space<vmem>>
    %dma_start3A_221 = arith.constant 0 : i32
    %dma_start3A_222 = arith.constant 0 : i32
    %dma_start3A_223 = tpu.memref_slice %arg8[%dma_start3A_221, %dma_start3A_222] : memref<10240x32xf32, #tpu.memory_space<vmem_shared>> -> memref<10240x32xf32, #tpu.memory_space<vmem_shared>>
    %dma_start3A_224 = tpu.memref_slice %arg11[%dma_start3A_213] : memref<8x!tpu.dma_semaphore, #tpu.memory_space<semaphore_mem>> -> memref<1x!tpu.dma_semaphore, #tpu.memory_space<semaphore_mem>>
    %dma_start3A_225 = tpu.memref_squeeze %dma_start3A_224 : memref<1x!tpu.dma_semaphore, #tpu.memory_space<semaphore_mem>> -> memref<!tpu.dma_semaphore, #tpu.memory_space<semaphore_mem>>
    tpu.enqueue_indirect_dma source(%dma_start3A_217 : memref<125x32xf32, #tpu.memory_space<vmem>>) target(%dma_start3A_223 : memref<10240x32xf32, #tpu.memory_space<vmem_shared>>) offsets(%dma_start3A_220 : memref<125xi32, #tpu.memory_space<vmem>>) semaphore(%dma_start3A_225 : memref<!tpu.dma_semaphore, #tpu.memory_space<semaphore_mem>>) {add = true}
    %dma_wait3A_226 = arith.constant 73 : i32
    %dma_wait3A_227 = arith.constant 1 : i32
    %dma_wait3A_228 = arith.constant 1 : i32
    %dma_wait3A_229 = arith.constant 0 : i32
    %dma_wait3A_230 = arith.constant 0 : i32
    %dma_wait3A_231 = tpu.memref_slice %arg7[%dma_wait3A_227, %dma_wait3A_229, %dma_wait3A_230] : memref<8x125x32xf32, #tpu.memory_space<vmem>> -> memref<1x125x32xf32, #tpu.memory_space<vmem>>
    %dma_wait3A_232 = tpu.memref_squeeze %dma_wait3A_231 : memref<1x125x32xf32, #tpu.memory_space<vmem>> -> memref<125x32xf32, #tpu.memory_space<vmem>>
    %dma_wait3A_233 = arith.constant 0 : i32
    %dma_wait3A_234 = tpu.memref_slice %arg5[%dma_wait3A_226, %dma_wait3A_233] : memref<80x125xi32, #tpu.memory_space<vmem>> -> memref<1x125xi32, #tpu.memory_space<vmem>>
    %dma_wait3A_235 = tpu.memref_squeeze %dma_wait3A_234 : memref<1x125xi32, #tpu.memory_space<vmem>> -> memref<125xi32, #tpu.memory_space<vmem>>
    %dma_wait3A_236 = arith.constant 0 : i32
    %dma_wait3A_237 = arith.constant 0 : i32
    %dma_wait3A_238 = tpu.memref_slice %arg9[%dma_wait3A_236, %dma_wait3A_237] : memref<10240x32xf32, #tpu.memory_space<vmem_shared>> -> memref<10240x32xf32, #tpu.memory_space<vmem_shared>>
    %dma_wait3A_239 = tpu.memref_slice %arg10[%dma_wait3A_228] : memref<8x!tpu.dma_semaphore, #tpu.memory_space<semaphore_mem>> -> memref<1x!tpu.dma_semaphore, #tpu.memory_space<semaphore_mem>>
    %dma_wait3A_240 = tpu.memref_squeeze %dma_wait3A_239 : memref<1x!tpu.dma_semaphore, #tpu.memory_space<semaphore_mem>> -> memref<!tpu.dma_semaphore, #tpu.memory_space<semaphore_mem>>
    tpu.wait_indirect_dma semaphore(%dma_wait3A_240 : memref<!tpu.dma_semaphore, #tpu.memory_space<semaphore_mem>>) src(%dma_wait3A_238 : memref<10240x32xf32, #tpu.memory_space<vmem_shared>>) dst(%dma_wait3A_232 : memref<125x32xf32, #tpu.memory_space<vmem>>)
    %dma_start3A_241 = arith.constant 1 : i32
    %dma_start3A_242 = arith.constant 73 : i32
    %dma_start3A_243 = arith.constant 1 : i32
    %dma_start3A_244 = arith.constant 0 : i32
    %dma_start3A_245 = arith.constant 0 : i32
    %dma_start3A_246 = tpu.memref_slice %arg7[%dma_start3A_241, %dma_start3A_244, %dma_start3A_245] : memref<8x125x32xf32, #tpu.memory_space<vmem>> -> memref<1x125x32xf32, #tpu.memory_space<vmem>>
    %dma_start3A_247 = tpu.memref_squeeze %dma_start3A_246 : memref<1x125x32xf32, #tpu.memory_space<vmem>> -> memref<125x32xf32, #tpu.memory_space<vmem>>
    %dma_start3A_248 = arith.constant 0 : i32
    %dma_start3A_249 = tpu.memref_slice %arg6[%dma_start3A_242, %dma_start3A_248] : memref<80x125xi32, #tpu.memory_space<vmem>> -> memref<1x125xi32, #tpu.memory_space<vmem>>
    %dma_start3A_250 = tpu.memref_squeeze %dma_start3A_249 : memref<1x125xi32, #tpu.memory_space<vmem>> -> memref<125xi32, #tpu.memory_space<vmem>>
    %dma_start3A_251 = arith.constant 0 : i32
    %dma_start3A_252 = arith.constant 0 : i32
    %dma_start3A_253 = tpu.memref_slice %arg8[%dma_start3A_251, %dma_start3A_252] : memref<10240x32xf32, #tpu.memory_space<vmem_shared>> -> memref<10240x32xf32, #tpu.memory_space<vmem_shared>>
    %dma_start3A_254 = tpu.memref_slice %arg11[%dma_start3A_243] : memref<8x!tpu.dma_semaphore, #tpu.memory_space<semaphore_mem>> -> memref<1x!tpu.dma_semaphore, #tpu.memory_space<semaphore_mem>>
    %dma_start3A_255 = tpu.memref_squeeze %dma_start3A_254 : memref<1x!tpu.dma_semaphore, #tpu.memory_space<semaphore_mem>> -> memref<!tpu.dma_semaphore, #tpu.memory_space<semaphore_mem>>
    tpu.enqueue_indirect_dma source(%dma_start3A_247 : memref<125x32xf32, #tpu.memory_space<vmem>>) target(%dma_start3A_253 : memref<10240x32xf32, #tpu.memory_space<vmem_shared>>) offsets(%dma_start3A_250 : memref<125xi32, #tpu.memory_space<vmem>>) semaphore(%dma_start3A_255 : memref<!tpu.dma_semaphore, #tpu.memory_space<semaphore_mem>>) {add = true}
    %dma_wait3A_256 = arith.constant 74 : i32
    %dma_wait3A_257 = arith.constant 2 : i32
    %dma_wait3A_258 = arith.constant 2 : i32
    %dma_wait3A_259 = arith.constant 0 : i32
    %dma_wait3A_260 = arith.constant 0 : i32
    %dma_wait3A_261 = tpu.memref_slice %arg7[%dma_wait3A_257, %dma_wait3A_259, %dma_wait3A_260] : memref<8x125x32xf32, #tpu.memory_space<vmem>> -> memref<1x125x32xf32, #tpu.memory_space<vmem>>
    %dma_wait3A_262 = tpu.memref_squeeze %dma_wait3A_261 : memref<1x125x32xf32, #tpu.memory_space<vmem>> -> memref<125x32xf32, #tpu.memory_space<vmem>>
    %dma_wait3A_263 = arith.constant 0 : i32
    %dma_wait3A_264 = tpu.memref_slice %arg5[%dma_wait3A_256, %dma_wait3A_263] : memref<80x125xi32, #tpu.memory_space<vmem>> -> memref<1x125xi32, #tpu.memory_space<vmem>>
    %dma_wait3A_265 = tpu.memref_squeeze %dma_wait3A_264 : memref<1x125xi32, #tpu.memory_space<vmem>> -> memref<125xi32, #tpu.memory_space<vmem>>
    %dma_wait3A_266 = arith.constant 0 : i32
    %dma_wait3A_267 = arith.constant 0 : i32
    %dma_wait3A_268 = tpu.memref_slice %arg9[%dma_wait3A_266, %dma_wait3A_267] : memref<10240x32xf32, #tpu.memory_space<vmem_shared>> -> memref<10240x32xf32, #tpu.memory_space<vmem_shared>>
    %dma_wait3A_269 = tpu.memref_slice %arg10[%dma_wait3A_258] : memref<8x!tpu.dma_semaphore, #tpu.memory_space<semaphore_mem>> -> memref<1x!tpu.dma_semaphore, #tpu.memory_space<semaphore_mem>>
    %dma_wait3A_270 = tpu.memref_squeeze %dma_wait3A_269 : memref<1x!tpu.dma_semaphore, #tpu.memory_space<semaphore_mem>> -> memref<!tpu.dma_semaphore, #tpu.memory_space<semaphore_mem>>
    tpu.wait_indirect_dma semaphore(%dma_wait3A_270 : memref<!tpu.dma_semaphore, #tpu.memory_space<semaphore_mem>>) src(%dma_wait3A_268 : memref<10240x32xf32, #tpu.memory_space<vmem_shared>>) dst(%dma_wait3A_262 : memref<125x32xf32, #tpu.memory_space<vmem>>)
    %dma_start3A_271 = arith.constant 2 : i32
    %dma_start3A_272 = arith.constant 74 : i32
    %dma_start3A_273 = arith.constant 2 : i32
    %dma_start3A_274 = arith.constant 0 : i32
    %dma_start3A_275 = arith.constant 0 : i32
    %dma_start3A_276 = tpu.memref_slice %arg7[%dma_start3A_271, %dma_start3A_274, %dma_start3A_275] : memref<8x125x32xf32, #tpu.memory_space<vmem>> -> memref<1x125x32xf32, #tpu.memory_space<vmem>>
    %dma_start3A_277 = tpu.memref_squeeze %dma_start3A_276 : memref<1x125x32xf32, #tpu.memory_space<vmem>> -> memref<125x32xf32, #tpu.memory_space<vmem>>
    %dma_start3A_278 = arith.constant 0 : i32
    %dma_start3A_279 = tpu.memref_slice %arg6[%dma_start3A_272, %dma_start3A_278] : memref<80x125xi32, #tpu.memory_space<vmem>> -> memref<1x125xi32, #tpu.memory_space<vmem>>
    %dma_start3A_280 = tpu.memref_squeeze %dma_start3A_279 : memref<1x125xi32, #tpu.memory_space<vmem>> -> memref<125xi32, #tpu.memory_space<vmem>>
    %dma_start3A_281 = arith.constant 0 : i32
    %dma_start3A_282 = arith.constant 0 : i32
    %dma_start3A_283 = tpu.memref_slice %arg8[%dma_start3A_281, %dma_start3A_282] : memref<10240x32xf32, #tpu.memory_space<vmem_shared>> -> memref<10240x32xf32, #tpu.memory_space<vmem_shared>>
    %dma_start3A_284 = tpu.memref_slice %arg11[%dma_start3A_273] : memref<8x!tpu.dma_semaphore, #tpu.memory_space<semaphore_mem>> -> memref<1x!tpu.dma_semaphore, #tpu.memory_space<semaphore_mem>>
    %dma_start3A_285 = tpu.memref_squeeze %dma_start3A_284 : memref<1x!tpu.dma_semaphore, #tpu.memory_space<semaphore_mem>> -> memref<!tpu.dma_semaphore, #tpu.memory_space<semaphore_mem>>
    tpu.enqueue_indirect_dma source(%dma_start3A_277 : memref<125x32xf32, #tpu.memory_space<vmem>>) target(%dma_start3A_283 : memref<10240x32xf32, #tpu.memory_space<vmem_shared>>) offsets(%dma_start3A_280 : memref<125xi32, #tpu.memory_space<vmem>>) semaphore(%dma_start3A_285 : memref<!tpu.dma_semaphore, #tpu.memory_space<semaphore_mem>>) {add = true}
    %dma_wait3A_286 = arith.constant 75 : i32
    %dma_wait3A_287 = arith.constant 3 : i32
    %dma_wait3A_288 = arith.constant 3 : i32
    %dma_wait3A_289 = arith.constant 0 : i32
    %dma_wait3A_290 = arith.constant 0 : i32
    %dma_wait3A_291 = tpu.memref_slice %arg7[%dma_wait3A_287, %dma_wait3A_289, %dma_wait3A_290] : memref<8x125x32xf32, #tpu.memory_space<vmem>> -> memref<1x125x32xf32, #tpu.memory_space<vmem>>
    %dma_wait3A_292 = tpu.memref_squeeze %dma_wait3A_291 : memref<1x125x32xf32, #tpu.memory_space<vmem>> -> memref<125x32xf32, #tpu.memory_space<vmem>>
    %dma_wait3A_293 = arith.constant 0 : i32
    %dma_wait3A_294 = tpu.memref_slice %arg5[%dma_wait3A_286, %dma_wait3A_293] : memref<80x125xi32, #tpu.memory_space<vmem>> -> memref<1x125xi32, #tpu.memory_space<vmem>>
    %dma_wait3A_295 = tpu.memref_squeeze %dma_wait3A_294 : memref<1x125xi32, #tpu.memory_space<vmem>> -> memref<125xi32, #tpu.memory_space<vmem>>
    %dma_wait3A_296 = arith.constant 0 : i32
    %dma_wait3A_297 = arith.constant 0 : i32
    %dma_wait3A_298 = tpu.memref_slice %arg9[%dma_wait3A_296, %dma_wait3A_297] : memref<10240x32xf32, #tpu.memory_space<vmem_shared>> -> memref<10240x32xf32, #tpu.memory_space<vmem_shared>>
    %dma_wait3A_299 = tpu.memref_slice %arg10[%dma_wait3A_288] : memref<8x!tpu.dma_semaphore, #tpu.memory_space<semaphore_mem>> -> memref<1x!tpu.dma_semaphore, #tpu.memory_space<semaphore_mem>>
    %dma_wait3A_300 = tpu.memref_squeeze %dma_wait3A_299 : memref<1x!tpu.dma_semaphore, #tpu.memory_space<semaphore_mem>> -> memref<!tpu.dma_semaphore, #tpu.memory_space<semaphore_mem>>
    tpu.wait_indirect_dma semaphore(%dma_wait3A_300 : memref<!tpu.dma_semaphore, #tpu.memory_space<semaphore_mem>>) src(%dma_wait3A_298 : memref<10240x32xf32, #tpu.memory_space<vmem_shared>>) dst(%dma_wait3A_292 : memref<125x32xf32, #tpu.memory_space<vmem>>)
    %dma_start3A_301 = arith.constant 3 : i32
    %dma_start3A_302 = arith.constant 75 : i32
    %dma_start3A_303 = arith.constant 3 : i32
    %dma_start3A_304 = arith.constant 0 : i32
    %dma_start3A_305 = arith.constant 0 : i32
    %dma_start3A_306 = tpu.memref_slice %arg7[%dma_start3A_301, %dma_start3A_304, %dma_start3A_305] : memref<8x125x32xf32, #tpu.memory_space<vmem>> -> memref<1x125x32xf32, #tpu.memory_space<vmem>>
    %dma_start3A_307 = tpu.memref_squeeze %dma_start3A_306 : memref<1x125x32xf32, #tpu.memory_space<vmem>> -> memref<125x32xf32, #tpu.memory_space<vmem>>
    %dma_start3A_308 = arith.constant 0 : i32
    %dma_start3A_309 = tpu.memref_slice %arg6[%dma_start3A_302, %dma_start3A_308] : memref<80x125xi32, #tpu.memory_space<vmem>> -> memref<1x125xi32, #tpu.memory_space<vmem>>
    %dma_start3A_310 = tpu.memref_squeeze %dma_start3A_309 : memref<1x125xi32, #tpu.memory_space<vmem>> -> memref<125xi32, #tpu.memory_space<vmem>>
    %dma_start3A_311 = arith.constant 0 : i32
    %dma_start3A_312 = arith.constant 0 : i32
    %dma_start3A_313 = tpu.memref_slice %arg8[%dma_start3A_311, %dma_start3A_312] : memref<10240x32xf32, #tpu.memory_space<vmem_shared>> -> memref<10240x32xf32, #tpu.memory_space<vmem_shared>>
    %dma_start3A_314 = tpu.memref_slice %arg11[%dma_start3A_303] : memref<8x!tpu.dma_semaphore, #tpu.memory_space<semaphore_mem>> -> memref<1x!tpu.dma_semaphore, #tpu.memory_space<semaphore_mem>>
    %dma_start3A_315 = tpu.memref_squeeze %dma_start3A_314 : memref<1x!tpu.dma_semaphore, #tpu.memory_space<semaphore_mem>> -> memref<!tpu.dma_semaphore, #tpu.memory_space<semaphore_mem>>
    tpu.enqueue_indirect_dma source(%dma_start3A_307 : memref<125x32xf32, #tpu.memory_space<vmem>>) target(%dma_start3A_313 : memref<10240x32xf32, #tpu.memory_space<vmem_shared>>) offsets(%dma_start3A_310 : memref<125xi32, #tpu.memory_space<vmem>>) semaphore(%dma_start3A_315 : memref<!tpu.dma_semaphore, #tpu.memory_space<semaphore_mem>>) {add = true}
    %dma_wait3A_316 = arith.constant 76 : i32
    %dma_wait3A_317 = arith.constant 4 : i32
    %dma_wait3A_318 = arith.constant 4 : i32
    %dma_wait3A_319 = arith.constant 0 : i32
    %dma_wait3A_320 = arith.constant 0 : i32
    %dma_wait3A_321 = tpu.memref_slice %arg7[%dma_wait3A_317, %dma_wait3A_319, %dma_wait3A_320] : memref<8x125x32xf32, #tpu.memory_space<vmem>> -> memref<1x125x32xf32, #tpu.memory_space<vmem>>
    %dma_wait3A_322 = tpu.memref_squeeze %dma_wait3A_321 : memref<1x125x32xf32, #tpu.memory_space<vmem>> -> memref<125x32xf32, #tpu.memory_space<vmem>>
    %dma_wait3A_323 = arith.constant 0 : i32
    %dma_wait3A_324 = tpu.memref_slice %arg5[%dma_wait3A_316, %dma_wait3A_323] : memref<80x125xi32, #tpu.memory_space<vmem>> -> memref<1x125xi32, #tpu.memory_space<vmem>>
    %dma_wait3A_325 = tpu.memref_squeeze %dma_wait3A_324 : memref<1x125xi32, #tpu.memory_space<vmem>> -> memref<125xi32, #tpu.memory_space<vmem>>
    %dma_wait3A_326 = arith.constant 0 : i32
    %dma_wait3A_327 = arith.constant 0 : i32
    %dma_wait3A_328 = tpu.memref_slice %arg9[%dma_wait3A_326, %dma_wait3A_327] : memref<10240x32xf32, #tpu.memory_space<vmem_shared>> -> memref<10240x32xf32, #tpu.memory_space<vmem_shared>>
    %dma_wait3A_329 = tpu.memref_slice %arg10[%dma_wait3A_318] : memref<8x!tpu.dma_semaphore, #tpu.memory_space<semaphore_mem>> -> memref<1x!tpu.dma_semaphore, #tpu.memory_space<semaphore_mem>>
    %dma_wait3A_330 = tpu.memref_squeeze %dma_wait3A_329 : memref<1x!tpu.dma_semaphore, #tpu.memory_space<semaphore_mem>> -> memref<!tpu.dma_semaphore, #tpu.memory_space<semaphore_mem>>
    tpu.wait_indirect_dma semaphore(%dma_wait3A_330 : memref<!tpu.dma_semaphore, #tpu.memory_space<semaphore_mem>>) src(%dma_wait3A_328 : memref<10240x32xf32, #tpu.memory_space<vmem_shared>>) dst(%dma_wait3A_322 : memref<125x32xf32, #tpu.memory_space<vmem>>)
    %dma_start3A_331 = arith.constant 4 : i32
    %dma_start3A_332 = arith.constant 76 : i32
    %dma_start3A_333 = arith.constant 4 : i32
    %dma_start3A_334 = arith.constant 0 : i32
    %dma_start3A_335 = arith.constant 0 : i32
    %dma_start3A_336 = tpu.memref_slice %arg7[%dma_start3A_331, %dma_start3A_334, %dma_start3A_335] : memref<8x125x32xf32, #tpu.memory_space<vmem>> -> memref<1x125x32xf32, #tpu.memory_space<vmem>>
    %dma_start3A_337 = tpu.memref_squeeze %dma_start3A_336 : memref<1x125x32xf32, #tpu.memory_space<vmem>> -> memref<125x32xf32, #tpu.memory_space<vmem>>
    %dma_start3A_338 = arith.constant 0 : i32
    %dma_start3A_339 = tpu.memref_slice %arg6[%dma_start3A_332, %dma_start3A_338] : memref<80x125xi32, #tpu.memory_space<vmem>> -> memref<1x125xi32, #tpu.memory_space<vmem>>
    %dma_start3A_340 = tpu.memref_squeeze %dma_start3A_339 : memref<1x125xi32, #tpu.memory_space<vmem>> -> memref<125xi32, #tpu.memory_space<vmem>>
    %dma_start3A_341 = arith.constant 0 : i32
    %dma_start3A_342 = arith.constant 0 : i32
    %dma_start3A_343 = tpu.memref_slice %arg8[%dma_start3A_341, %dma_start3A_342] : memref<10240x32xf32, #tpu.memory_space<vmem_shared>> -> memref<10240x32xf32, #tpu.memory_space<vmem_shared>>
    %dma_start3A_344 = tpu.memref_slice %arg11[%dma_start3A_333] : memref<8x!tpu.dma_semaphore, #tpu.memory_space<semaphore_mem>> -> memref<1x!tpu.dma_semaphore, #tpu.memory_space<semaphore_mem>>
    %dma_start3A_345 = tpu.memref_squeeze %dma_start3A_344 : memref<1x!tpu.dma_semaphore, #tpu.memory_space<semaphore_mem>> -> memref<!tpu.dma_semaphore, #tpu.memory_space<semaphore_mem>>
    tpu.enqueue_indirect_dma source(%dma_start3A_337 : memref<125x32xf32, #tpu.memory_space<vmem>>) target(%dma_start3A_343 : memref<10240x32xf32, #tpu.memory_space<vmem_shared>>) offsets(%dma_start3A_340 : memref<125xi32, #tpu.memory_space<vmem>>) semaphore(%dma_start3A_345 : memref<!tpu.dma_semaphore, #tpu.memory_space<semaphore_mem>>) {add = true}
    %dma_wait3A_346 = arith.constant 77 : i32
    %dma_wait3A_347 = arith.constant 5 : i32
    %dma_wait3A_348 = arith.constant 5 : i32
    %dma_wait3A_349 = arith.constant 0 : i32
    %dma_wait3A_350 = arith.constant 0 : i32
    %dma_wait3A_351 = tpu.memref_slice %arg7[%dma_wait3A_347, %dma_wait3A_349, %dma_wait3A_350] : memref<8x125x32xf32, #tpu.memory_space<vmem>> -> memref<1x125x32xf32, #tpu.memory_space<vmem>>
    %dma_wait3A_352 = tpu.memref_squeeze %dma_wait3A_351 : memref<1x125x32xf32, #tpu.memory_space<vmem>> -> memref<125x32xf32, #tpu.memory_space<vmem>>
    %dma_wait3A_353 = arith.constant 0 : i32
    %dma_wait3A_354 = tpu.memref_slice %arg5[%dma_wait3A_346, %dma_wait3A_353] : memref<80x125xi32, #tpu.memory_space<vmem>> -> memref<1x125xi32, #tpu.memory_space<vmem>>
    %dma_wait3A_355 = tpu.memref_squeeze %dma_wait3A_354 : memref<1x125xi32, #tpu.memory_space<vmem>> -> memref<125xi32, #tpu.memory_space<vmem>>
    %dma_wait3A_356 = arith.constant 0 : i32
    %dma_wait3A_357 = arith.constant 0 : i32
    %dma_wait3A_358 = tpu.memref_slice %arg9[%dma_wait3A_356, %dma_wait3A_357] : memref<10240x32xf32, #tpu.memory_space<vmem_shared>> -> memref<10240x32xf32, #tpu.memory_space<vmem_shared>>
    %dma_wait3A_359 = tpu.memref_slice %arg10[%dma_wait3A_348] : memref<8x!tpu.dma_semaphore, #tpu.memory_space<semaphore_mem>> -> memref<1x!tpu.dma_semaphore, #tpu.memory_space<semaphore_mem>>
    %dma_wait3A_360 = tpu.memref_squeeze %dma_wait3A_359 : memref<1x!tpu.dma_semaphore, #tpu.memory_space<semaphore_mem>> -> memref<!tpu.dma_semaphore, #tpu.memory_space<semaphore_mem>>
    tpu.wait_indirect_dma semaphore(%dma_wait3A_360 : memref<!tpu.dma_semaphore, #tpu.memory_space<semaphore_mem>>) src(%dma_wait3A_358 : memref<10240x32xf32, #tpu.memory_space<vmem_shared>>) dst(%dma_wait3A_352 : memref<125x32xf32, #tpu.memory_space<vmem>>)
    %dma_start3A_361 = arith.constant 5 : i32
    %dma_start3A_362 = arith.constant 77 : i32
    %dma_start3A_363 = arith.constant 5 : i32
    %dma_start3A_364 = arith.constant 0 : i32
    %dma_start3A_365 = arith.constant 0 : i32
    %dma_start3A_366 = tpu.memref_slice %arg7[%dma_start3A_361, %dma_start3A_364, %dma_start3A_365] : memref<8x125x32xf32, #tpu.memory_space<vmem>> -> memref<1x125x32xf32, #tpu.memory_space<vmem>>
    %dma_start3A_367 = tpu.memref_squeeze %dma_start3A_366 : memref<1x125x32xf32, #tpu.memory_space<vmem>> -> memref<125x32xf32, #tpu.memory_space<vmem>>
    %dma_start3A_368 = arith.constant 0 : i32
    %dma_start3A_369 = tpu.memref_slice %arg6[%dma_start3A_362, %dma_start3A_368] : memref<80x125xi32, #tpu.memory_space<vmem>> -> memref<1x125xi32, #tpu.memory_space<vmem>>
    %dma_start3A_370 = tpu.memref_squeeze %dma_start3A_369 : memref<1x125xi32, #tpu.memory_space<vmem>> -> memref<125xi32, #tpu.memory_space<vmem>>
    %dma_start3A_371 = arith.constant 0 : i32
    %dma_start3A_372 = arith.constant 0 : i32
    %dma_start3A_373 = tpu.memref_slice %arg8[%dma_start3A_371, %dma_start3A_372] : memref<10240x32xf32, #tpu.memory_space<vmem_shared>> -> memref<10240x32xf32, #tpu.memory_space<vmem_shared>>
    %dma_start3A_374 = tpu.memref_slice %arg11[%dma_start3A_363] : memref<8x!tpu.dma_semaphore, #tpu.memory_space<semaphore_mem>> -> memref<1x!tpu.dma_semaphore, #tpu.memory_space<semaphore_mem>>
    %dma_start3A_375 = tpu.memref_squeeze %dma_start3A_374 : memref<1x!tpu.dma_semaphore, #tpu.memory_space<semaphore_mem>> -> memref<!tpu.dma_semaphore, #tpu.memory_space<semaphore_mem>>
    tpu.enqueue_indirect_dma source(%dma_start3A_367 : memref<125x32xf32, #tpu.memory_space<vmem>>) target(%dma_start3A_373 : memref<10240x32xf32, #tpu.memory_space<vmem_shared>>) offsets(%dma_start3A_370 : memref<125xi32, #tpu.memory_space<vmem>>) semaphore(%dma_start3A_375 : memref<!tpu.dma_semaphore, #tpu.memory_space<semaphore_mem>>) {add = true}
    %dma_wait3A_376 = arith.constant 78 : i32
    %dma_wait3A_377 = arith.constant 6 : i32
    %dma_wait3A_378 = arith.constant 6 : i32
    %dma_wait3A_379 = arith.constant 0 : i32
    %dma_wait3A_380 = arith.constant 0 : i32
    %dma_wait3A_381 = tpu.memref_slice %arg7[%dma_wait3A_377, %dma_wait3A_379, %dma_wait3A_380] : memref<8x125x32xf32, #tpu.memory_space<vmem>> -> memref<1x125x32xf32, #tpu.memory_space<vmem>>
    %dma_wait3A_382 = tpu.memref_squeeze %dma_wait3A_381 : memref<1x125x32xf32, #tpu.memory_space<vmem>> -> memref<125x32xf32, #tpu.memory_space<vmem>>
    %dma_wait3A_383 = arith.constant 0 : i32
    %dma_wait3A_384 = tpu.memref_slice %arg5[%dma_wait3A_376, %dma_wait3A_383] : memref<80x125xi32, #tpu.memory_space<vmem>> -> memref<1x125xi32, #tpu.memory_space<vmem>>
    %dma_wait3A_385 = tpu.memref_squeeze %dma_wait3A_384 : memref<1x125xi32, #tpu.memory_space<vmem>> -> memref<125xi32, #tpu.memory_space<vmem>>
    %dma_wait3A_386 = arith.constant 0 : i32
    %dma_wait3A_387 = arith.constant 0 : i32
    %dma_wait3A_388 = tpu.memref_slice %arg9[%dma_wait3A_386, %dma_wait3A_387] : memref<10240x32xf32, #tpu.memory_space<vmem_shared>> -> memref<10240x32xf32, #tpu.memory_space<vmem_shared>>
    %dma_wait3A_389 = tpu.memref_slice %arg10[%dma_wait3A_378] : memref<8x!tpu.dma_semaphore, #tpu.memory_space<semaphore_mem>> -> memref<1x!tpu.dma_semaphore, #tpu.memory_space<semaphore_mem>>
    %dma_wait3A_390 = tpu.memref_squeeze %dma_wait3A_389 : memref<1x!tpu.dma_semaphore, #tpu.memory_space<semaphore_mem>> -> memref<!tpu.dma_semaphore, #tpu.memory_space<semaphore_mem>>
    tpu.wait_indirect_dma semaphore(%dma_wait3A_390 : memref<!tpu.dma_semaphore, #tpu.memory_space<semaphore_mem>>) src(%dma_wait3A_388 : memref<10240x32xf32, #tpu.memory_space<vmem_shared>>) dst(%dma_wait3A_382 : memref<125x32xf32, #tpu.memory_space<vmem>>)
    %dma_start3A_391 = arith.constant 6 : i32
    %dma_start3A_392 = arith.constant 78 : i32
    %dma_start3A_393 = arith.constant 6 : i32
    %dma_start3A_394 = arith.constant 0 : i32
    %dma_start3A_395 = arith.constant 0 : i32
    %dma_start3A_396 = tpu.memref_slice %arg7[%dma_start3A_391, %dma_start3A_394, %dma_start3A_395] : memref<8x125x32xf32, #tpu.memory_space<vmem>> -> memref<1x125x32xf32, #tpu.memory_space<vmem>>
    %dma_start3A_397 = tpu.memref_squeeze %dma_start3A_396 : memref<1x125x32xf32, #tpu.memory_space<vmem>> -> memref<125x32xf32, #tpu.memory_space<vmem>>
    %dma_start3A_398 = arith.constant 0 : i32
    %dma_start3A_399 = tpu.memref_slice %arg6[%dma_start3A_392, %dma_start3A_398] : memref<80x125xi32, #tpu.memory_space<vmem>> -> memref<1x125xi32, #tpu.memory_space<vmem>>
    %dma_start3A_400 = tpu.memref_squeeze %dma_start3A_399 : memref<1x125xi32, #tpu.memory_space<vmem>> -> memref<125xi32, #tpu.memory_space<vmem>>
    %dma_start3A_401 = arith.constant 0 : i32
    %dma_start3A_402 = arith.constant 0 : i32
    %dma_start3A_403 = tpu.memref_slice %arg8[%dma_start3A_401, %dma_start3A_402] : memref<10240x32xf32, #tpu.memory_space<vmem_shared>> -> memref<10240x32xf32, #tpu.memory_space<vmem_shared>>
    %dma_start3A_404 = tpu.memref_slice %arg11[%dma_start3A_393] : memref<8x!tpu.dma_semaphore, #tpu.memory_space<semaphore_mem>> -> memref<1x!tpu.dma_semaphore, #tpu.memory_space<semaphore_mem>>
    %dma_start3A_405 = tpu.memref_squeeze %dma_start3A_404 : memref<1x!tpu.dma_semaphore, #tpu.memory_space<semaphore_mem>> -> memref<!tpu.dma_semaphore, #tpu.memory_space<semaphore_mem>>
    tpu.enqueue_indirect_dma source(%dma_start3A_397 : memref<125x32xf32, #tpu.memory_space<vmem>>) target(%dma_start3A_403 : memref<10240x32xf32, #tpu.memory_space<vmem_shared>>) offsets(%dma_start3A_400 : memref<125xi32, #tpu.memory_space<vmem>>) semaphore(%dma_start3A_405 : memref<!tpu.dma_semaphore, #tpu.memory_space<semaphore_mem>>) {add = true}
    %dma_wait3A_406 = arith.constant 79 : i32
    %dma_wait3A_407 = arith.constant 7 : i32
    %dma_wait3A_408 = arith.constant 7 : i32
    %dma_wait3A_409 = arith.constant 0 : i32
    %dma_wait3A_410 = arith.constant 0 : i32
    %dma_wait3A_411 = tpu.memref_slice %arg7[%dma_wait3A_407, %dma_wait3A_409, %dma_wait3A_410] : memref<8x125x32xf32, #tpu.memory_space<vmem>> -> memref<1x125x32xf32, #tpu.memory_space<vmem>>
    %dma_wait3A_412 = tpu.memref_squeeze %dma_wait3A_411 : memref<1x125x32xf32, #tpu.memory_space<vmem>> -> memref<125x32xf32, #tpu.memory_space<vmem>>
    %dma_wait3A_413 = arith.constant 0 : i32
    %dma_wait3A_414 = tpu.memref_slice %arg5[%dma_wait3A_406, %dma_wait3A_413] : memref<80x125xi32, #tpu.memory_space<vmem>> -> memref<1x125xi32, #tpu.memory_space<vmem>>
    %dma_wait3A_415 = tpu.memref_squeeze %dma_wait3A_414 : memref<1x125xi32, #tpu.memory_space<vmem>> -> memref<125xi32, #tpu.memory_space<vmem>>
    %dma_wait3A_416 = arith.constant 0 : i32
    %dma_wait3A_417 = arith.constant 0 : i32
    %dma_wait3A_418 = tpu.memref_slice %arg9[%dma_wait3A_416, %dma_wait3A_417] : memref<10240x32xf32, #tpu.memory_space<vmem_shared>> -> memref<10240x32xf32, #tpu.memory_space<vmem_shared>>
    %dma_wait3A_419 = tpu.memref_slice %arg10[%dma_wait3A_408] : memref<8x!tpu.dma_semaphore, #tpu.memory_space<semaphore_mem>> -> memref<1x!tpu.dma_semaphore, #tpu.memory_space<semaphore_mem>>
    %dma_wait3A_420 = tpu.memref_squeeze %dma_wait3A_419 : memref<1x!tpu.dma_semaphore, #tpu.memory_space<semaphore_mem>> -> memref<!tpu.dma_semaphore, #tpu.memory_space<semaphore_mem>>
    tpu.wait_indirect_dma semaphore(%dma_wait3A_420 : memref<!tpu.dma_semaphore, #tpu.memory_space<semaphore_mem>>) src(%dma_wait3A_418 : memref<10240x32xf32, #tpu.memory_space<vmem_shared>>) dst(%dma_wait3A_412 : memref<125x32xf32, #tpu.memory_space<vmem>>)
    %dma_start3A_421 = arith.constant 7 : i32
    %dma_start3A_422 = arith.constant 79 : i32
    %dma_start3A_423 = arith.constant 7 : i32
    %dma_start3A_424 = arith.constant 0 : i32
    %dma_start3A_425 = arith.constant 0 : i32
    %dma_start3A_426 = tpu.memref_slice %arg7[%dma_start3A_421, %dma_start3A_424, %dma_start3A_425] : memref<8x125x32xf32, #tpu.memory_space<vmem>> -> memref<1x125x32xf32, #tpu.memory_space<vmem>>
    %dma_start3A_427 = tpu.memref_squeeze %dma_start3A_426 : memref<1x125x32xf32, #tpu.memory_space<vmem>> -> memref<125x32xf32, #tpu.memory_space<vmem>>
    %dma_start3A_428 = arith.constant 0 : i32
    %dma_start3A_429 = tpu.memref_slice %arg6[%dma_start3A_422, %dma_start3A_428] : memref<80x125xi32, #tpu.memory_space<vmem>> -> memref<1x125xi32, #tpu.memory_space<vmem>>
    %dma_start3A_430 = tpu.memref_squeeze %dma_start3A_429 : memref<1x125xi32, #tpu.memory_space<vmem>> -> memref<125xi32, #tpu.memory_space<vmem>>
    %dma_start3A_431 = arith.constant 0 : i32
    %dma_start3A_432 = arith.constant 0 : i32
    %dma_start3A_433 = tpu.memref_slice %arg8[%dma_start3A_431, %dma_start3A_432] : memref<10240x32xf32, #tpu.memory_space<vmem_shared>> -> memref<10240x32xf32, #tpu.memory_space<vmem_shared>>
    %dma_start3A_434 = tpu.memref_slice %arg11[%dma_start3A_423] : memref<8x!tpu.dma_semaphore, #tpu.memory_space<semaphore_mem>> -> memref<1x!tpu.dma_semaphore, #tpu.memory_space<semaphore_mem>>
    %dma_start3A_435 = tpu.memref_squeeze %dma_start3A_434 : memref<1x!tpu.dma_semaphore, #tpu.memory_space<semaphore_mem>> -> memref<!tpu.dma_semaphore, #tpu.memory_space<semaphore_mem>>
    tpu.enqueue_indirect_dma source(%dma_start3A_427 : memref<125x32xf32, #tpu.memory_space<vmem>>) target(%dma_start3A_433 : memref<10240x32xf32, #tpu.memory_space<vmem_shared>>) offsets(%dma_start3A_430 : memref<125xi32, #tpu.memory_space<vmem>>) semaphore(%dma_start3A_435 : memref<!tpu.dma_semaphore, #tpu.memory_space<semaphore_mem>>) {add = true}
    %dma_wait3A_436 = arith.constant 0 : i32
    %dma_wait3A_437 = arith.constant 72 : i32
    %dma_wait3A_438 = arith.constant 0 : i32
    %dma_wait3A_439 = arith.constant 0 : i32
    %dma_wait3A_440 = arith.constant 0 : i32
    %dma_wait3A_441 = tpu.memref_slice %arg7[%dma_wait3A_436, %dma_wait3A_439, %dma_wait3A_440] : memref<8x125x32xf32, #tpu.memory_space<vmem>> -> memref<1x125x32xf32, #tpu.memory_space<vmem>>
    %dma_wait3A_442 = tpu.memref_squeeze %dma_wait3A_441 : memref<1x125x32xf32, #tpu.memory_space<vmem>> -> memref<125x32xf32, #tpu.memory_space<vmem>>
    %dma_wait3A_443 = arith.constant 0 : i32
    %dma_wait3A_444 = tpu.memref_slice %arg6[%dma_wait3A_437, %dma_wait3A_443] : memref<80x125xi32, #tpu.memory_space<vmem>> -> memref<1x125xi32, #tpu.memory_space<vmem>>
    %dma_wait3A_445 = tpu.memref_squeeze %dma_wait3A_444 : memref<1x125xi32, #tpu.memory_space<vmem>> -> memref<125xi32, #tpu.memory_space<vmem>>
    %dma_wait3A_446 = arith.constant 0 : i32
    %dma_wait3A_447 = arith.constant 0 : i32
    %dma_wait3A_448 = tpu.memref_slice %arg8[%dma_wait3A_446, %dma_wait3A_447] : memref<10240x32xf32, #tpu.memory_space<vmem_shared>> -> memref<10240x32xf32, #tpu.memory_space<vmem_shared>>
    %dma_wait3A_449 = tpu.memref_slice %arg11[%dma_wait3A_438] : memref<8x!tpu.dma_semaphore, #tpu.memory_space<semaphore_mem>> -> memref<1x!tpu.dma_semaphore, #tpu.memory_space<semaphore_mem>>
    %dma_wait3A_450 = tpu.memref_squeeze %dma_wait3A_449 : memref<1x!tpu.dma_semaphore, #tpu.memory_space<semaphore_mem>> -> memref<!tpu.dma_semaphore, #tpu.memory_space<semaphore_mem>>
    tpu.wait_indirect_dma semaphore(%dma_wait3A_450 : memref<!tpu.dma_semaphore, #tpu.memory_space<semaphore_mem>>) src(%dma_wait3A_442 : memref<125x32xf32, #tpu.memory_space<vmem>>) dst(%dma_wait3A_448 : memref<10240x32xf32, #tpu.memory_space<vmem_shared>>)
    %dma_wait3A_451 = arith.constant 1 : i32
    %dma_wait3A_452 = arith.constant 73 : i32
    %dma_wait3A_453 = arith.constant 1 : i32
    %dma_wait3A_454 = arith.constant 0 : i32
    %dma_wait3A_455 = arith.constant 0 : i32
    %dma_wait3A_456 = tpu.memref_slice %arg7[%dma_wait3A_451, %dma_wait3A_454, %dma_wait3A_455] : memref<8x125x32xf32, #tpu.memory_space<vmem>> -> memref<1x125x32xf32, #tpu.memory_space<vmem>>
    %dma_wait3A_457 = tpu.memref_squeeze %dma_wait3A_456 : memref<1x125x32xf32, #tpu.memory_space<vmem>> -> memref<125x32xf32, #tpu.memory_space<vmem>>
    %dma_wait3A_458 = arith.constant 0 : i32
    %dma_wait3A_459 = tpu.memref_slice %arg6[%dma_wait3A_452, %dma_wait3A_458] : memref<80x125xi32, #tpu.memory_space<vmem>> -> memref<1x125xi32, #tpu.memory_space<vmem>>
    %dma_wait3A_460 = tpu.memref_squeeze %dma_wait3A_459 : memref<1x125xi32, #tpu.memory_space<vmem>> -> memref<125xi32, #tpu.memory_space<vmem>>
    %dma_wait3A_461 = arith.constant 0 : i32
    %dma_wait3A_462 = arith.constant 0 : i32
    %dma_wait3A_463 = tpu.memref_slice %arg8[%dma_wait3A_461, %dma_wait3A_462] : memref<10240x32xf32, #tpu.memory_space<vmem_shared>> -> memref<10240x32xf32, #tpu.memory_space<vmem_shared>>
    %dma_wait3A_464 = tpu.memref_slice %arg11[%dma_wait3A_453] : memref<8x!tpu.dma_semaphore, #tpu.memory_space<semaphore_mem>> -> memref<1x!tpu.dma_semaphore, #tpu.memory_space<semaphore_mem>>
    %dma_wait3A_465 = tpu.memref_squeeze %dma_wait3A_464 : memref<1x!tpu.dma_semaphore, #tpu.memory_space<semaphore_mem>> -> memref<!tpu.dma_semaphore, #tpu.memory_space<semaphore_mem>>
    tpu.wait_indirect_dma semaphore(%dma_wait3A_465 : memref<!tpu.dma_semaphore, #tpu.memory_space<semaphore_mem>>) src(%dma_wait3A_457 : memref<125x32xf32, #tpu.memory_space<vmem>>) dst(%dma_wait3A_463 : memref<10240x32xf32, #tpu.memory_space<vmem_shared>>)
    %dma_wait3A_466 = arith.constant 2 : i32
    %dma_wait3A_467 = arith.constant 74 : i32
    %dma_wait3A_468 = arith.constant 2 : i32
    %dma_wait3A_469 = arith.constant 0 : i32
    %dma_wait3A_470 = arith.constant 0 : i32
    %dma_wait3A_471 = tpu.memref_slice %arg7[%dma_wait3A_466, %dma_wait3A_469, %dma_wait3A_470] : memref<8x125x32xf32, #tpu.memory_space<vmem>> -> memref<1x125x32xf32, #tpu.memory_space<vmem>>
    %dma_wait3A_472 = tpu.memref_squeeze %dma_wait3A_471 : memref<1x125x32xf32, #tpu.memory_space<vmem>> -> memref<125x32xf32, #tpu.memory_space<vmem>>
    %dma_wait3A_473 = arith.constant 0 : i32
    %dma_wait3A_474 = tpu.memref_slice %arg6[%dma_wait3A_467, %dma_wait3A_473] : memref<80x125xi32, #tpu.memory_space<vmem>> -> memref<1x125xi32, #tpu.memory_space<vmem>>
    %dma_wait3A_475 = tpu.memref_squeeze %dma_wait3A_474 : memref<1x125xi32, #tpu.memory_space<vmem>> -> memref<125xi32, #tpu.memory_space<vmem>>
    %dma_wait3A_476 = arith.constant 0 : i32
    %dma_wait3A_477 = arith.constant 0 : i32
    %dma_wait3A_478 = tpu.memref_slice %arg8[%dma_wait3A_476, %dma_wait3A_477] : memref<10240x32xf32, #tpu.memory_space<vmem_shared>> -> memref<10240x32xf32, #tpu.memory_space<vmem_shared>>
    %dma_wait3A_479 = tpu.memref_slice %arg11[%dma_wait3A_468] : memref<8x!tpu.dma_semaphore, #tpu.memory_space<semaphore_mem>> -> memref<1x!tpu.dma_semaphore, #tpu.memory_space<semaphore_mem>>
    %dma_wait3A_480 = tpu.memref_squeeze %dma_wait3A_479 : memref<1x!tpu.dma_semaphore, #tpu.memory_space<semaphore_mem>> -> memref<!tpu.dma_semaphore, #tpu.memory_space<semaphore_mem>>
    tpu.wait_indirect_dma semaphore(%dma_wait3A_480 : memref<!tpu.dma_semaphore, #tpu.memory_space<semaphore_mem>>) src(%dma_wait3A_472 : memref<125x32xf32, #tpu.memory_space<vmem>>) dst(%dma_wait3A_478 : memref<10240x32xf32, #tpu.memory_space<vmem_shared>>)
    %dma_wait3A_481 = arith.constant 3 : i32
    %dma_wait3A_482 = arith.constant 75 : i32
    %dma_wait3A_483 = arith.constant 3 : i32
    %dma_wait3A_484 = arith.constant 0 : i32
    %dma_wait3A_485 = arith.constant 0 : i32
    %dma_wait3A_486 = tpu.memref_slice %arg7[%dma_wait3A_481, %dma_wait3A_484, %dma_wait3A_485] : memref<8x125x32xf32, #tpu.memory_space<vmem>> -> memref<1x125x32xf32, #tpu.memory_space<vmem>>
    %dma_wait3A_487 = tpu.memref_squeeze %dma_wait3A_486 : memref<1x125x32xf32, #tpu.memory_space<vmem>> -> memref<125x32xf32, #tpu.memory_space<vmem>>
    %dma_wait3A_488 = arith.constant 0 : i32
    %dma_wait3A_489 = tpu.memref_slice %arg6[%dma_wait3A_482, %dma_wait3A_488] : memref<80x125xi32, #tpu.memory_space<vmem>> -> memref<1x125xi32, #tpu.memory_space<vmem>>
    %dma_wait3A_490 = tpu.memref_squeeze %dma_wait3A_489 : memref<1x125xi32, #tpu.memory_space<vmem>> -> memref<125xi32, #tpu.memory_space<vmem>>
    %dma_wait3A_491 = arith.constant 0 : i32
    %dma_wait3A_492 = arith.constant 0 : i32
    %dma_wait3A_493 = tpu.memref_slice %arg8[%dma_wait3A_491, %dma_wait3A_492] : memref<10240x32xf32, #tpu.memory_space<vmem_shared>> -> memref<10240x32xf32, #tpu.memory_space<vmem_shared>>
    %dma_wait3A_494 = tpu.memref_slice %arg11[%dma_wait3A_483] : memref<8x!tpu.dma_semaphore, #tpu.memory_space<semaphore_mem>> -> memref<1x!tpu.dma_semaphore, #tpu.memory_space<semaphore_mem>>
    %dma_wait3A_495 = tpu.memref_squeeze %dma_wait3A_494 : memref<1x!tpu.dma_semaphore, #tpu.memory_space<semaphore_mem>> -> memref<!tpu.dma_semaphore, #tpu.memory_space<semaphore_mem>>
    tpu.wait_indirect_dma semaphore(%dma_wait3A_495 : memref<!tpu.dma_semaphore, #tpu.memory_space<semaphore_mem>>) src(%dma_wait3A_487 : memref<125x32xf32, #tpu.memory_space<vmem>>) dst(%dma_wait3A_493 : memref<10240x32xf32, #tpu.memory_space<vmem_shared>>)
    %dma_wait3A_496 = arith.constant 4 : i32
    %dma_wait3A_497 = arith.constant 76 : i32
    %dma_wait3A_498 = arith.constant 4 : i32
    %dma_wait3A_499 = arith.constant 0 : i32
    %dma_wait3A_500 = arith.constant 0 : i32
    %dma_wait3A_501 = tpu.memref_slice %arg7[%dma_wait3A_496, %dma_wait3A_499, %dma_wait3A_500] : memref<8x125x32xf32, #tpu.memory_space<vmem>> -> memref<1x125x32xf32, #tpu.memory_space<vmem>>
    %dma_wait3A_502 = tpu.memref_squeeze %dma_wait3A_501 : memref<1x125x32xf32, #tpu.memory_space<vmem>> -> memref<125x32xf32, #tpu.memory_space<vmem>>
    %dma_wait3A_503 = arith.constant 0 : i32
    %dma_wait3A_504 = tpu.memref_slice %arg6[%dma_wait3A_497, %dma_wait3A_503] : memref<80x125xi32, #tpu.memory_space<vmem>> -> memref<1x125xi32, #tpu.memory_space<vmem>>
    %dma_wait3A_505 = tpu.memref_squeeze %dma_wait3A_504 : memref<1x125xi32, #tpu.memory_space<vmem>> -> memref<125xi32, #tpu.memory_space<vmem>>
    %dma_wait3A_506 = arith.constant 0 : i32
    %dma_wait3A_507 = arith.constant 0 : i32
    %dma_wait3A_508 = tpu.memref_slice %arg8[%dma_wait3A_506, %dma_wait3A_507] : memref<10240x32xf32, #tpu.memory_space<vmem_shared>> -> memref<10240x32xf32, #tpu.memory_space<vmem_shared>>
    %dma_wait3A_509 = tpu.memref_slice %arg11[%dma_wait3A_498] : memref<8x!tpu.dma_semaphore, #tpu.memory_space<semaphore_mem>> -> memref<1x!tpu.dma_semaphore, #tpu.memory_space<semaphore_mem>>
    %dma_wait3A_510 = tpu.memref_squeeze %dma_wait3A_509 : memref<1x!tpu.dma_semaphore, #tpu.memory_space<semaphore_mem>> -> memref<!tpu.dma_semaphore, #tpu.memory_space<semaphore_mem>>
    tpu.wait_indirect_dma semaphore(%dma_wait3A_510 : memref<!tpu.dma_semaphore, #tpu.memory_space<semaphore_mem>>) src(%dma_wait3A_502 : memref<125x32xf32, #tpu.memory_space<vmem>>) dst(%dma_wait3A_508 : memref<10240x32xf32, #tpu.memory_space<vmem_shared>>)
    %dma_wait3A_511 = arith.constant 5 : i32
    %dma_wait3A_512 = arith.constant 77 : i32
    %dma_wait3A_513 = arith.constant 5 : i32
    %dma_wait3A_514 = arith.constant 0 : i32
    %dma_wait3A_515 = arith.constant 0 : i32
    %dma_wait3A_516 = tpu.memref_slice %arg7[%dma_wait3A_511, %dma_wait3A_514, %dma_wait3A_515] : memref<8x125x32xf32, #tpu.memory_space<vmem>> -> memref<1x125x32xf32, #tpu.memory_space<vmem>>
    %dma_wait3A_517 = tpu.memref_squeeze %dma_wait3A_516 : memref<1x125x32xf32, #tpu.memory_space<vmem>> -> memref<125x32xf32, #tpu.memory_space<vmem>>
    %dma_wait3A_518 = arith.constant 0 : i32
    %dma_wait3A_519 = tpu.memref_slice %arg6[%dma_wait3A_512, %dma_wait3A_518] : memref<80x125xi32, #tpu.memory_space<vmem>> -> memref<1x125xi32, #tpu.memory_space<vmem>>
    %dma_wait3A_520 = tpu.memref_squeeze %dma_wait3A_519 : memref<1x125xi32, #tpu.memory_space<vmem>> -> memref<125xi32, #tpu.memory_space<vmem>>
    %dma_wait3A_521 = arith.constant 0 : i32
    %dma_wait3A_522 = arith.constant 0 : i32
    %dma_wait3A_523 = tpu.memref_slice %arg8[%dma_wait3A_521, %dma_wait3A_522] : memref<10240x32xf32, #tpu.memory_space<vmem_shared>> -> memref<10240x32xf32, #tpu.memory_space<vmem_shared>>
    %dma_wait3A_524 = tpu.memref_slice %arg11[%dma_wait3A_513] : memref<8x!tpu.dma_semaphore, #tpu.memory_space<semaphore_mem>> -> memref<1x!tpu.dma_semaphore, #tpu.memory_space<semaphore_mem>>
    %dma_wait3A_525 = tpu.memref_squeeze %dma_wait3A_524 : memref<1x!tpu.dma_semaphore, #tpu.memory_space<semaphore_mem>> -> memref<!tpu.dma_semaphore, #tpu.memory_space<semaphore_mem>>
    tpu.wait_indirect_dma semaphore(%dma_wait3A_525 : memref<!tpu.dma_semaphore, #tpu.memory_space<semaphore_mem>>) src(%dma_wait3A_517 : memref<125x32xf32, #tpu.memory_space<vmem>>) dst(%dma_wait3A_523 : memref<10240x32xf32, #tpu.memory_space<vmem_shared>>)
    %dma_wait3A_526 = arith.constant 6 : i32
    %dma_wait3A_527 = arith.constant 78 : i32
    %dma_wait3A_528 = arith.constant 6 : i32
    %dma_wait3A_529 = arith.constant 0 : i32
    %dma_wait3A_530 = arith.constant 0 : i32
    %dma_wait3A_531 = tpu.memref_slice %arg7[%dma_wait3A_526, %dma_wait3A_529, %dma_wait3A_530] : memref<8x125x32xf32, #tpu.memory_space<vmem>> -> memref<1x125x32xf32, #tpu.memory_space<vmem>>
    %dma_wait3A_532 = tpu.memref_squeeze %dma_wait3A_531 : memref<1x125x32xf32, #tpu.memory_space<vmem>> -> memref<125x32xf32, #tpu.memory_space<vmem>>
    %dma_wait3A_533 = arith.constant 0 : i32
    %dma_wait3A_534 = tpu.memref_slice %arg6[%dma_wait3A_527, %dma_wait3A_533] : memref<80x125xi32, #tpu.memory_space<vmem>> -> memref<1x125xi32, #tpu.memory_space<vmem>>
    %dma_wait3A_535 = tpu.memref_squeeze %dma_wait3A_534 : memref<1x125xi32, #tpu.memory_space<vmem>> -> memref<125xi32, #tpu.memory_space<vmem>>
    %dma_wait3A_536 = arith.constant 0 : i32
    %dma_wait3A_537 = arith.constant 0 : i32
    %dma_wait3A_538 = tpu.memref_slice %arg8[%dma_wait3A_536, %dma_wait3A_537] : memref<10240x32xf32, #tpu.memory_space<vmem_shared>> -> memref<10240x32xf32, #tpu.memory_space<vmem_shared>>
    %dma_wait3A_539 = tpu.memref_slice %arg11[%dma_wait3A_528] : memref<8x!tpu.dma_semaphore, #tpu.memory_space<semaphore_mem>> -> memref<1x!tpu.dma_semaphore, #tpu.memory_space<semaphore_mem>>
    %dma_wait3A_540 = tpu.memref_squeeze %dma_wait3A_539 : memref<1x!tpu.dma_semaphore, #tpu.memory_space<semaphore_mem>> -> memref<!tpu.dma_semaphore, #tpu.memory_space<semaphore_mem>>
    tpu.wait_indirect_dma semaphore(%dma_wait3A_540 : memref<!tpu.dma_semaphore, #tpu.memory_space<semaphore_mem>>) src(%dma_wait3A_532 : memref<125x32xf32, #tpu.memory_space<vmem>>) dst(%dma_wait3A_538 : memref<10240x32xf32, #tpu.memory_space<vmem_shared>>)
    %dma_wait3A_541 = arith.constant 7 : i32
    %dma_wait3A_542 = arith.constant 79 : i32
    %dma_wait3A_543 = arith.constant 7 : i32
    %dma_wait3A_544 = arith.constant 0 : i32
    %dma_wait3A_545 = arith.constant 0 : i32
    %dma_wait3A_546 = tpu.memref_slice %arg7[%dma_wait3A_541, %dma_wait3A_544, %dma_wait3A_545] : memref<8x125x32xf32, #tpu.memory_space<vmem>> -> memref<1x125x32xf32, #tpu.memory_space<vmem>>
    %dma_wait3A_547 = tpu.memref_squeeze %dma_wait3A_546 : memref<1x125x32xf32, #tpu.memory_space<vmem>> -> memref<125x32xf32, #tpu.memory_space<vmem>>
    %dma_wait3A_548 = arith.constant 0 : i32
    %dma_wait3A_549 = tpu.memref_slice %arg6[%dma_wait3A_542, %dma_wait3A_548] : memref<80x125xi32, #tpu.memory_space<vmem>> -> memref<1x125xi32, #tpu.memory_space<vmem>>
    %dma_wait3A_550 = tpu.memref_squeeze %dma_wait3A_549 : memref<1x125xi32, #tpu.memory_space<vmem>> -> memref<125xi32, #tpu.memory_space<vmem>>
    %dma_wait3A_551 = arith.constant 0 : i32
    %dma_wait3A_552 = arith.constant 0 : i32
    %dma_wait3A_553 = tpu.memref_slice %arg8[%dma_wait3A_551, %dma_wait3A_552] : memref<10240x32xf32, #tpu.memory_space<vmem_shared>> -> memref<10240x32xf32, #tpu.memory_space<vmem_shared>>
    %dma_wait3A_554 = tpu.memref_slice %arg11[%dma_wait3A_543] : memref<8x!tpu.dma_semaphore, #tpu.memory_space<semaphore_mem>> -> memref<1x!tpu.dma_semaphore, #tpu.memory_space<semaphore_mem>>
    %dma_wait3A_555 = tpu.memref_squeeze %dma_wait3A_554 : memref<1x!tpu.dma_semaphore, #tpu.memory_space<semaphore_mem>> -> memref<!tpu.dma_semaphore, #tpu.memory_space<semaphore_mem>>
    tpu.wait_indirect_dma semaphore(%dma_wait3A_555 : memref<!tpu.dma_semaphore, #tpu.memory_space<semaphore_mem>>) src(%dma_wait3A_547 : memref<125x32xf32, #tpu.memory_space<vmem>>) dst(%dma_wait3A_553 : memref<10240x32xf32, #tpu.memory_space<vmem_shared>>)
    %barrier3A_556 = arith.constant 0 : index
    tpu.barrier barrier_id(%barrier3A_556)
    "tpu.region"() ({
      %run_scoped3A = tpu.sem_alloc : memref<!tpu.dma_semaphore, #tpu.memory_space<semaphore_mem>>
      %dma_start3A_557 = arith.constant 0 : i32
      %dma_start3A_558 = tpu.memref_slice %arg4[%arg0, %mul3A_0, %dma_start3A_557] : memref<2x10240x32xf32, #tpu.memory_space<hbm>> -> memref<1x640x32xf32, #tpu.memory_space<hbm>>
      %dma_start3A_559 = tpu.memref_squeeze %dma_start3A_558 : memref<1x640x32xf32, #tpu.memory_space<hbm>> -> memref<640x32xf32, #tpu.memory_space<hbm>>
      %dma_start3A_560 = arith.constant 0 : i32
      %dma_start3A_561 = tpu.memref_slice %arg8[%mul3A_0, %dma_start3A_560] : memref<10240x32xf32, #tpu.memory_space<vmem_shared>> -> memref<640x32xf32, #tpu.memory_space<vmem_shared>>
      tpu.enqueue_dma source(%dma_start3A_561 : memref<640x32xf32, #tpu.memory_space<vmem_shared>>) target(%dma_start3A_559 : memref<640x32xf32, #tpu.memory_space<hbm>>) target_semaphore(%run_scoped3A : memref<!tpu.dma_semaphore, #tpu.memory_space<semaphore_mem>>)
      %dma_wait3A_562 = arith.constant 0 : i32
      %dma_wait3A_563 = tpu.memref_slice %arg4[%arg0, %mul3A_0, %dma_wait3A_562] : memref<2x10240x32xf32, #tpu.memory_space<hbm>> -> memref<1x640x32xf32, #tpu.memory_space<hbm>>
      %dma_wait3A_564 = tpu.memref_squeeze %dma_wait3A_563 : memref<1x640x32xf32, #tpu.memory_space<hbm>> -> memref<640x32xf32, #tpu.memory_space<hbm>>
      %dma_wait3A_565 = arith.constant 0 : i32
      %dma_wait3A_566 = tpu.memref_slice %arg8[%mul3A_0, %dma_wait3A_565] : memref<10240x32xf32, #tpu.memory_space<vmem_shared>> -> memref<640x32xf32, #tpu.memory_space<vmem_shared>>
      tpu.wait_dma2 semaphore(%run_scoped3A : memref<!tpu.dma_semaphore, #tpu.memory_space<semaphore_mem>>) src(%dma_wait3A_566 : memref<640x32xf32, #tpu.memory_space<vmem_shared>>) dst(%dma_wait3A_564 : memref<640x32xf32, #tpu.memory_space<hbm>>)
      tpu.yield
    }) : () -> ()
    return
  }
}

#map = affine_map<(d0, d1) -> (0, 0, 0, 0)>
#map1 = affine_map<(d0, d1) -> (0, 0)>
#map2 = affine_map<(d0, d1) -> (0, 0, 0)>
module attributes {stable_mosaic.version = 14 : i64} {
  func.func @_degree(%arg0: i32, %arg1: i32, %arg2: memref<2x16x160x125xi32, #tpu.memory_space<hbm>>, %arg3: memref<10240x32xf32, #tpu.memory_space<hbm>>, %arg4: memref<125x32xf32, #tpu.memory_space<hbm>>, %arg5: memref<2x10240x32xf32, #tpu.memory_space<hbm>>, %arg6: memref<80x125xi32, #tpu.memory_space<vmem>>, %arg7: memref<125x32xf32, #tpu.memory_space<vmem>>, %arg8: memref<10240x32xf32, #tpu.memory_space<vmem_shared>>, %arg9: memref<3x!tpu.dma_semaphore, #tpu.memory_space<semaphore_mem>>) attributes {dimension_semantics = [#tpu.dimension_semantics<core_parallel>, #tpu.dimension_semantics<subcore_parallel>], iteration_bounds = array<i64: 2, 16>, scalar_prefetch = 0 : i64, scratch_operands = 4 : i64, tpu.core_type = #tpu.core_type<sc_vector_subcore>, window_params = [{transform_indices = #map}, {transform_indices = #map1}, {transform_indices = #map1}, {transform_indices = #map2}]} {
    %mul3A = arith.constant 640 : i32
    %mul3A_0 = arith.muli %arg1, %mul3A : i32
    %dma_start3A = arith.constant 0 : i32
    %dma_start3A_1 = tpu.memref_slice %arg9[%dma_start3A] : memref<3x!tpu.dma_semaphore, #tpu.memory_space<semaphore_mem>> -> memref<1x!tpu.dma_semaphore, #tpu.memory_space<semaphore_mem>>
    %dma_start3A_2 = tpu.memref_squeeze %dma_start3A_1 : memref<1x!tpu.dma_semaphore, #tpu.memory_space<semaphore_mem>> -> memref<!tpu.dma_semaphore, #tpu.memory_space<semaphore_mem>>
    %dma_start3A_3 = arith.constant 0 : i32
    %dma_start3A_4 = tpu.memref_slice %arg8[%mul3A_0, %dma_start3A_3] : memref<10240x32xf32, #tpu.memory_space<vmem_shared>> -> memref<640x32xf32, #tpu.memory_space<vmem_shared>>
    %dma_start3A_5 = arith.constant 0 : i32
    %dma_start3A_6 = tpu.memref_slice %arg3[%mul3A_0, %dma_start3A_5] : memref<10240x32xf32, #tpu.memory_space<hbm>> -> memref<640x32xf32, #tpu.memory_space<hbm>>
    tpu.enqueue_dma source(%dma_start3A_6 : memref<640x32xf32, #tpu.memory_space<hbm>>) target(%dma_start3A_4 : memref<640x32xf32, #tpu.memory_space<vmem_shared>>) target_semaphore(%dma_start3A_2 : memref<!tpu.dma_semaphore, #tpu.memory_space<semaphore_mem>>)
    %dma_start3A_7 = arith.constant 1 : i32
    %dma_start3A_8 = tpu.memref_slice %arg9[%dma_start3A_7] : memref<3x!tpu.dma_semaphore, #tpu.memory_space<semaphore_mem>> -> memref<1x!tpu.dma_semaphore, #tpu.memory_space<semaphore_mem>>
    %dma_start3A_9 = tpu.memref_squeeze %dma_start3A_8 : memref<1x!tpu.dma_semaphore, #tpu.memory_space<semaphore_mem>> -> memref<!tpu.dma_semaphore, #tpu.memory_space<semaphore_mem>>
    tpu.enqueue_dma source(%arg4 : memref<125x32xf32, #tpu.memory_space<hbm>>) target(%arg7 : memref<125x32xf32, #tpu.memory_space<vmem>>) target_semaphore(%dma_start3A_9 : memref<!tpu.dma_semaphore, #tpu.memory_space<semaphore_mem>>)
    %mul3A_10 = arith.constant 80 : i32
    %mul3A_11 = arith.muli %arg0, %mul3A_10 : i32
    %dma_start3A_12 = arith.constant 1 : i32
    %dma_start3A_13 = arith.constant 2 : i32
    %dma_start3A_14 = arith.constant 0 : i32
    %dma_start3A_15 = tpu.memref_slice %arg2[%dma_start3A_12, %arg1, %mul3A_11, %dma_start3A_14] : memref<2x16x160x125xi32, #tpu.memory_space<hbm>> -> memref<1x1x80x125xi32, #tpu.memory_space<hbm>>
    %dma_start3A_16 = tpu.memref_squeeze %dma_start3A_15 : memref<1x1x80x125xi32, #tpu.memory_space<hbm>> -> memref<80x125xi32, #tpu.memory_space<hbm>>
    %dma_start3A_17 = tpu.memref_slice %arg9[%dma_start3A_13] : memref<3x!tpu.dma_semaphore, #tpu.memory_space<semaphore_mem>> -> memref<1x!tpu.dma_semaphore, #tpu.memory_space<semaphore_mem>>
    %dma_start3A_18 = tpu.memref_squeeze %dma_start3A_17 : memref<1x!tpu.dma_semaphore, #tpu.memory_space<semaphore_mem>> -> memref<!tpu.dma_semaphore, #tpu.memory_space<semaphore_mem>>
    %dma_start3A_19 = arith.constant 0 : i32
    %dma_start3A_20 = tpu.memref_slice %arg2[%dma_start3A_12, %arg1, %mul3A_11, %dma_start3A_19] : memref<2x16x160x125xi32, #tpu.memory_space<hbm>> -> memref<1x1x80x125xi32, #tpu.memory_space<hbm>>
    %dma_start3A_21 = tpu.memref_squeeze %dma_start3A_20 : memref<1x1x80x125xi32, #tpu.memory_space<hbm>> -> memref<80x125xi32, #tpu.memory_space<hbm>>
    tpu.enqueue_dma source(%dma_start3A_21 : memref<80x125xi32, #tpu.memory_space<hbm>>) target(%arg6 : memref<80x125xi32, #tpu.memory_space<vmem>>) target_semaphore(%dma_start3A_18 : memref<!tpu.dma_semaphore, #tpu.memory_space<semaphore_mem>>)
    %dma_wait3A = arith.constant 0 : i32
    %dma_wait3A_22 = tpu.memref_slice %arg9[%dma_wait3A] : memref<3x!tpu.dma_semaphore, #tpu.memory_space<semaphore_mem>> -> memref<1x!tpu.dma_semaphore, #tpu.memory_space<semaphore_mem>>
    %dma_wait3A_23 = tpu.memref_squeeze %dma_wait3A_22 : memref<1x!tpu.dma_semaphore, #tpu.memory_space<semaphore_mem>> -> memref<!tpu.dma_semaphore, #tpu.memory_space<semaphore_mem>>
    %dma_wait3A_24 = arith.constant 0 : i32
    %dma_wait3A_25 = tpu.memref_slice %arg8[%mul3A_0, %dma_wait3A_24] : memref<10240x32xf32, #tpu.memory_space<vmem_shared>> -> memref<640x32xf32, #tpu.memory_space<vmem_shared>>
    %dma_wait3A_26 = arith.constant 0 : i32
    %dma_wait3A_27 = tpu.memref_slice %arg3[%mul3A_0, %dma_wait3A_26] : memref<10240x32xf32, #tpu.memory_space<hbm>> -> memref<640x32xf32, #tpu.memory_space<hbm>>
    tpu.wait_dma2 semaphore(%dma_wait3A_23 : memref<!tpu.dma_semaphore, #tpu.memory_space<semaphore_mem>>) src(%dma_wait3A_27 : memref<640x32xf32, #tpu.memory_space<hbm>>) dst(%dma_wait3A_25 : memref<640x32xf32, #tpu.memory_space<vmem_shared>>)
    %dma_wait3A_28 = arith.constant 1 : i32
    %dma_wait3A_29 = tpu.memref_slice %arg9[%dma_wait3A_28] : memref<3x!tpu.dma_semaphore, #tpu.memory_space<semaphore_mem>> -> memref<1x!tpu.dma_semaphore, #tpu.memory_space<semaphore_mem>>
    %dma_wait3A_30 = tpu.memref_squeeze %dma_wait3A_29 : memref<1x!tpu.dma_semaphore, #tpu.memory_space<semaphore_mem>> -> memref<!tpu.dma_semaphore, #tpu.memory_space<semaphore_mem>>
    tpu.wait_dma2 semaphore(%dma_wait3A_30 : memref<!tpu.dma_semaphore, #tpu.memory_space<semaphore_mem>>) src(%arg4 : memref<125x32xf32, #tpu.memory_space<hbm>>) dst(%arg7 : memref<125x32xf32, #tpu.memory_space<vmem>>)
    %dma_wait3A_31 = arith.constant 1 : i32
    %dma_wait3A_32 = arith.constant 2 : i32
    %dma_wait3A_33 = arith.constant 0 : i32
    %dma_wait3A_34 = tpu.memref_slice %arg2[%dma_wait3A_31, %arg1, %mul3A_11, %dma_wait3A_33] : memref<2x16x160x125xi32, #tpu.memory_space<hbm>> -> memref<1x1x80x125xi32, #tpu.memory_space<hbm>>
    %dma_wait3A_35 = tpu.memref_squeeze %dma_wait3A_34 : memref<1x1x80x125xi32, #tpu.memory_space<hbm>> -> memref<80x125xi32, #tpu.memory_space<hbm>>
    %dma_wait3A_36 = tpu.memref_slice %arg9[%dma_wait3A_32] : memref<3x!tpu.dma_semaphore, #tpu.memory_space<semaphore_mem>> -> memref<1x!tpu.dma_semaphore, #tpu.memory_space<semaphore_mem>>
    %dma_wait3A_37 = tpu.memref_squeeze %dma_wait3A_36 : memref<1x!tpu.dma_semaphore, #tpu.memory_space<semaphore_mem>> -> memref<!tpu.dma_semaphore, #tpu.memory_space<semaphore_mem>>
    %dma_wait3A_38 = arith.constant 0 : i32
    %dma_wait3A_39 = tpu.memref_slice %arg2[%dma_wait3A_31, %arg1, %mul3A_11, %dma_wait3A_38] : memref<2x16x160x125xi32, #tpu.memory_space<hbm>> -> memref<1x1x80x125xi32, #tpu.memory_space<hbm>>
    %dma_wait3A_40 = tpu.memref_squeeze %dma_wait3A_39 : memref<1x1x80x125xi32, #tpu.memory_space<hbm>> -> memref<80x125xi32, #tpu.memory_space<hbm>>
    tpu.wait_dma2 semaphore(%dma_wait3A_37 : memref<!tpu.dma_semaphore, #tpu.memory_space<semaphore_mem>>) src(%dma_wait3A_40 : memref<80x125xi32, #tpu.memory_space<hbm>>) dst(%arg6 : memref<80x125xi32, #tpu.memory_space<vmem>>)
    %barrier3A = arith.constant 0 : index
    tpu.barrier barrier_id(%barrier3A)
    %scan3A = arith.constant 0 : i32
    %scan3A_41 = arith.constant 0 : i32
    %scan3A_42 = arith.constant 80 : i32
    %scan3A_43 = arith.addi %scan3A_41, %scan3A_42 : i32
    %scan3A_44 = arith.constant 1 : i32
    scf.for %scan3A_53 = %scan3A_41 to %scan3A_43 step %scan3A_44  : i32 {
      %dma_start3A_54 = arith.constant 0 : i32
      %dma_start3A_55 = arith.constant 0 : i32
      %dma_start3A_56 = tpu.memref_slice %arg6[%scan3A_53, %dma_start3A_55] : memref<80x125xi32, #tpu.memory_space<vmem>> -> memref<1x125xi32, #tpu.memory_space<vmem>>
      %dma_start3A_57 = tpu.memref_squeeze %dma_start3A_56 : memref<1x125xi32, #tpu.memory_space<vmem>> -> memref<125xi32, #tpu.memory_space<vmem>>
      %dma_start3A_58 = arith.constant 0 : i32
      %dma_start3A_59 = arith.constant 0 : i32
      %dma_start3A_60 = tpu.memref_slice %arg8[%dma_start3A_58, %dma_start3A_59] : memref<10240x32xf32, #tpu.memory_space<vmem_shared>> -> memref<10240x32xf32, #tpu.memory_space<vmem_shared>>
      %dma_start3A_61 = tpu.memref_slice %arg9[%dma_start3A_54] : memref<3x!tpu.dma_semaphore, #tpu.memory_space<semaphore_mem>> -> memref<1x!tpu.dma_semaphore, #tpu.memory_space<semaphore_mem>>
      %dma_start3A_62 = tpu.memref_squeeze %dma_start3A_61 : memref<1x!tpu.dma_semaphore, #tpu.memory_space<semaphore_mem>> -> memref<!tpu.dma_semaphore, #tpu.memory_space<semaphore_mem>>
      tpu.enqueue_indirect_dma source(%arg7 : memref<125x32xf32, #tpu.memory_space<vmem>>) target(%dma_start3A_60 : memref<10240x32xf32, #tpu.memory_space<vmem_shared>>) offsets(%dma_start3A_57 : memref<125xi32, #tpu.memory_space<vmem>>) semaphore(%dma_start3A_62 : memref<!tpu.dma_semaphore, #tpu.memory_space<semaphore_mem>>) {add = true}
    }
    %scan3A_45 = arith.constant 80 : i32
    %scan3A_46 = arith.constant 0 : i32
    %scan3A_47 = arith.constant 0 : i32
    %scan3A_48 = arith.constant 80 : i32
    %scan3A_49 = arith.addi %scan3A_47, %scan3A_48 : i32
    %scan3A_50 = arith.constant 1 : i32
    scf.for %scan3A_53 = %scan3A_47 to %scan3A_49 step %scan3A_50  : i32 {
      %dma_wait3A_54 = arith.constant 0 : i32
      %dma_wait3A_55 = arith.constant 0 : i32
      %dma_wait3A_56 = tpu.memref_slice %arg6[%scan3A_53, %dma_wait3A_55] : memref<80x125xi32, #tpu.memory_space<vmem>> -> memref<1x125xi32, #tpu.memory_space<vmem>>
      %dma_wait3A_57 = tpu.memref_squeeze %dma_wait3A_56 : memref<1x125xi32, #tpu.memory_space<vmem>> -> memref<125xi32, #tpu.memory_space<vmem>>
      %dma_wait3A_58 = arith.constant 0 : i32
      %dma_wait3A_59 = arith.constant 0 : i32
      %dma_wait3A_60 = tpu.memref_slice %arg8[%dma_wait3A_58, %dma_wait3A_59] : memref<10240x32xf32, #tpu.memory_space<vmem_shared>> -> memref<10240x32xf32, #tpu.memory_space<vmem_shared>>
      %dma_wait3A_61 = tpu.memref_slice %arg9[%dma_wait3A_54] : memref<3x!tpu.dma_semaphore, #tpu.memory_space<semaphore_mem>> -> memref<1x!tpu.dma_semaphore, #tpu.memory_space<semaphore_mem>>
      %dma_wait3A_62 = tpu.memref_squeeze %dma_wait3A_61 : memref<1x!tpu.dma_semaphore, #tpu.memory_space<semaphore_mem>> -> memref<!tpu.dma_semaphore, #tpu.memory_space<semaphore_mem>>
      tpu.wait_indirect_dma semaphore(%dma_wait3A_62 : memref<!tpu.dma_semaphore, #tpu.memory_space<semaphore_mem>>) src(%arg7 : memref<125x32xf32, #tpu.memory_space<vmem>>) dst(%dma_wait3A_60 : memref<10240x32xf32, #tpu.memory_space<vmem_shared>>)
    }
    %scan3A_51 = arith.constant 80 : i32
    %barrier3A_52 = arith.constant 0 : index
    tpu.barrier barrier_id(%barrier3A_52)
    "tpu.region"() ({
      %run_scoped3A = tpu.sem_alloc : memref<!tpu.dma_semaphore, #tpu.memory_space<semaphore_mem>>
      %dma_start3A_53 = arith.constant 0 : i32
      %dma_start3A_54 = tpu.memref_slice %arg5[%arg0, %mul3A_0, %dma_start3A_53] : memref<2x10240x32xf32, #tpu.memory_space<hbm>> -> memref<1x640x32xf32, #tpu.memory_space<hbm>>
      %dma_start3A_55 = tpu.memref_squeeze %dma_start3A_54 : memref<1x640x32xf32, #tpu.memory_space<hbm>> -> memref<640x32xf32, #tpu.memory_space<hbm>>
      %dma_start3A_56 = arith.constant 0 : i32
      %dma_start3A_57 = tpu.memref_slice %arg8[%mul3A_0, %dma_start3A_56] : memref<10240x32xf32, #tpu.memory_space<vmem_shared>> -> memref<640x32xf32, #tpu.memory_space<vmem_shared>>
      tpu.enqueue_dma source(%dma_start3A_57 : memref<640x32xf32, #tpu.memory_space<vmem_shared>>) target(%dma_start3A_55 : memref<640x32xf32, #tpu.memory_space<hbm>>) target_semaphore(%run_scoped3A : memref<!tpu.dma_semaphore, #tpu.memory_space<semaphore_mem>>)
      %dma_wait3A_58 = arith.constant 0 : i32
      %dma_wait3A_59 = tpu.memref_slice %arg5[%arg0, %mul3A_0, %dma_wait3A_58] : memref<2x10240x32xf32, #tpu.memory_space<hbm>> -> memref<1x640x32xf32, #tpu.memory_space<hbm>>
      %dma_wait3A_60 = tpu.memref_squeeze %dma_wait3A_59 : memref<1x640x32xf32, #tpu.memory_space<hbm>> -> memref<640x32xf32, #tpu.memory_space<hbm>>
      %dma_wait3A_61 = arith.constant 0 : i32
      %dma_wait3A_62 = tpu.memref_slice %arg8[%mul3A_0, %dma_wait3A_61] : memref<10240x32xf32, #tpu.memory_space<vmem_shared>> -> memref<640x32xf32, #tpu.memory_space<vmem_shared>>
      tpu.wait_dma2 semaphore(%run_scoped3A : memref<!tpu.dma_semaphore, #tpu.memory_space<semaphore_mem>>) src(%dma_wait3A_62 : memref<640x32xf32, #tpu.memory_space<vmem_shared>>) dst(%dma_wait3A_60 : memref<640x32xf32, #tpu.memory_space<hbm>>)
      tpu.yield
    }) : () -> ()
    return
  }
}

module attributes {stable_mosaic.version = 14 : i64} {
  func.func @_tc1_body(%arg0: i32, %arg1: memref<512x512xf32, #tpu.memory_space<vmem>>, %arg2: memref<512x128xf32, #tpu.memory_space<vmem>>, %arg3: memref<512x128xf32, #tpu.memory_space<vmem>>, %arg4: memref<2x512x128xf32, #tpu.memory_space<vmem>>, %arg5: memref<2x512x128xf32, #tpu.memory_space<vmem>>) attributes {dimension_semantics = [#tpu.dimension_semantics<arbitrary>], iteration_bounds = array<i64: 5>, scalar_prefetch = 0 : i64, scratch_operands = 0 : i64, tpu.core_type = #tpu.core_type<tc>, window_params = [{transform_indices = @transform_0, window_bounds = array<i64: 512, 512>}, {pipeline_mode = #tpu.pipeline_mode<synchronous>, transform_indices = @transform_1, window_bounds = array<i64: 512, 128>}, {pipeline_mode = #tpu.pipeline_mode<synchronous>, transform_indices = @transform_2, window_bounds = array<i64: 512, 128>}, {transform_indices = @transform_3, window_bounds = array<i64: 2, 512, 128>}, {transform_indices = @transform_4, window_bounds = array<i64: 2, 512, 128>}]} {
    %get3A = arith.constant 0 : index
    %get3A_0 = arith.constant 0 : index
    %get3A_1 = arith.constant 0 : index
    %get3A_2 = vector.load %arg4[%get3A, %get3A_0, %get3A_1] : memref<2x512x128xf32, #tpu.memory_space<vmem>>, vector<1x512x128xf32>
    %get3A_3 = vector.shape_cast %get3A_2 : vector<1x512x128xf32> to vector<512x128xf32>
    %get3A_4 = arith.constant 1 : index
    %get3A_5 = arith.constant 0 : index
    %get3A_6 = arith.constant 0 : index
    %get3A_7 = vector.load %arg4[%get3A_4, %get3A_5, %get3A_6] : memref<2x512x128xf32, #tpu.memory_space<vmem>>, vector<1x512x128xf32>
    %get3A_8 = vector.shape_cast %get3A_7 : vector<1x512x128xf32> to vector<512x128xf32>
    %add3A = arith.addf %get3A_3, %get3A_8 : vector<512x128xf32>
    %add3A_9 = arith.constant 1.000000e+00 : f32
    %add3A_10 = vector.broadcast %add3A_9 : f32 to vector<512x128xf32>
    %add3A_11 = arith.addf %add3A, %add3A_10 : vector<512x128xf32>
    %rsqrt3A = math.rsqrt %add3A_11 : vector<512x128xf32>
    %get3A_12 = arith.constant 0 : index
    %get3A_13 = arith.constant 0 : index
    %get3A_14 = vector.load %arg1[%get3A_12, %get3A_13] : memref<512x512xf32, #tpu.memory_space<vmem>>, vector<512x512xf32>
    %get3A_15 = arith.constant 0 : index
    %get3A_16 = arith.constant 0 : index
    %get3A_17 = vector.load %arg2[%get3A_15, %get3A_16] : memref<512x128xf32, #tpu.memory_space<vmem>>, vector<512x128xf32>
    %dot_general3A = arith.constant dense<0.000000e+00> : vector<512x128xf32>
    %dot_general3A_18 = tpu.matmul %get3A_14, %get3A_17, %dot_general3A {dimension_numbers = #tpu.dot_dimension_numbers<[1], [0], [0], [1], [0, 0, 1, 1], [], []>, transpose_lhs_hint = false} : vector<512x512xf32>, vector<512x128xf32>, vector<512x128xf32> -> vector<512x128xf32>
    %mul3A = arith.mulf %dot_general3A_18, %rsqrt3A : vector<512x128xf32>
    %swap3A = arith.constant 0 : index
    %swap3A_19 = arith.constant 0 : index
    %swap3A_20 = arith.constant 0 : index
    %swap3A_21 = vector.load %arg5[%swap3A, %swap3A_19, %swap3A_20] : memref<2x512x128xf32, #tpu.memory_space<vmem>>, vector<1x512x128xf32>
    %swap3A_22 = vector.shape_cast %swap3A_21 : vector<1x512x128xf32> to vector<512x128xf32>
    %swap3A_23 = vector.shape_cast %mul3A : vector<512x128xf32> to vector<1x512x128xf32>
    tpu.vector_store %arg5[%swap3A, %swap3A_19, %swap3A_20], %swap3A_23 {strides = array<i32>} : memref<2x512x128xf32, #tpu.memory_space<vmem>>, vector<1x512x128xf32>,
    %get3A_24 = arith.constant 0 : index
    %get3A_25 = arith.constant 0 : index
    %get3A_26 = vector.load %arg1[%get3A_24, %get3A_25] : memref<512x512xf32, #tpu.memory_space<vmem>>, vector<512x512xf32>
    %get3A_27 = arith.constant 0 : index
    %get3A_28 = arith.constant 0 : index
    %get3A_29 = vector.load %arg3[%get3A_27, %get3A_28] : memref<512x128xf32, #tpu.memory_space<vmem>>, vector<512x128xf32>
    %dot_general3A_30 = arith.constant dense<0.000000e+00> : vector<512x128xf32>
    %dot_general3A_31 = tpu.matmul %get3A_26, %get3A_29, %dot_general3A_30 {dimension_numbers = #tpu.dot_dimension_numbers<[1], [0], [0], [1], [0, 0, 1, 1], [], []>, transpose_lhs_hint = false} : vector<512x512xf32>, vector<512x128xf32>, vector<512x128xf32> -> vector<512x128xf32>
    %mul3A_32 = arith.mulf %dot_general3A_31, %rsqrt3A : vector<512x128xf32>
    %swap3A_33 = arith.constant 1 : index
    %swap3A_34 = arith.constant 0 : index
    %swap3A_35 = arith.constant 0 : index
    %swap3A_36 = vector.load %arg5[%swap3A_33, %swap3A_34, %swap3A_35] : memref<2x512x128xf32, #tpu.memory_space<vmem>>, vector<1x512x128xf32>
    %swap3A_37 = vector.shape_cast %swap3A_36 : vector<1x512x128xf32> to vector<512x128xf32>
    %swap3A_38 = vector.shape_cast %mul3A_32 : vector<512x128xf32> to vector<1x512x128xf32>
    tpu.vector_store %arg5[%swap3A_33, %swap3A_34, %swap3A_35], %swap3A_38 {strides = array<i32>} : memref<2x512x128xf32, #tpu.memory_space<vmem>>, vector<1x512x128xf32>,
    return
  }
  func.func @transform_0(%arg0: i32) -> (i32, i32) {
    %c0_i32 = arith.constant 0 : i32
    %c0_i32_0 = arith.constant 0 : i32
    return %arg0, %c0_i32 : i32, i32
  }
  func.func @transform_1(%arg0: i32) -> (i32, i32) {
    %c0_i32 = arith.constant 0 : i32
    %c0_i32_0 = arith.constant 0 : i32
    %c0_i32_1 = arith.constant 0 : i32
    return %c0_i32, %c0_i32_0 : i32, i32
  }
  func.func @transform_2(%arg0: i32) -> (i32, i32) {
    %c0_i32 = arith.constant 0 : i32
    %c0_i32_0 = arith.constant 0 : i32
    %c0_i32_1 = arith.constant 0 : i32
    return %c0_i32, %c0_i32_0 : i32, i32
  }
  func.func @transform_3(%arg0: i32) -> (i32, i32, i32) {
    %c0_i32 = arith.constant 0 : i32
    %c0_i32_0 = arith.constant 0 : i32
    %c0_i32_1 = arith.constant 0 : i32
    return %c0_i32, %arg0, %c0_i32_0 : i32, i32, i32
  }
  func.func @transform_4(%arg0: i32) -> (i32, i32, i32) {
    %c0_i32 = arith.constant 0 : i32
    %c0_i32_0 = arith.constant 0 : i32
    %c0_i32_1 = arith.constant 0 : i32
    return %c0_i32, %arg0, %c0_i32_0 : i32, i32, i32
  }
}

module attributes {stable_mosaic.version = 14 : i64} {
  func.func @_tc2_body(%arg0: i32, %arg1: memref<2x512x128xf32, #tpu.memory_space<vmem>>, %arg2: memref<2x512x128xf32, #tpu.memory_space<vmem>>, %arg3: memref<1x128xf32, #tpu.memory_space<vmem>>, %arg4: memref<1x128xf32, #tpu.memory_space<vmem>>, %arg5: memref<128x128xf32, #tpu.memory_space<vmem>>, %arg6: memref<128x128xf32, #tpu.memory_space<vmem>>, %arg7: memref<512x128xf32, #tpu.memory_space<vmem>>) attributes {dimension_semantics = [#tpu.dimension_semantics<arbitrary>], iteration_bounds = array<i64: 5>, scalar_prefetch = 0 : i64, scratch_operands = 0 : i64, tpu.core_type = #tpu.core_type<tc>, window_params = [{transform_indices = @transform_0, window_bounds = array<i64: 2, 512, 128>}, {transform_indices = @transform_1, window_bounds = array<i64: 2, 512, 128>}, {pipeline_mode = #tpu.pipeline_mode<synchronous>, transform_indices = @transform_2, window_bounds = array<i64: 1, 128>}, {pipeline_mode = #tpu.pipeline_mode<synchronous>, transform_indices = @transform_3, window_bounds = array<i64: 1, 128>}, {pipeline_mode = #tpu.pipeline_mode<synchronous>, transform_indices = @transform_4, window_bounds = array<i64: 128, 128>}, {pipeline_mode = #tpu.pipeline_mode<synchronous>, transform_indices = @transform_5, window_bounds = array<i64: 128, 128>}, {transform_indices = @transform_6, window_bounds = array<i64: 512, 128>}]} {
    %get3A = arith.constant 0 : index
    %get3A_0 = arith.constant 0 : index
    %get3A_1 = arith.constant 0 : index
    %get3A_2 = vector.load %arg2[%get3A, %get3A_0, %get3A_1] : memref<2x512x128xf32, #tpu.memory_space<vmem>>, vector<1x512x128xf32>
    %get3A_3 = vector.shape_cast %get3A_2 : vector<1x512x128xf32> to vector<512x128xf32>
    %get3A_4 = arith.constant 1 : index
    %get3A_5 = arith.constant 0 : index
    %get3A_6 = arith.constant 0 : index
    %get3A_7 = vector.load %arg2[%get3A_4, %get3A_5, %get3A_6] : memref<2x512x128xf32, #tpu.memory_space<vmem>>, vector<1x512x128xf32>
    %get3A_8 = vector.shape_cast %get3A_7 : vector<1x512x128xf32> to vector<512x128xf32>
    %add3A = arith.addf %get3A_3, %get3A_8 : vector<512x128xf32>
    %add3A_9 = arith.constant 1.000000e+00 : f32
    %add3A_10 = vector.broadcast %add3A_9 : f32 to vector<512x128xf32>
    %add3A_11 = arith.addf %add3A, %add3A_10 : vector<512x128xf32>
    %rsqrt3A = math.rsqrt %add3A_11 : vector<512x128xf32>
    %get3A_12 = arith.constant 0 : index
    %get3A_13 = arith.constant 0 : index
    %get3A_14 = arith.constant 0 : index
    %get3A_15 = vector.load %arg1[%get3A_12, %get3A_13, %get3A_14] : memref<2x512x128xf32, #tpu.memory_space<vmem>>, vector<1x512x128xf32>
    %get3A_16 = vector.shape_cast %get3A_15 : vector<1x512x128xf32> to vector<512x128xf32>
    %mul3A = arith.mulf %get3A_16, %rsqrt3A : vector<512x128xf32>
    %get3A_17 = arith.constant 0 : index
    %get3A_18 = arith.constant 0 : index
    %get3A_19 = vector.load %arg3[%get3A_17, %get3A_18] : memref<1x128xf32, #tpu.memory_space<vmem>>, vector<1x128xf32>
    %add3A_20 = vector.broadcast %get3A_19 : vector<1x128xf32> to vector<512x128xf32>
    %add3A_21 = arith.addf %mul3A, %add3A_20 : vector<512x128xf32>
    %max3A = arith.constant 0.000000e+00 : f32
    %max3A_22 = vector.broadcast %max3A : f32 to vector<512x128xf32>
    %max3A_23 = arith.maximumf %add3A_21, %max3A_22 : vector<512x128xf32>
    %get3A_24 = arith.constant 1 : index
    %get3A_25 = arith.constant 0 : index
    %get3A_26 = arith.constant 0 : index
    %get3A_27 = vector.load %arg1[%get3A_24, %get3A_25, %get3A_26] : memref<2x512x128xf32, #tpu.memory_space<vmem>>, vector<1x512x128xf32>
    %get3A_28 = vector.shape_cast %get3A_27 : vector<1x512x128xf32> to vector<512x128xf32>
    %mul3A_29 = arith.mulf %get3A_28, %rsqrt3A : vector<512x128xf32>
    %get3A_30 = arith.constant 0 : index
    %get3A_31 = arith.constant 0 : index
    %get3A_32 = vector.load %arg4[%get3A_30, %get3A_31] : memref<1x128xf32, #tpu.memory_space<vmem>>, vector<1x128xf32>
    %add3A_33 = vector.broadcast %get3A_32 : vector<1x128xf32> to vector<512x128xf32>
    %add3A_34 = arith.addf %mul3A_29, %add3A_33 : vector<512x128xf32>
    %max3A_35 = arith.constant 0.000000e+00 : f32
    %max3A_36 = vector.broadcast %max3A_35 : f32 to vector<512x128xf32>
    %max3A_37 = arith.maximumf %add3A_34, %max3A_36 : vector<512x128xf32>
    %get3A_38 = arith.constant 0 : index
    %get3A_39 = arith.constant 0 : index
    %get3A_40 = vector.load %arg5[%get3A_38, %get3A_39] : memref<128x128xf32, #tpu.memory_space<vmem>>, vector<128x128xf32>
    %dot_general3A = arith.constant dense<0.000000e+00> : vector<512x128xf32>
    %dot_general3A_41 = tpu.matmul %max3A_23, %get3A_40, %dot_general3A {dimension_numbers = #tpu.dot_dimension_numbers<[1], [0], [0], [1], [0, 0, 1, 1], [], []>, transpose_lhs_hint = false} : vector<512x128xf32>, vector<128x128xf32>, vector<512x128xf32> -> vector<512x128xf32>
    %get3A_42 = arith.constant 0 : index
    %get3A_43 = arith.constant 0 : index
    %get3A_44 = vector.load %arg6[%get3A_42, %get3A_43] : memref<128x128xf32, #tpu.memory_space<vmem>>, vector<128x128xf32>
    %dot_general3A_45 = arith.constant dense<0.000000e+00> : vector<512x128xf32>
    %dot_general3A_46 = tpu.matmul %max3A_37, %get3A_44, %dot_general3A_45 {dimension_numbers = #tpu.dot_dimension_numbers<[1], [0], [0], [1], [0, 0, 1, 1], [], []>, transpose_lhs_hint = false} : vector<512x128xf32>, vector<128x128xf32>, vector<512x128xf32> -> vector<512x128xf32>
    %add3A_47 = arith.addf %dot_general3A_41, %dot_general3A_46 : vector<512x128xf32>
    %mul3A_48 = arith.mulf %add3A_47, %rsqrt3A : vector<512x128xf32>
    %swap3A = arith.constant 0 : index
    %swap3A_49 = arith.constant 0 : index
    %swap3A_50 = vector.load %arg7[%swap3A, %swap3A_49] : memref<512x128xf32, #tpu.memory_space<vmem>>, vector<512x128xf32>
    tpu.vector_store %arg7[%swap3A, %swap3A_49], %mul3A_48 {strides = array<i32>} : memref<512x128xf32, #tpu.memory_space<vmem>>, vector<512x128xf32>,
    return
  }
  func.func @transform_0(%arg0: i32) -> (i32, i32, i32) {
    %c0_i32 = arith.constant 0 : i32
    %c0_i32_0 = arith.constant 0 : i32
    %c0_i32_1 = arith.constant 0 : i32
    return %c0_i32, %arg0, %c0_i32_0 : i32, i32, i32
  }
  func.func @transform_1(%arg0: i32) -> (i32, i32, i32) {
    %c0_i32 = arith.constant 0 : i32
    %c0_i32_0 = arith.constant 0 : i32
    %c0_i32_1 = arith.constant 0 : i32
    return %c0_i32, %arg0, %c0_i32_0 : i32, i32, i32
  }
  func.func @transform_2(%arg0: i32) -> (i32, i32) {
    %c0_i32 = arith.constant 0 : i32
    %c0_i32_0 = arith.constant 0 : i32
    %c0_i32_1 = arith.constant 0 : i32
    return %c0_i32, %c0_i32_0 : i32, i32
  }
  func.func @transform_3(%arg0: i32) -> (i32, i32) {
    %c0_i32 = arith.constant 0 : i32
    %c0_i32_0 = arith.constant 0 : i32
    %c0_i32_1 = arith.constant 0 : i32
    return %c0_i32, %c0_i32_0 : i32, i32
  }
  func.func @transform_4(%arg0: i32) -> (i32, i32) {
    %c0_i32 = arith.constant 0 : i32
    %c0_i32_0 = arith.constant 0 : i32
    %c0_i32_1 = arith.constant 0 : i32
    return %c0_i32, %c0_i32_0 : i32, i32
  }
  func.func @transform_5(%arg0: i32) -> (i32, i32) {
    %c0_i32 = arith.constant 0 : i32
    %c0_i32_0 = arith.constant 0 : i32
    %c0_i32_1 = arith.constant 0 : i32
    return %c0_i32, %c0_i32_0 : i32, i32
  }
  func.func @transform_6(%arg0: i32) -> (i32, i32) {
    %c0_i32 = arith.constant 0 : i32
    %c0_i32_0 = arith.constant 0 : i32
    return %arg0, %c0_i32 : i32, i32
  }
}

module attributes {stable_mosaic.version = 14 : i64} {
  func.func @_tc3_body(%arg0: i32, %arg1: memref<2x512x128xf32, #tpu.memory_space<vmem>>, %arg2: memref<512x128xf32, #tpu.memory_space<vmem>>, %arg3: memref<2x512x128xf32, #tpu.memory_space<vmem>>, %arg4: memref<1x128xf32, #tpu.memory_space<vmem>>, %arg5: memref<4x128x128xf32, #tpu.memory_space<vmem>>, %arg6: memref<1x128xf32, #tpu.memory_space<vmem>>, %arg7: memref<512x4x128xf32, #tpu.memory_space<vmem>>) attributes {dimension_semantics = [#tpu.dimension_semantics<arbitrary>], iteration_bounds = array<i64: 5>, scalar_prefetch = 0 : i64, scratch_operands = 0 : i64, tpu.core_type = #tpu.core_type<tc>, window_params = [{transform_indices = @transform_0, window_bounds = array<i64: 2, 512, 128>}, {transform_indices = @transform_1, window_bounds = array<i64: 512, 128>}, {transform_indices = @transform_2, window_bounds = array<i64: 2, 512, 128>}, {pipeline_mode = #tpu.pipeline_mode<synchronous>, transform_indices = @transform_3, window_bounds = array<i64: 1, 128>}, {pipeline_mode = #tpu.pipeline_mode<synchronous>, transform_indices = @transform_4, window_bounds = array<i64: 4, 128, 128>}, {pipeline_mode = #tpu.pipeline_mode<synchronous>, transform_indices = @transform_5, window_bounds = array<i64: 1, 128>}, {transform_indices = @transform_6, window_bounds = array<i64: 512, 4, 128>}]} {
    %get3A = arith.constant 0 : index
    %get3A_0 = arith.constant 0 : index
    %get3A_1 = arith.constant 0 : index
    %get3A_2 = vector.load %arg3[%get3A, %get3A_0, %get3A_1] : memref<2x512x128xf32, #tpu.memory_space<vmem>>, vector<1x512x128xf32>
    %get3A_3 = vector.shape_cast %get3A_2 : vector<1x512x128xf32> to vector<512x128xf32>
    %get3A_4 = arith.constant 1 : index
    %get3A_5 = arith.constant 0 : index
    %get3A_6 = arith.constant 0 : index
    %get3A_7 = vector.load %arg3[%get3A_4, %get3A_5, %get3A_6] : memref<2x512x128xf32, #tpu.memory_space<vmem>>, vector<1x512x128xf32>
    %get3A_8 = vector.shape_cast %get3A_7 : vector<1x512x128xf32> to vector<512x128xf32>
    %add3A = arith.addf %get3A_3, %get3A_8 : vector<512x128xf32>
    %add3A_9 = arith.constant 1.000000e+00 : f32
    %add3A_10 = vector.broadcast %add3A_9 : f32 to vector<512x128xf32>
    %add3A_11 = arith.addf %add3A, %add3A_10 : vector<512x128xf32>
    %rsqrt3A = math.rsqrt %add3A_11 : vector<512x128xf32>
    %get3A_12 = arith.constant 0 : index
    %get3A_13 = arith.constant 0 : index
    %get3A_14 = arith.constant 0 : index
    %get3A_15 = vector.load %arg1[%get3A_12, %get3A_13, %get3A_14] : memref<2x512x128xf32, #tpu.memory_space<vmem>>, vector<1x512x128xf32>
    %get3A_16 = vector.shape_cast %get3A_15 : vector<1x512x128xf32> to vector<512x128xf32>
    %get3A_17 = arith.constant 1 : index
    %get3A_18 = arith.constant 0 : index
    %get3A_19 = arith.constant 0 : index
    %get3A_20 = vector.load %arg1[%get3A_17, %get3A_18, %get3A_19] : memref<2x512x128xf32, #tpu.memory_space<vmem>>, vector<1x512x128xf32>
    %get3A_21 = vector.shape_cast %get3A_20 : vector<1x512x128xf32> to vector<512x128xf32>
    %add3A_22 = arith.addf %get3A_16, %get3A_21 : vector<512x128xf32>
    %get3A_23 = arith.constant 0 : index
    %get3A_24 = arith.constant 0 : index
    %get3A_25 = vector.load %arg2[%get3A_23, %get3A_24] : memref<512x128xf32, #tpu.memory_space<vmem>>, vector<512x128xf32>
    %sub3A = arith.subf %add3A_22, %get3A_25 : vector<512x128xf32>
    %mul3A = arith.mulf %sub3A, %rsqrt3A : vector<512x128xf32>
    %get3A_26 = arith.constant 0 : index
    %get3A_27 = arith.constant 0 : index
    %get3A_28 = vector.load %arg4[%get3A_26, %get3A_27] : memref<1x128xf32, #tpu.memory_space<vmem>>, vector<1x128xf32>
    %add3A_29 = vector.broadcast %get3A_28 : vector<1x128xf32> to vector<512x128xf32>
    %add3A_30 = arith.addf %mul3A, %add3A_29 : vector<512x128xf32>
    %get3A_31 = arith.constant 0 : index
    %get3A_32 = arith.constant 0 : index
    %get3A_33 = arith.constant 0 : index
    %get3A_34 = vector.load %arg5[%get3A_31, %get3A_32, %get3A_33] : memref<4x128x128xf32, #tpu.memory_space<vmem>>, vector<1x128x128xf32>
    %get3A_35 = vector.shape_cast %get3A_34 : vector<1x128x128xf32> to vector<128x128xf32>
    %dot_general3A = arith.constant dense<0.000000e+00> : vector<512x128xf32>
    %dot_general3A_36 = tpu.matmul %add3A_30, %get3A_35, %dot_general3A {dimension_numbers = #tpu.dot_dimension_numbers<[1], [0], [0], [1], [0, 0, 1, 1], [], []>, transpose_lhs_hint = false} : vector<512x128xf32>, vector<128x128xf32>, vector<512x128xf32> -> vector<512x128xf32>
    %get3A_37 = arith.constant 0 : index
    %get3A_38 = arith.constant 0 : index
    %get3A_39 = vector.load %arg6[%get3A_37, %get3A_38] : memref<1x128xf32, #tpu.memory_space<vmem>>, vector<1x128xf32>
    %add3A_40 = vector.broadcast %get3A_39 : vector<1x128xf32> to vector<512x128xf32>
    %add3A_41 = arith.addf %dot_general3A_36, %add3A_40 : vector<512x128xf32>
    %get3A_42 = arith.constant 1 : index
    %get3A_43 = arith.constant 0 : index
    %get3A_44 = arith.constant 0 : index
    %get3A_45 = vector.load %arg5[%get3A_42, %get3A_43, %get3A_44] : memref<4x128x128xf32, #tpu.memory_space<vmem>>, vector<1x128x128xf32>
    %get3A_46 = vector.shape_cast %get3A_45 : vector<1x128x128xf32> to vector<128x128xf32>
    %dot_general3A_47 = arith.constant dense<0.000000e+00> : vector<512x128xf32>
    %dot_general3A_48 = tpu.matmul %add3A_30, %get3A_46, %dot_general3A_47 {dimension_numbers = #tpu.dot_dimension_numbers<[1], [0], [0], [1], [0, 0, 1, 1], [], []>, transpose_lhs_hint = false} : vector<512x128xf32>, vector<128x128xf32>, vector<512x128xf32> -> vector<512x128xf32>
    %get3A_49 = arith.constant 0 : index
    %get3A_50 = arith.constant 0 : index
    %get3A_51 = vector.load %arg6[%get3A_49, %get3A_50] : memref<1x128xf32, #tpu.memory_space<vmem>>, vector<1x128xf32>
    %add3A_52 = vector.broadcast %get3A_51 : vector<1x128xf32> to vector<512x128xf32>
    %add3A_53 = arith.addf %dot_general3A_48, %add3A_52 : vector<512x128xf32>
    %get3A_54 = arith.constant 2 : index
    %get3A_55 = arith.constant 0 : index
    %get3A_56 = arith.constant 0 : index
    %get3A_57 = vector.load %arg5[%get3A_54, %get3A_55, %get3A_56] : memref<4x128x128xf32, #tpu.memory_space<vmem>>, vector<1x128x128xf32>
    %get3A_58 = vector.shape_cast %get3A_57 : vector<1x128x128xf32> to vector<128x128xf32>
    %dot_general3A_59 = arith.constant dense<0.000000e+00> : vector<512x128xf32>
    %dot_general3A_60 = tpu.matmul %add3A_30, %get3A_58, %dot_general3A_59 {dimension_numbers = #tpu.dot_dimension_numbers<[1], [0], [0], [1], [0, 0, 1, 1], [], []>, transpose_lhs_hint = false} : vector<512x128xf32>, vector<128x128xf32>, vector<512x128xf32> -> vector<512x128xf32>
    %get3A_61 = arith.constant 0 : index
    %get3A_62 = arith.constant 0 : index
    %get3A_63 = vector.load %arg6[%get3A_61, %get3A_62] : memref<1x128xf32, #tpu.memory_space<vmem>>, vector<1x128xf32>
    %add3A_64 = vector.broadcast %get3A_63 : vector<1x128xf32> to vector<512x128xf32>
    %add3A_65 = arith.addf %dot_general3A_60, %add3A_64 : vector<512x128xf32>
    %get3A_66 = arith.constant 3 : index
    %get3A_67 = arith.constant 0 : index
    %get3A_68 = arith.constant 0 : index
    %get3A_69 = vector.load %arg5[%get3A_66, %get3A_67, %get3A_68] : memref<4x128x128xf32, #tpu.memory_space<vmem>>, vector<1x128x128xf32>
    %get3A_70 = vector.shape_cast %get3A_69 : vector<1x128x128xf32> to vector<128x128xf32>
    %dot_general3A_71 = arith.constant dense<0.000000e+00> : vector<512x128xf32>
    %dot_general3A_72 = tpu.matmul %add3A_30, %get3A_70, %dot_general3A_71 {dimension_numbers = #tpu.dot_dimension_numbers<[1], [0], [0], [1], [0, 0, 1, 1], [], []>, transpose_lhs_hint = false} : vector<512x128xf32>, vector<128x128xf32>, vector<512x128xf32> -> vector<512x128xf32>
    %get3A_73 = arith.constant 0 : index
    %get3A_74 = arith.constant 0 : index
    %get3A_75 = vector.load %arg6[%get3A_73, %get3A_74] : memref<1x128xf32, #tpu.memory_space<vmem>>, vector<1x128xf32>
    %add3A_76 = vector.broadcast %get3A_75 : vector<1x128xf32> to vector<512x128xf32>
    %add3A_77 = arith.addf %dot_general3A_72, %add3A_76 : vector<512x128xf32>
    %stack3A = vector.shape_cast %add3A_41 : vector<512x128xf32> to vector<512x1x128xf32>
    %stack3A_78 = vector.shape_cast %add3A_53 : vector<512x128xf32> to vector<512x1x128xf32>
    %stack3A_79 = vector.shape_cast %add3A_65 : vector<512x128xf32> to vector<512x1x128xf32>
    %stack3A_80 = vector.shape_cast %add3A_77 : vector<512x128xf32> to vector<512x1x128xf32>
    %stack3A_81 = tpu.concatenate %stack3A, %stack3A_78, %stack3A_79, %stack3A_80 in 1 : vector<512x1x128xf32>, vector<512x1x128xf32>, vector<512x1x128xf32>, vector<512x1x128xf32> -> vector<512x4x128xf32>
    %swap3A = arith.constant 0 : index
    %swap3A_82 = arith.constant 0 : index
    %swap3A_83 = arith.constant 0 : index
    %swap3A_84 = vector.load %arg7[%swap3A, %swap3A_82, %swap3A_83] : memref<512x4x128xf32, #tpu.memory_space<vmem>>, vector<512x4x128xf32>
    tpu.vector_store %arg7[%swap3A, %swap3A_82, %swap3A_83], %stack3A_81 {strides = array<i32>} : memref<512x4x128xf32, #tpu.memory_space<vmem>>, vector<512x4x128xf32>,
    return
  }
  func.func @transform_0(%arg0: i32) -> (i32, i32, i32) {
    %c0_i32 = arith.constant 0 : i32
    %c0_i32_0 = arith.constant 0 : i32
    %c0_i32_1 = arith.constant 0 : i32
    return %c0_i32, %arg0, %c0_i32_0 : i32, i32, i32
  }
  func.func @transform_1(%arg0: i32) -> (i32, i32) {
    %c0_i32 = arith.constant 0 : i32
    %c0_i32_0 = arith.constant 0 : i32
    return %arg0, %c0_i32 : i32, i32
  }
  func.func @transform_2(%arg0: i32) -> (i32, i32, i32) {
    %c0_i32 = arith.constant 0 : i32
    %c0_i32_0 = arith.constant 0 : i32
    %c0_i32_1 = arith.constant 0 : i32
    return %c0_i32, %arg0, %c0_i32_0 : i32, i32, i32
  }
  func.func @transform_3(%arg0: i32) -> (i32, i32) {
    %c0_i32 = arith.constant 0 : i32
    %c0_i32_0 = arith.constant 0 : i32
    %c0_i32_1 = arith.constant 0 : i32
    return %c0_i32, %c0_i32_0 : i32, i32
  }
  func.func @transform_4(%arg0: i32) -> (i32, i32, i32) {
    %c0_i32 = arith.constant 0 : i32
    %c0_i32_0 = arith.constant 0 : i32
    %c0_i32_1 = arith.constant 0 : i32
    %c0_i32_2 = arith.constant 0 : i32
    return %c0_i32, %c0_i32_0, %c0_i32_1 : i32, i32, i32
  }
  func.func @transform_5(%arg0: i32) -> (i32, i32) {
    %c0_i32 = arith.constant 0 : i32
    %c0_i32_0 = arith.constant 0 : i32
    %c0_i32_1 = arith.constant 0 : i32
    return %c0_i32, %c0_i32_0 : i32, i32
  }
  func.func @transform_6(%arg0: i32) -> (i32, i32, i32) {
    %c0_i32 = arith.constant 0 : i32
    %c0_i32_0 = arith.constant 0 : i32
    %c0_i32_1 = arith.constant 0 : i32
    return %arg0, %c0_i32, %c0_i32_0 : i32, i32, i32
  }
}

</mosaic_0001>

<sc_bundles>
// kernel: kernel.11.cloned.1.call-start
scs
__scs_entry_jumppad:
0x0: {  	(pc) =	sbr.rel $0x88, $3  }
0x1: {  	(tag) =	ssettag $0x0;
	lr =	simm.s32 $0x1  }
0x2: {  	[smem:$0x3F99] =	sst lr;
	_ =	strace $0xD0000000  }
0x3: {  	_ = 	snop  }
0x4: {  	_ = 	snop  }
0x5: {  	_ = 	snop  }
0x6: {  	_ = 	snop  }
0x7: {  	_ = 	snop  }
__scs_overlays_trampoline_lowered:
0x8: {  	[smem:$0x3FA8] =	sst s0  }
0x9: {  	[smem:$0x3FA9] =	sst s1  }
0xa: {  	[smem:$0x3FAA] =	sst s2  }
0xb: {  	[smem:$0x3FAB] =	sst s3  }
0xc: {  	[smem:$0x3FAC] =	sst s4  }
0xd: {  	[smem:$0x3FAD] =	sst s5  }
0xe: {  	[smem:$0x3FAE] =	sst s6  }
0xf: {  	[smem:$0x3FAF] =	sst s7  }
0x10: {  	[smem:$0x3FB0] =	sst s8  }
0x11: {  	[smem:$0x3FB1] =	sst s9;
	s0 =	simm.s32 @!p0 $0x0  }
0x12: {  	s1 =	sld [smem:$0x3F97];
	s0 =	simm.s32 @p0 $0x1  }
0x13: {  	[smem:$0x3FB2] =	sst s0;
	s0 =	simm.s32 @!p1 $0x0  }
0x14: {  	s2 =	sld [smem:$0x3F96];
	s0 =	simm.s32 @p1 $0x1  }
0x15: {  	[smem:$0x3FB3] =	sst s0;
	s0 =	simm.s32 @!p2 $0x0  }
0x16: {  	s3 =	sld [smem:$0x3FDB];
	s0 =	simm.s32 @p2 $0x1  }
0x17: {  	s4 =	simm.s32 $0x1BF5;
	[smem:$0x3FB5] =	sst s0  }
0x18: {  	s0 =	sld [smem:$0x3F98];
	_ =	swait.ge [sflag:s4], $0x0  }
0x19: {  	s7 =	sld [smem:$0x3F99]  }
0x1a: {  	s8 =	sadd.s32 $0xFFFFE003, lr  }
0x1b: {  	s9 =	sadd.s32 $0xFFFFFEF7, lr;
	s5 =	simm.s32 $0xFFFFFFFF;
	p2 =	slt.u32 s8, $0xFFFFF086  }
0x1c: {  	p1 =	slt.u32 s9, $0xF7A;
	s5 =	simm.s32 @!p2 $0x0  }
0x1d: {  	s5 =	simm.s32 @p1 $0x1;
	p0 =	seq.s32 s7, s2  }
0x1e: {  	s7 =	smul.u32 @!p0 $0xF7A, s2;
	p2 =	seq.s32 @!p0 s5, $0x0  }
0x1f: {  	s9 =	smul.u32 $0xF7A, s1;
	s8 =	simm.s32 @!p0 $0x1BF5;
	p2 =	por !p2, p0  }
0x20: {  	[sflag:s8] =	ssyncset.s32 @!p0 $0xFFFFF086;
	s6 =	sadd.s32 @!p0 s3, s7;
	s7 =	simm.s32 @!p0 $0x108  }
0x21: {  	s3 =	sadd.s32 s3, s9;
	s6 =	sadd.s32 @!p0 $0x88, s6;
	s7 =	simm.s32 @p2 $0x1082  }
0x22: {  	[simem:s7], [sflag:s8] =	dma.local @!p0 [hbm:s6], $0xF7A  }
0x23: {  	s9 =	sor.u32 $0xD0000000, s2;
	s6 =	simm.s32 $0x108;
	_ =	swait.ge @!p0 [sflag:s8], $0x0  }
0x24: {  	s3 =	sadd.s32 $0x88, s3;
	s6 =	simm.s32 @!p1 $0x1082;
	[sflag:s4] =	ssyncset.s32 $0xFFFFF086  }
0x25: {  	[simem:s6], [sflag:s4] =	dma.local [hbm:s3], $0xF7A  }
0x26: {  	[smem:$0x3F99] =	sst s1;
	(tag) =	ssettag s2;
	_ =	strace s9  }
0x27: {  	s1 =	sld [smem:$0x3FA9]  }
0x28: {  	s2 =	sld [smem:$0x3FAA]  }
0x29: {  	s4 =	sld [smem:$0x3FAC]  }
0x2a: {  	p0 =	seq.s32 s5, $0x0;
	s5 =	sld [smem:$0x3FAD]  }
0x2b: {  	s6 =	sld [smem:$0x3FAE]  }
0x2c: {  	s7 =	sld [smem:$0x3FAF]  }
0x2d: {  	s3 =	simm.s32 $0x108;
	s8 =	sld [smem:$0x3FB0]  }
0x2e: {  	s3 =	simm.s32 @!p0 $0x1082;
	s9 =	sld [smem:$0x3FB1]  }
0x2f: {  	lr =	sadd.s32 s0, s3;
	s0 =	sld [smem:$0x3FA8]  }
0x30: {  	s3 =	sld [smem:$0x3FAB]  }
0x31: {  	[smem:$0x3FB4] =	sst s10  }
0x32: {  	s10 =	sld [smem:$0x3FB2];
	_ =	sdelay $0x3  }
0x33: {  	p0 =	seq.s32 s10, $0x1;
	s10 =	sld [smem:$0x3FB4];
	_ =	sdelay $0x3  }
0x34: {  	[smem:$0x3FB4] =	sst s10  }
0x35: {  	s10 =	sld [smem:$0x3FB3];
	_ =	sdelay $0x3  }
0x36: {  	p1 =	seq.s32 s10, $0x1;
	s10 =	sld [smem:$0x3FB4];
	_ =	sdelay $0x3  }
0x37: {  	[smem:$0x3FB4] =	sst s10  }
0x38: {  	s10 =	sld [smem:$0x3FB5]  }
0x39: {  	_ = 	snop;
	(pc) =	sbr.ind lr, $3  }
0x3a: {  	_ = 	snop  }
0x3b: {  	_ = 	snop  }
0x3c: {  	p2 =	seq.s32 s10, $0x1;
	s10 =	sld [smem:$0x3FB4]  }
0x3d: {  	_ =	shalt  }
0x3e: {  	_ =	shalt  }
0x3f: {  	_ =	shalt  }
0x40: {  	_ =	shalt  }
0x41: {  	_ =	shalt  }
0x42: {  	_ =	shalt  }
0x43: {  	_ =	shalt  }
0x44: {  	_ =	shalt  }
0x45: {  	_ =	shalt  }
0x46: {  	_ =	shalt  }
0x47: {  	_ =	shalt  }
0x48: {  	_ =	shalt  }
0x49: {  	_ =	shalt  }
0x4a: {  	_ =	shalt  }
0x4b: {  	_ =	shalt  }
0x4c: {  	_ =	shalt  }
0x4d: {  	_ =	shalt  }
0x4e: {  	_ =	shalt  }
0x4f: {  	_ =	shalt  }
0x50: {  	_ =	shalt  }
0x51: {  	_ =	shalt  }
0x52: {  	_ =	shalt  }
0x53: {  	_ =	shalt  }
0x54: {  	_ =	shalt  }
0x55: {  	_ =	shalt  }
0x56: {  	_ =	shalt  }
0x57: {  	_ =	shalt  }
0x58: {  	_ =	shalt  }
0x59: {  	_ =	shalt  }
0x5a: {  	_ =	shalt  }
0x5b: {  	_ =	shalt  }
0x5c: {  	_ =	shalt  }
0x5d: {  	_ =	shalt  }
0x5e: {  	_ =	shalt  }
0x5f: {  	_ =	shalt  }
0x60: {  	_ =	shalt  }
0x61: {  	_ =	shalt  }
0x62: {  	_ =	shalt  }
0x63: {  	_ =	shalt  }
0x64: {  	_ =	shalt  }
0x65: {  	_ =	shalt  }
0x66: {  	_ =	shalt  }
0x67: {  	_ =	shalt  }
0x68: {  	_ =	shalt  }
0x69: {  	_ =	shalt  }
0x6a: {  	_ =	shalt  }
0x6b: {  	_ =	shalt  }
0x6c: {  	_ =	shalt  }
0x6d: {  	_ =	shalt  }
0x6e: {  	_ =	shalt  }
0x6f: {  	_ =	shalt  }
0x70: {  	_ =	shalt  }
0x71: {  	_ =	shalt  }
0x72: {  	_ =	shalt  }
0x73: {  	_ =	shalt  }
0x74: {  	_ =	shalt  }
0x75: {  	_ =	shalt  }
0x76: {  	_ =	shalt  }
0x77: {  	_ =	shalt  }
0x78: {  	_ =	shalt  }
0x79: {  	_ =	shalt  }
0x7a: {  	_ =	shalt  }
0x7b: {  	_ =	shalt  }
0x7c: {  	_ =	shalt  }
0x7d: {  	_ =	shalt  }
0x7e: {  	_ =	shalt  }
0x7f: {  	_ =	shalt  }
0x80: {  	_ =	shalt  }
0x81: {  	_ =	shalt  }
0x82: {  	_ =	shalt  }
0x83: {  	_ =	shalt  }
0x84: {  	_ =	shalt  }
0x85: {  	_ =	shalt  }
0x86: {  	_ =	shalt  }
0x87: {  	_ =	shalt  }
.Lfunc_end0:
.L_simem_size_0:
called_computation.1_lowered:
.L_overlay_start_0:
0x88: {  	s2 =	sld [smem:$0x3FD9]  }
0x89: {  	s3 =	sld [smem:$0x3FFE];
	_ =	sdelay $0x1  }
0x8a: {  	s1 =	srdreg.scid  }
0x8b: {  	s0 =	sand.u32 $0x1, s1  }
0x8c: {  	s17 =	sshll.u32 s0, $0xA;
	s2 =	sadd.s32 s3, s2  }
0x8d: {  	s2 =	sadd.s32 s2, s17  }
0x8e: {  	[smem:$0x3FC0] =	sst s2  }
0x8f: {  	_ = 	snop  }
0x90: {  	s2 =	sld [smem:$0x3FD0];
	(tm) =	ssettm $0x1  }
0x91: {  	s18 =	sld [smem:$0x3FFB];
	_ =	sdelay $0x3  }
0x92: {  	_ =	strace s18  }
0x93: {  	s3 =	sld [smem:$0x3FFC];
	_ =	sdelay $0x3  }
0x94: {  	_ =	strace s3  }
0x95: {  	s3 =	sld [smem:$0x3FFD];
	_ =	sdelay $0x3  }
0x96: {  	_ =	strace s3  }
0x97: {  	_ =	strace $0x8FFFFFFF  }
0x98: {  	s19 =	sld [smem:$0x3FDB];
	_ =	sdelay $0x1  }
0x99: {  	s4 =	simm.s32 $_scs_section_size  }
0x9a: {  	s5 =	simm.s32 $_size__tile_overlayer_lowered;
	s6 =	simm.s32 $_tile_overlayer_lowered  }
0x9b: {  	s22 =	simm.s32 $0x1BFF;
	s21 =	sshll.u32 s6, $0x1;
	s3 =	sadd.s32 s4, s19  }
0x9c: {  	s7 =	simm.s32 $0x0;
	s20 =	sshll.u32 s5, $0x1;
	s5 =	sadd.s32 s21, s3  }
0x9d: {  	[timem:s7], [sflag:s22] =	dma.local [hbm:s5], s20  }
0x9e: {  	_ =	swait.ge [sflag:s22], s20  }
0x9f: {  	s4 =	ssub.s32 $0x0, s20;
	[sflag:s22] =	ssyncset.done $0x0  }
0xa0: {  	[sflag:s22] =	ssyncadd.s32 s4;
	_ =	sdelay $0x1  }
0xa1: {  	s23 =	simm.s32 $0x1B8B  }
0xa2: {  	_ =	swait.ge [sflag:s23], $0x1  }
0xa3: {  	[sflag:s23] =	ssyncset.done $0x0  }
0xa4: {  	s25 =	simm.s32 $0x1B8E;
	s24 =	sld [smem:$0x3FFE];
	[sflag:s23] =	ssyncadd.s32 $0xFFFFFFFF  }
0xa5: {  	s26 =	simm.s32 $execute0_lowered;
	[smem:$0x3FD2] =	sst s25  }
0xa6: {  	s5 =	sshll.u32 s26, $0x1;
	_ =	strace $0x80000049;
	[dreg:$0x1] =	wrdreg $0xFFFFFFFF  }
0xa7: {  	s28 =	simm.s32 $_size_execute0_lowered;
	s3 =	sadd.s32 s3, s5;
	[dreg:$0x0] =	wrdreg $0x0  }
0xa8: {  	s5 =	sshll.u32 s28, $0x1;
	[dreg:$0x2] =	wrdreg s3  }
0xa9: {  	[dreg:$0x3] =	wrdreg s5  }
0xaa: {  	[dreg:$0x4] =	wrdreg $0xC0  }
0xab: {  	_ =	task [dreg:s7], $0x5FFFF  }
0xac: {  	[dreg:$0x1] =	wrdreg $0xFFFFFFFF  }
0xad: {  	[dreg:$0x0] =	wrdreg $0x60  }
0xae: {  	[dreg:$0x2] =	wrdreg s2  }
0xaf: {  	[dreg:$0x3] =	wrdreg s24  }
0xb0: {  	[dreg:$0x4] =	wrdreg $0x11D000  }
0xb1: {  	[dreg:$0x5] =	wrdreg $0x16D000  }
0xb2: {  	[dreg:$0x6] =	wrdreg $0x9  }
0xb3: {  	_ =	task.clear_ibuf [dreg:s7], $0x7FFFF;
	_ =	strace $0x90000049  }
0xb4: {  	s29 =	simm.s32 $0x9;
	_ =	strace $0x8000004B  }
0xb5: {  	_ =	swait.ge [sflag:s29], $0x1  }
0xb6: {  	[sflag:s29] =	ssyncadd.s32 $0xFFFFFFFF  }
0xb7: {  	_ =	strace $0x9000004B  }
0xb8: {  	_ =	sfence  }
0xb9: {  	s30 =	sld [smem:$0x0];
	_ =	sdelay $0x2  }
0xba: {  	s31 =	sshll.u32 s1, $0xD;
	s1 =	sshrl.u32 s1, $0x2  }
0xbb: {  	s3 =	sand.u32 $0x4000, s31;
	s1 =	sadd.s32 s1, s30  }
0xbc: {  	s0 =	sor.u32 s3, s0;
	s1 =	sshll.u32 s1, $0x11  }
0xbd: {  	s0 =	sor.u32 s1, s0  }
0xbe: {  	s0 =	sadd.s32 $0x8F2B, s0  }
0xbf: {  	[sflag:s0] =	ssyncadd.remote.s32 $0x1  }
0xc0: {  	_ =	sfence.sel $0xFFFF  }
0xc1: {  	[dreg:$0x0] =	wrdreg $0xFFFFFFFF;
	(pc) =	sbr.abs _section_cstart, $3  }
0xc2: {  	[dreg:$0x1] =	wrdreg $0xFFFFFFFF  }
0xc3: {  	_ =	task.clear_ibuf [dreg:s7], $0x2FFFF;
	_ =	strace $0x9FFFFFFF  }
0xc4: {  	(tm) =	ssettm $0x7FFFFFFF  }
0xc5: {  	_ =	shalt  }
tec
execute0_lowered:
.L_overlay_start_1:
0x0: {  	(tag) =	ssettag $0x1  }
0x1: {  	s0 =	rddreg [dreg:$0x0]  }
0x2: {  	s4 =	rddreg [dreg:$0x1]  }
0x3: {  	s1 =	srdreg.scid;
	s2 =	rddreg [dreg:$0x2]  }
0x4: {  	s8 =	stileid.u32;
	s3 =	rddreg [dreg:$0x3];
	s7 =	simm.s32 $0x0  }
0x5: {  	s16 =	simm.s32 $0x1;
	s17 =	simm.s32 $0x2;
	s18 =	simm.s32 $0x3  }
0x6: {  	s19 =	simm.s32 $0x4;
	s28 =	simm.s32 $0xCEE0;
	s30 =	simm.s32 $0xDE80  }
0x7: {  	s15 =	simm.s32 $0xFDC0;
	s29 =	simm.s32 $0x6;
	s31 =	simm.s32 $0x7  }
0x8: {  	s10 =	simm.s32 $0xC;
	s11 =	simm.s32 $0xD;
	s13 =	simm.s32 $0xE  }
0x9: {  	s14 =	simm.s32 $0xF;
	s1 =	sand.u32 $0x1, s1;
	s5 =	smul.u32 $0x5000, s8  }
0xa: {  	[smem:$0x7FF] =	sst s7;
	s8 =	sshll.u32 s8, $0x6;
	s6 =	smul.u32 $0x50000, s1  }
0xb: {  	s1 =	ssub.s32 $0x2, s1;
	_ =	strace $0x8000004A;
	s23 =	sor.u32 $0x1C01, s8  }
0xc: {  	[dreg:$0x6] =	wrdreg s8;
	s26 =	sor.u32 $0x1C02, s8;
	s8 =	simm.s32 $0xA  }
0xd: {  	s20 =	sshrl.u32 s1, $0x1;
	s21 =	sadd.s32 s5, s2;
	[dreg:$0x8] =	wrdreg s23  }
0xe: {  	s22 =	sshrl.u32 s5, $0x3;
	s24 =	sadd.s32 s5, s3;
	[dreg:$0xd] =	wrdreg s26  }
0xf: {  	s23 =	simm.s32 $0xAFA0;
	s26 =	simm.s32 $0x5;
	s6 =	sadd.s32 s5, s6  }
0x10: {  	s1 =	ssub.s32 s1, s20;
	s7 =	sadd.s32 s0, s22;
	s12 =	sshrl.u32 s21, $0x3  }
0x11: {  	s0 =	sshrl.u32 s24, $0x3;
	s20 =	simm.s32 $0x7D;
	s21 =	simm.s32 $0xA000  }
0x12: {  	s24 =	simm.s32 $0x10D60;
	s22 =	simm.s32 $0x9;
	[dreg:$0x7] =	wrdreg s7  }
0x13: {  	s6 =	sshrl.u32 s6, $0x3;
	s25 =	sadd.s32 $0xA000, s7;
	[dreg:$0xe] =	wrdreg s0  }
0x14: {  	s1 =	smax.u32 s1, $0x1;
	s0 =	simm.s32 $0x8;
	[dreg:$0xc] =	wrdreg s12  }
0x15: {  	s7 =	simm.s32 $0x10;
	s4 =	sadd.s32 s6, s4;
	[dreg:$0x9] =	wrdreg s25  }
0x16: {  	[dreg:$0xb] =	wrdreg s1;
	s25 =	simm.s32 $0xBF40;
	s9 =	sadd.s32 $0x3600, s4  }
0x17: {  	s1 =	simm.s32 $0xEE20;
	s4 =	sadd.s32 $0x17600, s4;
	[dreg:$0x5] =	wrdreg s9  }
0x18: {  	[dreg:$0xa] =	wrdreg s4;
	s9 =	simm.s32 $0xB;
	s4 =	simm.s32 $0x0  }
.LBB2_1:
0x19: {  	s5 =	rddreg [dreg:$0x5]  }
0x1a: {  	s6 =	rddreg [dreg:$0x8]  }
0x1b: {  	[spmem:s12], [sflag:s6] =	dma.local [hbm:s5], $0xA00  }
0x1c: {  	s6 =	rddreg [dreg:$0xd]  }
0x1d: {  	s12 =	rddreg [dreg:$0xe]  }
0x1e: {  	[spmem:s12], [sflag:s6] =	dma.local [hbm:s5], $0xA00  }
0x1f: {  	s5 =	simm.s32 $0x0;
	s6 =	rddreg [dreg:$0x7]  }
0x20: {  	[tilespmem:s5], [sflag:$0x3] =	stream.linear.gather [hbm4b:s6+s5], $0x5000, $0x38;
	[tilespmem:$0x1BD00] =	vst v63  }
0x21: {  	s12 =	simm.s32 $0x5000;
	s6 =	rddreg [dreg:$0x9]  }
0x22: {  	[tilespmem:s12], [sflag:$0x4] =	stream.linear.gather [hbm4b:s6+s5], $0x5000, $0x38;
	[tilespmem:$0x1BD00] =	vst v63  }
0x23: {  	_ =	swait.ge [sflag:s16], $0xA00  }
0x24: {  	[sflag:s16] =	ssyncset.done $0x0  }
0x25: {  	[sflag:s16] =	ssyncadd.s32 $0xFFFFF600  }
0x26: {  	_ =	swait.ge [sflag:s17], $0xA00  }
0x27: {  	[sflag:s17] =	ssyncset.done $0x0  }
0x28: {  	[sflag:s17] =	ssyncadd.s32 $0xFFFFF600  }
0x29: {  	_ =	swait.ge [sflag:s18], $0x5000  }
0x2a: {  	[sflag:s18] =	ssyncset.done $0x0  }
0x2b: {  	[sflag:s18] =	ssyncadd.s32 $0xFFFFB000  }
0x2c: {  	_ =	swait.ge [sflag:s19], $0x5000  }
0x2d: {  	[sflag:s19] =	ssyncset.done $0x0  }
0x2e: {  	[sflag:s19] =	ssyncadd.s32 $0xFFFFB000  }
0x2f: {  	[bflag:$0x0] =	sbarrier.arrive $0xFFFF  }
0x30: {  	[tilespmem:s21], [sflag:$0x1] =	stream.indirect.gather [spmem:s3], $0x20, s5, s20, $0xb8;
	[tilespmem:$0x1BD00] =	vst v63  }
0x31: {  	s6 =	simm.s32 $0x80  }
0x32: {  	[tilespmem:s23], [sflag:$0x2] =	stream.indirect.gather [spmem:s3], $0x20, s6, s20, $0xb8;
	[tilespmem:$0x1BD00] =	vst v63  }
0x33: {  	s12 =	simm.s32 $0x100  }
0x34: {  	[tilespmem:s25], [sflag:$0x3] =	stream.indirect.gather [spmem:s3], $0x20, s12, s20, $0xb8;
	[tilespmem:$0x1BD00] =	vst v63  }
0x35: {  	s6 =	simm.s32 $0x180  }
0x36: {  	[tilespmem:s28], [sflag:$0x4] =	stream.indirect.gather [spmem:s3], $0x20, s6, s20, $0xb8;
	[tilespmem:$0x1BD00] =	vst v63  }
0x37: {  	s12 =	simm.s32 $0x200  }
0x38: {  	[tilespmem:s30], [sflag:$0x5] =	stream.indirect.gather [spmem:s3], $0x20, s12, s20, $0xb8;
	[tilespmem:$0x1BD00] =	vst v63  }
0x39: {  	s6 =	simm.s32 $0x280  }
0x3a: {  	[tilespmem:s1], [sflag:$0x6] =	stream.indirect.gather [spmem:s3], $0x20, s6, s20, $0xb8;
	[tilespmem:$0x1BD00] =	vst v63  }
0x3b: {  	s12 =	simm.s32 $0x300  }
0x3c: {  	[tilespmem:s15], [sflag:$0x7] =	stream.indirect.gather [spmem:s3], $0x20, s12, s20, $0xb8;
	[tilespmem:$0x1BD00] =	vst v63  }
0x3d: {  	s6 =	simm.s32 $0x380  }
0x3e: {  	[tilespmem:s24], [sflag:$0x8] =	stream.indirect.gather [spmem:s3], $0x20, s6, s20, $0xb8;
	[tilespmem:$0x1BD00] =	vst v63  }
0x3f: {  	_ =	swait.ge [sflag:s16], $0xFA0  }
0x40: {  	[sflag:s16] =	ssyncset.done $0x0  }
0x41: {  	s12 =	simm.s32 $0x5000;
	[sflag:s16] =	ssyncadd.s32 $0xFFFFF060  }
0x42: {  	[spmem:s2] =	stream.indirect.scatter.add.f32 [tilespmem:s21], [sflag:$0x9], $0x20, s12, s20, $0xb8;
	[tilespmem:$0x1BD00] =	vst v63  }
0x43: {  	_ =	swait.ge [sflag:s17], $0xFA0  }
0x44: {  	[sflag:s17] =	ssyncset.done $0x0  }
0x45: {  	s6 =	simm.s32 $0x5080;
	[sflag:s17] =	ssyncadd.s32 $0xFFFFF060  }
0x46: {  	[spmem:s2] =	stream.indirect.scatter.add.f32 [tilespmem:s23], [sflag:$0xA], $0x20, s6, s20, $0xb8;
	[tilespmem:$0x1BD00] =	vst v63  }
0x47: {  	_ =	swait.ge [sflag:s18], $0xFA0  }
0x48: {  	[sflag:s18] =	ssyncset.done $0x0  }
0x49: {  	s12 =	simm.s32 $0x5100;
	[sflag:s18] =	ssyncadd.s32 $0xFFFFF060  }
0x4a: {  	[spmem:s2] =	stream.indirect.scatter.add.f32 [tilespmem:s25], [sflag:$0xB], $0x20, s12, s20, $0xb8;
	[tilespmem:$0x1BD00] =	vst v63  }
0x4b: {  	_ =	swait.ge [sflag:s19], $0xFA0  }
0x4c: {  	[sflag:s19] =	ssyncset.done $0x0  }
0x4d: {  	s6 =	simm.s32 $0x5180;
	[sflag:s19] =	ssyncadd.s32 $0xFFFFF060  }
0x4e: {  	[spmem:s2] =	stream.indirect.scatter.add.f32 [tilespmem:s28], [sflag:$0xC], $0x20, s6, s20, $0xb8;
	[tilespmem:$0x1BD00] =	vst v63  }
0x4f: {  	_ =	swait.ge [sflag:s26], $0xFA0  }
0x50: {  	[sflag:s26] =	ssyncset.done $0x0  }
0x51: {  	s12 =	simm.s32 $0x5200;
	[sflag:s26] =	ssyncadd.s32 $0xFFFFF060  }
0x52: {  	[spmem:s2] =	stream.indirect.scatter.add.f32 [tilespmem:s30], [sflag:$0xD], $0x20, s12, s20, $0xb8;
	[tilespmem:$0x1BD00] =	vst v63  }
0x53: {  	_ =	swait.ge [sflag:s29], $0xFA0  }
0x54: {  	[sflag:s29] =	ssyncset.done $0x0  }
0x55: {  	s6 =	simm.s32 $0x5280;
	[sflag:s29] =	ssyncadd.s32 $0xFFFFF060  }
0x56: {  	[spmem:s2] =	stream.indirect.scatter.add.f32 [tilespmem:s1], [sflag:$0xE], $0x20, s6, s20, $0xb8;
	[tilespmem:$0x1BD00] =	vst v63  }
0x57: {  	_ =	swait.ge [sflag:s31], $0xFA0  }
0x58: {  	[sflag:s31] =	ssyncset.done $0x0  }
0x59: {  	s12 =	simm.s32 $0x5300;
	[sflag:s31] =	ssyncadd.s32 $0xFFFFF060  }
0x5a: {  	[spmem:s2] =	stream.indirect.scatter.add.f32 [tilespmem:s15], [sflag:$0xF], $0x20, s12, s20, $0xb8;
	[tilespmem:$0x1BD00] =	vst v63  }
0x5b: {  	_ =	swait.ge [sflag:s0], $0xFA0  }
0x5c: {  	[sflag:s0] =	ssyncset.done $0x0  }
0x5d: {  	s6 =	simm.s32 $0x5380;
	[sflag:s0] =	ssyncadd.s32 $0xFFFFF060  }
0x5e: {  	[spmem:s2] =	stream.indirect.scatter.add.f32 [tilespmem:s24], [sflag:$0x10], $0x20, s6, s20, $0xb8;
	[tilespmem:$0x1BD00] =	vst v63  }
0x5f: {  	_ =	swait.ge [sflag:s22], $0xFA0  }
0x60: {  	[sflag:s22] =	ssyncset.done $0x0  }
0x61: {  	s12 =	simm.s32 $0x400;
	[sflag:s22] =	ssyncadd.s32 $0xFFFFF060  }
0x62: {  	[tilespmem:s21], [sflag:$0x1] =	stream.indirect.gather [spmem:s3], $0x20, s12, s20, $0xb8;
	[tilespmem:$0x1BD00] =	vst v63  }
0x63: {  	_ =	swait.ge [sflag:s8], $0xFA0  }
0x64: {  	[sflag:s8] =	ssyncset.done $0x0  }
0x65: {  	s6 =	simm.s32 $0x480;
	[sflag:s8] =	ssyncadd.s32 $0xFFFFF060  }
0x66: {  	[tilespmem:s23], [sflag:$0x2] =	stream.indirect.gather [spmem:s3], $0x20, s6, s20, $0xb8;
	[tilespmem:$0x1BD00] =	vst v63  }
0x67: {  	_ =	swait.ge [sflag:s9], $0xFA0  }
0x68: {  	[sflag:s9] =	ssyncset.done $0x0  }
0x69: {  	s12 =	simm.s32 $0x500;
	[sflag:s9] =	ssyncadd.s32 $0xFFFFF060  }
0x6a: {  	[tilespmem:s25], [sflag:$0x3] =	stream.indirect.gather [spmem:s3], $0x20, s12, s20, $0xb8;
	[tilespmem:$0x1BD00] =	vst v63  }
0x6b: {  	_ =	swait.ge [sflag:s10], $0xFA0  }
0x6c: {  	[sflag:s10] =	ssyncset.done $0x0  }
0x6d: {  	s6 =	simm.s32 $0x580;
	[sflag:s10] =	ssyncadd.s32 $0xFFFFF060  }
0x6e: {  	[tilespmem:s28], [sflag:$0x4] =	stream.indirect.gather [spmem:s3], $0x20, s6, s20, $0xb8;
	[tilespmem:$0x1BD00] =	vst v63  }
0x6f: {  	_ =	swait.ge [sflag:s11], $0xFA0  }
0x70: {  	[sflag:s11] =	ssyncset.done $0x0  }
0x71: {  	s12 =	simm.s32 $0x600;
	[sflag:s11] =	ssyncadd.s32 $0xFFFFF060  }
0x72: {  	[tilespmem:s30], [sflag:$0x5] =	stream.indirect.gather [spmem:s3], $0x20, s12, s20, $0xb8;
	[tilespmem:$0x1BD00] =	vst v63  }
0x73: {  	_ =	swait.ge [sflag:s13], $0xFA0  }
0x74: {  	[sflag:s13] =	ssyncset.done $0x0  }
0x75: {  	s6 =	simm.s32 $0x680;
	[sflag:s13] =	ssyncadd.s32 $0xFFFFF060  }
0x76: {  	[tilespmem:s1], [sflag:$0x6] =	stream.indirect.gather [spmem:s3], $0x20, s6, s20, $0xb8;
	[tilespmem:$0x1BD00] =	vst v63  }
0x77: {  	_ =	swait.ge [sflag:s14], $0xFA0  }
0x78: {  	[sflag:s14] =	ssyncset.done $0x0  }
0x79: {  	s12 =	simm.s32 $0x700;
	[sflag:s14] =	ssyncadd.s32 $0xFFFFF060  }
0x7a: {  	[tilespmem:s15], [sflag:$0x7] =	stream.indirect.gather [spmem:s3], $0x20, s12, s20, $0xb8;
	[tilespmem:$0x1BD00] =	vst v63  }
0x7b: {  	_ =	swait.ge [sflag:s7], $0xFA0  }
0x7c: {  	[sflag:s7] =	ssyncset.done $0x0  }
0x7d: {  	s5 =	simm.s32 $0x780;
	s6 =	simm.s32 $0x1000;
	[sflag:s7] =	ssyncadd.s32 $0xFFFFF060  }
.LBB2_2:
0x7e: {  	[tilespmem:s24], [sflag:$0x8] =	stream.indirect.gather [spmem:s3], $0x20, s5, s20, $0xb8;
	[tilespmem:$0x1BD00] =	vst v63  }
0x7f: {  	s5 =	smov.u32 s6  }
0x80: {  	p0 =	sne.s32 s6, $0x12000;
	s6 =	sadd.s32 $0x1000, s6;
	_ =	swait.ge [sflag:s16], $0xFA0  }
0x81: {  	s5 =	sshra.s32 s5, $0x2;
	[sflag:s16] =	ssyncset.done $0x0  }
0x82: {  	s12 =	sadd.s32 $0x5000, s5;
	[sflag:s16] =	ssyncadd.s32 $0xFFFFF060  }
0x83: {  	[spmem:s2] =	stream.indirect.scatter.add.f32 [tilespmem:s21], [sflag:$0x9], $0x20, s12, s20, $0xb8;
	[tilespmem:$0x1BD00] =	vst v63  }
0x84: {  	_ =	swait.ge [sflag:s17], $0xFA0  }
0x85: {  	[sflag:s17] =	ssyncset.done $0x0  }
0x86: {  	s12 =	sadd.s32 $0x5080, s5;
	[sflag:s17] =	ssyncadd.s32 $0xFFFFF060  }
0x87: {  	[spmem:s2] =	stream.indirect.scatter.add.f32 [tilespmem:s23], [sflag:$0xA], $0x20, s12, s20, $0xb8;
	[tilespmem:$0x1BD00] =	vst v63  }
0x88: {  	_ =	swait.ge [sflag:s18], $0xFA0  }
0x89: {  	[sflag:s18] =	ssyncset.done $0x0  }
0x8a: {  	s12 =	sadd.s32 $0x5100, s5;
	[sflag:s18] =	ssyncadd.s32 $0xFFFFF060  }
0x8b: {  	[spmem:s2] =	stream.indirect.scatter.add.f32 [tilespmem:s25], [sflag:$0xB], $0x20, s12, s20, $0xb8;
	[tilespmem:$0x1BD00] =	vst v63  }
0x8c: {  	_ =	swait.ge [sflag:s19], $0xFA0  }
0x8d: {  	[sflag:s19] =	ssyncset.done $0x0  }
0x8e: {  	s12 =	sadd.s32 $0x5180, s5;
	[sflag:s19] =	ssyncadd.s32 $0xFFFFF060  }
0x8f: {  	[spmem:s2] =	stream.indirect.scatter.add.f32 [tilespmem:s28], [sflag:$0xC], $0x20, s12, s20, $0xb8;
	[tilespmem:$0x1BD00] =	vst v63  }
0x90: {  	_ =	swait.ge [sflag:s26], $0xFA0  }
0x91: {  	[sflag:s26] =	ssyncset.done $0x0  }
0x92: {  	s12 =	sadd.s32 $0x5200, s5;
	[sflag:s26] =	ssyncadd.s32 $0xFFFFF060  }
0x93: {  	[spmem:s2] =	stream.indirect.scatter.add.f32 [tilespmem:s30], [sflag:$0xD], $0x20, s12, s20, $0xb8;
	[tilespmem:$0x1BD00] =	vst v63  }
0x94: {  	_ =	swait.ge [sflag:s29], $0xFA0  }
0x95: {  	[sflag:s29] =	ssyncset.done $0x0  }
0x96: {  	s12 =	sadd.s32 $0x5280, s5;
	[sflag:s29] =	ssyncadd.s32 $0xFFFFF060  }
0x97: {  	[spmem:s2] =	stream.indirect.scatter.add.f32 [tilespmem:s1], [sflag:$0xE], $0x20, s12, s20, $0xb8;
	[tilespmem:$0x1BD00] =	vst v63  }
0x98: {  	_ =	swait.ge [sflag:s31], $0xFA0  }
0x99: {  	[sflag:s31] =	ssyncset.done $0x0  }
0x9a: {  	s12 =	sadd.s32 $0x5300, s5;
	[sflag:s31] =	ssyncadd.s32 $0xFFFFF060  }
0x9b: {  	[spmem:s2] =	stream.indirect.scatter.add.f32 [tilespmem:s15], [sflag:$0xF], $0x20, s12, s20, $0xb8;
	[tilespmem:$0x1BD00] =	vst v63  }
0x9c: {  	_ =	swait.ge [sflag:s0], $0xFA0  }
0x9d: {  	[sflag:s0] =	ssyncset.done $0x0  }
0x9e: {  	s12 =	sadd.s32 $0x5380, s5;
	[sflag:s0] =	ssyncadd.s32 $0xFFFFF060  }
0x9f: {  	[spmem:s2] =	stream.indirect.scatter.add.f32 [tilespmem:s24], [sflag:$0x10], $0x20, s12, s20, $0xb8;
	[tilespmem:$0x1BD00] =	vst v63  }
0xa0: {  	_ =	swait.ge [sflag:s22], $0xFA0  }
0xa1: {  	[sflag:s22] =	ssyncset.done $0x0  }
0xa2: {  	s12 =	sadd.s32 $0x400, s5;
	[sflag:s22] =	ssyncadd.s32 $0xFFFFF060  }
0xa3: {  	[tilespmem:s21], [sflag:$0x1] =	stream.indirect.gather [spmem:s3], $0x20, s12, s20, $0xb8;
	[tilespmem:$0x1BD00] =	vst v63  }
0xa4: {  	_ =	swait.ge [sflag:s8], $0xFA0  }
0xa5: {  	[sflag:s8] =	ssyncset.done $0x0  }
0xa6: {  	s12 =	sadd.s32 $0x480, s5;
	[sflag:s8] =	ssyncadd.s32 $0xFFFFF060  }
0xa7: {  	[tilespmem:s23], [sflag:$0x2] =	stream.indirect.gather [spmem:s3], $0x20, s12, s20, $0xb8;
	[tilespmem:$0x1BD00] =	vst v63  }
0xa8: {  	_ =	swait.ge [sflag:s9], $0xFA0  }
0xa9: {  	[sflag:s9] =	ssyncset.done $0x0  }
0xaa: {  	s12 =	sadd.s32 $0x500, s5;
	[sflag:s9] =	ssyncadd.s32 $0xFFFFF060  }
0xab: {  	[tilespmem:s25], [sflag:$0x3] =	stream.indirect.gather [spmem:s3], $0x20, s12, s20, $0xb8;
	[tilespmem:$0x1BD00] =	vst v63  }
0xac: {  	_ =	swait.ge [sflag:s10], $0xFA0  }
0xad: {  	[sflag:s10] =	ssyncset.done $0x0  }
0xae: {  	s12 =	sadd.s32 $0x580, s5;
	[sflag:s10] =	ssyncadd.s32 $0xFFFFF060  }
0xaf: {  	[tilespmem:s28], [sflag:$0x4] =	stream.indirect.gather [spmem:s3], $0x20, s12, s20, $0xb8;
	[tilespmem:$0x1BD00] =	vst v63  }
0xb0: {  	_ =	swait.ge [sflag:s11], $0xFA0  }
0xb1: {  	[sflag:s11] =	ssyncset.done $0x0  }
0xb2: {  	s12 =	sadd.s32 $0x600, s5;
	[sflag:s11] =	ssyncadd.s32 $0xFFFFF060  }
0xb3: {  	[tilespmem:s30], [sflag:$0x5] =	stream.indirect.gather [spmem:s3], $0x20, s12, s20, $0xb8;
	[tilespmem:$0x1BD00] =	vst v63  }
0xb4: {  	_ =	swait.ge [sflag:s13], $0xFA0  }
0xb5: {  	[sflag:s13] =	ssyncset.done $0x0  }
0xb6: {  	s12 =	sadd.s32 $0x680, s5;
	[sflag:s13] =	ssyncadd.s32 $0xFFFFF060  }
0xb7: {  	[tilespmem:s1], [sflag:$0x6] =	stream.indirect.gather [spmem:s3], $0x20, s12, s20, $0xb8;
	[tilespmem:$0x1BD00] =	vst v63  }
0xb8: {  	_ =	swait.ge [sflag:s14], $0xFA0  }
0xb9: {  	[sflag:s14] =	ssyncset.done $0x0  }
.Ltmp0:
0xba: {  	s12 =	sadd.s32 $0x700, s5;
	[sflag:s14] =	ssyncadd.s32 $0xFFFFF060;
	(pc) =	sbr.rel @p0 .LBB2_2-.Ltmp0, $4  }
0xbb: {  	[tilespmem:s15], [sflag:$0x7] =	stream.indirect.gather [spmem:s3], $0x20, s12, s20, $0xb8;
	[tilespmem:$0x1BD00] =	vst v63  }
0xbc: {  	_ =	swait.ge [sflag:s7], $0xFA0  }
0xbd: {  	[sflag:s7] =	ssyncset.done $0x0  }
0xbe: {  	s5 =	sadd.s32 $0x780, s5;
	[sflag:s7] =	ssyncadd.s32 $0xFFFFF060  }
0xbf: {  	[tilespmem:s24], [sflag:$0x8] =	stream.indirect.gather [spmem:s3], $0x20, s5, s20, $0xb8;
	[tilespmem:$0x1BD00] =	vst v63  }
0xc0: {  	_ =	swait.ge [sflag:s16], $0xFA0  }
0xc1: {  	[sflag:s16] =	ssyncset.done $0x0  }
0xc2: {  	s12 =	simm.s32 $0x9C00;
	[sflag:s16] =	ssyncadd.s32 $0xFFFFF060  }
0xc3: {  	[spmem:s2] =	stream.indirect.scatter.add.f32 [tilespmem:s21], [sflag:$0x9], $0x20, s12, s20, $0xb8;
	[tilespmem:$0x1BD00] =	vst v63  }
0xc4: {  	_ =	swait.ge [sflag:s17], $0xFA0  }
0xc5: {  	[sflag:s17] =	ssyncset.done $0x0  }
0xc6: {  	s6 =	simm.s32 $0x9C80;
	[sflag:s17] =	ssyncadd.s32 $0xFFFFF060  }
0xc7: {  	[spmem:s2] =	stream.indirect.scatter.add.f32 [tilespmem:s23], [sflag:$0xA], $0x20, s6, s20, $0xb8;
	[tilespmem:$0x1BD00] =	vst v63  }
0xc8: {  	_ =	swait.ge [sflag:s18], $0xFA0  }
0xc9: {  	[sflag:s18] =	ssyncset.done $0x0  }
0xca: {  	s12 =	simm.s32 $0x9D00;
	[sflag:s18] =	ssyncadd.s32 $0xFFFFF060  }
0xcb: {  	[spmem:s2] =	stream.indirect.scatter.add.f32 [tilespmem:s25], [sflag:$0xB], $0x20, s12, s20, $0xb8;
	[tilespmem:$0x1BD00] =	vst v63  }
0xcc: {  	_ =	swait.ge [sflag:s19], $0xFA0  }
0xcd: {  	[sflag:s19] =	ssyncset.done $0x0  }
0xce: {  	s6 =	simm.s32 $0x9D80;
	[sflag:s19] =	ssyncadd.s32 $0xFFFFF060  }
0xcf: {  	[spmem:s2] =	stream.indirect.scatter.add.f32 [tilespmem:s28], [sflag:$0xC], $0x20, s6, s20, $0xb8;
	[tilespmem:$0x1BD00] =	vst v63  }
0xd0: {  	_ =	swait.ge [sflag:s26], $0xFA0  }
0xd1: {  	[sflag:s26] =	ssyncset.done $0x0  }
0xd2: {  	s12 =	simm.s32 $0x9E00;
	[sflag:s26] =	ssyncadd.s32 $0xFFFFF060  }
0xd3: {  	[spmem:s2] =	stream.indirect.scatter.add.f32 [tilespmem:s30], [sflag:$0xD], $0x20, s12, s20, $0xb8;
	[tilespmem:$0x1BD00] =	vst v63  }
0xd4: {  	_ =	swait.ge [sflag:s29], $0xFA0  }
0xd5: {  	[sflag:s29] =	ssyncset.done $0x0  }
0xd6: {  	s6 =	simm.s32 $0x9E80;
	[sflag:s29] =	ssyncadd.s32 $0xFFFFF060  }
0xd7: {  	[spmem:s2] =	stream.indirect.scatter.add.f32 [tilespmem:s1], [sflag:$0xE], $0x20, s6, s20, $0xb8;
	[tilespmem:$0x1BD00] =	vst v63  }
0xd8: {  	_ =	swait.ge [sflag:s31], $0xFA0  }
0xd9: {  	[sflag:s31] =	ssyncset.done $0x0  }
0xda: {  	s12 =	simm.s32 $0x9F00;
	[sflag:s31] =	ssyncadd.s32 $0xFFFFF060  }
0xdb: {  	[spmem:s2] =	stream.indirect.scatter.add.f32 [tilespmem:s15], [sflag:$0xF], $0x20, s12, s20, $0xb8;
	[tilespmem:$0x1BD00] =	vst v63  }
0xdc: {  	_ =	swait.ge [sflag:s0], $0xFA0  }
0xdd: {  	[sflag:s0] =	ssyncset.done $0x0  }
0xde: {  	s6 =	simm.s32 $0x9F80;
	[sflag:s0] =	ssyncadd.s32 $0xFFFFF060  }
0xdf: {  	[spmem:s2] =	stream.indirect.scatter.add.f32 [tilespmem:s24], [sflag:$0x10], $0x20, s6, s20, $0xb8;
	[tilespmem:$0x1BD00] =	vst v63  }
0xe0: {  	_ =	swait.ge [sflag:s22], $0xFA0  }
0xe1: {  	[sflag:s22] =	ssyncset.done $0x0  }
0xe2: {  	[sflag:s22] =	ssyncadd.s32 $0xFFFFF060  }
0xe3: {  	_ =	swait.ge [sflag:s8], $0xFA0  }
0xe4: {  	[sflag:s8] =	ssyncset.done $0x0  }
0xe5: {  	[sflag:s8] =	ssyncadd.s32 $0xFFFFF060  }
0xe6: {  	_ =	swait.ge [sflag:s9], $0xFA0  }
0xe7: {  	[sflag:s9] =	ssyncset.done $0x0  }
0xe8: {  	[sflag:s9] =	ssyncadd.s32 $0xFFFFF060  }
0xe9: {  	_ =	swait.ge [sflag:s10], $0xFA0  }
0xea: {  	[sflag:s10] =	ssyncset.done $0x0  }
0xeb: {  	[sflag:s10] =	ssyncadd.s32 $0xFFFFF060  }
0xec: {  	_ =	swait.ge [sflag:s11], $0xFA0  }
0xed: {  	[sflag:s11] =	ssyncset.done $0x0  }
0xee: {  	[sflag:s11] =	ssyncadd.s32 $0xFFFFF060  }
0xef: {  	_ =	swait.ge [sflag:s13], $0xFA0  }
0xf0: {  	[sflag:s13] =	ssyncset.done $0x0  }
0xf1: {  	[sflag:s13] =	ssyncadd.s32 $0xFFFFF060  }
0xf2: {  	_ =	swait.ge [sflag:s14], $0xFA0  }
0xf3: {  	[sflag:s14] =	ssyncset.done $0x0  }
0xf4: {  	[sflag:s14] =	ssyncadd.s32 $0xFFFFF060  }
0xf5: {  	_ =	swait.ge [sflag:s7], $0xFA0  }
0xf6: {  	[sflag:s7] =	ssyncset.done $0x0  }
0xf7: {  	[sflag:s7] =	ssyncadd.s32 $0xFFFFF060  }
0xf8: {  	[bflag:$0x0] =	sbarrier.arrive $0xFFFF  }
0xf9: {  	s12 =	rddreg [dreg:$0x6]  }
0xfa: {  	s6 =	rddreg [dreg:$0xa]  }
0xfb: {  	s5 =	sor.u32 $0x1C11, s12;
	s12 =	rddreg [dreg:$0xc]  }
0xfc: {  	[hbm:s6], [sflag:s5] =	dma.local [spmem:s12], $0xA00  }
0xfd: {  	s6 =	simm.s32 $0x11  }
0xfe: {  	_ =	swait.ge [sflag:s6], $0xA00  }
0xff: {  	s4 =	sadd.s32 $0x1, s4;
	s5 =	rddreg [dreg:$0xb]  }
0x100: {  	p0 =	sne.s32 s4, s5  }
.Ltmp1:
0x101: {  	_ = 	snop;
	(pc) =	sbr.rel @p0 .LBB2_1-.Ltmp1, $3  }
0x102: {  	_ =	sdelay $0x1  }
0x103: {  	[sflag:s6] =	ssyncset.done $0x0  }
0x104: {  	[sflag:s6] =	ssyncadd.s32 $0xFFFFF600  }
0x105: {  	_ =	sfence.sel $0x180000  }
0x106: {  	[bflag:$0x0] =	sbarrier.arrive $0xFFFF  }
0x107: {  	_ =	strace $0x9000004A  }
0x108: {  	s0 =	stileid.u32;
	[bflag:$0x2] =	sbarrier.arrive $0xFFFF  }
0x109: {  	p0 =	sne.s32 s0, $0x0;
	s0 =	rddreg [dreg:$0x4]  }
0x10a: {  	s0 =	sadd.s32 @!p0 $0x100000, s0  }
0x10b: {  	[sflag:s0] =	ssyncadd.tile.s32 @!p0 $0x1;
	_ =	shalt  }
.Lfunc_end2:
_tile_overlayer_lowered:
.L_overlay_start_2:
0x10c: {  	(tag) =	ssettag $0x2  }
0x10d: {  	s0 =	rddreg [dreg:$0x0];
	s2 =	stileid.u32  }
0x10e: {  	s1 =	rddreg [dreg:$0x1];
	p0 =	sne.s32 s2, $0x0  }
0x10f: {  	s3 =	rddreg [dreg:$0x2];
	[bflag:$0x3] =	sbarrier.arrive $0xFFFF;
	s2 =	simm.s32 @!p0 $0x1C11  }
0x110: {  	[timem:s3], [sflag:s2] =	dma.local @!p0 [hbm:s0], s1  }
0x111: {  	s0 =	simm.s32 @!p0 $0x11  }
0x112: {  	_ =	swait.ge @!p0 [sflag:s0], s1  }
0x113: {  	s1 =	ssub.s32 @!p0 $0x0, s1;
	[sflag:s0] =	ssyncset.done @!p0 $0x0  }
0x114: {  	[sflag:s0] =	ssyncadd.s32 @!p0 s1  }
0x115: {  	[bflag:$0x3] =	sbarrier.arrive $0xFFFF  }
0x116: {  	_ =	shalt  }

// kernel: kernel.14.cloned.1.call-start
scs
__scs_entry_jumppad:
0x0: {  	(pc) =	sbr.rel $0x88, $3  }
0x1: {  	(tag) =	ssettag $0x0;
	lr =	simm.s32 $0x1  }
0x2: {  	[smem:$0x3F99] =	sst lr;
	_ =	strace $0xD0000000  }
0x3: {  	_ = 	snop  }
0x4: {  	_ = 	snop  }
0x5: {  	_ = 	snop  }
0x6: {  	_ = 	snop  }
0x7: {  	_ = 	snop  }
__scs_overlays_trampoline_lowered:
0x8: {  	[smem:$0x3FA8] =	sst s0  }
0x9: {  	[smem:$0x3FA9] =	sst s1  }
0xa: {  	[smem:$0x3FAA] =	sst s2  }
0xb: {  	[smem:$0x3FAB] =	sst s3  }
0xc: {  	[smem:$0x3FAC] =	sst s4  }
0xd: {  	[smem:$0x3FAD] =	sst s5  }
0xe: {  	[smem:$0x3FAE] =	sst s6  }
0xf: {  	[smem:$0x3FAF] =	sst s7  }
0x10: {  	[smem:$0x3FB0] =	sst s8  }
0x11: {  	[smem:$0x3FB1] =	sst s9;
	s0 =	simm.s32 @!p0 $0x0  }
0x12: {  	s1 =	sld [smem:$0x3F97];
	s0 =	simm.s32 @p0 $0x1  }
0x13: {  	[smem:$0x3FB2] =	sst s0;
	s0 =	simm.s32 @!p1 $0x0  }
0x14: {  	s2 =	sld [smem:$0x3F96];
	s0 =	simm.s32 @p1 $0x1  }
0x15: {  	[smem:$0x3FB3] =	sst s0;
	s0 =	simm.s32 @!p2 $0x0  }
0x16: {  	s3 =	sld [smem:$0x3FDB];
	s0 =	simm.s32 @p2 $0x1  }
0x17: {  	s4 =	simm.s32 $0x1BF5;
	[smem:$0x3FB5] =	sst s0  }
0x18: {  	s0 =	sld [smem:$0x3F98];
	_ =	swait.ge [sflag:s4], $0x0  }
0x19: {  	s7 =	sld [smem:$0x3F99]  }
0x1a: {  	s8 =	sadd.s32 $0xFFFFE003, lr  }
0x1b: {  	s9 =	sadd.s32 $0xFFFFFEF7, lr;
	s5 =	simm.s32 $0xFFFFFFFF;
	p2 =	slt.u32 s8, $0xFFFFF086  }
0x1c: {  	p1 =	slt.u32 s9, $0xF7A;
	s5 =	simm.s32 @!p2 $0x0  }
0x1d: {  	s5 =	simm.s32 @p1 $0x1;
	p0 =	seq.s32 s7, s2  }
0x1e: {  	s7 =	smul.u32 @!p0 $0xF7A, s2;
	p2 =	seq.s32 @!p0 s5, $0x0  }
0x1f: {  	s9 =	smul.u32 $0xF7A, s1;
	s8 =	simm.s32 @!p0 $0x1BF5;
	p2 =	por !p2, p0  }
0x20: {  	[sflag:s8] =	ssyncset.s32 @!p0 $0xFFFFF086;
	s6 =	sadd.s32 @!p0 s3, s7;
	s7 =	simm.s32 @!p0 $0x108  }
0x21: {  	s3 =	sadd.s32 s3, s9;
	s6 =	sadd.s32 @!p0 $0x88, s6;
	s7 =	simm.s32 @p2 $0x1082  }
0x22: {  	[simem:s7], [sflag:s8] =	dma.local @!p0 [hbm:s6], $0xF7A  }
0x23: {  	s9 =	sor.u32 $0xD0000000, s2;
	s6 =	simm.s32 $0x108;
	_ =	swait.ge @!p0 [sflag:s8], $0x0  }
0x24: {  	s3 =	sadd.s32 $0x88, s3;
	s6 =	simm.s32 @!p1 $0x1082;
	[sflag:s4] =	ssyncset.s32 $0xFFFFF086  }
0x25: {  	[simem:s6], [sflag:s4] =	dma.local [hbm:s3], $0xF7A  }
0x26: {  	[smem:$0x3F99] =	sst s1;
	(tag) =	ssettag s2;
	_ =	strace s9  }
0x27: {  	s1 =	sld [smem:$0x3FA9]  }
0x28: {  	s2 =	sld [smem:$0x3FAA]  }
0x29: {  	s4 =	sld [smem:$0x3FAC]  }
0x2a: {  	p0 =	seq.s32 s5, $0x0;
	s5 =	sld [smem:$0x3FAD]  }
0x2b: {  	s6 =	sld [smem:$0x3FAE]  }
0x2c: {  	s7 =	sld [smem:$0x3FAF]  }
0x2d: {  	s3 =	simm.s32 $0x108;
	s8 =	sld [smem:$0x3FB0]  }
0x2e: {  	s3 =	simm.s32 @!p0 $0x1082;
	s9 =	sld [smem:$0x3FB1]  }
0x2f: {  	lr =	sadd.s32 s0, s3;
	s0 =	sld [smem:$0x3FA8]  }
0x30: {  	s3 =	sld [smem:$0x3FAB]  }
0x31: {  	[smem:$0x3FB4] =	sst s10  }
0x32: {  	s10 =	sld [smem:$0x3FB2];
	_ =	sdelay $0x3  }
0x33: {  	p0 =	seq.s32 s10, $0x1;
	s10 =	sld [smem:$0x3FB4];
	_ =	sdelay $0x3  }
0x34: {  	[smem:$0x3FB4] =	sst s10  }
0x35: {  	s10 =	sld [smem:$0x3FB3];
	_ =	sdelay $0x3  }
0x36: {  	p1 =	seq.s32 s10, $0x1;
	s10 =	sld [smem:$0x3FB4];
	_ =	sdelay $0x3  }
0x37: {  	[smem:$0x3FB4] =	sst s10  }
0x38: {  	s10 =	sld [smem:$0x3FB5]  }
0x39: {  	_ = 	snop;
	(pc) =	sbr.ind lr, $3  }
0x3a: {  	_ = 	snop  }
0x3b: {  	_ = 	snop  }
0x3c: {  	p2 =	seq.s32 s10, $0x1;
	s10 =	sld [smem:$0x3FB4]  }
0x3d: {  	_ =	shalt  }
0x3e: {  	_ =	shalt  }
0x3f: {  	_ =	shalt  }
0x40: {  	_ =	shalt  }
0x41: {  	_ =	shalt  }
0x42: {  	_ =	shalt  }
0x43: {  	_ =	shalt  }
0x44: {  	_ =	shalt  }
0x45: {  	_ =	shalt  }
0x46: {  	_ =	shalt  }
0x47: {  	_ =	shalt  }
0x48: {  	_ =	shalt  }
0x49: {  	_ =	shalt  }
0x4a: {  	_ =	shalt  }
0x4b: {  	_ =	shalt  }
0x4c: {  	_ =	shalt  }
0x4d: {  	_ =	shalt  }
0x4e: {  	_ =	shalt  }
0x4f: {  	_ =	shalt  }
0x50: {  	_ =	shalt  }
0x51: {  	_ =	shalt  }
0x52: {  	_ =	shalt  }
0x53: {  	_ =	shalt  }
0x54: {  	_ =	shalt  }
0x55: {  	_ =	shalt  }
0x56: {  	_ =	shalt  }
0x57: {  	_ =	shalt  }
0x58: {  	_ =	shalt  }
0x59: {  	_ =	shalt  }
0x5a: {  	_ =	shalt  }
0x5b: {  	_ =	shalt  }
0x5c: {  	_ =	shalt  }
0x5d: {  	_ =	shalt  }
0x5e: {  	_ =	shalt  }
0x5f: {  	_ =	shalt  }
0x60: {  	_ =	shalt  }
0x61: {  	_ =	shalt  }
0x62: {  	_ =	shalt  }
0x63: {  	_ =	shalt  }
0x64: {  	_ =	shalt  }
0x65: {  	_ =	shalt  }
0x66: {  	_ =	shalt  }
0x67: {  	_ =	shalt  }
0x68: {  	_ =	shalt  }
0x69: {  	_ =	shalt  }
0x6a: {  	_ =	shalt  }
0x6b: {  	_ =	shalt  }
0x6c: {  	_ =	shalt  }
0x6d: {  	_ =	shalt  }
0x6e: {  	_ =	shalt  }
0x6f: {  	_ =	shalt  }
0x70: {  	_ =	shalt  }
0x71: {  	_ =	shalt  }
0x72: {  	_ =	shalt  }
0x73: {  	_ =	shalt  }
0x74: {  	_ =	shalt  }
0x75: {  	_ =	shalt  }
0x76: {  	_ =	shalt  }
0x77: {  	_ =	shalt  }
0x78: {  	_ =	shalt  }
0x79: {  	_ =	shalt  }
0x7a: {  	_ =	shalt  }
0x7b: {  	_ =	shalt  }
0x7c: {  	_ =	shalt  }
0x7d: {  	_ =	shalt  }
0x7e: {  	_ =	shalt  }
0x7f: {  	_ =	shalt  }
0x80: {  	_ =	shalt  }
0x81: {  	_ =	shalt  }
0x82: {  	_ =	shalt  }
0x83: {  	_ =	shalt  }
0x84: {  	_ =	shalt  }
0x85: {  	_ =	shalt  }
0x86: {  	_ =	shalt  }
0x87: {  	_ =	shalt  }
.Lfunc_end0:
.L_simem_size_0:
called_computation.2_lowered:
.L_overlay_start_0:
0x88: {  	s2 =	sld [smem:$0x3FD9]  }
0x89: {  	s3 =	sld [smem:$0x3FFE];
	_ =	sdelay $0x1  }
0x8a: {  	s1 =	srdreg.scid  }
0x8b: {  	s0 =	sand.u32 $0x1, s1  }
0x8c: {  	s17 =	sshll.u32 s0, $0xA;
	s2 =	sadd.s32 s3, s2  }
0x8d: {  	s2 =	sadd.s32 s2, s17  }
0x8e: {  	[smem:$0x3FC0] =	sst s2  }
0x8f: {  	_ = 	snop  }
0x90: {  	s2 =	sld [smem:$0x3FD0];
	(tm) =	ssettm $0x1  }
0x91: {  	s18 =	sld [smem:$0x3FFB];
	_ =	sdelay $0x3  }
0x92: {  	_ =	strace s18  }
0x93: {  	s3 =	sld [smem:$0x3FFC];
	_ =	sdelay $0x3  }
0x94: {  	_ =	strace s3  }
0x95: {  	s3 =	sld [smem:$0x3FFD];
	_ =	sdelay $0x3  }
0x96: {  	_ =	strace s3  }
0x97: {  	_ =	strace $0x8FFFFFFF  }
0x98: {  	s19 =	sld [smem:$0x3FDB];
	_ =	sdelay $0x1  }
0x99: {  	s4 =	simm.s32 $_scs_section_size  }
0x9a: {  	s5 =	simm.s32 $_size__tile_overlayer_lowered;
	s6 =	simm.s32 $_tile_overlayer_lowered  }
0x9b: {  	s22 =	simm.s32 $0x1BFF;
	s21 =	sshll.u32 s6, $0x1;
	s3 =	sadd.s32 s4, s19  }
0x9c: {  	s7 =	simm.s32 $0x0;
	s20 =	sshll.u32 s5, $0x1;
	s5 =	sadd.s32 s21, s3  }
0x9d: {  	[timem:s7], [sflag:s22] =	dma.local [hbm:s5], s20  }
0x9e: {  	_ =	swait.ge [sflag:s22], s20  }
0x9f: {  	s4 =	ssub.s32 $0x0, s20;
	[sflag:s22] =	ssyncset.done $0x0  }
0xa0: {  	[sflag:s22] =	ssyncadd.s32 s4;
	_ =	sdelay $0x1  }
0xa1: {  	s23 =	simm.s32 $0x1B8B  }
0xa2: {  	_ =	swait.ge [sflag:s23], $0x1  }
0xa3: {  	[sflag:s23] =	ssyncset.done $0x0  }
0xa4: {  	s25 =	simm.s32 $0x1B8E;
	s24 =	sld [smem:$0x3FFE];
	[sflag:s23] =	ssyncadd.s32 $0xFFFFFFFF  }
0xa5: {  	s26 =	simm.s32 $execute0_lowered;
	[smem:$0x3FD2] =	sst s25  }
0xa6: {  	s5 =	sshll.u32 s26, $0x1;
	_ =	strace $0x8000004C;
	[dreg:$0x1] =	wrdreg $0xFFFFFFFF  }
0xa7: {  	s28 =	simm.s32 $_size_execute0_lowered;
	s3 =	sadd.s32 s3, s5;
	[dreg:$0x0] =	wrdreg $0x0  }
0xa8: {  	s5 =	sshll.u32 s28, $0x1;
	[dreg:$0x2] =	wrdreg s3  }
0xa9: {  	[dreg:$0x3] =	wrdreg s5  }
0xaa: {  	[dreg:$0x4] =	wrdreg $0xC0  }
0xab: {  	_ =	task [dreg:s7], $0x5FFFF  }
0xac: {  	[dreg:$0x1] =	wrdreg $0xFFFFFFFF  }
0xad: {  	[dreg:$0x0] =	wrdreg $0x60  }
0xae: {  	[dreg:$0x2] =	wrdreg s2  }
0xaf: {  	[dreg:$0x3] =	wrdreg s24  }
0xb0: {  	[dreg:$0x4] =	wrdreg $0x11D000  }
0xb1: {  	[dreg:$0x5] =	wrdreg $0xCD000  }
0xb2: {  	[dreg:$0x6] =	wrdreg $0x9  }
0xb3: {  	_ =	task.clear_ibuf [dreg:s7], $0x7FFFF;
	_ =	strace $0x9000004C  }
0xb4: {  	s29 =	simm.s32 $0x9;
	_ =	strace $0x8000004E  }
0xb5: {  	_ =	swait.ge [sflag:s29], $0x1  }
0xb6: {  	[sflag:s29] =	ssyncadd.s32 $0xFFFFFFFF  }
0xb7: {  	_ =	strace $0x9000004E  }
0xb8: {  	_ =	sfence  }
0xb9: {  	s30 =	sld [smem:$0x0];
	_ =	sdelay $0x2  }
0xba: {  	s31 =	sshll.u32 s1, $0xD;
	s1 =	sshrl.u32 s1, $0x2  }
0xbb: {  	s3 =	sand.u32 $0x4000, s31;
	s1 =	sadd.s32 s1, s30  }
0xbc: {  	s0 =	sor.u32 s3, s0;
	s1 =	sshll.u32 s1, $0x11  }
0xbd: {  	s0 =	sor.u32 s1, s0  }
0xbe: {  	s0 =	sadd.s32 $0x8F2B, s0  }
0xbf: {  	[sflag:s0] =	ssyncadd.remote.s32 $0x1  }
0xc0: {  	_ =	sfence.sel $0xFFFF  }
0xc1: {  	[dreg:$0x0] =	wrdreg $0xFFFFFFFF;
	(pc) =	sbr.abs _section_cstart, $3  }
0xc2: {  	[dreg:$0x1] =	wrdreg $0xFFFFFFFF  }
0xc3: {  	_ =	task.clear_ibuf [dreg:s7], $0x2FFFF;
	_ =	strace $0x9FFFFFFF  }
0xc4: {  	(tm) =	ssettm $0x7FFFFFFF  }
0xc5: {  	_ =	shalt  }
tec
execute0_lowered:
.L_overlay_start_1:
0x0: {  	(tag) =	ssettag $0x1  }
0x1: {  	s0 =	rddreg [dreg:$0x0]  }
0x2: {  	s1 =	rddreg [dreg:$0x1]  }
0x3: {  	s2 =	rddreg [dreg:$0x2]  }
0x4: {  	s3 =	rddreg [dreg:$0x3]  }
0x5: {  	s9 =	stileid.u32;
	s4 =	srdreg.scid;
	s6 =	simm.s32 $0x0  }
0x6: {  	s14 =	simm.s32 $0x1;
	s15 =	simm.s32 $0x3;
	s16 =	simm.s32 $0x4  }
0x7: {  	s28 =	simm.s32 $0x7EE0;
	s30 =	simm.s32 $0x8E80;
	s13 =	simm.s32 $0xADC0  }
0x8: {  	s29 =	simm.s32 $0x6;
	s31 =	simm.s32 $0x7;
	s10 =	simm.s32 $0xC  }
0x9: {  	s11 =	simm.s32 $0xD;
	s12 =	simm.s32 $0xE;
	s17 =	simm.s32 $0xF  }
0xa: {  	s5 =	smul.u32 $0x5000, s9;
	s4 =	sand.u32 $0x1, s4;
	[smem:$0x7FF] =	sst s6  }
0xb: {  	s21 =	sshll.u32 s9, $0x6;
	s9 =	simm.s32 $0xB;
	s18 =	smul.u32 $0x50000, s4  }
0xc: {  	_ =	strace $0x8000004D;
	s8 =	smul.u32 $0x2800, s4;
	s4 =	ssub.s32 $0x2, s4  }
0xd: {  	s22 =	sor.u32 $0x1C01, s21;
	[dreg:$0x6] =	wrdreg s21;
	s26 =	sor.u32 $0x1C02, s21  }
0xe: {  	s21 =	simm.s32 $0x5000;
	s7 =	sshrl.u32 s5, $0x3;
	s19 =	sshrl.u32 s4, $0x1  }
0xf: {  	s20 =	sadd.s32 s5, s2;
	[dreg:$0x8] =	wrdreg s22;
	s23 =	sadd.s32 s5, s3  }
0x10: {  	[dreg:$0xd] =	wrdreg s26;
	s26 =	simm.s32 $0x5;
	s22 =	simm.s32 $0x9  }
0x11: {  	s6 =	sadd.s32 s5, s18;
	s7 =	sadd.s32 s7, s1;
	s8 =	sadd.s32 s8, s5  }
0x12: {  	s4 =	ssub.s32 s4, s19;
	s25 =	sshrl.u32 s20, $0x3;
	s19 =	simm.s32 $0x2  }
0x13: {  	s20 =	simm.s32 $0x7D;
	s18 =	simm.s32 $0x0;
	s6 =	sshrl.u32 s6, $0x3  }
0x14: {  	s8 =	sshrl.u32 s8, $0x3;
	s7 =	sadd.s32 $0x3600, s7;
	s24 =	smax.u32 s4, $0x1  }
0x15: {  	[dreg:$0xc] =	wrdreg s25;
	s4 =	sshrl.u32 s23, $0x3;
	s23 =	simm.s32 $0x5FA0  }
0x16: {  	s25 =	simm.s32 $0x6F40;
	s1 =	sadd.s32 s6, s1;
	[dreg:$0x5] =	wrdreg s7  }
0x17: {  	s0 =	sadd.s32 s0, s8;
	[dreg:$0xb] =	wrdreg s24;
	s24 =	simm.s32 $0xBD60  }
0x18: {  	s8 =	simm.s32 $0xA;
	[dreg:$0x7] =	wrdreg s0;
	s0 =	sadd.s32 $0xA000, s0  }
0x19: {  	s7 =	simm.s32 $0x10;
	s1 =	sadd.s32 $0xD600, s1;
	[dreg:$0x9] =	wrdreg s0  }
0x1a: {  	[dreg:$0xa] =	wrdreg s1;
	s0 =	simm.s32 $0x9E20;
	s1 =	simm.s32 $0x8  }
.LBB2_1:
0x1b: {  	[dreg:$0xe] =	wrdreg s18  }
0x1c: {  	s6 =	rddreg [dreg:$0x5]  }
0x1d: {  	s5 =	rddreg [dreg:$0x8]  }
0x1e: {  	s18 =	rddreg [dreg:$0xc]  }
0x1f: {  	[spmem:s18], [sflag:s5] =	dma.local [hbm:s6], $0xA00  }
0x20: {  	s6 =	simm.s32 $0x0;
	s5 =	smov.u32 s4;
	s18 =	rddreg [dreg:$0x7]  }
0x21: {  	[tilespmem:s6], [sflag:$0x3] =	stream.linear.gather [hbm4b:s18+s6], $0x2800, $0x38;
	[tilespmem:$0x16D00] =	vst v63  }
0x22: {  	s4 =	simm.s32 $0x2800;
	s18 =	rddreg [dreg:$0x9];
	s6 =	simm.s32 $0x0  }
0x23: {  	[tilespmem:s4], [sflag:$0x4] =	stream.linear.gather [hbm4b:s18+s6], $0x2800, $0x38;
	[tilespmem:$0x16D00] =	vst v63  }
0x24: {  	_ =	swait.ge [sflag:s14], $0xA00  }
0x25: {  	[sflag:s14] =	ssyncset.done $0x0  }
0x26: {  	[sflag:s14] =	ssyncadd.s32 $0xFFFFF600  }
0x27: {  	_ =	swait.ge [sflag:s15], $0x2800  }
0x28: {  	[sflag:s15] =	ssyncset.done $0x0  }
0x29: {  	[sflag:s15] =	ssyncadd.s32 $0xFFFFD800  }
0x2a: {  	_ =	swait.ge [sflag:s16], $0x2800  }
0x2b: {  	[sflag:s16] =	ssyncset.done $0x0;
	s4 =	rddreg [dreg:$0xd]  }
0x2c: {  	s18 =	rddreg [dreg:$0x5];
	[sflag:s16] =	ssyncadd.s32 $0xFFFFD800  }
0x2d: {  	[spmem:s5], [sflag:s4] =	dma.local [hbm:s18], $0xA00  }
0x2e: {  	_ =	swait.ge [sflag:s19], $0xA00  }
0x2f: {  	[sflag:s19] =	ssyncset.done $0x0  }
0x30: {  	[sflag:s19] =	ssyncadd.s32 $0xFFFFF600  }
0x31: {  	s6 =	simm.s32 $0x0;
	[bflag:$0x0] =	sbarrier.arrive $0xFFFF  }
0x32: {  	[tilespmem:s21], [sflag:$0x1] =	stream.indirect.gather [spmem:s2], $0x20, s6, s20, $0xb8;
	[tilespmem:$0x16D00] =	vst v63  }
0x33: {  	s6 =	simm.s32 $0x80  }
0x34: {  	[tilespmem:s23], [sflag:$0x2] =	stream.indirect.gather [spmem:s2], $0x20, s6, s20, $0xb8;
	[tilespmem:$0x16D00] =	vst v63  }
0x35: {  	s18 =	simm.s32 $0x100  }
0x36: {  	[tilespmem:s25], [sflag:$0x3] =	stream.indirect.gather [spmem:s2], $0x20, s18, s20, $0xb8;
	[tilespmem:$0x16D00] =	vst v63  }
0x37: {  	s6 =	simm.s32 $0x180  }
0x38: {  	[tilespmem:s28], [sflag:$0x4] =	stream.indirect.gather [spmem:s2], $0x20, s6, s20, $0xb8;
	[tilespmem:$0x16D00] =	vst v63  }
0x39: {  	s18 =	simm.s32 $0x200  }
0x3a: {  	[tilespmem:s30], [sflag:$0x5] =	stream.indirect.gather [spmem:s2], $0x20, s18, s20, $0xb8;
	[tilespmem:$0x16D00] =	vst v63  }
0x3b: {  	s6 =	simm.s32 $0x280  }
0x3c: {  	[tilespmem:s0], [sflag:$0x6] =	stream.indirect.gather [spmem:s2], $0x20, s6, s20, $0xb8;
	[tilespmem:$0x16D00] =	vst v63  }
0x3d: {  	s18 =	simm.s32 $0x300  }
0x3e: {  	[tilespmem:s13], [sflag:$0x7] =	stream.indirect.gather [spmem:s2], $0x20, s18, s20, $0xb8;
	[tilespmem:$0x16D00] =	vst v63  }
0x3f: {  	s6 =	simm.s32 $0x380  }
0x40: {  	[tilespmem:s24], [sflag:$0x8] =	stream.indirect.gather [spmem:s2], $0x20, s6, s20, $0xb8;
	[tilespmem:$0x16D00] =	vst v63  }
0x41: {  	_ =	swait.ge [sflag:s14], $0xFA0  }
0x42: {  	[sflag:s14] =	ssyncset.done $0x0  }
0x43: {  	s18 =	simm.s32 $0x2800;
	[sflag:s14] =	ssyncadd.s32 $0xFFFFF060  }
0x44: {  	[spmem:s3] =	stream.indirect.scatter.add.f32 [tilespmem:s21], [sflag:$0x9], $0x20, s18, s20, $0xb8;
	[tilespmem:$0x16D00] =	vst v63  }
0x45: {  	_ =	swait.ge [sflag:s19], $0xFA0  }
0x46: {  	[sflag:s19] =	ssyncset.done $0x0  }
0x47: {  	s6 =	simm.s32 $0x2880;
	[sflag:s19] =	ssyncadd.s32 $0xFFFFF060  }
0x48: {  	[spmem:s3] =	stream.indirect.scatter.add.f32 [tilespmem:s23], [sflag:$0xA], $0x20, s6, s20, $0xb8;
	[tilespmem:$0x16D00] =	vst v63  }
0x49: {  	_ =	swait.ge [sflag:s15], $0xFA0  }
0x4a: {  	[sflag:s15] =	ssyncset.done $0x0  }
0x4b: {  	s18 =	simm.s32 $0x2900;
	[sflag:s15] =	ssyncadd.s32 $0xFFFFF060  }
0x4c: {  	[spmem:s3] =	stream.indirect.scatter.add.f32 [tilespmem:s25], [sflag:$0xB], $0x20, s18, s20, $0xb8;
	[tilespmem:$0x16D00] =	vst v63  }
0x4d: {  	_ =	swait.ge [sflag:s16], $0xFA0  }
0x4e: {  	[sflag:s16] =	ssyncset.done $0x0  }
0x4f: {  	s6 =	simm.s32 $0x2980;
	[sflag:s16] =	ssyncadd.s32 $0xFFFFF060  }
0x50: {  	[spmem:s3] =	stream.indirect.scatter.add.f32 [tilespmem:s28], [sflag:$0xC], $0x20, s6, s20, $0xb8;
	[tilespmem:$0x16D00] =	vst v63  }
0x51: {  	_ =	swait.ge [sflag:s26], $0xFA0  }
0x52: {  	[sflag:s26] =	ssyncset.done $0x0  }
0x53: {  	s18 =	simm.s32 $0x2A00;
	[sflag:s26] =	ssyncadd.s32 $0xFFFFF060  }
0x54: {  	[spmem:s3] =	stream.indirect.scatter.add.f32 [tilespmem:s30], [sflag:$0xD], $0x20, s18, s20, $0xb8;
	[tilespmem:$0x16D00] =	vst v63  }
0x55: {  	_ =	swait.ge [sflag:s29], $0xFA0  }
0x56: {  	[sflag:s29] =	ssyncset.done $0x0  }
0x57: {  	s6 =	simm.s32 $0x2A80;
	[sflag:s29] =	ssyncadd.s32 $0xFFFFF060  }
0x58: {  	[spmem:s3] =	stream.indirect.scatter.add.f32 [tilespmem:s0], [sflag:$0xE], $0x20, s6, s20, $0xb8;
	[tilespmem:$0x16D00] =	vst v63  }
0x59: {  	_ =	swait.ge [sflag:s31], $0xFA0  }
0x5a: {  	[sflag:s31] =	ssyncset.done $0x0  }
0x5b: {  	s18 =	simm.s32 $0x2B00;
	[sflag:s31] =	ssyncadd.s32 $0xFFFFF060  }
0x5c: {  	[spmem:s3] =	stream.indirect.scatter.add.f32 [tilespmem:s13], [sflag:$0xF], $0x20, s18, s20, $0xb8;
	[tilespmem:$0x16D00] =	vst v63  }
0x5d: {  	_ =	swait.ge [sflag:s1], $0xFA0  }
0x5e: {  	[sflag:s1] =	ssyncset.done $0x0  }
0x5f: {  	s6 =	simm.s32 $0x2B80;
	[sflag:s1] =	ssyncadd.s32 $0xFFFFF060  }
0x60: {  	[spmem:s3] =	stream.indirect.scatter.add.f32 [tilespmem:s24], [sflag:$0x10], $0x20, s6, s20, $0xb8;
	[tilespmem:$0x16D00] =	vst v63  }
0x61: {  	_ =	swait.ge [sflag:s22], $0xFA0  }
0x62: {  	[sflag:s22] =	ssyncset.done $0x0  }
0x63: {  	s18 =	simm.s32 $0x400;
	[sflag:s22] =	ssyncadd.s32 $0xFFFFF060  }
0x64: {  	[tilespmem:s21], [sflag:$0x1] =	stream.indirect.gather [spmem:s2], $0x20, s18, s20, $0xb8;
	[tilespmem:$0x16D00] =	vst v63  }
0x65: {  	_ =	swait.ge [sflag:s8], $0xFA0  }
0x66: {  	[sflag:s8] =	ssyncset.done $0x0  }
0x67: {  	s6 =	simm.s32 $0x480;
	[sflag:s8] =	ssyncadd.s32 $0xFFFFF060  }
0x68: {  	[tilespmem:s23], [sflag:$0x2] =	stream.indirect.gather [spmem:s2], $0x20, s6, s20, $0xb8;
	[tilespmem:$0x16D00] =	vst v63  }
0x69: {  	_ =	swait.ge [sflag:s9], $0xFA0  }
0x6a: {  	[sflag:s9] =	ssyncset.done $0x0  }
0x6b: {  	s18 =	simm.s32 $0x500;
	[sflag:s9] =	ssyncadd.s32 $0xFFFFF060  }
0x6c: {  	[tilespmem:s25], [sflag:$0x3] =	stream.indirect.gather [spmem:s2], $0x20, s18, s20, $0xb8;
	[tilespmem:$0x16D00] =	vst v63  }
0x6d: {  	_ =	swait.ge [sflag:s10], $0xFA0  }
0x6e: {  	[sflag:s10] =	ssyncset.done $0x0  }
0x6f: {  	s6 =	simm.s32 $0x580;
	[sflag:s10] =	ssyncadd.s32 $0xFFFFF060  }
0x70: {  	[tilespmem:s28], [sflag:$0x4] =	stream.indirect.gather [spmem:s2], $0x20, s6, s20, $0xb8;
	[tilespmem:$0x16D00] =	vst v63  }
0x71: {  	_ =	swait.ge [sflag:s11], $0xFA0  }
0x72: {  	[sflag:s11] =	ssyncset.done $0x0  }
0x73: {  	s18 =	simm.s32 $0x600;
	[sflag:s11] =	ssyncadd.s32 $0xFFFFF060  }
0x74: {  	[tilespmem:s30], [sflag:$0x5] =	stream.indirect.gather [spmem:s2], $0x20, s18, s20, $0xb8;
	[tilespmem:$0x16D00] =	vst v63  }
0x75: {  	_ =	swait.ge [sflag:s12], $0xFA0  }
0x76: {  	[sflag:s12] =	ssyncset.done $0x0  }
0x77: {  	s6 =	simm.s32 $0x680;
	[sflag:s12] =	ssyncadd.s32 $0xFFFFF060  }
0x78: {  	[tilespmem:s0], [sflag:$0x6] =	stream.indirect.gather [spmem:s2], $0x20, s6, s20, $0xb8;
	[tilespmem:$0x16D00] =	vst v63  }
0x79: {  	_ =	swait.ge [sflag:s17], $0xFA0  }
0x7a: {  	[sflag:s17] =	ssyncset.done $0x0  }
0x7b: {  	s18 =	simm.s32 $0x700;
	[sflag:s17] =	ssyncadd.s32 $0xFFFFF060  }
0x7c: {  	[tilespmem:s13], [sflag:$0x7] =	stream.indirect.gather [spmem:s2], $0x20, s18, s20, $0xb8;
	[tilespmem:$0x16D00] =	vst v63  }
0x7d: {  	_ =	swait.ge [sflag:s7], $0xFA0  }
0x7e: {  	s4 =	smov.u32 s5;
	[sflag:s7] =	ssyncset.done $0x0  }
0x7f: {  	s5 =	simm.s32 $0x780;
	s6 =	simm.s32 $0x1000;
	[sflag:s7] =	ssyncadd.s32 $0xFFFFF060  }
.LBB2_2:
0x80: {  	[tilespmem:s24], [sflag:$0x8] =	stream.indirect.gather [spmem:s2], $0x20, s5, s20, $0xb8;
	[tilespmem:$0x16D00] =	vst v63  }
0x81: {  	s5 =	smov.u32 s6  }
0x82: {  	p0 =	sne.s32 s6, $0x8000;
	s6 =	sadd.s32 $0x1000, s6;
	_ =	swait.ge [sflag:s14], $0xFA0  }
0x83: {  	s5 =	sshra.s32 s5, $0x2;
	[sflag:s14] =	ssyncset.done $0x0  }
0x84: {  	s18 =	sadd.s32 $0x2800, s5;
	[sflag:s14] =	ssyncadd.s32 $0xFFFFF060  }
0x85: {  	[spmem:s3] =	stream.indirect.scatter.add.f32 [tilespmem:s21], [sflag:$0x9], $0x20, s18, s20, $0xb8;
	[tilespmem:$0x16D00] =	vst v63  }
0x86: {  	_ =	swait.ge [sflag:s19], $0xFA0  }
0x87: {  	[sflag:s19] =	ssyncset.done $0x0  }
0x88: {  	s18 =	sadd.s32 $0x2880, s5;
	[sflag:s19] =	ssyncadd.s32 $0xFFFFF060  }
0x89: {  	[spmem:s3] =	stream.indirect.scatter.add.f32 [tilespmem:s23], [sflag:$0xA], $0x20, s18, s20, $0xb8;
	[tilespmem:$0x16D00] =	vst v63  }
0x8a: {  	_ =	swait.ge [sflag:s15], $0xFA0  }
0x8b: {  	[sflag:s15] =	ssyncset.done $0x0  }
0x8c: {  	s18 =	sadd.s32 $0x2900, s5;
	[sflag:s15] =	ssyncadd.s32 $0xFFFFF060  }
0x8d: {  	[spmem:s3] =	stream.indirect.scatter.add.f32 [tilespmem:s25], [sflag:$0xB], $0x20, s18, s20, $0xb8;
	[tilespmem:$0x16D00] =	vst v63  }
0x8e: {  	_ =	swait.ge [sflag:s16], $0xFA0  }
0x8f: {  	[sflag:s16] =	ssyncset.done $0x0  }
0x90: {  	s18 =	sadd.s32 $0x2980, s5;
	[sflag:s16] =	ssyncadd.s32 $0xFFFFF060  }
0x91: {  	[spmem:s3] =	stream.indirect.scatter.add.f32 [tilespmem:s28], [sflag:$0xC], $0x20, s18, s20, $0xb8;
	[tilespmem:$0x16D00] =	vst v63  }
0x92: {  	_ =	swait.ge [sflag:s26], $0xFA0  }
0x93: {  	[sflag:s26] =	ssyncset.done $0x0  }
0x94: {  	s18 =	sadd.s32 $0x2A00, s5;
	[sflag:s26] =	ssyncadd.s32 $0xFFFFF060  }
0x95: {  	[spmem:s3] =	stream.indirect.scatter.add.f32 [tilespmem:s30], [sflag:$0xD], $0x20, s18, s20, $0xb8;
	[tilespmem:$0x16D00] =	vst v63  }
0x96: {  	_ =	swait.ge [sflag:s29], $0xFA0  }
0x97: {  	[sflag:s29] =	ssyncset.done $0x0  }
0x98: {  	s18 =	sadd.s32 $0x2A80, s5;
	[sflag:s29] =	ssyncadd.s32 $0xFFFFF060  }
0x99: {  	[spmem:s3] =	stream.indirect.scatter.add.f32 [tilespmem:s0], [sflag:$0xE], $0x20, s18, s20, $0xb8;
	[tilespmem:$0x16D00] =	vst v63  }
0x9a: {  	_ =	swait.ge [sflag:s31], $0xFA0  }
0x9b: {  	[sflag:s31] =	ssyncset.done $0x0  }
0x9c: {  	s18 =	sadd.s32 $0x2B00, s5;
	[sflag:s31] =	ssyncadd.s32 $0xFFFFF060  }
0x9d: {  	[spmem:s3] =	stream.indirect.scatter.add.f32 [tilespmem:s13], [sflag:$0xF], $0x20, s18, s20, $0xb8;
	[tilespmem:$0x16D00] =	vst v63  }
0x9e: {  	_ =	swait.ge [sflag:s1], $0xFA0  }
0x9f: {  	[sflag:s1] =	ssyncset.done $0x0  }
0xa0: {  	s18 =	sadd.s32 $0x2B80, s5;
	[sflag:s1] =	ssyncadd.s32 $0xFFFFF060  }
0xa1: {  	[spmem:s3] =	stream.indirect.scatter.add.f32 [tilespmem:s24], [sflag:$0x10], $0x20, s18, s20, $0xb8;
	[tilespmem:$0x16D00] =	vst v63  }
0xa2: {  	_ =	swait.ge [sflag:s22], $0xFA0  }
0xa3: {  	[sflag:s22] =	ssyncset.done $0x0  }
0xa4: {  	s18 =	sadd.s32 $0x400, s5;
	[sflag:s22] =	ssyncadd.s32 $0xFFFFF060  }
0xa5: {  	[tilespmem:s21], [sflag:$0x1] =	stream.indirect.gather [spmem:s2], $0x20, s18, s20, $0xb8;
	[tilespmem:$0x16D00] =	vst v63  }
0xa6: {  	_ =	swait.ge [sflag:s8], $0xFA0  }
0xa7: {  	[sflag:s8] =	ssyncset.done $0x0  }
0xa8: {  	s18 =	sadd.s32 $0x480, s5;
	[sflag:s8] =	ssyncadd.s32 $0xFFFFF060  }
0xa9: {  	[tilespmem:s23], [sflag:$0x2] =	stream.indirect.gather [spmem:s2], $0x20, s18, s20, $0xb8;
	[tilespmem:$0x16D00] =	vst v63  }
0xaa: {  	_ =	swait.ge [sflag:s9], $0xFA0  }
0xab: {  	[sflag:s9] =	ssyncset.done $0x0  }
0xac: {  	s18 =	sadd.s32 $0x500, s5;
	[sflag:s9] =	ssyncadd.s32 $0xFFFFF060  }
0xad: {  	[tilespmem:s25], [sflag:$0x3] =	stream.indirect.gather [spmem:s2], $0x20, s18, s20, $0xb8;
	[tilespmem:$0x16D00] =	vst v63  }
0xae: {  	_ =	swait.ge [sflag:s10], $0xFA0  }
0xaf: {  	[sflag:s10] =	ssyncset.done $0x0  }
0xb0: {  	s18 =	sadd.s32 $0x580, s5;
	[sflag:s10] =	ssyncadd.s32 $0xFFFFF060  }
0xb1: {  	[tilespmem:s28], [sflag:$0x4] =	stream.indirect.gather [spmem:s2], $0x20, s18, s20, $0xb8;
	[tilespmem:$0x16D00] =	vst v63  }
0xb2: {  	_ =	swait.ge [sflag:s11], $0xFA0  }
0xb3: {  	[sflag:s11] =	ssyncset.done $0x0  }
0xb4: {  	s18 =	sadd.s32 $0x600, s5;
	[sflag:s11] =	ssyncadd.s32 $0xFFFFF060  }
0xb5: {  	[tilespmem:s30], [sflag:$0x5] =	stream.indirect.gather [spmem:s2], $0x20, s18, s20, $0xb8;
	[tilespmem:$0x16D00] =	vst v63  }
0xb6: {  	_ =	swait.ge [sflag:s12], $0xFA0  }
0xb7: {  	[sflag:s12] =	ssyncset.done $0x0  }
0xb8: {  	s18 =	sadd.s32 $0x680, s5;
	[sflag:s12] =	ssyncadd.s32 $0xFFFFF060  }
0xb9: {  	[tilespmem:s0], [sflag:$0x6] =	stream.indirect.gather [spmem:s2], $0x20, s18, s20, $0xb8;
	[tilespmem:$0x16D00] =	vst v63  }
0xba: {  	_ =	swait.ge [sflag:s17], $0xFA0  }
0xbb: {  	[sflag:s17] =	ssyncset.done $0x0  }
.Ltmp0:
0xbc: {  	s18 =	sadd.s32 $0x700, s5;
	[sflag:s17] =	ssyncadd.s32 $0xFFFFF060;
	(pc) =	sbr.rel @p0 .LBB2_2-.Ltmp0, $4  }
0xbd: {  	[tilespmem:s13], [sflag:$0x7] =	stream.indirect.gather [spmem:s2], $0x20, s18, s20, $0xb8;
	[tilespmem:$0x16D00] =	vst v63  }
0xbe: {  	_ =	swait.ge [sflag:s7], $0xFA0  }
0xbf: {  	[sflag:s7] =	ssyncset.done $0x0  }
0xc0: {  	s5 =	sadd.s32 $0x780, s5;
	[sflag:s7] =	ssyncadd.s32 $0xFFFFF060  }
0xc1: {  	[tilespmem:s24], [sflag:$0x8] =	stream.indirect.gather [spmem:s2], $0x20, s5, s20, $0xb8;
	[tilespmem:$0x16D00] =	vst v63  }
0xc2: {  	_ =	swait.ge [sflag:s14], $0xFA0  }
0xc3: {  	[sflag:s14] =	ssyncset.done $0x0  }
0xc4: {  	s18 =	simm.s32 $0x4C00;
	[sflag:s14] =	ssyncadd.s32 $0xFFFFF060  }
0xc5: {  	[spmem:s3] =	stream.indirect.scatter.add.f32 [tilespmem:s21], [sflag:$0x9], $0x20, s18, s20, $0xb8;
	[tilespmem:$0x16D00] =	vst v63  }
0xc6: {  	_ =	swait.ge [sflag:s19], $0xFA0  }
0xc7: {  	[sflag:s19] =	ssyncset.done $0x0  }
0xc8: {  	s6 =	simm.s32 $0x4C80;
	[sflag:s19] =	ssyncadd.s32 $0xFFFFF060  }
0xc9: {  	[spmem:s3] =	stream.indirect.scatter.add.f32 [tilespmem:s23], [sflag:$0xA], $0x20, s6, s20, $0xb8;
	[tilespmem:$0x16D00] =	vst v63  }
0xca: {  	_ =	swait.ge [sflag:s15], $0xFA0  }
0xcb: {  	[sflag:s15] =	ssyncset.done $0x0  }
0xcc: {  	s18 =	simm.s32 $0x4D00;
	[sflag:s15] =	ssyncadd.s32 $0xFFFFF060  }
0xcd: {  	[spmem:s3] =	stream.indirect.scatter.add.f32 [tilespmem:s25], [sflag:$0xB], $0x20, s18, s20, $0xb8;
	[tilespmem:$0x16D00] =	vst v63  }
0xce: {  	_ =	swait.ge [sflag:s16], $0xFA0  }
0xcf: {  	[sflag:s16] =	ssyncset.done $0x0  }
0xd0: {  	s6 =	simm.s32 $0x4D80;
	[sflag:s16] =	ssyncadd.s32 $0xFFFFF060  }
0xd1: {  	[spmem:s3] =	stream.indirect.scatter.add.f32 [tilespmem:s28], [sflag:$0xC], $0x20, s6, s20, $0xb8;
	[tilespmem:$0x16D00] =	vst v63  }
0xd2: {  	_ =	swait.ge [sflag:s26], $0xFA0  }
0xd3: {  	[sflag:s26] =	ssyncset.done $0x0  }
0xd4: {  	s18 =	simm.s32 $0x4E00;
	[sflag:s26] =	ssyncadd.s32 $0xFFFFF060  }
0xd5: {  	[spmem:s3] =	stream.indirect.scatter.add.f32 [tilespmem:s30], [sflag:$0xD], $0x20, s18, s20, $0xb8;
	[tilespmem:$0x16D00] =	vst v63  }
0xd6: {  	_ =	swait.ge [sflag:s29], $0xFA0  }
0xd7: {  	[sflag:s29] =	ssyncset.done $0x0  }
0xd8: {  	s6 =	simm.s32 $0x4E80;
	[sflag:s29] =	ssyncadd.s32 $0xFFFFF060  }
0xd9: {  	[spmem:s3] =	stream.indirect.scatter.add.f32 [tilespmem:s0], [sflag:$0xE], $0x20, s6, s20, $0xb8;
	[tilespmem:$0x16D00] =	vst v63  }
0xda: {  	_ =	swait.ge [sflag:s31], $0xFA0  }
0xdb: {  	[sflag:s31] =	ssyncset.done $0x0  }
0xdc: {  	s18 =	simm.s32 $0x4F00;
	[sflag:s31] =	ssyncadd.s32 $0xFFFFF060  }
0xdd: {  	[spmem:s3] =	stream.indirect.scatter.add.f32 [tilespmem:s13], [sflag:$0xF], $0x20, s18, s20, $0xb8;
	[tilespmem:$0x16D00] =	vst v63  }
0xde: {  	_ =	swait.ge [sflag:s1], $0xFA0  }
0xdf: {  	[sflag:s1] =	ssyncset.done $0x0  }
0xe0: {  	s6 =	simm.s32 $0x4F80;
	[sflag:s1] =	ssyncadd.s32 $0xFFFFF060  }
0xe1: {  	[spmem:s3] =	stream.indirect.scatter.add.f32 [tilespmem:s24], [sflag:$0x10], $0x20, s6, s20, $0xb8;
	[tilespmem:$0x16D00] =	vst v63  }
0xe2: {  	_ =	swait.ge [sflag:s22], $0xFA0  }
0xe3: {  	[sflag:s22] =	ssyncset.done $0x0  }
0xe4: {  	[sflag:s22] =	ssyncadd.s32 $0xFFFFF060  }
0xe5: {  	_ =	swait.ge [sflag:s8], $0xFA0  }
0xe6: {  	[sflag:s8] =	ssyncset.done $0x0  }
0xe7: {  	[sflag:s8] =	ssyncadd.s32 $0xFFFFF060  }
0xe8: {  	_ =	swait.ge [sflag:s9], $0xFA0  }
0xe9: {  	[sflag:s9] =	ssyncset.done $0x0  }
0xea: {  	[sflag:s9] =	ssyncadd.s32 $0xFFFFF060  }
0xeb: {  	_ =	swait.ge [sflag:s10], $0xFA0  }
0xec: {  	[sflag:s10] =	ssyncset.done $0x0  }
0xed: {  	[sflag:s10] =	ssyncadd.s32 $0xFFFFF060  }
0xee: {  	_ =	swait.ge [sflag:s11], $0xFA0  }
0xef: {  	[sflag:s11] =	ssyncset.done $0x0  }
0xf0: {  	[sflag:s11] =	ssyncadd.s32 $0xFFFFF060  }
0xf1: {  	_ =	swait.ge [sflag:s12], $0xFA0  }
0xf2: {  	[sflag:s12] =	ssyncset.done $0x0  }
0xf3: {  	[sflag:s12] =	ssyncadd.s32 $0xFFFFF060  }
0xf4: {  	_ =	swait.ge [sflag:s17], $0xFA0  }
0xf5: {  	[sflag:s17] =	ssyncset.done $0x0  }
0xf6: {  	[sflag:s17] =	ssyncadd.s32 $0xFFFFF060  }
0xf7: {  	_ =	swait.ge [sflag:s7], $0xFA0  }
0xf8: {  	[sflag:s7] =	ssyncset.done $0x0  }
0xf9: {  	[sflag:s7] =	ssyncadd.s32 $0xFFFFF060  }
0xfa: {  	[bflag:$0x0] =	sbarrier.arrive $0xFFFF  }
0xfb: {  	s18 =	rddreg [dreg:$0x6]  }
0xfc: {  	s6 =	rddreg [dreg:$0xa];
	s5 =	sor.u32 $0x1C11, s18  }
0xfd: {  	[hbm:s6], [sflag:s5] =	dma.local [spmem:s4], $0xA00  }
0xfe: {  	s6 =	simm.s32 $0x11  }
0xff: {  	_ =	swait.ge [sflag:s6], $0xA00  }
0x100: {  	s18 =	rddreg [dreg:$0xe]  }
0x101: {  	s5 =	rddreg [dreg:$0xb];
	s18 =	sadd.s32 $0x1, s18  }
0x102: {  	p0 =	sne.s32 s18, s5  }
.Ltmp1:
0x103: {  	_ = 	snop;
	(pc) =	sbr.rel @p0 .LBB2_1-.Ltmp1, $3  }
0x104: {  	_ =	sdelay $0x1  }
0x105: {  	[sflag:s6] =	ssyncset.done $0x0  }
0x106: {  	[sflag:s6] =	ssyncadd.s32 $0xFFFFF600  }
0x107: {  	_ =	sfence.sel $0x180000  }
0x108: {  	[bflag:$0x0] =	sbarrier.arrive $0xFFFF  }
0x109: {  	_ =	strace $0x9000004D  }
0x10a: {  	s0 =	stileid.u32;
	[bflag:$0x2] =	sbarrier.arrive $0xFFFF  }
0x10b: {  	p0 =	sne.s32 s0, $0x0;
	s0 =	rddreg [dreg:$0x4]  }
0x10c: {  	s0 =	sadd.s32 @!p0 $0x100000, s0  }
0x10d: {  	[sflag:s0] =	ssyncadd.tile.s32 @!p0 $0x1;
	_ =	shalt  }
.Lfunc_end2:
_tile_overlayer_lowered:
.L_overlay_start_2:
0x10e: {  	(tag) =	ssettag $0x2  }
0x10f: {  	s0 =	rddreg [dreg:$0x0];
	s2 =	stileid.u32  }
0x110: {  	s1 =	rddreg [dreg:$0x1];
	p0 =	sne.s32 s2, $0x0  }
0x111: {  	s3 =	rddreg [dreg:$0x2];
	[bflag:$0x3] =	sbarrier.arrive $0xFFFF;
	s2 =	simm.s32 @!p0 $0x1C11  }
0x112: {  	[timem:s3], [sflag:s2] =	dma.local @!p0 [hbm:s0], s1  }
0x113: {  	s0 =	simm.s32 @!p0 $0x11  }
0x114: {  	_ =	swait.ge @!p0 [sflag:s0], s1  }
0x115: {  	s1 =	ssub.s32 @!p0 $0x0, s1;
	[sflag:s0] =	ssyncset.done @!p0 $0x0  }
0x116: {  	[sflag:s0] =	ssyncadd.s32 @!p0 s1  }
0x117: {  	[bflag:$0x3] =	sbarrier.arrive $0xFFFF  }
0x118: {  	_ =	shalt  }

// kernel: kernel.8.cloned.1.call-start
scs
__scs_entry_jumppad:
0x0: {  	(pc) =	sbr.rel $0x88, $3  }
0x1: {  	(tag) =	ssettag $0x0;
	lr =	simm.s32 $0x1  }
0x2: {  	[smem:$0x3F99] =	sst lr;
	_ =	strace $0xD0000000  }
0x3: {  	_ = 	snop  }
0x4: {  	_ = 	snop  }
0x5: {  	_ = 	snop  }
0x6: {  	_ = 	snop  }
0x7: {  	_ = 	snop  }
__scs_overlays_trampoline_lowered:
0x8: {  	[smem:$0x3FA8] =	sst s0  }
0x9: {  	[smem:$0x3FA9] =	sst s1  }
0xa: {  	[smem:$0x3FAA] =	sst s2  }
0xb: {  	[smem:$0x3FAB] =	sst s3  }
0xc: {  	[smem:$0x3FAC] =	sst s4  }
0xd: {  	[smem:$0x3FAD] =	sst s5  }
0xe: {  	[smem:$0x3FAE] =	sst s6  }
0xf: {  	[smem:$0x3FAF] =	sst s7  }
0x10: {  	[smem:$0x3FB0] =	sst s8  }
0x11: {  	[smem:$0x3FB1] =	sst s9;
	s0 =	simm.s32 @!p0 $0x0  }
0x12: {  	s1 =	sld [smem:$0x3F97];
	s0 =	simm.s32 @p0 $0x1  }
0x13: {  	[smem:$0x3FB2] =	sst s0;
	s0 =	simm.s32 @!p1 $0x0  }
0x14: {  	s2 =	sld [smem:$0x3F96];
	s0 =	simm.s32 @p1 $0x1  }
0x15: {  	[smem:$0x3FB3] =	sst s0;
	s0 =	simm.s32 @!p2 $0x0  }
0x16: {  	s3 =	sld [smem:$0x3FDB];
	s0 =	simm.s32 @p2 $0x1  }
0x17: {  	s4 =	simm.s32 $0x1BF5;
	[smem:$0x3FB5] =	sst s0  }
0x18: {  	s0 =	sld [smem:$0x3F98];
	_ =	swait.ge [sflag:s4], $0x0  }
0x19: {  	s7 =	sld [smem:$0x3F99]  }
0x1a: {  	s8 =	sadd.s32 $0xFFFFE003, lr  }
0x1b: {  	s9 =	sadd.s32 $0xFFFFFEF7, lr;
	s5 =	simm.s32 $0xFFFFFFFF;
	p2 =	slt.u32 s8, $0xFFFFF086  }
0x1c: {  	p1 =	slt.u32 s9, $0xF7A;
	s5 =	simm.s32 @!p2 $0x0  }
0x1d: {  	s5 =	simm.s32 @p1 $0x1;
	p0 =	seq.s32 s7, s2  }
0x1e: {  	s7 =	smul.u32 @!p0 $0xF7A, s2;
	p2 =	seq.s32 @!p0 s5, $0x0  }
0x1f: {  	s9 =	smul.u32 $0xF7A, s1;
	s8 =	simm.s32 @!p0 $0x1BF5;
	p2 =	por !p2, p0  }
0x20: {  	[sflag:s8] =	ssyncset.s32 @!p0 $0xFFFFF086;
	s6 =	sadd.s32 @!p0 s3, s7;
	s7 =	simm.s32 @!p0 $0x108  }
0x21: {  	s3 =	sadd.s32 s3, s9;
	s6 =	sadd.s32 @!p0 $0x88, s6;
	s7 =	simm.s32 @p2 $0x1082  }
0x22: {  	[simem:s7], [sflag:s8] =	dma.local @!p0 [hbm:s6], $0xF7A  }
0x23: {  	s9 =	sor.u32 $0xD0000000, s2;
	s6 =	simm.s32 $0x108;
	_ =	swait.ge @!p0 [sflag:s8], $0x0  }
0x24: {  	s3 =	sadd.s32 $0x88, s3;
	s6 =	simm.s32 @!p1 $0x1082;
	[sflag:s4] =	ssyncset.s32 $0xFFFFF086  }
0x25: {  	[simem:s6], [sflag:s4] =	dma.local [hbm:s3], $0xF7A  }
0x26: {  	[smem:$0x3F99] =	sst s1;
	(tag) =	ssettag s2;
	_ =	strace s9  }
0x27: {  	s1 =	sld [smem:$0x3FA9]  }
0x28: {  	s2 =	sld [smem:$0x3FAA]  }
0x29: {  	s4 =	sld [smem:$0x3FAC]  }
0x2a: {  	p0 =	seq.s32 s5, $0x0;
	s5 =	sld [smem:$0x3FAD]  }
0x2b: {  	s6 =	sld [smem:$0x3FAE]  }
0x2c: {  	s7 =	sld [smem:$0x3FAF]  }
0x2d: {  	s3 =	simm.s32 $0x108;
	s8 =	sld [smem:$0x3FB0]  }
0x2e: {  	s3 =	simm.s32 @!p0 $0x1082;
	s9 =	sld [smem:$0x3FB1]  }
0x2f: {  	lr =	sadd.s32 s0, s3;
	s0 =	sld [smem:$0x3FA8]  }
0x30: {  	s3 =	sld [smem:$0x3FAB]  }
0x31: {  	[smem:$0x3FB4] =	sst s10  }
0x32: {  	s10 =	sld [smem:$0x3FB2];
	_ =	sdelay $0x3  }
0x33: {  	p0 =	seq.s32 s10, $0x1;
	s10 =	sld [smem:$0x3FB4];
	_ =	sdelay $0x3  }
0x34: {  	[smem:$0x3FB4] =	sst s10  }
0x35: {  	s10 =	sld [smem:$0x3FB3];
	_ =	sdelay $0x3  }
0x36: {  	p1 =	seq.s32 s10, $0x1;
	s10 =	sld [smem:$0x3FB4];
	_ =	sdelay $0x3  }
0x37: {  	[smem:$0x3FB4] =	sst s10  }
0x38: {  	s10 =	sld [smem:$0x3FB5]  }
0x39: {  	_ = 	snop;
	(pc) =	sbr.ind lr, $3  }
0x3a: {  	_ = 	snop  }
0x3b: {  	_ = 	snop  }
0x3c: {  	p2 =	seq.s32 s10, $0x1;
	s10 =	sld [smem:$0x3FB4]  }
0x3d: {  	_ =	shalt  }
0x3e: {  	_ =	shalt  }
0x3f: {  	_ =	shalt  }
0x40: {  	_ =	shalt  }
0x41: {  	_ =	shalt  }
0x42: {  	_ =	shalt  }
0x43: {  	_ =	shalt  }
0x44: {  	_ =	shalt  }
0x45: {  	_ =	shalt  }
0x46: {  	_ =	shalt  }
0x47: {  	_ =	shalt  }
0x48: {  	_ =	shalt  }
0x49: {  	_ =	shalt  }
0x4a: {  	_ =	shalt  }
0x4b: {  	_ =	shalt  }
0x4c: {  	_ =	shalt  }
0x4d: {  	_ =	shalt  }
0x4e: {  	_ =	shalt  }
0x4f: {  	_ =	shalt  }
0x50: {  	_ =	shalt  }
0x51: {  	_ =	shalt  }
0x52: {  	_ =	shalt  }
0x53: {  	_ =	shalt  }
0x54: {  	_ =	shalt  }
0x55: {  	_ =	shalt  }
0x56: {  	_ =	shalt  }
0x57: {  	_ =	shalt  }
0x58: {  	_ =	shalt  }
0x59: {  	_ =	shalt  }
0x5a: {  	_ =	shalt  }
0x5b: {  	_ =	shalt  }
0x5c: {  	_ =	shalt  }
0x5d: {  	_ =	shalt  }
0x5e: {  	_ =	shalt  }
0x5f: {  	_ =	shalt  }
0x60: {  	_ =	shalt  }
0x61: {  	_ =	shalt  }
0x62: {  	_ =	shalt  }
0x63: {  	_ =	shalt  }
0x64: {  	_ =	shalt  }
0x65: {  	_ =	shalt  }
0x66: {  	_ =	shalt  }
0x67: {  	_ =	shalt  }
0x68: {  	_ =	shalt  }
0x69: {  	_ =	shalt  }
0x6a: {  	_ =	shalt  }
0x6b: {  	_ =	shalt  }
0x6c: {  	_ =	shalt  }
0x6d: {  	_ =	shalt  }
0x6e: {  	_ =	shalt  }
0x6f: {  	_ =	shalt  }
0x70: {  	_ =	shalt  }
0x71: {  	_ =	shalt  }
0x72: {  	_ =	shalt  }
0x73: {  	_ =	shalt  }
0x74: {  	_ =	shalt  }
0x75: {  	_ =	shalt  }
0x76: {  	_ =	shalt  }
0x77: {  	_ =	shalt  }
0x78: {  	_ =	shalt  }
0x79: {  	_ =	shalt  }
0x7a: {  	_ =	shalt  }
0x7b: {  	_ =	shalt  }
0x7c: {  	_ =	shalt  }
0x7d: {  	_ =	shalt  }
0x7e: {  	_ =	shalt  }
0x7f: {  	_ =	shalt  }
0x80: {  	_ =	shalt  }
0x81: {  	_ =	shalt  }
0x82: {  	_ =	shalt  }
0x83: {  	_ =	shalt  }
0x84: {  	_ =	shalt  }
0x85: {  	_ =	shalt  }
0x86: {  	_ =	shalt  }
0x87: {  	_ =	shalt  }
.Lfunc_end0:
.L_simem_size_0:
called_computation_lowered:
.L_overlay_start_0:
0x88: {  	s2 =	sld [smem:$0x3FD9]  }
0x89: {  	s3 =	sld [smem:$0x3FFE];
	_ =	sdelay $0x1  }
0x8a: {  	s1 =	srdreg.scid  }
0x8b: {  	s0 =	sand.u32 $0x1, s1  }
0x8c: {  	s17 =	sshll.u32 s0, $0xA;
	s2 =	sadd.s32 s3, s2  }
0x8d: {  	s2 =	sadd.s32 s2, s17  }
0x8e: {  	[smem:$0x3FC0] =	sst s2  }
0x8f: {  	_ = 	snop  }
0x90: {  	s2 =	sld [smem:$0x3FD0];
	(tm) =	ssettm $0x1  }
0x91: {  	s18 =	sld [smem:$0x3FFB];
	_ =	sdelay $0x3  }
0x92: {  	_ =	strace s18  }
0x93: {  	s3 =	sld [smem:$0x3FFC];
	_ =	sdelay $0x3  }
0x94: {  	_ =	strace s3  }
0x95: {  	s3 =	sld [smem:$0x3FFD];
	_ =	sdelay $0x3  }
0x96: {  	_ =	strace s3  }
0x97: {  	_ =	strace $0x8FFFFFFF  }
0x98: {  	s19 =	sld [smem:$0x3FDB];
	_ =	sdelay $0x1  }
0x99: {  	s4 =	simm.s32 $_scs_section_size  }
0x9a: {  	s5 =	simm.s32 $_size__tile_overlayer_lowered;
	s6 =	simm.s32 $_tile_overlayer_lowered  }
0x9b: {  	s22 =	simm.s32 $0x1BFF;
	s21 =	sshll.u32 s6, $0x1;
	s3 =	sadd.s32 s4, s19  }
0x9c: {  	s7 =	simm.s32 $0x0;
	s20 =	sshll.u32 s5, $0x1;
	s5 =	sadd.s32 s21, s3  }
0x9d: {  	[timem:s7], [sflag:s22] =	dma.local [hbm:s5], s20  }
0x9e: {  	_ =	swait.ge [sflag:s22], s20  }
0x9f: {  	s4 =	ssub.s32 $0x0, s20;
	[sflag:s22] =	ssyncset.done $0x0  }
0xa0: {  	[sflag:s22] =	ssyncadd.s32 s4;
	_ =	sdelay $0x1  }
0xa1: {  	s23 =	simm.s32 $0x1B8B  }
0xa2: {  	_ =	swait.ge [sflag:s23], $0x1  }
0xa3: {  	[sflag:s23] =	ssyncset.done $0x0  }
0xa4: {  	s25 =	simm.s32 $0x1B8E;
	s24 =	sld [smem:$0x3FFE];
	[sflag:s23] =	ssyncadd.s32 $0xFFFFFFFF  }
0xa5: {  	s26 =	simm.s32 $execute0_lowered;
	[smem:$0x3FD2] =	sst s25  }
0xa6: {  	s5 =	sshll.u32 s26, $0x1;
	_ =	strace $0x80000046;
	[dreg:$0x1] =	wrdreg $0xFFFFFFFF  }
0xa7: {  	s28 =	simm.s32 $_size_execute0_lowered;
	s3 =	sadd.s32 s3, s5;
	[dreg:$0x0] =	wrdreg $0x0  }
0xa8: {  	s5 =	sshll.u32 s28, $0x1;
	[dreg:$0x2] =	wrdreg s3  }
0xa9: {  	[dreg:$0x3] =	wrdreg s5  }
0xaa: {  	[dreg:$0x4] =	wrdreg $0xC0  }
0xab: {  	_ =	task [dreg:s7], $0x5FFFF  }
0xac: {  	[dreg:$0x1] =	wrdreg $0xFFFFFFFF  }
0xad: {  	[dreg:$0x0] =	wrdreg $0x60  }
0xae: {  	[dreg:$0x2] =	wrdreg s2  }
0xaf: {  	[dreg:$0x3] =	wrdreg s24  }
0xb0: {  	[dreg:$0x4] =	wrdreg $0x37A00  }
0xb1: {  	[dreg:$0x5] =	wrdreg $0x9  }
0xb2: {  	_ =	task.clear_ibuf [dreg:s7], $0x6FFFF;
	_ =	strace $0x90000046  }
0xb3: {  	s29 =	simm.s32 $0x9;
	_ =	strace $0x80000048  }
0xb4: {  	_ =	swait.ge [sflag:s29], $0x1  }
0xb5: {  	[sflag:s29] =	ssyncadd.s32 $0xFFFFFFFF  }
0xb6: {  	_ =	strace $0x90000048  }
0xb7: {  	_ =	sfence  }
0xb8: {  	s30 =	sld [smem:$0x0];
	_ =	sdelay $0x2  }
0xb9: {  	s31 =	sshll.u32 s1, $0xD;
	s1 =	sshrl.u32 s1, $0x2  }
0xba: {  	s3 =	sand.u32 $0x4000, s31;
	s1 =	sadd.s32 s1, s30  }
0xbb: {  	s0 =	sor.u32 s3, s0;
	s1 =	sshll.u32 s1, $0x11  }
0xbc: {  	s0 =	sor.u32 s1, s0  }
0xbd: {  	s0 =	sadd.s32 $0x8F2B, s0  }
0xbe: {  	[sflag:s0] =	ssyncadd.remote.s32 $0x1  }
0xbf: {  	_ =	sfence.sel $0xFFFF  }
0xc0: {  	[dreg:$0x0] =	wrdreg $0xFFFFFFFF;
	(pc) =	sbr.abs _section_cstart, $3  }
0xc1: {  	[dreg:$0x1] =	wrdreg $0xFFFFFFFF  }
0xc2: {  	_ =	task.clear_ibuf [dreg:s7], $0x2FFFF;
	_ =	strace $0x9FFFFFFF  }
0xc3: {  	(tm) =	ssettm $0x7FFFFFFF  }
tec
execute0_lowered:
.L_overlay_start_1:
0x0: {  	(tag) =	ssettag $0x1  }
0x1: {  	s7 =	rddreg [dreg:$0x0]  }
0x2: {  	s5 =	rddreg [dreg:$0x1]  }
0x3: {  	s2 =	rddreg [dreg:$0x2]  }
0x4: {  	s0 =	stileid.u32;
	s4 =	srdreg.scid  }
0x5: {  	s1 =	rddreg [dreg:$0x3];
	s3 =	simm.s32 $0x0;
	s13 =	simm.s32 $0x2  }
0x6: {  	s14 =	simm.s32 $0x3;
	s15 =	simm.s32 $0x7D;
	s17 =	simm.s32 $0x4  }
0x7: {  	s18 =	simm.s32 $0x0;
	s6 =	smul.u32 $0x5000, s0;
	s4 =	sand.u32 $0x1, s4  }
0x8: {  	[smem:$0x7FF] =	sst s3;
	s16 =	sshll.u32 s0, $0x6;
	s9 =	smul.u32 $0x50000, s4  }
0x9: {  	_ =	strace $0x80000047;
	s10 =	ssub.s32 $0x2, s4;
	s11 =	smul.u32 $0x2800, s4  }
0xa: {  	s4 =	sadd.s32 $0xD600, s5;
	s8 =	sshrl.u32 s6, $0x3;
	s12 =	sshrl.u32 s10, $0x1  }
0xb: {  	s29 =	sadd.s32 s6, s2;
	s8 =	sadd.s32 s8, s5;
	s9 =	sadd.s32 s6, s9  }
0xc: {  	s10 =	ssub.s32 s10, s12;
	s28 =	sadd.s32 s11, s6;
	s6 =	sor.u32 $0x1C01, s16  }
0xd: {  	s11 =	simm.s32 $0x2800;
	s12 =	simm.s32 $0x1;
	s30 =	sadd.s32 $0x50000, s28  }
0xe: {  	s16 =	sor.u32 $0x1C04, s16;
	s9 =	sshrl.u32 s9, $0x3;
	s31 =	sshrl.u32 s30, $0x3  }
0xf: {  	s9 =	sadd.s32 s9, s5;
	s5 =	sadd.s32 $0x3600, s8;
	s7 =	sadd.s32 s7, s31  }
0x10: {  	s8 =	sadd.s32 $0xD800, s9;
	s9 =	smax.u32 s10, $0x1;
	s10 =	sshrl.u32 s29, $0x3  }
.LBB2_1:
0x11: {  	[spmem:s10], [sflag:s6] =	dma.local [hbm:s5], $0xA00  }
0x12: {  	[tilespmem:s11], [sflag:$0x2] =	stream.linear.gather [hbm4b:s4+s3], $0xFA0, $0x38;
	[tilespmem:$0x87A0] =	vst v63  }
0x13: {  	_ = 	snop  }
0x14: {  	[tilespmem:s3], [sflag:$0x3] =	stream.linear.gather [hbm4b:s7+s3], $0x2800, $0x38;
	[tilespmem:$0x87A0] =	vst v63  }
0x15: {  	_ =	swait.ge [sflag:s12], $0xA00  }
0x16: {  	[sflag:s12] =	ssyncset.done $0x0  }
0x17: {  	[sflag:s12] =	ssyncadd.s32 $0xFFFFF600  }
0x18: {  	_ =	swait.ge [sflag:s13], $0xFA0  }
0x19: {  	[sflag:s13] =	ssyncset.done $0x0  }
0x1a: {  	[sflag:s13] =	ssyncadd.s32 $0xFFFFF060  }
0x1b: {  	_ =	swait.ge [sflag:s14], $0x2800  }
0x1c: {  	[sflag:s14] =	ssyncset.done $0x0  }
0x1d: {  	[sflag:s14] =	ssyncadd.s32 $0xFFFFD800  }
0x1e: {  	s19 =	simm.s32 $0x0;
	[bflag:$0x0] =	sbarrier.arrive $0xFFFF  }
.LBB2_2:
0x1f: {  	p0 =	sne.s32 s19, $0x9E00  }
.Ltmp0:
0x20: {  	_ = 	snop;
	(pc) =	sbr.rel @p0 .LBB2_2-.Ltmp0, $3  }
0x21: {  	_ =	sdelay $0x1  }
0x22: {  	s20 =	sshra.s32 s19, $0x2;
	s19 =	sadd.s32 $0x200, s19  }
0x23: {  	[spmem:s2] =	stream.indirect.scatter.add.f32 [tilespmem:s11], [sflag:$0x1], $0x20, s20, s15, $0xb8;
	[tilespmem:$0x87A0] =	vst v63  }
0x24: {  	_ =	swait.ge [sflag:s12], $0xFA0  }
0x25: {  	s19 =	simm.s32 $0x4F;
	[sflag:s12] =	ssyncset.done $0x0  }
.LBB2_4:
0x26: {  	p0 =	sne.s32 s19, $0x1;
	s19 =	sadd.s32 $0xFFFFFFFF, s19;
	[sflag:s12] =	ssyncadd.s32 $0xFFFFF060  }
.Ltmp1:
0x27: {  	(pc) =	sbr.rel @p0 .LBB2_4-.Ltmp1, $3  }
0x28: {  	_ =	sdelay $0x1  }
0x29: {  	_ =	swait.ge [sflag:s12], $0xFA0  }
0x2a: {  	[sflag:s12] =	ssyncset.done $0x0  }
0x2b: {  	s18 =	sadd.s32 $0x1, s18  }
0x2c: {  	[sflag:s12] =	ssyncadd.s32 $0xFFFFF060;
	p0 =	sne.s32 s18, s9  }
.Ltmp2:
0x2d: {  	[bflag:$0x0] =	sbarrier.arrive $0xFFFF;
	(pc) =	sbr.rel @p0 .LBB2_1-.Ltmp2, $4  }
0x2e: {  	[hbm:s8], [sflag:s16] =	dma.local [spmem:s10], $0xA00  }
0x2f: {  	_ =	swait.ge [sflag:s17], $0xA00  }
0x30: {  	[sflag:s17] =	ssyncset.done $0x0  }
0x31: {  	[sflag:s17] =	ssyncadd.s32 $0xFFFFF600  }
0x32: {  	_ =	sfence.sel $0x180000  }
0x33: {  	[bflag:$0x0] =	sbarrier.arrive $0xFFFF  }
0x34: {  	p0 =	sne.s32 s0, $0x0;
	_ =	strace $0x90000047  }
0x35: {  	s0 =	sadd.s32 @!p0 $0x100000, s1;
	[bflag:$0x2] =	sbarrier.arrive $0xFFFF  }
0x36: {  	[sflag:s0] =	ssyncadd.tile.s32 @!p0 $0x1;
	_ =	shalt  }
.Lfunc_end2:
_tile_overlayer_lowered:
.L_overlay_start_2:
0x37: {  	(tag) =	ssettag $0x2  }
0x38: {  	s0 =	rddreg [dreg:$0x0];
	s2 =	stileid.u32  }
0x39: {  	s1 =	rddreg [dreg:$0x1];
	p0 =	sne.s32 s2, $0x0  }
0x3a: {  	s3 =	rddreg [dreg:$0x2];
	[bflag:$0x3] =	sbarrier.arrive $0xFFFF;
	s2 =	simm.s32 @!p0 $0x1C04  }
0x3b: {  	[timem:s3], [sflag:s2] =	dma.local @!p0 [hbm:s0], s1  }
0x3c: {  	s0 =	simm.s32 @!p0 $0x4  }
0x3d: {  	_ =	swait.ge @!p0 [sflag:s0], s1  }
0x3e: {  	s1 =	ssub.s32 @!p0 $0x0, s1;
	[sflag:s0] =	ssyncset.done @!p0 $0x0  }
0x3f: {  	[sflag:s0] =	ssyncadd.s32 @!p0 s1  }
0x40: {  	[bflag:$0x3] =	sbarrier.arrive $0xFFFF  }
0x41: {  	_ =	shalt  }

</sc_bundles>
